<compile_context>
chip_gen: v7x
topology: tpu7x:2x2x1
jax: 0.10.2.dev20260603
libtpu: 0.0.44.dev20260713+nightly
codegen_flags: <defaults>
</compile_context>

<pallas_src>
import functools

import jax
import jax.numpy as jnp
from jax import lax
from jax.experimental import pallas as pl
from jax.experimental.pallas import tpu as pltpu
from jax.experimental.pallas import tpu_sc as plsc

N = 10000
H = 128
E = 320000
G = 64
C = 16

NW = 32
NCH = 80
EPT = NCH * 128
EP = EPT * NW
CW = 128
NCHT = EPT // CW
NP = 10112
RPT = NP // 16
DW = 128

_CHUNKS = []
_off = 0
while _off < RPT:
    _CHUNKS.append((_off, min(128, RPT - _off)))
    _off += min(128, RPT - _off)


def _fill_rows(ref, n_rows, n_cols, value):
    vec = jnp.full((16,), value, jnp.float32)

    def body(i, _):
        for k in range(n_cols // 16):
            ref[i, pl.ds(k * 16, 16)] = vec
        return 0

    lax.fori_loop(0, n_rows, body, 0)


def _sc_deg_body(d_hbm, out_hbm, idx_v, val_v, acc_sh):
    c = lax.axis_index("c")
    s = lax.axis_index("s")
    wid = s * 2 + c
    base = s * RPT

    _fill_rows(val_v, 128, DW, 0.0)
    for off, sz in _CHUNKS:
        pltpu.sync_copy(val_v.at[pl.ds(0, sz)], acc_sh.at[pl.ds(base + off, sz)])
    plsc.subcore_barrier()

    pltpu.sync_copy(d_hbm.at[pl.ds(wid * NCH, NCH)], idx_v)
    _fill_rows(val_v, 128, DW, 1.0)

    def body(j, _):
        pltpu.sync_copy(val_v, acc_sh.at[idx_v.at[j]], add=True)
        return 0

    lax.fori_loop(0, NCH, body, 0)
    plsc.subcore_barrier()

    pltpu.sync_copy(acc_sh.at[pl.ds(base, RPT)], out_hbm.at[c, pl.ds(base, RPT)])


_NBUF = 2
_SLAB = 16
_PAIR = 2 * NCHT
_K0 = 128

_WCHUNKS = []
_off = 0
while _off < RPT:
    _WCHUNKS.append((_off, min(CW, RPT - _off)))
    _off += min(CW, RPT - _off)


def _sc_agg_body(hs_hbm, s_hbm, d_hbm, out_hbm, src_v, dst_v,
                 r0, r1, acc_sh, g0, g1, t0, t1):
    bufs = (r0, r1)
    gsem = (g0, g1)
    ssem = (t0, t1)
    c = lax.axis_index("c")
    s = lax.axis_index("s")
    base = s * RPT

    _fill_rows(r0, CW, H, 0.0)
    for off, sz in _WCHUNKS:
        pltpu.sync_copy(r0.at[pl.ds(0, sz)], acc_sh.at[pl.ds(base + off, sz)])
    plsc.subcore_barrier()

    my_start = s * _PAIR + jnp.where(c == 0, 0, _K0)
    n_slab = jnp.where(c == 0, _K0 // _SLAB, (_PAIR - _K0) // _SLAB)

    def slab_body(h, _):
        off = my_start + h * _SLAB
        pltpu.sync_copy(s_hbm.at[pl.ds(off, _SLAB)], src_v)
        pltpu.sync_copy(d_hbm.at[pl.ds(off, _SLAB)], dst_v)

        for b in range(_NBUF):
            pltpu.async_copy(hs_hbm.at[src_v.at[b]], bufs[b], gsem[b])

        def group(g, _):
            for b in range(_NBUF):
                j = g * _NBUF + b
                pltpu.make_async_copy(hs_hbm.at[src_v.at[j]], bufs[b], gsem[b]).wait()
                pltpu.async_copy(bufs[b], acc_sh.at[dst_v.at[j]], ssem[b], add=True)
            for b in range(_NBUF):
                j = g * _NBUF + b
                pltpu.make_async_copy(bufs[b], acc_sh.at[dst_v.at[j]], ssem[b]).wait()
                pltpu.async_copy(hs_hbm.at[src_v.at[j + _NBUF]], bufs[b], gsem[b])
            return 0

        lax.fori_loop(0, _SLAB // _NBUF - 1, group, 0)

        gl = _SLAB - _NBUF
        for b in range(_NBUF):
            j = gl + b
            pltpu.make_async_copy(hs_hbm.at[src_v.at[j]], bufs[b], gsem[b]).wait()
            pltpu.async_copy(bufs[b], acc_sh.at[dst_v.at[j]], ssem[b], add=True)
        for b in range(_NBUF):
            j = gl + b
            pltpu.make_async_copy(bufs[b], acc_sh.at[dst_v.at[j]], ssem[b]).wait()
        return 0

    lax.fori_loop(0, n_slab, slab_body, 0)
    plsc.subcore_barrier()

    pltpu.sync_copy(acc_sh.at[pl.ds(base, RPT)], out_hbm.at[c, pl.ds(base, RPT)])


@functools.lru_cache(maxsize=None)
def _sc_kernels():
    mesh = plsc.VectorSubcoreMesh(core_axis_name="c", subcore_axis_name="s")
    deg_k = pl.kernel(
        _sc_deg_body,
        mesh=mesh,
        out_type=jax.ShapeDtypeStruct((2, NP, DW), jnp.float32),
        scratch_types=[
            pltpu.VMEM((NCH, 128), jnp.int32),
            pltpu.VMEM((128, DW), jnp.float32),
            pltpu.VMEM_SHARED((NP, DW), jnp.float32),
        ],
    )
    agg_k = pl.kernel(
        _sc_agg_body,
        mesh=mesh,
        out_type=jax.ShapeDtypeStruct((2, NP, H), jnp.float32),
        scratch_types=[
            pltpu.VMEM((_SLAB, CW), jnp.int32),
            pltpu.VMEM((_SLAB, CW), jnp.int32),
            pltpu.VMEM((CW, H), jnp.float32),
            pltpu.VMEM((CW, H), jnp.float32),
            pltpu.VMEM_SHARED((NP, H), jnp.float32),
            pltpu.SemaphoreType.DMA,
            pltpu.SemaphoreType.DMA,
            pltpu.SemaphoreType.DMA,
            pltpu.SemaphoreType.DMA,
        ],
    )
    return deg_k, agg_k


def _dinv_from(dpa_ref):
    deg = dpa_ref[0, :N, 0:1] + dpa_ref[1, :N, 0:1] + 1.0
    return lax.rsqrt(deg)


def _bn_relu(z, g, be):
    m = jnp.mean(z, axis=0, keepdims=True)
    v = jnp.mean(z * z, axis=0, keepdims=True) - m * m
    return jnp.maximum((z - m) * lax.rsqrt(v + 1e-5) * g + be, 0.0)


def _pre_body(x_ref, w_ref, dpa_ref, hs_ref):
    dinv = _dinv_from(dpa_ref)
    h = jnp.dot(x_ref[...], w_ref[...], preferred_element_type=jnp.float32)
    hs_ref[...] = h * dinv


def _mid_body(agg_ref, hs_ref, dpa_ref, w_ref, g_ref, be_ref, hout_ref, hsn_ref):
    dinv = _dinv_from(dpa_ref)
    conv = dinv * (agg_ref[0, :N, :] + agg_ref[1, :N, :] + hs_ref[...])
    hout = _bn_relu(conv, g_ref[...], be_ref[...])
    hout_ref[...] = hout
    hsn_ref[...] = jnp.dot(hout, w_ref[...], preferred_element_type=jnp.float32) * dinv


def _fin_body(agg_ref, hs_ref, dpa_ref, g_ref, be_ref, h1_ref, h2_ref, b_ref,
              wl1_ref, gl_ref, bel_ref, wl2_ref, bl2_ref, out_ref):
    dinv = _dinv_from(dpa_ref)
    conv = dinv * (agg_ref[0, :N, :] + agg_ref[1, :N, :] + hs_ref[...])
    h3 = _bn_relu(conv, g_ref[...], be_ref[...])

    onehot = (b_ref[...] == lax.broadcasted_iota(jnp.int32, (N, G), 1)).astype(jnp.float32)
    dn = (((0,), (0,)), ((), ()))
    s1 = lax.dot_general(onehot, h1_ref[...], dn, preferred_element_type=jnp.float32)
    s2 = lax.dot_general(onehot, h2_ref[...], dn, preferred_element_type=jnp.float32)
    s3 = lax.dot_general(onehot, h3, dn, preferred_element_type=jnp.float32)
    cnt = jnp.sum(onehot, axis=0)[:, None]
    scale = 1.0 / jnp.clip(cnt, 1.0, None)
    pooled = jnp.concatenate([s1, s2, s3], axis=1) * scale

    z = jnp.dot(pooled, wl1_ref[...], preferred_element_type=jnp.float32)
    z = _bn_relu(z, gl_ref[...], bel_ref[...])
    o = jnp.dot(z, wl2_ref[...], preferred_element_type=jnp.float32) + bl2_ref[...]
    mx = jnp.max(o, axis=1, keepdims=True)
    out_ref[...] = o - mx - jnp.log(jnp.sum(jnp.exp(o - mx), axis=1, keepdims=True))


def _tc_pre(x, w, dpa):
    return pl.pallas_call(
        _pre_body,
        out_shape=jax.ShapeDtypeStruct((N, H), jnp.float32),
    )(x, w, dpa)


def _tc_mid(agg, hs, dpa, w_next, g, be):
    return pl.pallas_call(
        _mid_body,
        out_shape=(jax.ShapeDtypeStruct((N, H), jnp.float32),
                   jax.ShapeDtypeStruct((N, H), jnp.float32)),
    )(agg, hs, dpa, w_next, g, be)


def _tc_fin(agg, hs, dpa, g, be, h1, h2, b2d, wl1, gl, bel, wl2, bl2):
    return pl.pallas_call(
        _fin_body,
        out_shape=jax.ShapeDtypeStruct((G, C), jnp.float32),
    )(agg, hs, dpa, g, be, h1, h2, b2d, wl1, gl, bel, wl2, bl2)


def kernel(x, edge_index, batch, W1, b1, W2, b2, W3, b3, g1, be1, g2, be2,
           g3, be3, Wl1, bl1, gl, bel, Wl2, bl2):
    src = edge_index[0]
    dst = edge_index[1]
    s_pad = jnp.concatenate([src, jnp.zeros((EP - E,), jnp.int32)])
    d_pad = jnp.concatenate([dst, jnp.full((EP - E,), N, jnp.int32)])
    s2 = s_pad.reshape(EP // CW, CW)
    d2 = d_pad.reshape(EP // CW, CW)
    d128 = d_pad.reshape(EP // 128, 128)

    _sc_deg, _sc_agg = _sc_kernels()
    dpa = _sc_deg(d128)

    g1_, be1_ = g1.reshape(1, H), be1.reshape(1, H)
    g2_, be2_ = g2.reshape(1, H), be2.reshape(1, H)
    g3_, be3_ = g3.reshape(1, H), be3.reshape(1, H)
    gl_, bel_ = gl.reshape(1, H), bel.reshape(1, H)

    hs1 = _tc_pre(x, W1, dpa)
    agg1 = _sc_agg(hs1, s2, d2)
    h1, hs2 = _tc_mid(agg1, hs1, dpa, W2, g1_, be1_)
    agg2 = _sc_agg(hs2, s2, d2)
    h2, hs3 = _tc_mid(agg2, hs2, dpa, W3, g2_, be2_)
    agg3 = _sc_agg(hs3, s2, d2)
    return _tc_fin(agg3, hs3, dpa, g3_, be3_, h1, h2, batch.reshape(N, 1),
                   Wl1, gl_, bel_, Wl2, bl2.reshape(1, C))

# --- scband reference (transcript-rebuilt; emitter-appended) ---
"""Pipeline reference for scband-gcn-23888608100578 (READ-ONLY COPY).

The authoritative reference and input builder live on the scoring server;
editing this copy changes nothing except your own understanding.
"""

import jax, jax.numpy as jnp
import numpy as np

N = 10000
E = 320000
F_IN = 128
H = 128
C = 16
G = 64


def setup_inputs(seed: int = 0) -> dict:
    key = jax.random.key(seed)
    ks = jax.random.split(key, 12)
    x = jax.random.normal(ks[0], (N, F_IN), dtype=jnp.float32)
    edge_index = jax.random.randint(ks[1], (2, E), 0, N, dtype=jnp.int32)
    batch = jnp.sort(jax.random.randint(ks[2], (N,), 0, G, dtype=jnp.int32))
    s = 1.0 / np.sqrt(F_IN)
    W1 = jax.random.normal(ks[3], (F_IN, H), dtype=jnp.float32) * s
    b1 = jnp.zeros((H,), jnp.float32)
    W2 = jax.random.normal(ks[4], (H, H), dtype=jnp.float32) * s
    b2 = jnp.zeros((H,), jnp.float32)
    W3 = jax.random.normal(ks[5], (H, H), dtype=jnp.float32) * s
    b3 = jnp.zeros((H,), jnp.float32)
    g1 = jnp.ones((H,), jnp.float32); be1 = jnp.zeros((H,), jnp.float32)
    g2 = jnp.ones((H,), jnp.float32); be2 = jnp.zeros((H,), jnp.float32)
    g3 = jnp.ones((H,), jnp.float32); be3 = jnp.zeros((H,), jnp.float32)
    Wl1 = jax.random.normal(ks[6], (3 * H, H), dtype=jnp.float32) * (1.0 / np.sqrt(3 * H))
    bl1 = jnp.zeros((H,), jnp.float32)
    gl = jnp.ones((H,), jnp.float32); bel = jnp.zeros((H,), jnp.float32)
    Wl2 = jax.random.normal(ks[7], (H, C), dtype=jnp.float32) * (1.0 / np.sqrt(H))
    bl2 = jnp.zeros((C,), jnp.float32)
    return {"x": x, "edge_index": edge_index, "batch": batch,
            "W1": W1, "b1": b1, "W2": W2, "b2": b2, "W3": W3, "b3": b3,
            "g1": g1, "be1": be1, "g2": g2, "be2": be2, "g3": g3, "be3": be3,
            "Wl1": Wl1, "bl1": bl1, "gl": gl, "bel": bel, "Wl2": Wl2, "bl2": bl2}


def _bn(h, gamma, beta):
    m = h.mean(axis=0)
    v = h.var(axis=0)
    return (h - m) / jnp.sqrt(v + 1e-5) * gamma + beta


def _gcn_conv(x, edge_index, W, b):
    src = edge_index[0]
    dst = edge_index[1]
    loop = jnp.arange(N, dtype=src.dtype)
    s = jnp.concatenate([src, loop])
    d = jnp.concatenate([dst, loop])
    deg = jnp.zeros((N,), x.dtype).at[d].add(1.0)
    dinv = jnp.where(deg > 0, 1.0 / jnp.sqrt(deg), 0.0)
    norm = dinv[s] * dinv[d]
    h = x @ W
    out = jnp.zeros((N, W.shape[1]), x.dtype).at[d].add(h[s] * norm[:, None])
    return out + b


def reference(x, edge_index, batch, W1, b1, W2, b2, W3, b3, g1, be1, g2, be2, g3, be3, Wl1, bl1, gl, bel, Wl2, bl2):
    h1 = jax.nn.relu(_bn(_gcn_conv(x, edge_index, W1, b1), g1, be1))
    h2 = jax.nn.relu(_bn(_gcn_conv(h1, edge_index, W2, b2), g2, be2))
    h3 = jax.nn.relu(_bn(_gcn_conv(h2, edge_index, W3, b3), g3, be3))
    xs = jnp.concatenate([h1, h2, h3], axis=1)
    sums = jax.ops.segment_sum(xs, batch, num_segments=G)
    cnt = jax.ops.segment_sum(jnp.ones((N, 1), xs.dtype), batch, num_segments=G)
    pooled = sums / jnp.clip(cnt, 1.0, None)
    z = jax.nn.relu(_bn(pooled @ Wl1 + bl1, gl, bel))
    out = z @ Wl2 + bl2
    return jax.nn.log_softmax(out, axis=-1)

if __name__ == "__main__":
    import jax
    _d = setup_inputs()
    print(jax.jit(kernel)(*tuple(_d.values())))

</pallas_src>

<mosaic_0001>
#map = affine_map<(d0, d1) -> (0, 0)>
#map1 = affine_map<(d0, d1) -> (0, 0, 0)>
module attributes {stable_mosaic.version = 14 : i64} {
  func.func @_sc_deg_body(%arg0: i32, %arg1: i32, %arg2: memref<2560x128xi32, #tpu.memory_space<hbm>>, %arg3: memref<2x10112x128xf32, #tpu.memory_space<hbm>>, %arg4: memref<80x128xi32, #tpu.memory_space<vmem>>, %arg5: memref<128x128xf32, #tpu.memory_space<vmem>>, %arg6: memref<10112x128xf32, #tpu.memory_space<vmem_shared>>) attributes {dimension_semantics = [#tpu.dimension_semantics<core_parallel>, #tpu.dimension_semantics<subcore_parallel>], iteration_bounds = array<i64: 2, 16>, scalar_prefetch = 0 : i64, scratch_operands = 3 : i64, tpu.core_type = #tpu.core_type<sc_vector_subcore>, window_params = [{transform_indices = #map}, {transform_indices = #map1}]} {
    %mul3A = arith.constant 2 : i32
    %mul3A_0 = arith.muli %arg1, %mul3A : i32
    %add3A = arith.addi %mul3A_0, %arg0 : i32
    %mul3A_1 = arith.constant 632 : i32
    %mul3A_2 = arith.muli %arg1, %mul3A_1 : i32
    %broadcast_in_dim3A = arith.constant 0.000000e+00 : f32
    %broadcast_in_dim3A_3 = vector.broadcast %broadcast_in_dim3A : f32 to vector<16xf32>
    %scan3A = arith.constant 0 : i32
    %scan3A_4 = arith.constant 0 : i32
    %scan3A_5 = arith.constant 128 : i32
    %scan3A_6 = arith.addi %scan3A_4, %scan3A_5 : i32
    %scan3A_7 = arith.constant 1 : i32
    %scan3A_8 = scf.for %scan3A_39 = %scan3A_4 to %scan3A_6 step %scan3A_7 iter_args(%scan3A_40 = %scan3A) -> (i32)  : i32 {
      %swap3A = arith.index_cast %scan3A_39 : i32 to index
      %swap3A_41 = arith.constant 0 : index
      %swap3A_42 = tpu.vector_load %arg5[%swap3A, %swap3A_41] {strides = array<i32>} : memref<128x128xf32, #tpu.memory_space<vmem>>, vector<1x16xf32>,
      %swap3A_43 = vector.shape_cast %swap3A_42 : vector<1x16xf32> to vector<16xf32>
      %swap3A_44 = vector.shape_cast %broadcast_in_dim3A_3 : vector<16xf32> to vector<1x16xf32>
      tpu.vector_store %arg5[%swap3A, %swap3A_41], %swap3A_44 {strides = array<i32>} : memref<128x128xf32, #tpu.memory_space<vmem>>, vector<1x16xf32>,
      %swap3A_45 = arith.index_cast %scan3A_39 : i32 to index
      %swap3A_46 = arith.constant 16 : index
      %swap3A_47 = tpu.vector_load %arg5[%swap3A_45, %swap3A_46] {strides = array<i32>} : memref<128x128xf32, #tpu.memory_space<vmem>>, vector<1x16xf32>,
      %swap3A_48 = vector.shape_cast %swap3A_47 : vector<1x16xf32> to vector<16xf32>
      %swap3A_49 = vector.shape_cast %broadcast_in_dim3A_3 : vector<16xf32> to vector<1x16xf32>
      tpu.vector_store %arg5[%swap3A_45, %swap3A_46], %swap3A_49 {strides = array<i32>} : memref<128x128xf32, #tpu.memory_space<vmem>>, vector<1x16xf32>,
      %swap3A_50 = arith.index_cast %scan3A_39 : i32 to index
      %swap3A_51 = arith.constant 32 : index
      %swap3A_52 = tpu.vector_load %arg5[%swap3A_50, %swap3A_51] {strides = array<i32>} : memref<128x128xf32, #tpu.memory_space<vmem>>, vector<1x16xf32>,
      %swap3A_53 = vector.shape_cast %swap3A_52 : vector<1x16xf32> to vector<16xf32>
      %swap3A_54 = vector.shape_cast %broadcast_in_dim3A_3 : vector<16xf32> to vector<1x16xf32>
      tpu.vector_store %arg5[%swap3A_50, %swap3A_51], %swap3A_54 {strides = array<i32>} : memref<128x128xf32, #tpu.memory_space<vmem>>, vector<1x16xf32>,
      %swap3A_55 = arith.index_cast %scan3A_39 : i32 to index
      %swap3A_56 = arith.constant 48 : index
      %swap3A_57 = tpu.vector_load %arg5[%swap3A_55, %swap3A_56] {strides = array<i32>} : memref<128x128xf32, #tpu.memory_space<vmem>>, vector<1x16xf32>,
      %swap3A_58 = vector.shape_cast %swap3A_57 : vector<1x16xf32> to vector<16xf32>
      %swap3A_59 = vector.shape_cast %broadcast_in_dim3A_3 : vector<16xf32> to vector<1x16xf32>
      tpu.vector_store %arg5[%swap3A_55, %swap3A_56], %swap3A_59 {strides = array<i32>} : memref<128x128xf32, #tpu.memory_space<vmem>>, vector<1x16xf32>,
      %swap3A_60 = arith.index_cast %scan3A_39 : i32 to index
      %swap3A_61 = arith.constant 64 : index
      %swap3A_62 = tpu.vector_load %arg5[%swap3A_60, %swap3A_61] {strides = array<i32>} : memref<128x128xf32, #tpu.memory_space<vmem>>, vector<1x16xf32>,
      %swap3A_63 = vector.shape_cast %swap3A_62 : vector<1x16xf32> to vector<16xf32>
      %swap3A_64 = vector.shape_cast %broadcast_in_dim3A_3 : vector<16xf32> to vector<1x16xf32>
      tpu.vector_store %arg5[%swap3A_60, %swap3A_61], %swap3A_64 {strides = array<i32>} : memref<128x128xf32, #tpu.memory_space<vmem>>, vector<1x16xf32>,
      %swap3A_65 = arith.index_cast %scan3A_39 : i32 to index
      %swap3A_66 = arith.constant 80 : index
      %swap3A_67 = tpu.vector_load %arg5[%swap3A_65, %swap3A_66] {strides = array<i32>} : memref<128x128xf32, #tpu.memory_space<vmem>>, vector<1x16xf32>,
      %swap3A_68 = vector.shape_cast %swap3A_67 : vector<1x16xf32> to vector<16xf32>
      %swap3A_69 = vector.shape_cast %broadcast_in_dim3A_3 : vector<16xf32> to vector<1x16xf32>
      tpu.vector_store %arg5[%swap3A_65, %swap3A_66], %swap3A_69 {strides = array<i32>} : memref<128x128xf32, #tpu.memory_space<vmem>>, vector<1x16xf32>,
      %swap3A_70 = arith.index_cast %scan3A_39 : i32 to index
      %swap3A_71 = arith.constant 96 : index
      %swap3A_72 = tpu.vector_load %arg5[%swap3A_70, %swap3A_71] {strides = array<i32>} : memref<128x128xf32, #tpu.memory_space<vmem>>, vector<1x16xf32>,
      %swap3A_73 = vector.shape_cast %swap3A_72 : vector<1x16xf32> to vector<16xf32>
      %swap3A_74 = vector.shape_cast %broadcast_in_dim3A_3 : vector<16xf32> to vector<1x16xf32>
      tpu.vector_store %arg5[%swap3A_70, %swap3A_71], %swap3A_74 {strides = array<i32>} : memref<128x128xf32, #tpu.memory_space<vmem>>, vector<1x16xf32>,
      %swap3A_75 = arith.index_cast %scan3A_39 : i32 to index
      %swap3A_76 = arith.constant 112 : index
      %swap3A_77 = tpu.vector_load %arg5[%swap3A_75, %swap3A_76] {strides = array<i32>} : memref<128x128xf32, #tpu.memory_space<vmem>>, vector<1x16xf32>,
      %swap3A_78 = vector.shape_cast %swap3A_77 : vector<1x16xf32> to vector<16xf32>
      %swap3A_79 = vector.shape_cast %broadcast_in_dim3A_3 : vector<16xf32> to vector<1x16xf32>
      tpu.vector_store %arg5[%swap3A_75, %swap3A_76], %swap3A_79 {strides = array<i32>} : memref<128x128xf32, #tpu.memory_space<vmem>>, vector<1x16xf32>,
      %scan3A_80 = arith.constant 0 : i32
      scf.yield %scan3A_80 : i32
    }
    %scan3A_9 = arith.constant 128 : i32
    %add3A_10 = arith.constant 0 : i32
    %add3A_11 = arith.addi %mul3A_2, %add3A_10 : i32
    "tpu.region"() ({
      %run_scoped3A = tpu.sem_alloc : memref<!tpu.dma_semaphore, #tpu.memory_space<semaphore_mem>>
      %dma_start3A = arith.constant 0 : i32
      %dma_start3A_39 = arith.constant 0 : i32
      %dma_start3A_40 = tpu.memref_slice %arg5[%dma_start3A, %dma_start3A_39] : memref<128x128xf32, #tpu.memory_space<vmem>> -> memref<128x128xf32, #tpu.memory_space<vmem>>
      %dma_start3A_41 = arith.constant 0 : i32
      %dma_start3A_42 = tpu.memref_slice %arg6[%add3A_11, %dma_start3A_41] : memref<10112x128xf32, #tpu.memory_space<vmem_shared>> -> memref<128x128xf32, #tpu.memory_space<vmem_shared>>
      %dma_start3A_43 = arith.constant 0 : i32
      %dma_start3A_44 = tpu.memref_slice %arg6[%add3A_11, %dma_start3A_43] : memref<10112x128xf32, #tpu.memory_space<vmem_shared>> -> memref<128x128xf32, #tpu.memory_space<vmem_shared>>
      %dma_start3A_45 = arith.constant 0 : i32
      %dma_start3A_46 = arith.constant 0 : i32
      %dma_start3A_47 = tpu.memref_slice %arg5[%dma_start3A_45, %dma_start3A_46] : memref<128x128xf32, #tpu.memory_space<vmem>> -> memref<128x128xf32, #tpu.memory_space<vmem>>
      tpu.enqueue_dma source(%dma_start3A_47 : memref<128x128xf32, #tpu.memory_space<vmem>>) target(%dma_start3A_44 : memref<128x128xf32, #tpu.memory_space<vmem_shared>>) target_semaphore(%run_scoped3A : memref<!tpu.dma_semaphore, #tpu.memory_space<semaphore_mem>>)
      %dma_wait3A = arith.constant 0 : i32
      %dma_wait3A_48 = arith.constant 0 : i32
      %dma_wait3A_49 = tpu.memref_slice %arg5[%dma_wait3A, %dma_wait3A_48] : memref<128x128xf32, #tpu.memory_space<vmem>> -> memref<128x128xf32, #tpu.memory_space<vmem>>
      %dma_wait3A_50 = arith.constant 0 : i32
      %dma_wait3A_51 = tpu.memref_slice %arg6[%add3A_11, %dma_wait3A_50] : memref<10112x128xf32, #tpu.memory_space<vmem_shared>> -> memref<128x128xf32, #tpu.memory_space<vmem_shared>>
      %dma_wait3A_52 = arith.constant 0 : i32
      %dma_wait3A_53 = tpu.memref_slice %arg6[%add3A_11, %dma_wait3A_52] : memref<10112x128xf32, #tpu.memory_space<vmem_shared>> -> memref<128x128xf32, #tpu.memory_space<vmem_shared>>
      %dma_wait3A_54 = arith.constant 0 : i32
      %dma_wait3A_55 = arith.constant 0 : i32
      %dma_wait3A_56 = tpu.memref_slice %arg5[%dma_wait3A_54, %dma_wait3A_55] : memref<128x128xf32, #tpu.memory_space<vmem>> -> memref<128x128xf32, #tpu.memory_space<vmem>>
      tpu.wait_dma2 semaphore(%run_scoped3A : memref<!tpu.dma_semaphore, #tpu.memory_space<semaphore_mem>>) src(%dma_wait3A_56 : memref<128x128xf32, #tpu.memory_space<vmem>>) dst(%dma_wait3A_53 : memref<128x128xf32, #tpu.memory_space<vmem_shared>>)
      tpu.yield
    }) : () -> ()
    %add3A_12 = arith.constant 128 : i32
    %add3A_13 = arith.addi %mul3A_2, %add3A_12 : i32
    "tpu.region"() ({
      %run_scoped3A = tpu.sem_alloc : memref<!tpu.dma_semaphore, #tpu.memory_space<semaphore_mem>>
      %dma_start3A = arith.constant 0 : i32
      %dma_start3A_39 = arith.constant 0 : i32
      %dma_start3A_40 = tpu.memref_slice %arg5[%dma_start3A, %dma_start3A_39] : memref<128x128xf32, #tpu.memory_space<vmem>> -> memref<128x128xf32, #tpu.memory_space<vmem>>
      %dma_start3A_41 = arith.constant 0 : i32
      %dma_start3A_42 = tpu.memref_slice %arg6[%add3A_13, %dma_start3A_41] : memref<10112x128xf32, #tpu.memory_space<vmem_shared>> -> memref<128x128xf32, #tpu.memory_space<vmem_shared>>
      %dma_start3A_43 = arith.constant 0 : i32
      %dma_start3A_44 = tpu.memref_slice %arg6[%add3A_13, %dma_start3A_43] : memref<10112x128xf32, #tpu.memory_space<vmem_shared>> -> memref<128x128xf32, #tpu.memory_space<vmem_shared>>
      %dma_start3A_45 = arith.constant 0 : i32
      %dma_start3A_46 = arith.constant 0 : i32
      %dma_start3A_47 = tpu.memref_slice %arg5[%dma_start3A_45, %dma_start3A_46] : memref<128x128xf32, #tpu.memory_space<vmem>> -> memref<128x128xf32, #tpu.memory_space<vmem>>
      tpu.enqueue_dma source(%dma_start3A_47 : memref<128x128xf32, #tpu.memory_space<vmem>>) target(%dma_start3A_44 : memref<128x128xf32, #tpu.memory_space<vmem_shared>>) target_semaphore(%run_scoped3A : memref<!tpu.dma_semaphore, #tpu.memory_space<semaphore_mem>>)
      %dma_wait3A = arith.constant 0 : i32
      %dma_wait3A_48 = arith.constant 0 : i32
      %dma_wait3A_49 = tpu.memref_slice %arg5[%dma_wait3A, %dma_wait3A_48] : memref<128x128xf32, #tpu.memory_space<vmem>> -> memref<128x128xf32, #tpu.memory_space<vmem>>
      %dma_wait3A_50 = arith.constant 0 : i32
      %dma_wait3A_51 = tpu.memref_slice %arg6[%add3A_13, %dma_wait3A_50] : memref<10112x128xf32, #tpu.memory_space<vmem_shared>> -> memref<128x128xf32, #tpu.memory_space<vmem_shared>>
      %dma_wait3A_52 = arith.constant 0 : i32
      %dma_wait3A_53 = tpu.memref_slice %arg6[%add3A_13, %dma_wait3A_52] : memref<10112x128xf32, #tpu.memory_space<vmem_shared>> -> memref<128x128xf32, #tpu.memory_space<vmem_shared>>
      %dma_wait3A_54 = arith.constant 0 : i32
      %dma_wait3A_55 = arith.constant 0 : i32
      %dma_wait3A_56 = tpu.memref_slice %arg5[%dma_wait3A_54, %dma_wait3A_55] : memref<128x128xf32, #tpu.memory_space<vmem>> -> memref<128x128xf32, #tpu.memory_space<vmem>>
      tpu.wait_dma2 semaphore(%run_scoped3A : memref<!tpu.dma_semaphore, #tpu.memory_space<semaphore_mem>>) src(%dma_wait3A_56 : memref<128x128xf32, #tpu.memory_space<vmem>>) dst(%dma_wait3A_53 : memref<128x128xf32, #tpu.memory_space<vmem_shared>>)
      tpu.yield
    }) : () -> ()
    %add3A_14 = arith.constant 256 : i32
    %add3A_15 = arith.addi %mul3A_2, %add3A_14 : i32
    "tpu.region"() ({
      %run_scoped3A = tpu.sem_alloc : memref<!tpu.dma_semaphore, #tpu.memory_space<semaphore_mem>>
      %dma_start3A = arith.constant 0 : i32
      %dma_start3A_39 = arith.constant 0 : i32
      %dma_start3A_40 = tpu.memref_slice %arg5[%dma_start3A, %dma_start3A_39] : memref<128x128xf32, #tpu.memory_space<vmem>> -> memref<128x128xf32, #tpu.memory_space<vmem>>
      %dma_start3A_41 = arith.constant 0 : i32
      %dma_start3A_42 = tpu.memref_slice %arg6[%add3A_15, %dma_start3A_41] : memref<10112x128xf32, #tpu.memory_space<vmem_shared>> -> memref<128x128xf32, #tpu.memory_space<vmem_shared>>
      %dma_start3A_43 = arith.constant 0 : i32
      %dma_start3A_44 = tpu.memref_slice %arg6[%add3A_15, %dma_start3A_43] : memref<10112x128xf32, #tpu.memory_space<vmem_shared>> -> memref<128x128xf32, #tpu.memory_space<vmem_shared>>
      %dma_start3A_45 = arith.constant 0 : i32
      %dma_start3A_46 = arith.constant 0 : i32
      %dma_start3A_47 = tpu.memref_slice %arg5[%dma_start3A_45, %dma_start3A_46] : memref<128x128xf32, #tpu.memory_space<vmem>> -> memref<128x128xf32, #tpu.memory_space<vmem>>
      tpu.enqueue_dma source(%dma_start3A_47 : memref<128x128xf32, #tpu.memory_space<vmem>>) target(%dma_start3A_44 : memref<128x128xf32, #tpu.memory_space<vmem_shared>>) target_semaphore(%run_scoped3A : memref<!tpu.dma_semaphore, #tpu.memory_space<semaphore_mem>>)
      %dma_wait3A = arith.constant 0 : i32
      %dma_wait3A_48 = arith.constant 0 : i32
      %dma_wait3A_49 = tpu.memref_slice %arg5[%dma_wait3A, %dma_wait3A_48] : memref<128x128xf32, #tpu.memory_space<vmem>> -> memref<128x128xf32, #tpu.memory_space<vmem>>
      %dma_wait3A_50 = arith.constant 0 : i32
      %dma_wait3A_51 = tpu.memref_slice %arg6[%add3A_15, %dma_wait3A_50] : memref<10112x128xf32, #tpu.memory_space<vmem_shared>> -> memref<128x128xf32, #tpu.memory_space<vmem_shared>>
      %dma_wait3A_52 = arith.constant 0 : i32
      %dma_wait3A_53 = tpu.memref_slice %arg6[%add3A_15, %dma_wait3A_52] : memref<10112x128xf32, #tpu.memory_space<vmem_shared>> -> memref<128x128xf32, #tpu.memory_space<vmem_shared>>
      %dma_wait3A_54 = arith.constant 0 : i32
      %dma_wait3A_55 = arith.constant 0 : i32
      %dma_wait3A_56 = tpu.memref_slice %arg5[%dma_wait3A_54, %dma_wait3A_55] : memref<128x128xf32, #tpu.memory_space<vmem>> -> memref<128x128xf32, #tpu.memory_space<vmem>>
      tpu.wait_dma2 semaphore(%run_scoped3A : memref<!tpu.dma_semaphore, #tpu.memory_space<semaphore_mem>>) src(%dma_wait3A_56 : memref<128x128xf32, #tpu.memory_space<vmem>>) dst(%dma_wait3A_53 : memref<128x128xf32, #tpu.memory_space<vmem_shared>>)
      tpu.yield
    }) : () -> ()
    %add3A_16 = arith.constant 384 : i32
    %add3A_17 = arith.addi %mul3A_2, %add3A_16 : i32
    "tpu.region"() ({
      %run_scoped3A = tpu.sem_alloc : memref<!tpu.dma_semaphore, #tpu.memory_space<semaphore_mem>>
      %dma_start3A = arith.constant 0 : i32
      %dma_start3A_39 = arith.constant 0 : i32
      %dma_start3A_40 = tpu.memref_slice %arg5[%dma_start3A, %dma_start3A_39] : memref<128x128xf32, #tpu.memory_space<vmem>> -> memref<128x128xf32, #tpu.memory_space<vmem>>
      %dma_start3A_41 = arith.constant 0 : i32
      %dma_start3A_42 = tpu.memref_slice %arg6[%add3A_17, %dma_start3A_41] : memref<10112x128xf32, #tpu.memory_space<vmem_shared>> -> memref<128x128xf32, #tpu.memory_space<vmem_shared>>
      %dma_start3A_43 = arith.constant 0 : i32
      %dma_start3A_44 = tpu.memref_slice %arg6[%add3A_17, %dma_start3A_43] : memref<10112x128xf32, #tpu.memory_space<vmem_shared>> -> memref<128x128xf32, #tpu.memory_space<vmem_shared>>
      %dma_start3A_45 = arith.constant 0 : i32
      %dma_start3A_46 = arith.constant 0 : i32
      %dma_start3A_47 = tpu.memref_slice %arg5[%dma_start3A_45, %dma_start3A_46] : memref<128x128xf32, #tpu.memory_space<vmem>> -> memref<128x128xf32, #tpu.memory_space<vmem>>
      tpu.enqueue_dma source(%dma_start3A_47 : memref<128x128xf32, #tpu.memory_space<vmem>>) target(%dma_start3A_44 : memref<128x128xf32, #tpu.memory_space<vmem_shared>>) target_semaphore(%run_scoped3A : memref<!tpu.dma_semaphore, #tpu.memory_space<semaphore_mem>>)
      %dma_wait3A = arith.constant 0 : i32
      %dma_wait3A_48 = arith.constant 0 : i32
      %dma_wait3A_49 = tpu.memref_slice %arg5[%dma_wait3A, %dma_wait3A_48] : memref<128x128xf32, #tpu.memory_space<vmem>> -> memref<128x128xf32, #tpu.memory_space<vmem>>
      %dma_wait3A_50 = arith.constant 0 : i32
      %dma_wait3A_51 = tpu.memref_slice %arg6[%add3A_17, %dma_wait3A_50] : memref<10112x128xf32, #tpu.memory_space<vmem_shared>> -> memref<128x128xf32, #tpu.memory_space<vmem_shared>>
      %dma_wait3A_52 = arith.constant 0 : i32
      %dma_wait3A_53 = tpu.memref_slice %arg6[%add3A_17, %dma_wait3A_52] : memref<10112x128xf32, #tpu.memory_space<vmem_shared>> -> memref<128x128xf32, #tpu.memory_space<vmem_shared>>
      %dma_wait3A_54 = arith.constant 0 : i32
      %dma_wait3A_55 = arith.constant 0 : i32
      %dma_wait3A_56 = tpu.memref_slice %arg5[%dma_wait3A_54, %dma_wait3A_55] : memref<128x128xf32, #tpu.memory_space<vmem>> -> memref<128x128xf32, #tpu.memory_space<vmem>>
      tpu.wait_dma2 semaphore(%run_scoped3A : memref<!tpu.dma_semaphore, #tpu.memory_space<semaphore_mem>>) src(%dma_wait3A_56 : memref<128x128xf32, #tpu.memory_space<vmem>>) dst(%dma_wait3A_53 : memref<128x128xf32, #tpu.memory_space<vmem_shared>>)
      tpu.yield
    }) : () -> ()
    %add3A_18 = arith.constant 512 : i32
    %add3A_19 = arith.addi %mul3A_2, %add3A_18 : i32
    "tpu.region"() ({
      %run_scoped3A = tpu.sem_alloc : memref<!tpu.dma_semaphore, #tpu.memory_space<semaphore_mem>>
      %dma_start3A = arith.constant 0 : i32
      %dma_start3A_39 = arith.constant 0 : i32
      %dma_start3A_40 = tpu.memref_slice %arg5[%dma_start3A, %dma_start3A_39] : memref<128x128xf32, #tpu.memory_space<vmem>> -> memref<120x128xf32, #tpu.memory_space<vmem>>
      %dma_start3A_41 = arith.constant 0 : i32
      %dma_start3A_42 = tpu.memref_slice %arg6[%add3A_19, %dma_start3A_41] : memref<10112x128xf32, #tpu.memory_space<vmem_shared>> -> memref<120x128xf32, #tpu.memory_space<vmem_shared>>
      %dma_start3A_43 = arith.constant 0 : i32
      %dma_start3A_44 = tpu.memref_slice %arg6[%add3A_19, %dma_start3A_43] : memref<10112x128xf32, #tpu.memory_space<vmem_shared>> -> memref<120x128xf32, #tpu.memory_space<vmem_shared>>
      %dma_start3A_45 = arith.constant 0 : i32
      %dma_start3A_46 = arith.constant 0 : i32
      %dma_start3A_47 = tpu.memref_slice %arg5[%dma_start3A_45, %dma_start3A_46] : memref<128x128xf32, #tpu.memory_space<vmem>> -> memref<120x128xf32, #tpu.memory_space<vmem>>
      tpu.enqueue_dma source(%dma_start3A_47 : memref<120x128xf32, #tpu.memory_space<vmem>>) target(%dma_start3A_44 : memref<120x128xf32, #tpu.memory_space<vmem_shared>>) target_semaphore(%run_scoped3A : memref<!tpu.dma_semaphore, #tpu.memory_space<semaphore_mem>>)
      %dma_wait3A = arith.constant 0 : i32
      %dma_wait3A_48 = arith.constant 0 : i32
      %dma_wait3A_49 = tpu.memref_slice %arg5[%dma_wait3A, %dma_wait3A_48] : memref<128x128xf32, #tpu.memory_space<vmem>> -> memref<120x128xf32, #tpu.memory_space<vmem>>
      %dma_wait3A_50 = arith.constant 0 : i32
      %dma_wait3A_51 = tpu.memref_slice %arg6[%add3A_19, %dma_wait3A_50] : memref<10112x128xf32, #tpu.memory_space<vmem_shared>> -> memref<120x128xf32, #tpu.memory_space<vmem_shared>>
      %dma_wait3A_52 = arith.constant 0 : i32
      %dma_wait3A_53 = tpu.memref_slice %arg6[%add3A_19, %dma_wait3A_52] : memref<10112x128xf32, #tpu.memory_space<vmem_shared>> -> memref<120x128xf32, #tpu.memory_space<vmem_shared>>
      %dma_wait3A_54 = arith.constant 0 : i32
      %dma_wait3A_55 = arith.constant 0 : i32
      %dma_wait3A_56 = tpu.memref_slice %arg5[%dma_wait3A_54, %dma_wait3A_55] : memref<128x128xf32, #tpu.memory_space<vmem>> -> memref<120x128xf32, #tpu.memory_space<vmem>>
      tpu.wait_dma2 semaphore(%run_scoped3A : memref<!tpu.dma_semaphore, #tpu.memory_space<semaphore_mem>>) src(%dma_wait3A_56 : memref<120x128xf32, #tpu.memory_space<vmem>>) dst(%dma_wait3A_53 : memref<120x128xf32, #tpu.memory_space<vmem_shared>>)
      tpu.yield
    }) : () -> ()
    %barrier3A = arith.constant 0 : index
    tpu.barrier barrier_id(%barrier3A)
    %mul3A_20 = arith.constant 80 : i32
    %mul3A_21 = arith.muli %add3A, %mul3A_20 : i32
    "tpu.region"() ({
      %run_scoped3A = tpu.sem_alloc : memref<!tpu.dma_semaphore, #tpu.memory_space<semaphore_mem>>
      %dma_start3A = arith.constant 0 : i32
      %dma_start3A_39 = tpu.memref_slice %arg2[%mul3A_21, %dma_start3A] : memref<2560x128xi32, #tpu.memory_space<hbm>> -> memref<80x128xi32, #tpu.memory_space<hbm>>
      %dma_start3A_40 = arith.constant 0 : i32
      %dma_start3A_41 = tpu.memref_slice %arg2[%mul3A_21, %dma_start3A_40] : memref<2560x128xi32, #tpu.memory_space<hbm>> -> memref<80x128xi32, #tpu.memory_space<hbm>>
      tpu.enqueue_dma source(%dma_start3A_41 : memref<80x128xi32, #tpu.memory_space<hbm>>) target(%arg4 : memref<80x128xi32, #tpu.memory_space<vmem>>) target_semaphore(%run_scoped3A : memref<!tpu.dma_semaphore, #tpu.memory_space<semaphore_mem>>)
      %dma_wait3A = arith.constant 0 : i32
      %dma_wait3A_42 = tpu.memref_slice %arg2[%mul3A_21, %dma_wait3A] : memref<2560x128xi32, #tpu.memory_space<hbm>> -> memref<80x128xi32, #tpu.memory_space<hbm>>
      %dma_wait3A_43 = arith.constant 0 : i32
      %dma_wait3A_44 = tpu.memref_slice %arg2[%mul3A_21, %dma_wait3A_43] : memref<2560x128xi32, #tpu.memory_space<hbm>> -> memref<80x128xi32, #tpu.memory_space<hbm>>
      tpu.wait_dma2 semaphore(%run_scoped3A : memref<!tpu.dma_semaphore, #tpu.memory_space<semaphore_mem>>) src(%dma_wait3A_44 : memref<80x128xi32, #tpu.memory_space<hbm>>) dst(%arg4 : memref<80x128xi32, #tpu.memory_space<vmem>>)
      tpu.yield
    }) : () -> ()
    %broadcast_in_dim3A_22 = arith.constant 1.000000e+00 : f32
    %broadcast_in_dim3A_23 = vector.broadcast %broadcast_in_dim3A_22 : f32 to vector<16xf32>
    %scan3A_24 = arith.constant 0 : i32
    %scan3A_25 = arith.constant 0 : i32
    %scan3A_26 = arith.constant 128 : i32
    %scan3A_27 = arith.addi %scan3A_25, %scan3A_26 : i32
    %scan3A_28 = arith.constant 1 : i32
    %scan3A_29 = scf.for %scan3A_39 = %scan3A_25 to %scan3A_27 step %scan3A_28 iter_args(%scan3A_40 = %scan3A_24) -> (i32)  : i32 {
      %swap3A = arith.index_cast %scan3A_39 : i32 to index
      %swap3A_41 = arith.constant 0 : index
      %swap3A_42 = tpu.vector_load %arg5[%swap3A, %swap3A_41] {strides = array<i32>} : memref<128x128xf32, #tpu.memory_space<vmem>>, vector<1x16xf32>,
      %swap3A_43 = vector.shape_cast %swap3A_42 : vector<1x16xf32> to vector<16xf32>
      %swap3A_44 = vector.shape_cast %broadcast_in_dim3A_23 : vector<16xf32> to vector<1x16xf32>
      tpu.vector_store %arg5[%swap3A, %swap3A_41], %swap3A_44 {strides = array<i32>} : memref<128x128xf32, #tpu.memory_space<vmem>>, vector<1x16xf32>,
      %swap3A_45 = arith.index_cast %scan3A_39 : i32 to index
      %swap3A_46 = arith.constant 16 : index
      %swap3A_47 = tpu.vector_load %arg5[%swap3A_45, %swap3A_46] {strides = array<i32>} : memref<128x128xf32, #tpu.memory_space<vmem>>, vector<1x16xf32>,
      %swap3A_48 = vector.shape_cast %swap3A_47 : vector<1x16xf32> to vector<16xf32>
      %swap3A_49 = vector.shape_cast %broadcast_in_dim3A_23 : vector<16xf32> to vector<1x16xf32>
      tpu.vector_store %arg5[%swap3A_45, %swap3A_46], %swap3A_49 {strides = array<i32>} : memref<128x128xf32, #tpu.memory_space<vmem>>, vector<1x16xf32>,
      %swap3A_50 = arith.index_cast %scan3A_39 : i32 to index
      %swap3A_51 = arith.constant 32 : index
      %swap3A_52 = tpu.vector_load %arg5[%swap3A_50, %swap3A_51] {strides = array<i32>} : memref<128x128xf32, #tpu.memory_space<vmem>>, vector<1x16xf32>,
      %swap3A_53 = vector.shape_cast %swap3A_52 : vector<1x16xf32> to vector<16xf32>
      %swap3A_54 = vector.shape_cast %broadcast_in_dim3A_23 : vector<16xf32> to vector<1x16xf32>
      tpu.vector_store %arg5[%swap3A_50, %swap3A_51], %swap3A_54 {strides = array<i32>} : memref<128x128xf32, #tpu.memory_space<vmem>>, vector<1x16xf32>,
      %swap3A_55 = arith.index_cast %scan3A_39 : i32 to index
      %swap3A_56 = arith.constant 48 : index
      %swap3A_57 = tpu.vector_load %arg5[%swap3A_55, %swap3A_56] {strides = array<i32>} : memref<128x128xf32, #tpu.memory_space<vmem>>, vector<1x16xf32>,
      %swap3A_58 = vector.shape_cast %swap3A_57 : vector<1x16xf32> to vector<16xf32>
      %swap3A_59 = vector.shape_cast %broadcast_in_dim3A_23 : vector<16xf32> to vector<1x16xf32>
      tpu.vector_store %arg5[%swap3A_55, %swap3A_56], %swap3A_59 {strides = array<i32>} : memref<128x128xf32, #tpu.memory_space<vmem>>, vector<1x16xf32>,
      %swap3A_60 = arith.index_cast %scan3A_39 : i32 to index
      %swap3A_61 = arith.constant 64 : index
      %swap3A_62 = tpu.vector_load %arg5[%swap3A_60, %swap3A_61] {strides = array<i32>} : memref<128x128xf32, #tpu.memory_space<vmem>>, vector<1x16xf32>,
      %swap3A_63 = vector.shape_cast %swap3A_62 : vector<1x16xf32> to vector<16xf32>
      %swap3A_64 = vector.shape_cast %broadcast_in_dim3A_23 : vector<16xf32> to vector<1x16xf32>
      tpu.vector_store %arg5[%swap3A_60, %swap3A_61], %swap3A_64 {strides = array<i32>} : memref<128x128xf32, #tpu.memory_space<vmem>>, vector<1x16xf32>,
      %swap3A_65 = arith.index_cast %scan3A_39 : i32 to index
      %swap3A_66 = arith.constant 80 : index
      %swap3A_67 = tpu.vector_load %arg5[%swap3A_65, %swap3A_66] {strides = array<i32>} : memref<128x128xf32, #tpu.memory_space<vmem>>, vector<1x16xf32>,
      %swap3A_68 = vector.shape_cast %swap3A_67 : vector<1x16xf32> to vector<16xf32>
      %swap3A_69 = vector.shape_cast %broadcast_in_dim3A_23 : vector<16xf32> to vector<1x16xf32>
      tpu.vector_store %arg5[%swap3A_65, %swap3A_66], %swap3A_69 {strides = array<i32>} : memref<128x128xf32, #tpu.memory_space<vmem>>, vector<1x16xf32>,
      %swap3A_70 = arith.index_cast %scan3A_39 : i32 to index
      %swap3A_71 = arith.constant 96 : index
      %swap3A_72 = tpu.vector_load %arg5[%swap3A_70, %swap3A_71] {strides = array<i32>} : memref<128x128xf32, #tpu.memory_space<vmem>>, vector<1x16xf32>,
      %swap3A_73 = vector.shape_cast %swap3A_72 : vector<1x16xf32> to vector<16xf32>
      %swap3A_74 = vector.shape_cast %broadcast_in_dim3A_23 : vector<16xf32> to vector<1x16xf32>
      tpu.vector_store %arg5[%swap3A_70, %swap3A_71], %swap3A_74 {strides = array<i32>} : memref<128x128xf32, #tpu.memory_space<vmem>>, vector<1x16xf32>,
      %swap3A_75 = arith.index_cast %scan3A_39 : i32 to index
      %swap3A_76 = arith.constant 112 : index
      %swap3A_77 = tpu.vector_load %arg5[%swap3A_75, %swap3A_76] {strides = array<i32>} : memref<128x128xf32, #tpu.memory_space<vmem>>, vector<1x16xf32>,
      %swap3A_78 = vector.shape_cast %swap3A_77 : vector<1x16xf32> to vector<16xf32>
      %swap3A_79 = vector.shape_cast %broadcast_in_dim3A_23 : vector<16xf32> to vector<1x16xf32>
      tpu.vector_store %arg5[%swap3A_75, %swap3A_76], %swap3A_79 {strides = array<i32>} : memref<128x128xf32, #tpu.memory_space<vmem>>, vector<1x16xf32>,
      %scan3A_80 = arith.constant 0 : i32
      scf.yield %scan3A_80 : i32
    }
    %scan3A_30 = arith.constant 128 : i32
    %scan3A_31 = arith.constant 0 : i32
    %scan3A_32 = arith.constant 0 : i32
    %scan3A_33 = arith.constant 80 : i32
    %scan3A_34 = arith.addi %scan3A_32, %scan3A_33 : i32
    %scan3A_35 = arith.constant 1 : i32
    %scan3A_36 = scf.for %scan3A_39 = %scan3A_32 to %scan3A_34 step %scan3A_35 iter_args(%scan3A_40 = %scan3A_31) -> (i32)  : i32 {
      "tpu.region"() ({
        %run_scoped3A = tpu.sem_alloc : memref<!tpu.dma_semaphore, #tpu.memory_space<semaphore_mem>>
        %dma_start3A = arith.constant 0 : i32
        %dma_start3A_42 = tpu.memref_slice %arg4[%scan3A_39, %dma_start3A] : memref<80x128xi32, #tpu.memory_space<vmem>> -> memref<1x128xi32, #tpu.memory_space<vmem>>
        %dma_start3A_43 = tpu.memref_squeeze %dma_start3A_42 : memref<1x128xi32, #tpu.memory_space<vmem>> -> memref<128xi32, #tpu.memory_space<vmem>>
        %dma_start3A_44 = arith.constant 0 : i32
        %dma_start3A_45 = arith.constant 0 : i32
        %dma_start3A_46 = tpu.memref_slice %arg6[%dma_start3A_44, %dma_start3A_45] : memref<10112x128xf32, #tpu.memory_space<vmem_shared>> -> memref<10112x128xf32, #tpu.memory_space<vmem_shared>>
        tpu.enqueue_indirect_dma source(%arg5 : memref<128x128xf32, #tpu.memory_space<vmem>>) target(%dma_start3A_46 : memref<10112x128xf32, #tpu.memory_space<vmem_shared>>) offsets(%dma_start3A_43 : memref<128xi32, #tpu.memory_space<vmem>>) semaphore(%run_scoped3A : memref<!tpu.dma_semaphore, #tpu.memory_space<semaphore_mem>>) {add = true}
        %dma_wait3A = arith.constant 0 : i32
        %dma_wait3A_47 = tpu.memref_slice %arg4[%scan3A_39, %dma_wait3A] : memref<80x128xi32, #tpu.memory_space<vmem>> -> memref<1x128xi32, #tpu.memory_space<vmem>>
        %dma_wait3A_48 = tpu.memref_squeeze %dma_wait3A_47 : memref<1x128xi32, #tpu.memory_space<vmem>> -> memref<128xi32, #tpu.memory_space<vmem>>
        %dma_wait3A_49 = arith.constant 0 : i32
        %dma_wait3A_50 = arith.constant 0 : i32
        %dma_wait3A_51 = tpu.memref_slice %arg6[%dma_wait3A_49, %dma_wait3A_50] : memref<10112x128xf32, #tpu.memory_space<vmem_shared>> -> memref<10112x128xf32, #tpu.memory_space<vmem_shared>>
        tpu.wait_indirect_dma semaphore(%run_scoped3A : memref<!tpu.dma_semaphore, #tpu.memory_space<semaphore_mem>>) src(%arg5 : memref<128x128xf32, #tpu.memory_space<vmem>>) dst(%dma_wait3A_51 : memref<10112x128xf32, #tpu.memory_space<vmem_shared>>)
        tpu.yield
      }) : () -> ()
      %scan3A_41 = arith.constant 0 : i32
      scf.yield %scan3A_41 : i32
    }
    %scan3A_37 = arith.constant 80 : i32
    %barrier3A_38 = arith.constant 0 : index
    tpu.barrier barrier_id(%barrier3A_38)
    "tpu.region"() ({
      %run_scoped3A = tpu.sem_alloc : memref<!tpu.dma_semaphore, #tpu.memory_space<semaphore_mem>>
      %dma_start3A = arith.constant 0 : i32
      %dma_start3A_39 = tpu.memref_slice %arg3[%arg0, %mul3A_2, %dma_start3A] : memref<2x10112x128xf32, #tpu.memory_space<hbm>> -> memref<1x632x128xf32, #tpu.memory_space<hbm>>
      %dma_start3A_40 = tpu.memref_squeeze %dma_start3A_39 : memref<1x632x128xf32, #tpu.memory_space<hbm>> -> memref<632x128xf32, #tpu.memory_space<hbm>>
      %dma_start3A_41 = arith.constant 0 : i32
      %dma_start3A_42 = tpu.memref_slice %arg6[%mul3A_2, %dma_start3A_41] : memref<10112x128xf32, #tpu.memory_space<vmem_shared>> -> memref<632x128xf32, #tpu.memory_space<vmem_shared>>
      tpu.enqueue_dma source(%dma_start3A_42 : memref<632x128xf32, #tpu.memory_space<vmem_shared>>) target(%dma_start3A_40 : memref<632x128xf32, #tpu.memory_space<hbm>>) target_semaphore(%run_scoped3A : memref<!tpu.dma_semaphore, #tpu.memory_space<semaphore_mem>>)
      %dma_wait3A = arith.constant 0 : i32
      %dma_wait3A_43 = tpu.memref_slice %arg3[%arg0, %mul3A_2, %dma_wait3A] : memref<2x10112x128xf32, #tpu.memory_space<hbm>> -> memref<1x632x128xf32, #tpu.memory_space<hbm>>
      %dma_wait3A_44 = tpu.memref_squeeze %dma_wait3A_43 : memref<1x632x128xf32, #tpu.memory_space<hbm>> -> memref<632x128xf32, #tpu.memory_space<hbm>>
      %dma_wait3A_45 = arith.constant 0 : i32
      %dma_wait3A_46 = tpu.memref_slice %arg6[%mul3A_2, %dma_wait3A_45] : memref<10112x128xf32, #tpu.memory_space<vmem_shared>> -> memref<632x128xf32, #tpu.memory_space<vmem_shared>>
      tpu.wait_dma2 semaphore(%run_scoped3A : memref<!tpu.dma_semaphore, #tpu.memory_space<semaphore_mem>>) src(%dma_wait3A_46 : memref<632x128xf32, #tpu.memory_space<vmem_shared>>) dst(%dma_wait3A_44 : memref<632x128xf32, #tpu.memory_space<hbm>>)
      tpu.yield
    }) : () -> ()
    return
  }
}

#map = affine_map<(d0, d1) -> (0, 0)>
#map1 = affine_map<(d0, d1) -> (0, 0, 0)>
module attributes {stable_mosaic.version = 14 : i64} {
  func.func @_sc_agg_body(%arg0: i32, %arg1: i32, %arg2: memref<10000x128xf32, #tpu.memory_space<hbm>>, %arg3: memref<2560x128xi32, #tpu.memory_space<hbm>>, %arg4: memref<2560x128xi32, #tpu.memory_space<hbm>>, %arg5: memref<2x10112x128xf32, #tpu.memory_space<hbm>>, %arg6: memref<16x128xi32, #tpu.memory_space<vmem>>, %arg7: memref<16x128xi32, #tpu.memory_space<vmem>>, %arg8: memref<128x128xf32, #tpu.memory_space<vmem>>, %arg9: memref<128x128xf32, #tpu.memory_space<vmem>>, %arg10: memref<10112x128xf32, #tpu.memory_space<vmem_shared>>, %arg11: memref<!tpu.dma_semaphore, #tpu.memory_space<semaphore_mem>>, %arg12: memref<!tpu.dma_semaphore, #tpu.memory_space<semaphore_mem>>, %arg13: memref<!tpu.dma_semaphore, #tpu.memory_space<semaphore_mem>>, %arg14: memref<!tpu.dma_semaphore, #tpu.memory_space<semaphore_mem>>) attributes {dimension_semantics = [#tpu.dimension_semantics<core_parallel>, #tpu.dimension_semantics<subcore_parallel>], iteration_bounds = array<i64: 2, 16>, scalar_prefetch = 0 : i64, scratch_operands = 9 : i64, tpu.core_type = #tpu.core_type<sc_vector_subcore>, window_params = [{transform_indices = #map}, {transform_indices = #map}, {transform_indices = #map}, {transform_indices = #map1}]} {
    %mul3A = arith.constant 632 : i32
    %mul3A_0 = arith.muli %arg1, %mul3A : i32
    %broadcast_in_dim3A = arith.constant 0.000000e+00 : f32
    %broadcast_in_dim3A_1 = vector.broadcast %broadcast_in_dim3A : f32 to vector<16xf32>
    %scan3A = arith.constant 0 : i32
    %scan3A_2 = arith.constant 0 : i32
    %scan3A_3 = arith.constant 128 : i32
    %scan3A_4 = arith.addi %scan3A_2, %scan3A_3 : i32
    %scan3A_5 = arith.constant 1 : i32
    %scan3A_6 = scf.for %scan3A_39 = %scan3A_2 to %scan3A_4 step %scan3A_5 iter_args(%scan3A_40 = %scan3A) -> (i32)  : i32 {
      %swap3A = arith.index_cast %scan3A_39 : i32 to index
      %swap3A_41 = arith.constant 0 : index
      %swap3A_42 = tpu.vector_load %arg8[%swap3A, %swap3A_41] {strides = array<i32>} : memref<128x128xf32, #tpu.memory_space<vmem>>, vector<1x16xf32>,
      %swap3A_43 = vector.shape_cast %swap3A_42 : vector<1x16xf32> to vector<16xf32>
      %swap3A_44 = vector.shape_cast %broadcast_in_dim3A_1 : vector<16xf32> to vector<1x16xf32>
      tpu.vector_store %arg8[%swap3A, %swap3A_41], %swap3A_44 {strides = array<i32>} : memref<128x128xf32, #tpu.memory_space<vmem>>, vector<1x16xf32>,
      %swap3A_45 = arith.index_cast %scan3A_39 : i32 to index
      %swap3A_46 = arith.constant 16 : index
      %swap3A_47 = tpu.vector_load %arg8[%swap3A_45, %swap3A_46] {strides = array<i32>} : memref<128x128xf32, #tpu.memory_space<vmem>>, vector<1x16xf32>,
      %swap3A_48 = vector.shape_cast %swap3A_47 : vector<1x16xf32> to vector<16xf32>
      %swap3A_49 = vector.shape_cast %broadcast_in_dim3A_1 : vector<16xf32> to vector<1x16xf32>
      tpu.vector_store %arg8[%swap3A_45, %swap3A_46], %swap3A_49 {strides = array<i32>} : memref<128x128xf32, #tpu.memory_space<vmem>>, vector<1x16xf32>,
      %swap3A_50 = arith.index_cast %scan3A_39 : i32 to index
      %swap3A_51 = arith.constant 32 : index
      %swap3A_52 = tpu.vector_load %arg8[%swap3A_50, %swap3A_51] {strides = array<i32>} : memref<128x128xf32, #tpu.memory_space<vmem>>, vector<1x16xf32>,
      %swap3A_53 = vector.shape_cast %swap3A_52 : vector<1x16xf32> to vector<16xf32>
      %swap3A_54 = vector.shape_cast %broadcast_in_dim3A_1 : vector<16xf32> to vector<1x16xf32>
      tpu.vector_store %arg8[%swap3A_50, %swap3A_51], %swap3A_54 {strides = array<i32>} : memref<128x128xf32, #tpu.memory_space<vmem>>, vector<1x16xf32>,
      %swap3A_55 = arith.index_cast %scan3A_39 : i32 to index
      %swap3A_56 = arith.constant 48 : index
      %swap3A_57 = tpu.vector_load %arg8[%swap3A_55, %swap3A_56] {strides = array<i32>} : memref<128x128xf32, #tpu.memory_space<vmem>>, vector<1x16xf32>,
      %swap3A_58 = vector.shape_cast %swap3A_57 : vector<1x16xf32> to vector<16xf32>
      %swap3A_59 = vector.shape_cast %broadcast_in_dim3A_1 : vector<16xf32> to vector<1x16xf32>
      tpu.vector_store %arg8[%swap3A_55, %swap3A_56], %swap3A_59 {strides = array<i32>} : memref<128x128xf32, #tpu.memory_space<vmem>>, vector<1x16xf32>,
      %swap3A_60 = arith.index_cast %scan3A_39 : i32 to index
      %swap3A_61 = arith.constant 64 : index
      %swap3A_62 = tpu.vector_load %arg8[%swap3A_60, %swap3A_61] {strides = array<i32>} : memref<128x128xf32, #tpu.memory_space<vmem>>, vector<1x16xf32>,
      %swap3A_63 = vector.shape_cast %swap3A_62 : vector<1x16xf32> to vector<16xf32>
      %swap3A_64 = vector.shape_cast %broadcast_in_dim3A_1 : vector<16xf32> to vector<1x16xf32>
      tpu.vector_store %arg8[%swap3A_60, %swap3A_61], %swap3A_64 {strides = array<i32>} : memref<128x128xf32, #tpu.memory_space<vmem>>, vector<1x16xf32>,
      %swap3A_65 = arith.index_cast %scan3A_39 : i32 to index
      %swap3A_66 = arith.constant 80 : index
      %swap3A_67 = tpu.vector_load %arg8[%swap3A_65, %swap3A_66] {strides = array<i32>} : memref<128x128xf32, #tpu.memory_space<vmem>>, vector<1x16xf32>,
      %swap3A_68 = vector.shape_cast %swap3A_67 : vector<1x16xf32> to vector<16xf32>
      %swap3A_69 = vector.shape_cast %broadcast_in_dim3A_1 : vector<16xf32> to vector<1x16xf32>
      tpu.vector_store %arg8[%swap3A_65, %swap3A_66], %swap3A_69 {strides = array<i32>} : memref<128x128xf32, #tpu.memory_space<vmem>>, vector<1x16xf32>,
      %swap3A_70 = arith.index_cast %scan3A_39 : i32 to index
      %swap3A_71 = arith.constant 96 : index
      %swap3A_72 = tpu.vector_load %arg8[%swap3A_70, %swap3A_71] {strides = array<i32>} : memref<128x128xf32, #tpu.memory_space<vmem>>, vector<1x16xf32>,
      %swap3A_73 = vector.shape_cast %swap3A_72 : vector<1x16xf32> to vector<16xf32>
      %swap3A_74 = vector.shape_cast %broadcast_in_dim3A_1 : vector<16xf32> to vector<1x16xf32>
      tpu.vector_store %arg8[%swap3A_70, %swap3A_71], %swap3A_74 {strides = array<i32>} : memref<128x128xf32, #tpu.memory_space<vmem>>, vector<1x16xf32>,
      %swap3A_75 = arith.index_cast %scan3A_39 : i32 to index
      %swap3A_76 = arith.constant 112 : index
      %swap3A_77 = tpu.vector_load %arg8[%swap3A_75, %swap3A_76] {strides = array<i32>} : memref<128x128xf32, #tpu.memory_space<vmem>>, vector<1x16xf32>,
      %swap3A_78 = vector.shape_cast %swap3A_77 : vector<1x16xf32> to vector<16xf32>
      %swap3A_79 = vector.shape_cast %broadcast_in_dim3A_1 : vector<16xf32> to vector<1x16xf32>
      tpu.vector_store %arg8[%swap3A_75, %swap3A_76], %swap3A_79 {strides = array<i32>} : memref<128x128xf32, #tpu.memory_space<vmem>>, vector<1x16xf32>,
      %scan3A_80 = arith.constant 0 : i32
      scf.yield %scan3A_80 : i32
    }
    %scan3A_7 = arith.constant 128 : i32
    %add3A = arith.constant 0 : i32
    %add3A_8 = arith.addi %mul3A_0, %add3A : i32
    "tpu.region"() ({
      %run_scoped3A = tpu.sem_alloc : memref<!tpu.dma_semaphore, #tpu.memory_space<semaphore_mem>>
      %dma_start3A = arith.constant 0 : i32
      %dma_start3A_39 = arith.constant 0 : i32
      %dma_start3A_40 = tpu.memref_slice %arg8[%dma_start3A, %dma_start3A_39] : memref<128x128xf32, #tpu.memory_space<vmem>> -> memref<128x128xf32, #tpu.memory_space<vmem>>
      %dma_start3A_41 = arith.constant 0 : i32
      %dma_start3A_42 = tpu.memref_slice %arg10[%add3A_8, %dma_start3A_41] : memref<10112x128xf32, #tpu.memory_space<vmem_shared>> -> memref<128x128xf32, #tpu.memory_space<vmem_shared>>
      %dma_start3A_43 = arith.constant 0 : i32
      %dma_start3A_44 = tpu.memref_slice %arg10[%add3A_8, %dma_start3A_43] : memref<10112x128xf32, #tpu.memory_space<vmem_shared>> -> memref<128x128xf32, #tpu.memory_space<vmem_shared>>
      %dma_start3A_45 = arith.constant 0 : i32
      %dma_start3A_46 = arith.constant 0 : i32
      %dma_start3A_47 = tpu.memref_slice %arg8[%dma_start3A_45, %dma_start3A_46] : memref<128x128xf32, #tpu.memory_space<vmem>> -> memref<128x128xf32, #tpu.memory_space<vmem>>
      tpu.enqueue_dma source(%dma_start3A_47 : memref<128x128xf32, #tpu.memory_space<vmem>>) target(%dma_start3A_44 : memref<128x128xf32, #tpu.memory_space<vmem_shared>>) target_semaphore(%run_scoped3A : memref<!tpu.dma_semaphore, #tpu.memory_space<semaphore_mem>>)
      %dma_wait3A = arith.constant 0 : i32
      %dma_wait3A_48 = arith.constant 0 : i32
      %dma_wait3A_49 = tpu.memref_slice %arg8[%dma_wait3A, %dma_wait3A_48] : memref<128x128xf32, #tpu.memory_space<vmem>> -> memref<128x128xf32, #tpu.memory_space<vmem>>
      %dma_wait3A_50 = arith.constant 0 : i32
      %dma_wait3A_51 = tpu.memref_slice %arg10[%add3A_8, %dma_wait3A_50] : memref<10112x128xf32, #tpu.memory_space<vmem_shared>> -> memref<128x128xf32, #tpu.memory_space<vmem_shared>>
      %dma_wait3A_52 = arith.constant 0 : i32
      %dma_wait3A_53 = tpu.memref_slice %arg10[%add3A_8, %dma_wait3A_52] : memref<10112x128xf32, #tpu.memory_space<vmem_shared>> -> memref<128x128xf32, #tpu.memory_space<vmem_shared>>
      %dma_wait3A_54 = arith.constant 0 : i32
      %dma_wait3A_55 = arith.constant 0 : i32
      %dma_wait3A_56 = tpu.memref_slice %arg8[%dma_wait3A_54, %dma_wait3A_55] : memref<128x128xf32, #tpu.memory_space<vmem>> -> memref<128x128xf32, #tpu.memory_space<vmem>>
      tpu.wait_dma2 semaphore(%run_scoped3A : memref<!tpu.dma_semaphore, #tpu.memory_space<semaphore_mem>>) src(%dma_wait3A_56 : memref<128x128xf32, #tpu.memory_space<vmem>>) dst(%dma_wait3A_53 : memref<128x128xf32, #tpu.memory_space<vmem_shared>>)
      tpu.yield
    }) : () -> ()
    %add3A_9 = arith.constant 128 : i32
    %add3A_10 = arith.addi %mul3A_0, %add3A_9 : i32
    "tpu.region"() ({
      %run_scoped3A = tpu.sem_alloc : memref<!tpu.dma_semaphore, #tpu.memory_space<semaphore_mem>>
      %dma_start3A = arith.constant 0 : i32
      %dma_start3A_39 = arith.constant 0 : i32
      %dma_start3A_40 = tpu.memref_slice %arg8[%dma_start3A, %dma_start3A_39] : memref<128x128xf32, #tpu.memory_space<vmem>> -> memref<128x128xf32, #tpu.memory_space<vmem>>
      %dma_start3A_41 = arith.constant 0 : i32
      %dma_start3A_42 = tpu.memref_slice %arg10[%add3A_10, %dma_start3A_41] : memref<10112x128xf32, #tpu.memory_space<vmem_shared>> -> memref<128x128xf32, #tpu.memory_space<vmem_shared>>
      %dma_start3A_43 = arith.constant 0 : i32
      %dma_start3A_44 = tpu.memref_slice %arg10[%add3A_10, %dma_start3A_43] : memref<10112x128xf32, #tpu.memory_space<vmem_shared>> -> memref<128x128xf32, #tpu.memory_space<vmem_shared>>
      %dma_start3A_45 = arith.constant 0 : i32
      %dma_start3A_46 = arith.constant 0 : i32
      %dma_start3A_47 = tpu.memref_slice %arg8[%dma_start3A_45, %dma_start3A_46] : memref<128x128xf32, #tpu.memory_space<vmem>> -> memref<128x128xf32, #tpu.memory_space<vmem>>
      tpu.enqueue_dma source(%dma_start3A_47 : memref<128x128xf32, #tpu.memory_space<vmem>>) target(%dma_start3A_44 : memref<128x128xf32, #tpu.memory_space<vmem_shared>>) target_semaphore(%run_scoped3A : memref<!tpu.dma_semaphore, #tpu.memory_space<semaphore_mem>>)
      %dma_wait3A = arith.constant 0 : i32
      %dma_wait3A_48 = arith.constant 0 : i32
      %dma_wait3A_49 = tpu.memref_slice %arg8[%dma_wait3A, %dma_wait3A_48] : memref<128x128xf32, #tpu.memory_space<vmem>> -> memref<128x128xf32, #tpu.memory_space<vmem>>
      %dma_wait3A_50 = arith.constant 0 : i32
      %dma_wait3A_51 = tpu.memref_slice %arg10[%add3A_10, %dma_wait3A_50] : memref<10112x128xf32, #tpu.memory_space<vmem_shared>> -> memref<128x128xf32, #tpu.memory_space<vmem_shared>>
      %dma_wait3A_52 = arith.constant 0 : i32
      %dma_wait3A_53 = tpu.memref_slice %arg10[%add3A_10, %dma_wait3A_52] : memref<10112x128xf32, #tpu.memory_space<vmem_shared>> -> memref<128x128xf32, #tpu.memory_space<vmem_shared>>
      %dma_wait3A_54 = arith.constant 0 : i32
      %dma_wait3A_55 = arith.constant 0 : i32
      %dma_wait3A_56 = tpu.memref_slice %arg8[%dma_wait3A_54, %dma_wait3A_55] : memref<128x128xf32, #tpu.memory_space<vmem>> -> memref<128x128xf32, #tpu.memory_space<vmem>>
      tpu.wait_dma2 semaphore(%run_scoped3A : memref<!tpu.dma_semaphore, #tpu.memory_space<semaphore_mem>>) src(%dma_wait3A_56 : memref<128x128xf32, #tpu.memory_space<vmem>>) dst(%dma_wait3A_53 : memref<128x128xf32, #tpu.memory_space<vmem_shared>>)
      tpu.yield
    }) : () -> ()
    %add3A_11 = arith.constant 256 : i32
    %add3A_12 = arith.addi %mul3A_0, %add3A_11 : i32
    "tpu.region"() ({
      %run_scoped3A = tpu.sem_alloc : memref<!tpu.dma_semaphore, #tpu.memory_space<semaphore_mem>>
      %dma_start3A = arith.constant 0 : i32
      %dma_start3A_39 = arith.constant 0 : i32
      %dma_start3A_40 = tpu.memref_slice %arg8[%dma_start3A, %dma_start3A_39] : memref<128x128xf32, #tpu.memory_space<vmem>> -> memref<128x128xf32, #tpu.memory_space<vmem>>
      %dma_start3A_41 = arith.constant 0 : i32
      %dma_start3A_42 = tpu.memref_slice %arg10[%add3A_12, %dma_start3A_41] : memref<10112x128xf32, #tpu.memory_space<vmem_shared>> -> memref<128x128xf32, #tpu.memory_space<vmem_shared>>
      %dma_start3A_43 = arith.constant 0 : i32
      %dma_start3A_44 = tpu.memref_slice %arg10[%add3A_12, %dma_start3A_43] : memref<10112x128xf32, #tpu.memory_space<vmem_shared>> -> memref<128x128xf32, #tpu.memory_space<vmem_shared>>
      %dma_start3A_45 = arith.constant 0 : i32
      %dma_start3A_46 = arith.constant 0 : i32
      %dma_start3A_47 = tpu.memref_slice %arg8[%dma_start3A_45, %dma_start3A_46] : memref<128x128xf32, #tpu.memory_space<vmem>> -> memref<128x128xf32, #tpu.memory_space<vmem>>
      tpu.enqueue_dma source(%dma_start3A_47 : memref<128x128xf32, #tpu.memory_space<vmem>>) target(%dma_start3A_44 : memref<128x128xf32, #tpu.memory_space<vmem_shared>>) target_semaphore(%run_scoped3A : memref<!tpu.dma_semaphore, #tpu.memory_space<semaphore_mem>>)
      %dma_wait3A = arith.constant 0 : i32
      %dma_wait3A_48 = arith.constant 0 : i32
      %dma_wait3A_49 = tpu.memref_slice %arg8[%dma_wait3A, %dma_wait3A_48] : memref<128x128xf32, #tpu.memory_space<vmem>> -> memref<128x128xf32, #tpu.memory_space<vmem>>
      %dma_wait3A_50 = arith.constant 0 : i32
      %dma_wait3A_51 = tpu.memref_slice %arg10[%add3A_12, %dma_wait3A_50] : memref<10112x128xf32, #tpu.memory_space<vmem_shared>> -> memref<128x128xf32, #tpu.memory_space<vmem_shared>>
      %dma_wait3A_52 = arith.constant 0 : i32
      %dma_wait3A_53 = tpu.memref_slice %arg10[%add3A_12, %dma_wait3A_52] : memref<10112x128xf32, #tpu.memory_space<vmem_shared>> -> memref<128x128xf32, #tpu.memory_space<vmem_shared>>
      %dma_wait3A_54 = arith.constant 0 : i32
      %dma_wait3A_55 = arith.constant 0 : i32
      %dma_wait3A_56 = tpu.memref_slice %arg8[%dma_wait3A_54, %dma_wait3A_55] : memref<128x128xf32, #tpu.memory_space<vmem>> -> memref<128x128xf32, #tpu.memory_space<vmem>>
      tpu.wait_dma2 semaphore(%run_scoped3A : memref<!tpu.dma_semaphore, #tpu.memory_space<semaphore_mem>>) src(%dma_wait3A_56 : memref<128x128xf32, #tpu.memory_space<vmem>>) dst(%dma_wait3A_53 : memref<128x128xf32, #tpu.memory_space<vmem_shared>>)
      tpu.yield
    }) : () -> ()
    %add3A_13 = arith.constant 384 : i32
    %add3A_14 = arith.addi %mul3A_0, %add3A_13 : i32
    "tpu.region"() ({
      %run_scoped3A = tpu.sem_alloc : memref<!tpu.dma_semaphore, #tpu.memory_space<semaphore_mem>>
      %dma_start3A = arith.constant 0 : i32
      %dma_start3A_39 = arith.constant 0 : i32
      %dma_start3A_40 = tpu.memref_slice %arg8[%dma_start3A, %dma_start3A_39] : memref<128x128xf32, #tpu.memory_space<vmem>> -> memref<128x128xf32, #tpu.memory_space<vmem>>
      %dma_start3A_41 = arith.constant 0 : i32
      %dma_start3A_42 = tpu.memref_slice %arg10[%add3A_14, %dma_start3A_41] : memref<10112x128xf32, #tpu.memory_space<vmem_shared>> -> memref<128x128xf32, #tpu.memory_space<vmem_shared>>
      %dma_start3A_43 = arith.constant 0 : i32
      %dma_start3A_44 = tpu.memref_slice %arg10[%add3A_14, %dma_start3A_43] : memref<10112x128xf32, #tpu.memory_space<vmem_shared>> -> memref<128x128xf32, #tpu.memory_space<vmem_shared>>
      %dma_start3A_45 = arith.constant 0 : i32
      %dma_start3A_46 = arith.constant 0 : i32
      %dma_start3A_47 = tpu.memref_slice %arg8[%dma_start3A_45, %dma_start3A_46] : memref<128x128xf32, #tpu.memory_space<vmem>> -> memref<128x128xf32, #tpu.memory_space<vmem>>
      tpu.enqueue_dma source(%dma_start3A_47 : memref<128x128xf32, #tpu.memory_space<vmem>>) target(%dma_start3A_44 : memref<128x128xf32, #tpu.memory_space<vmem_shared>>) target_semaphore(%run_scoped3A : memref<!tpu.dma_semaphore, #tpu.memory_space<semaphore_mem>>)
      %dma_wait3A = arith.constant 0 : i32
      %dma_wait3A_48 = arith.constant 0 : i32
      %dma_wait3A_49 = tpu.memref_slice %arg8[%dma_wait3A, %dma_wait3A_48] : memref<128x128xf32, #tpu.memory_space<vmem>> -> memref<128x128xf32, #tpu.memory_space<vmem>>
      %dma_wait3A_50 = arith.constant 0 : i32
      %dma_wait3A_51 = tpu.memref_slice %arg10[%add3A_14, %dma_wait3A_50] : memref<10112x128xf32, #tpu.memory_space<vmem_shared>> -> memref<128x128xf32, #tpu.memory_space<vmem_shared>>
      %dma_wait3A_52 = arith.constant 0 : i32
      %dma_wait3A_53 = tpu.memref_slice %arg10[%add3A_14, %dma_wait3A_52] : memref<10112x128xf32, #tpu.memory_space<vmem_shared>> -> memref<128x128xf32, #tpu.memory_space<vmem_shared>>
      %dma_wait3A_54 = arith.constant 0 : i32
      %dma_wait3A_55 = arith.constant 0 : i32
      %dma_wait3A_56 = tpu.memref_slice %arg8[%dma_wait3A_54, %dma_wait3A_55] : memref<128x128xf32, #tpu.memory_space<vmem>> -> memref<128x128xf32, #tpu.memory_space<vmem>>
      tpu.wait_dma2 semaphore(%run_scoped3A : memref<!tpu.dma_semaphore, #tpu.memory_space<semaphore_mem>>) src(%dma_wait3A_56 : memref<128x128xf32, #tpu.memory_space<vmem>>) dst(%dma_wait3A_53 : memref<128x128xf32, #tpu.memory_space<vmem_shared>>)
      tpu.yield
    }) : () -> ()
    %add3A_15 = arith.constant 512 : i32
    %add3A_16 = arith.addi %mul3A_0, %add3A_15 : i32
    "tpu.region"() ({
      %run_scoped3A = tpu.sem_alloc : memref<!tpu.dma_semaphore, #tpu.memory_space<semaphore_mem>>
      %dma_start3A = arith.constant 0 : i32
      %dma_start3A_39 = arith.constant 0 : i32
      %dma_start3A_40 = tpu.memref_slice %arg8[%dma_start3A, %dma_start3A_39] : memref<128x128xf32, #tpu.memory_space<vmem>> -> memref<120x128xf32, #tpu.memory_space<vmem>>
      %dma_start3A_41 = arith.constant 0 : i32
      %dma_start3A_42 = tpu.memref_slice %arg10[%add3A_16, %dma_start3A_41] : memref<10112x128xf32, #tpu.memory_space<vmem_shared>> -> memref<120x128xf32, #tpu.memory_space<vmem_shared>>
      %dma_start3A_43 = arith.constant 0 : i32
      %dma_start3A_44 = tpu.memref_slice %arg10[%add3A_16, %dma_start3A_43] : memref<10112x128xf32, #tpu.memory_space<vmem_shared>> -> memref<120x128xf32, #tpu.memory_space<vmem_shared>>
      %dma_start3A_45 = arith.constant 0 : i32
      %dma_start3A_46 = arith.constant 0 : i32
      %dma_start3A_47 = tpu.memref_slice %arg8[%dma_start3A_45, %dma_start3A_46] : memref<128x128xf32, #tpu.memory_space<vmem>> -> memref<120x128xf32, #tpu.memory_space<vmem>>
      tpu.enqueue_dma source(%dma_start3A_47 : memref<120x128xf32, #tpu.memory_space<vmem>>) target(%dma_start3A_44 : memref<120x128xf32, #tpu.memory_space<vmem_shared>>) target_semaphore(%run_scoped3A : memref<!tpu.dma_semaphore, #tpu.memory_space<semaphore_mem>>)
      %dma_wait3A = arith.constant 0 : i32
      %dma_wait3A_48 = arith.constant 0 : i32
      %dma_wait3A_49 = tpu.memref_slice %arg8[%dma_wait3A, %dma_wait3A_48] : memref<128x128xf32, #tpu.memory_space<vmem>> -> memref<120x128xf32, #tpu.memory_space<vmem>>
      %dma_wait3A_50 = arith.constant 0 : i32
      %dma_wait3A_51 = tpu.memref_slice %arg10[%add3A_16, %dma_wait3A_50] : memref<10112x128xf32, #tpu.memory_space<vmem_shared>> -> memref<120x128xf32, #tpu.memory_space<vmem_shared>>
      %dma_wait3A_52 = arith.constant 0 : i32
      %dma_wait3A_53 = tpu.memref_slice %arg10[%add3A_16, %dma_wait3A_52] : memref<10112x128xf32, #tpu.memory_space<vmem_shared>> -> memref<120x128xf32, #tpu.memory_space<vmem_shared>>
      %dma_wait3A_54 = arith.constant 0 : i32
      %dma_wait3A_55 = arith.constant 0 : i32
      %dma_wait3A_56 = tpu.memref_slice %arg8[%dma_wait3A_54, %dma_wait3A_55] : memref<128x128xf32, #tpu.memory_space<vmem>> -> memref<120x128xf32, #tpu.memory_space<vmem>>
      tpu.wait_dma2 semaphore(%run_scoped3A : memref<!tpu.dma_semaphore, #tpu.memory_space<semaphore_mem>>) src(%dma_wait3A_56 : memref<120x128xf32, #tpu.memory_space<vmem>>) dst(%dma_wait3A_53 : memref<120x128xf32, #tpu.memory_space<vmem_shared>>)
      tpu.yield
    }) : () -> ()
    %barrier3A = arith.constant 0 : index
    tpu.barrier barrier_id(%barrier3A)
    %mul3A_17 = arith.constant 160 : i32
    %mul3A_18 = arith.muli %arg1, %mul3A_17 : i32
    %eq3A = arith.constant 0 : i32
    %eq3A_19 = arith.cmpi eq, %arg0, %eq3A : i32
    %jit3A = arith.constant 0 : i32
    %jit3A_20 = arith.constant 128 : i32
    %select_n3A = arith.select %eq3A_19, %jit3A, %jit3A_20 : i32
    %add3A_21 = arith.addi %mul3A_18, %select_n3A : i32
    %eq3A_22 = arith.constant 0 : i32
    %eq3A_23 = arith.cmpi eq, %arg0, %eq3A_22 : i32
    %jit3A_24 = arith.constant 8 : i32
    %jit3A_25 = arith.constant 2 : i32
    %select_n3A_26 = arith.select %eq3A_23, %jit3A_24, %jit3A_25 : i32
    %while3A = arith.constant 0 : i32
    %while3A_27 = arith.constant 0 : i32
    %while3A_28 = arith.subi %select_n3A_26, %while3A : i32
    %while3A_29 = arith.addi %while3A, %while3A_28 : i32
    %while3A_30 = arith.constant 1 : i32
    %while3A_31 = arith.divsi %while3A_28, %while3A_30 : i32
    %while3A_32 = arith.muli %while3A_31, %while3A_30 : i32
    %while3A_33 = arith.addi %while3A, %while3A_32 : i32
    %while3A_34 = arith.constant 1 : i32
    %while3A_35 = scf.for %while3A_39 = %while3A to %while3A_33 step %while3A_34 iter_args(%while3A_40 = %while3A_27) -> (i32)  : i32 {
      %mul3A_41 = arith.constant 16 : i32
      %mul3A_42 = arith.muli %while3A_39, %mul3A_41 : i32
      %add3A_43 = arith.addi %add3A_21, %mul3A_42 : i32
      "tpu.region"() ({
        %run_scoped3A = tpu.sem_alloc : memref<!tpu.dma_semaphore, #tpu.memory_space<semaphore_mem>>
        %dma_start3A_106 = arith.constant 0 : i32
        %dma_start3A_107 = tpu.memref_slice %arg3[%add3A_43, %dma_start3A_106] : memref<2560x128xi32, #tpu.memory_space<hbm>> -> memref<16x128xi32, #tpu.memory_space<hbm>>
        %dma_start3A_108 = arith.constant 0 : i32
        %dma_start3A_109 = tpu.memref_slice %arg3[%add3A_43, %dma_start3A_108] : memref<2560x128xi32, #tpu.memory_space<hbm>> -> memref<16x128xi32, #tpu.memory_space<hbm>>
        tpu.enqueue_dma source(%dma_start3A_109 : memref<16x128xi32, #tpu.memory_space<hbm>>) target(%arg6 : memref<16x128xi32, #tpu.memory_space<vmem>>) target_semaphore(%run_scoped3A : memref<!tpu.dma_semaphore, #tpu.memory_space<semaphore_mem>>)
        %dma_wait3A_110 = arith.constant 0 : i32
        %dma_wait3A_111 = tpu.memref_slice %arg3[%add3A_43, %dma_wait3A_110] : memref<2560x128xi32, #tpu.memory_space<hbm>> -> memref<16x128xi32, #tpu.memory_space<hbm>>
        %dma_wait3A_112 = arith.constant 0 : i32
        %dma_wait3A_113 = tpu.memref_slice %arg3[%add3A_43, %dma_wait3A_112] : memref<2560x128xi32, #tpu.memory_space<hbm>> -> memref<16x128xi32, #tpu.memory_space<hbm>>
        tpu.wait_dma2 semaphore(%run_scoped3A : memref<!tpu.dma_semaphore, #tpu.memory_space<semaphore_mem>>) src(%dma_wait3A_113 : memref<16x128xi32, #tpu.memory_space<hbm>>) dst(%arg6 : memref<16x128xi32, #tpu.memory_space<vmem>>)
        tpu.yield
      }) : () -> ()
      "tpu.region"() ({
        %run_scoped3A = tpu.sem_alloc : memref<!tpu.dma_semaphore, #tpu.memory_space<semaphore_mem>>
        %dma_start3A_106 = arith.constant 0 : i32
        %dma_start3A_107 = tpu.memref_slice %arg4[%add3A_43, %dma_start3A_106] : memref<2560x128xi32, #tpu.memory_space<hbm>> -> memref<16x128xi32, #tpu.memory_space<hbm>>
        %dma_start3A_108 = arith.constant 0 : i32
        %dma_start3A_109 = tpu.memref_slice %arg4[%add3A_43, %dma_start3A_108] : memref<2560x128xi32, #tpu.memory_space<hbm>> -> memref<16x128xi32, #tpu.memory_space<hbm>>
        tpu.enqueue_dma source(%dma_start3A_109 : memref<16x128xi32, #tpu.memory_space<hbm>>) target(%arg7 : memref<16x128xi32, #tpu.memory_space<vmem>>) target_semaphore(%run_scoped3A : memref<!tpu.dma_semaphore, #tpu.memory_space<semaphore_mem>>)
        %dma_wait3A_110 = arith.constant 0 : i32
        %dma_wait3A_111 = tpu.memref_slice %arg4[%add3A_43, %dma_wait3A_110] : memref<2560x128xi32, #tpu.memory_space<hbm>> -> memref<16x128xi32, #tpu.memory_space<hbm>>
        %dma_wait3A_112 = arith.constant 0 : i32
        %dma_wait3A_113 = tpu.memref_slice %arg4[%add3A_43, %dma_wait3A_112] : memref<2560x128xi32, #tpu.memory_space<hbm>> -> memref<16x128xi32, #tpu.memory_space<hbm>>
        tpu.wait_dma2 semaphore(%run_scoped3A : memref<!tpu.dma_semaphore, #tpu.memory_space<semaphore_mem>>) src(%dma_wait3A_113 : memref<16x128xi32, #tpu.memory_space<hbm>>) dst(%arg7 : memref<16x128xi32, #tpu.memory_space<vmem>>)
        tpu.yield
      }) : () -> ()
      %dma_start3A = arith.constant 0 : i32
      %dma_start3A_44 = arith.constant 0 : i32
      %dma_start3A_45 = tpu.memref_slice %arg6[%dma_start3A, %dma_start3A_44] : memref<16x128xi32, #tpu.memory_space<vmem>> -> memref<1x128xi32, #tpu.memory_space<vmem>>
      %dma_start3A_46 = tpu.memref_squeeze %dma_start3A_45 : memref<1x128xi32, #tpu.memory_space<vmem>> -> memref<128xi32, #tpu.memory_space<vmem>>
      %dma_start3A_47 = arith.constant 0 : i32
      %dma_start3A_48 = arith.constant 0 : i32
      %dma_start3A_49 = tpu.memref_slice %arg2[%dma_start3A_47, %dma_start3A_48] : memref<10000x128xf32, #tpu.memory_space<hbm>> -> memref<10000x128xf32, #tpu.memory_space<hbm>>
      tpu.enqueue_indirect_dma source(%dma_start3A_49 : memref<10000x128xf32, #tpu.memory_space<hbm>>) target(%arg8 : memref<128x128xf32, #tpu.memory_space<vmem>>) offsets(%dma_start3A_46 : memref<128xi32, #tpu.memory_space<vmem>>) semaphore(%arg11 : memref<!tpu.dma_semaphore, #tpu.memory_space<semaphore_mem>>)
      %dma_start3A_50 = arith.constant 1 : i32
      %dma_start3A_51 = arith.constant 0 : i32
      %dma_start3A_52 = tpu.memref_slice %arg6[%dma_start3A_50, %dma_start3A_51] : memref<16x128xi32, #tpu.memory_space<vmem>> -> memref<1x128xi32, #tpu.memory_space<vmem>>
      %dma_start3A_53 = tpu.memref_squeeze %dma_start3A_52 : memref<1x128xi32, #tpu.memory_space<vmem>> -> memref<128xi32, #tpu.memory_space<vmem>>
      %dma_start3A_54 = arith.constant 0 : i32
      %dma_start3A_55 = arith.constant 0 : i32
      %dma_start3A_56 = tpu.memref_slice %arg2[%dma_start3A_54, %dma_start3A_55] : memref<10000x128xf32, #tpu.memory_space<hbm>> -> memref<10000x128xf32, #tpu.memory_space<hbm>>
      tpu.enqueue_indirect_dma source(%dma_start3A_56 : memref<10000x128xf32, #tpu.memory_space<hbm>>) target(%arg9 : memref<128x128xf32, #tpu.memory_space<vmem>>) offsets(%dma_start3A_53 : memref<128xi32, #tpu.memory_space<vmem>>) semaphore(%arg12 : memref<!tpu.dma_semaphore, #tpu.memory_space<semaphore_mem>>)
      %scan3A_57 = arith.constant 0 : i32
      %scan3A_58 = arith.constant 0 : i32
      %scan3A_59 = arith.constant 7 : i32
      %scan3A_60 = arith.addi %scan3A_58, %scan3A_59 : i32
      %scan3A_61 = arith.constant 1 : i32
      %scan3A_62 = scf.for %scan3A_106 = %scan3A_58 to %scan3A_60 step %scan3A_61 iter_args(%scan3A_107 = %scan3A_57) -> (i32)  : i32 {
        %mul3A_108 = arith.constant 2 : i32
        %mul3A_109 = arith.muli %scan3A_106, %mul3A_108 : i32
        %add3A_110 = arith.constant 0 : i32
        %add3A_111 = arith.addi %mul3A_109, %add3A_110 : i32
        %dma_wait3A_112 = arith.constant 0 : i32
        %dma_wait3A_113 = tpu.memref_slice %arg6[%add3A_111, %dma_wait3A_112] : memref<16x128xi32, #tpu.memory_space<vmem>> -> memref<1x128xi32, #tpu.memory_space<vmem>>
        %dma_wait3A_114 = tpu.memref_squeeze %dma_wait3A_113 : memref<1x128xi32, #tpu.memory_space<vmem>> -> memref<128xi32, #tpu.memory_space<vmem>>
        %dma_wait3A_115 = arith.constant 0 : i32
        %dma_wait3A_116 = arith.constant 0 : i32
        %dma_wait3A_117 = tpu.memref_slice %arg2[%dma_wait3A_115, %dma_wait3A_116] : memref<10000x128xf32, #tpu.memory_space<hbm>> -> memref<10000x128xf32, #tpu.memory_space<hbm>>
        tpu.wait_indirect_dma semaphore(%arg11 : memref<!tpu.dma_semaphore, #tpu.memory_space<semaphore_mem>>) src(%dma_wait3A_117 : memref<10000x128xf32, #tpu.memory_space<hbm>>) dst(%arg8 : memref<128x128xf32, #tpu.memory_space<vmem>>)
        %dma_start3A_118 = arith.constant 0 : i32
        %dma_start3A_119 = tpu.memref_slice %arg7[%add3A_111, %dma_start3A_118] : memref<16x128xi32, #tpu.memory_space<vmem>> -> memref<1x128xi32, #tpu.memory_space<vmem>>
        %dma_start3A_120 = tpu.memref_squeeze %dma_start3A_119 : memref<1x128xi32, #tpu.memory_space<vmem>> -> memref<128xi32, #tpu.memory_space<vmem>>
        %dma_start3A_121 = arith.constant 0 : i32
        %dma_start3A_122 = arith.constant 0 : i32
        %dma_start3A_123 = tpu.memref_slice %arg10[%dma_start3A_121, %dma_start3A_122] : memref<10112x128xf32, #tpu.memory_space<vmem_shared>> -> memref<10112x128xf32, #tpu.memory_space<vmem_shared>>
        tpu.enqueue_indirect_dma source(%arg8 : memref<128x128xf32, #tpu.memory_space<vmem>>) target(%dma_start3A_123 : memref<10112x128xf32, #tpu.memory_space<vmem_shared>>) offsets(%dma_start3A_120 : memref<128xi32, #tpu.memory_space<vmem>>) semaphore(%arg13 : memref<!tpu.dma_semaphore, #tpu.memory_space<semaphore_mem>>) {add = true}
        %mul3A_124 = arith.constant 2 : i32
        %mul3A_125 = arith.muli %scan3A_106, %mul3A_124 : i32
        %add3A_126 = arith.constant 1 : i32
        %add3A_127 = arith.addi %mul3A_125, %add3A_126 : i32
        %dma_wait3A_128 = arith.constant 0 : i32
        %dma_wait3A_129 = tpu.memref_slice %arg6[%add3A_127, %dma_wait3A_128] : memref<16x128xi32, #tpu.memory_space<vmem>> -> memref<1x128xi32, #tpu.memory_space<vmem>>
        %dma_wait3A_130 = tpu.memref_squeeze %dma_wait3A_129 : memref<1x128xi32, #tpu.memory_space<vmem>> -> memref<128xi32, #tpu.memory_space<vmem>>
        %dma_wait3A_131 = arith.constant 0 : i32
        %dma_wait3A_132 = arith.constant 0 : i32
        %dma_wait3A_133 = tpu.memref_slice %arg2[%dma_wait3A_131, %dma_wait3A_132] : memref<10000x128xf32, #tpu.memory_space<hbm>> -> memref<10000x128xf32, #tpu.memory_space<hbm>>
        tpu.wait_indirect_dma semaphore(%arg12 : memref<!tpu.dma_semaphore, #tpu.memory_space<semaphore_mem>>) src(%dma_wait3A_133 : memref<10000x128xf32, #tpu.memory_space<hbm>>) dst(%arg9 : memref<128x128xf32, #tpu.memory_space<vmem>>)
        %dma_start3A_134 = arith.constant 0 : i32
        %dma_start3A_135 = tpu.memref_slice %arg7[%add3A_127, %dma_start3A_134] : memref<16x128xi32, #tpu.memory_space<vmem>> -> memref<1x128xi32, #tpu.memory_space<vmem>>
        %dma_start3A_136 = tpu.memref_squeeze %dma_start3A_135 : memref<1x128xi32, #tpu.memory_space<vmem>> -> memref<128xi32, #tpu.memory_space<vmem>>
        %dma_start3A_137 = arith.constant 0 : i32
        %dma_start3A_138 = arith.constant 0 : i32
        %dma_start3A_139 = tpu.memref_slice %arg10[%dma_start3A_137, %dma_start3A_138] : memref<10112x128xf32, #tpu.memory_space<vmem_shared>> -> memref<10112x128xf32, #tpu.memory_space<vmem_shared>>
        tpu.enqueue_indirect_dma source(%arg9 : memref<128x128xf32, #tpu.memory_space<vmem>>) target(%dma_start3A_139 : memref<10112x128xf32, #tpu.memory_space<vmem_shared>>) offsets(%dma_start3A_136 : memref<128xi32, #tpu.memory_space<vmem>>) semaphore(%arg14 : memref<!tpu.dma_semaphore, #tpu.memory_space<semaphore_mem>>) {add = true}
        %mul3A_140 = arith.constant 2 : i32
        %mul3A_141 = arith.muli %scan3A_106, %mul3A_140 : i32
        %add3A_142 = arith.constant 0 : i32
        %add3A_143 = arith.addi %mul3A_141, %add3A_142 : i32
        %dma_wait3A_144 = arith.constant 0 : i32
        %dma_wait3A_145 = tpu.memref_slice %arg7[%add3A_143, %dma_wait3A_144] : memref<16x128xi32, #tpu.memory_space<vmem>> -> memref<1x128xi32, #tpu.memory_space<vmem>>
        %dma_wait3A_146 = tpu.memref_squeeze %dma_wait3A_145 : memref<1x128xi32, #tpu.memory_space<vmem>> -> memref<128xi32, #tpu.memory_space<vmem>>
        %dma_wait3A_147 = arith.constant 0 : i32
        %dma_wait3A_148 = arith.constant 0 : i32
        %dma_wait3A_149 = tpu.memref_slice %arg10[%dma_wait3A_147, %dma_wait3A_148] : memref<10112x128xf32, #tpu.memory_space<vmem_shared>> -> memref<10112x128xf32, #tpu.memory_space<vmem_shared>>
        tpu.wait_indirect_dma semaphore(%arg13 : memref<!tpu.dma_semaphore, #tpu.memory_space<semaphore_mem>>) src(%arg8 : memref<128x128xf32, #tpu.memory_space<vmem>>) dst(%dma_wait3A_149 : memref<10112x128xf32, #tpu.memory_space<vmem_shared>>)
        %add3A_150 = arith.constant 2 : i32
        %add3A_151 = arith.addi %add3A_143, %add3A_150 : i32
        %dma_start3A_152 = arith.constant 0 : i32
        %dma_start3A_153 = tpu.memref_slice %arg6[%add3A_151, %dma_start3A_152] : memref<16x128xi32, #tpu.memory_space<vmem>> -> memref<1x128xi32, #tpu.memory_space<vmem>>
        %dma_start3A_154 = tpu.memref_squeeze %dma_start3A_153 : memref<1x128xi32, #tpu.memory_space<vmem>> -> memref<128xi32, #tpu.memory_space<vmem>>
        %dma_start3A_155 = arith.constant 0 : i32
        %dma_start3A_156 = arith.constant 0 : i32
        %dma_start3A_157 = tpu.memref_slice %arg2[%dma_start3A_155, %dma_start3A_156] : memref<10000x128xf32, #tpu.memory_space<hbm>> -> memref<10000x128xf32, #tpu.memory_space<hbm>>
        tpu.enqueue_indirect_dma source(%dma_start3A_157 : memref<10000x128xf32, #tpu.memory_space<hbm>>) target(%arg8 : memref<128x128xf32, #tpu.memory_space<vmem>>) offsets(%dma_start3A_154 : memref<128xi32, #tpu.memory_space<vmem>>) semaphore(%arg11 : memref<!tpu.dma_semaphore, #tpu.memory_space<semaphore_mem>>)
        %mul3A_158 = arith.constant 2 : i32
        %mul3A_159 = arith.muli %scan3A_106, %mul3A_158 : i32
        %add3A_160 = arith.constant 1 : i32
        %add3A_161 = arith.addi %mul3A_159, %add3A_160 : i32
        %dma_wait3A_162 = arith.constant 0 : i32
        %dma_wait3A_163 = tpu.memref_slice %arg7[%add3A_161, %dma_wait3A_162] : memref<16x128xi32, #tpu.memory_space<vmem>> -> memref<1x128xi32, #tpu.memory_space<vmem>>
        %dma_wait3A_164 = tpu.memref_squeeze %dma_wait3A_163 : memref<1x128xi32, #tpu.memory_space<vmem>> -> memref<128xi32, #tpu.memory_space<vmem>>
        %dma_wait3A_165 = arith.constant 0 : i32
        %dma_wait3A_166 = arith.constant 0 : i32
        %dma_wait3A_167 = tpu.memref_slice %arg10[%dma_wait3A_165, %dma_wait3A_166] : memref<10112x128xf32, #tpu.memory_space<vmem_shared>> -> memref<10112x128xf32, #tpu.memory_space<vmem_shared>>
        tpu.wait_indirect_dma semaphore(%arg14 : memref<!tpu.dma_semaphore, #tpu.memory_space<semaphore_mem>>) src(%arg9 : memref<128x128xf32, #tpu.memory_space<vmem>>) dst(%dma_wait3A_167 : memref<10112x128xf32, #tpu.memory_space<vmem_shared>>)
        %add3A_168 = arith.constant 2 : i32
        %add3A_169 = arith.addi %add3A_161, %add3A_168 : i32
        %dma_start3A_170 = arith.constant 0 : i32
        %dma_start3A_171 = tpu.memref_slice %arg6[%add3A_169, %dma_start3A_170] : memref<16x128xi32, #tpu.memory_space<vmem>> -> memref<1x128xi32, #tpu.memory_space<vmem>>
        %dma_start3A_172 = tpu.memref_squeeze %dma_start3A_171 : memref<1x128xi32, #tpu.memory_space<vmem>> -> memref<128xi32, #tpu.memory_space<vmem>>
        %dma_start3A_173 = arith.constant 0 : i32
        %dma_start3A_174 = arith.constant 0 : i32
        %dma_start3A_175 = tpu.memref_slice %arg2[%dma_start3A_173, %dma_start3A_174] : memref<10000x128xf32, #tpu.memory_space<hbm>> -> memref<10000x128xf32, #tpu.memory_space<hbm>>
        tpu.enqueue_indirect_dma source(%dma_start3A_175 : memref<10000x128xf32, #tpu.memory_space<hbm>>) target(%arg9 : memref<128x128xf32, #tpu.memory_space<vmem>>) offsets(%dma_start3A_172 : memref<128xi32, #tpu.memory_space<vmem>>) semaphore(%arg12 : memref<!tpu.dma_semaphore, #tpu.memory_space<semaphore_mem>>)
        %scan3A_176 = arith.constant 0 : i32
        scf.yield %scan3A_176 : i32
      }
      %scan3A_63 = arith.constant 7 : i32
      %dma_wait3A = arith.constant 14 : i32
      %dma_wait3A_64 = arith.constant 0 : i32
      %dma_wait3A_65 = tpu.memref_slice %arg6[%dma_wait3A, %dma_wait3A_64] : memref<16x128xi32, #tpu.memory_space<vmem>> -> memref<1x128xi32, #tpu.memory_space<vmem>>
      %dma_wait3A_66 = tpu.memref_squeeze %dma_wait3A_65 : memref<1x128xi32, #tpu.memory_space<vmem>> -> memref<128xi32, #tpu.memory_space<vmem>>
      %dma_wait3A_67 = arith.constant 0 : i32
      %dma_wait3A_68 = arith.constant 0 : i32
      %dma_wait3A_69 = tpu.memref_slice %arg2[%dma_wait3A_67, %dma_wait3A_68] : memref<10000x128xf32, #tpu.memory_space<hbm>> -> memref<10000x128xf32, #tpu.memory_space<hbm>>
      tpu.wait_indirect_dma semaphore(%arg11 : memref<!tpu.dma_semaphore, #tpu.memory_space<semaphore_mem>>) src(%dma_wait3A_69 : memref<10000x128xf32, #tpu.memory_space<hbm>>) dst(%arg8 : memref<128x128xf32, #tpu.memory_space<vmem>>)
      %dma_start3A_70 = arith.constant 14 : i32
      %dma_start3A_71 = arith.constant 0 : i32
      %dma_start3A_72 = tpu.memref_slice %arg7[%dma_start3A_70, %dma_start3A_71] : memref<16x128xi32, #tpu.memory_space<vmem>> -> memref<1x128xi32, #tpu.memory_space<vmem>>
      %dma_start3A_73 = tpu.memref_squeeze %dma_start3A_72 : memref<1x128xi32, #tpu.memory_space<vmem>> -> memref<128xi32, #tpu.memory_space<vmem>>
      %dma_start3A_74 = arith.constant 0 : i32
      %dma_start3A_75 = arith.constant 0 : i32
      %dma_start3A_76 = tpu.memref_slice %arg10[%dma_start3A_74, %dma_start3A_75] : memref<10112x128xf32, #tpu.memory_space<vmem_shared>> -> memref<10112x128xf32, #tpu.memory_space<vmem_shared>>
      tpu.enqueue_indirect_dma source(%arg8 : memref<128x128xf32, #tpu.memory_space<vmem>>) target(%dma_start3A_76 : memref<10112x128xf32, #tpu.memory_space<vmem_shared>>) offsets(%dma_start3A_73 : memref<128xi32, #tpu.memory_space<vmem>>) semaphore(%arg13 : memref<!tpu.dma_semaphore, #tpu.memory_space<semaphore_mem>>) {add = true}
      %dma_wait3A_77 = arith.constant 15 : i32
      %dma_wait3A_78 = arith.constant 0 : i32
      %dma_wait3A_79 = tpu.memref_slice %arg6[%dma_wait3A_77, %dma_wait3A_78] : memref<16x128xi32, #tpu.memory_space<vmem>> -> memref<1x128xi32, #tpu.memory_space<vmem>>
      %dma_wait3A_80 = tpu.memref_squeeze %dma_wait3A_79 : memref<1x128xi32, #tpu.memory_space<vmem>> -> memref<128xi32, #tpu.memory_space<vmem>>
      %dma_wait3A_81 = arith.constant 0 : i32
      %dma_wait3A_82 = arith.constant 0 : i32
      %dma_wait3A_83 = tpu.memref_slice %arg2[%dma_wait3A_81, %dma_wait3A_82] : memref<10000x128xf32, #tpu.memory_space<hbm>> -> memref<10000x128xf32, #tpu.memory_space<hbm>>
      tpu.wait_indirect_dma semaphore(%arg12 : memref<!tpu.dma_semaphore, #tpu.memory_space<semaphore_mem>>) src(%dma_wait3A_83 : memref<10000x128xf32, #tpu.memory_space<hbm>>) dst(%arg9 : memref<128x128xf32, #tpu.memory_space<vmem>>)
      %dma_start3A_84 = arith.constant 15 : i32
      %dma_start3A_85 = arith.constant 0 : i32
      %dma_start3A_86 = tpu.memref_slice %arg7[%dma_start3A_84, %dma_start3A_85] : memref<16x128xi32, #tpu.memory_space<vmem>> -> memref<1x128xi32, #tpu.memory_space<vmem>>
      %dma_start3A_87 = tpu.memref_squeeze %dma_start3A_86 : memref<1x128xi32, #tpu.memory_space<vmem>> -> memref<128xi32, #tpu.memory_space<vmem>>
      %dma_start3A_88 = arith.constant 0 : i32
      %dma_start3A_89 = arith.constant 0 : i32
      %dma_start3A_90 = tpu.memref_slice %arg10[%dma_start3A_88, %dma_start3A_89] : memref<10112x128xf32, #tpu.memory_space<vmem_shared>> -> memref<10112x128xf32, #tpu.memory_space<vmem_shared>>
      tpu.enqueue_indirect_dma source(%arg9 : memref<128x128xf32, #tpu.memory_space<vmem>>) target(%dma_start3A_90 : memref<10112x128xf32, #tpu.memory_space<vmem_shared>>) offsets(%dma_start3A_87 : memref<128xi32, #tpu.memory_space<vmem>>) semaphore(%arg14 : memref<!tpu.dma_semaphore, #tpu.memory_space<semaphore_mem>>) {add = true}
      %dma_wait3A_91 = arith.constant 14 : i32
      %dma_wait3A_92 = arith.constant 0 : i32
      %dma_wait3A_93 = tpu.memref_slice %arg7[%dma_wait3A_91, %dma_wait3A_92] : memref<16x128xi32, #tpu.memory_space<vmem>> -> memref<1x128xi32, #tpu.memory_space<vmem>>
      %dma_wait3A_94 = tpu.memref_squeeze %dma_wait3A_93 : memref<1x128xi32, #tpu.memory_space<vmem>> -> memref<128xi32, #tpu.memory_space<vmem>>
      %dma_wait3A_95 = arith.constant 0 : i32
      %dma_wait3A_96 = arith.constant 0 : i32
      %dma_wait3A_97 = tpu.memref_slice %arg10[%dma_wait3A_95, %dma_wait3A_96] : memref<10112x128xf32, #tpu.memory_space<vmem_shared>> -> memref<10112x128xf32, #tpu.memory_space<vmem_shared>>
      tpu.wait_indirect_dma semaphore(%arg13 : memref<!tpu.dma_semaphore, #tpu.memory_space<semaphore_mem>>) src(%arg8 : memref<128x128xf32, #tpu.memory_space<vmem>>) dst(%dma_wait3A_97 : memref<10112x128xf32, #tpu.memory_space<vmem_shared>>)
      %dma_wait3A_98 = arith.constant 15 : i32
      %dma_wait3A_99 = arith.constant 0 : i32
      %dma_wait3A_100 = tpu.memref_slice %arg7[%dma_wait3A_98, %dma_wait3A_99] : memref<16x128xi32, #tpu.memory_space<vmem>> -> memref<1x128xi32, #tpu.memory_space<vmem>>
      %dma_wait3A_101 = tpu.memref_squeeze %dma_wait3A_100 : memref<1x128xi32, #tpu.memory_space<vmem>> -> memref<128xi32, #tpu.memory_space<vmem>>
      %dma_wait3A_102 = arith.constant 0 : i32
      %dma_wait3A_103 = arith.constant 0 : i32
      %dma_wait3A_104 = tpu.memref_slice %arg10[%dma_wait3A_102, %dma_wait3A_103] : memref<10112x128xf32, #tpu.memory_space<vmem_shared>> -> memref<10112x128xf32, #tpu.memory_space<vmem_shared>>
      tpu.wait_indirect_dma semaphore(%arg14 : memref<!tpu.dma_semaphore, #tpu.memory_space<semaphore_mem>>) src(%arg9 : memref<128x128xf32, #tpu.memory_space<vmem>>) dst(%dma_wait3A_104 : memref<10112x128xf32, #tpu.memory_space<vmem_shared>>)
      %while3A_105 = arith.constant 0 : i32
      scf.yield %while3A_105 : i32
    }
    %while3A_36 = arith.constant 1 : i32
    %while3A_37 = scf.for %while3A_39 = %while3A_33 to %while3A_29 step %while3A_36 iter_args(%while3A_40 = %while3A_35) -> (i32)  : i32 {
      %mul3A_41 = arith.constant 16 : i32
      %mul3A_42 = arith.muli %while3A_39, %mul3A_41 : i32
      %add3A_43 = arith.addi %add3A_21, %mul3A_42 : i32
      "tpu.region"() ({
        %run_scoped3A = tpu.sem_alloc : memref<!tpu.dma_semaphore, #tpu.memory_space<semaphore_mem>>
        %dma_start3A_106 = arith.constant 0 : i32
        %dma_start3A_107 = tpu.memref_slice %arg3[%add3A_43, %dma_start3A_106] : memref<2560x128xi32, #tpu.memory_space<hbm>> -> memref<16x128xi32, #tpu.memory_space<hbm>>
        %dma_start3A_108 = arith.constant 0 : i32
        %dma_start3A_109 = tpu.memref_slice %arg3[%add3A_43, %dma_start3A_108] : memref<2560x128xi32, #tpu.memory_space<hbm>> -> memref<16x128xi32, #tpu.memory_space<hbm>>
        tpu.enqueue_dma source(%dma_start3A_109 : memref<16x128xi32, #tpu.memory_space<hbm>>) target(%arg6 : memref<16x128xi32, #tpu.memory_space<vmem>>) target_semaphore(%run_scoped3A : memref<!tpu.dma_semaphore, #tpu.memory_space<semaphore_mem>>)
        %dma_wait3A_110 = arith.constant 0 : i32
        %dma_wait3A_111 = tpu.memref_slice %arg3[%add3A_43, %dma_wait3A_110] : memref<2560x128xi32, #tpu.memory_space<hbm>> -> memref<16x128xi32, #tpu.memory_space<hbm>>
        %dma_wait3A_112 = arith.constant 0 : i32
        %dma_wait3A_113 = tpu.memref_slice %arg3[%add3A_43, %dma_wait3A_112] : memref<2560x128xi32, #tpu.memory_space<hbm>> -> memref<16x128xi32, #tpu.memory_space<hbm>>
        tpu.wait_dma2 semaphore(%run_scoped3A : memref<!tpu.dma_semaphore, #tpu.memory_space<semaphore_mem>>) src(%dma_wait3A_113 : memref<16x128xi32, #tpu.memory_space<hbm>>) dst(%arg6 : memref<16x128xi32, #tpu.memory_space<vmem>>)
        tpu.yield
      }) : () -> ()
      "tpu.region"() ({
        %run_scoped3A = tpu.sem_alloc : memref<!tpu.dma_semaphore, #tpu.memory_space<semaphore_mem>>
        %dma_start3A_106 = arith.constant 0 : i32
        %dma_start3A_107 = tpu.memref_slice %arg4[%add3A_43, %dma_start3A_106] : memref<2560x128xi32, #tpu.memory_space<hbm>> -> memref<16x128xi32, #tpu.memory_space<hbm>>
        %dma_start3A_108 = arith.constant 0 : i32
        %dma_start3A_109 = tpu.memref_slice %arg4[%add3A_43, %dma_start3A_108] : memref<2560x128xi32, #tpu.memory_space<hbm>> -> memref<16x128xi32, #tpu.memory_space<hbm>>
        tpu.enqueue_dma source(%dma_start3A_109 : memref<16x128xi32, #tpu.memory_space<hbm>>) target(%arg7 : memref<16x128xi32, #tpu.memory_space<vmem>>) target_semaphore(%run_scoped3A : memref<!tpu.dma_semaphore, #tpu.memory_space<semaphore_mem>>)
        %dma_wait3A_110 = arith.constant 0 : i32
        %dma_wait3A_111 = tpu.memref_slice %arg4[%add3A_43, %dma_wait3A_110] : memref<2560x128xi32, #tpu.memory_space<hbm>> -> memref<16x128xi32, #tpu.memory_space<hbm>>
        %dma_wait3A_112 = arith.constant 0 : i32
        %dma_wait3A_113 = tpu.memref_slice %arg4[%add3A_43, %dma_wait3A_112] : memref<2560x128xi32, #tpu.memory_space<hbm>> -> memref<16x128xi32, #tpu.memory_space<hbm>>
        tpu.wait_dma2 semaphore(%run_scoped3A : memref<!tpu.dma_semaphore, #tpu.memory_space<semaphore_mem>>) src(%dma_wait3A_113 : memref<16x128xi32, #tpu.memory_space<hbm>>) dst(%arg7 : memref<16x128xi32, #tpu.memory_space<vmem>>)
        tpu.yield
      }) : () -> ()
      %dma_start3A = arith.constant 0 : i32
      %dma_start3A_44 = arith.constant 0 : i32
      %dma_start3A_45 = tpu.memref_slice %arg6[%dma_start3A, %dma_start3A_44] : memref<16x128xi32, #tpu.memory_space<vmem>> -> memref<1x128xi32, #tpu.memory_space<vmem>>
      %dma_start3A_46 = tpu.memref_squeeze %dma_start3A_45 : memref<1x128xi32, #tpu.memory_space<vmem>> -> memref<128xi32, #tpu.memory_space<vmem>>
      %dma_start3A_47 = arith.constant 0 : i32
      %dma_start3A_48 = arith.constant 0 : i32
      %dma_start3A_49 = tpu.memref_slice %arg2[%dma_start3A_47, %dma_start3A_48] : memref<10000x128xf32, #tpu.memory_space<hbm>> -> memref<10000x128xf32, #tpu.memory_space<hbm>>
      tpu.enqueue_indirect_dma source(%dma_start3A_49 : memref<10000x128xf32, #tpu.memory_space<hbm>>) target(%arg8 : memref<128x128xf32, #tpu.memory_space<vmem>>) offsets(%dma_start3A_46 : memref<128xi32, #tpu.memory_space<vmem>>) semaphore(%arg11 : memref<!tpu.dma_semaphore, #tpu.memory_space<semaphore_mem>>)
      %dma_start3A_50 = arith.constant 1 : i32
      %dma_start3A_51 = arith.constant 0 : i32
      %dma_start3A_52 = tpu.memref_slice %arg6[%dma_start3A_50, %dma_start3A_51] : memref<16x128xi32, #tpu.memory_space<vmem>> -> memref<1x128xi32, #tpu.memory_space<vmem>>
      %dma_start3A_53 = tpu.memref_squeeze %dma_start3A_52 : memref<1x128xi32, #tpu.memory_space<vmem>> -> memref<128xi32, #tpu.memory_space<vmem>>
      %dma_start3A_54 = arith.constant 0 : i32
      %dma_start3A_55 = arith.constant 0 : i32
      %dma_start3A_56 = tpu.memref_slice %arg2[%dma_start3A_54, %dma_start3A_55] : memref<10000x128xf32, #tpu.memory_space<hbm>> -> memref<10000x128xf32, #tpu.memory_space<hbm>>
      tpu.enqueue_indirect_dma source(%dma_start3A_56 : memref<10000x128xf32, #tpu.memory_space<hbm>>) target(%arg9 : memref<128x128xf32, #tpu.memory_space<vmem>>) offsets(%dma_start3A_53 : memref<128xi32, #tpu.memory_space<vmem>>) semaphore(%arg12 : memref<!tpu.dma_semaphore, #tpu.memory_space<semaphore_mem>>)
      %scan3A_57 = arith.constant 0 : i32
      %scan3A_58 = arith.constant 0 : i32
      %scan3A_59 = arith.constant 7 : i32
      %scan3A_60 = arith.addi %scan3A_58, %scan3A_59 : i32
      %scan3A_61 = arith.constant 1 : i32
      %scan3A_62 = scf.for %scan3A_106 = %scan3A_58 to %scan3A_60 step %scan3A_61 iter_args(%scan3A_107 = %scan3A_57) -> (i32)  : i32 {
        %mul3A_108 = arith.constant 2 : i32
        %mul3A_109 = arith.muli %scan3A_106, %mul3A_108 : i32
        %add3A_110 = arith.constant 0 : i32
        %add3A_111 = arith.addi %mul3A_109, %add3A_110 : i32
        %dma_wait3A_112 = arith.constant 0 : i32
        %dma_wait3A_113 = tpu.memref_slice %arg6[%add3A_111, %dma_wait3A_112] : memref<16x128xi32, #tpu.memory_space<vmem>> -> memref<1x128xi32, #tpu.memory_space<vmem>>
        %dma_wait3A_114 = tpu.memref_squeeze %dma_wait3A_113 : memref<1x128xi32, #tpu.memory_space<vmem>> -> memref<128xi32, #tpu.memory_space<vmem>>
        %dma_wait3A_115 = arith.constant 0 : i32
        %dma_wait3A_116 = arith.constant 0 : i32
        %dma_wait3A_117 = tpu.memref_slice %arg2[%dma_wait3A_115, %dma_wait3A_116] : memref<10000x128xf32, #tpu.memory_space<hbm>> -> memref<10000x128xf32, #tpu.memory_space<hbm>>
        tpu.wait_indirect_dma semaphore(%arg11 : memref<!tpu.dma_semaphore, #tpu.memory_space<semaphore_mem>>) src(%dma_wait3A_117 : memref<10000x128xf32, #tpu.memory_space<hbm>>) dst(%arg8 : memref<128x128xf32, #tpu.memory_space<vmem>>)
        %dma_start3A_118 = arith.constant 0 : i32
        %dma_start3A_119 = tpu.memref_slice %arg7[%add3A_111, %dma_start3A_118] : memref<16x128xi32, #tpu.memory_space<vmem>> -> memref<1x128xi32, #tpu.memory_space<vmem>>
        %dma_start3A_120 = tpu.memref_squeeze %dma_start3A_119 : memref<1x128xi32, #tpu.memory_space<vmem>> -> memref<128xi32, #tpu.memory_space<vmem>>
        %dma_start3A_121 = arith.constant 0 : i32
        %dma_start3A_122 = arith.constant 0 : i32
        %dma_start3A_123 = tpu.memref_slice %arg10[%dma_start3A_121, %dma_start3A_122] : memref<10112x128xf32, #tpu.memory_space<vmem_shared>> -> memref<10112x128xf32, #tpu.memory_space<vmem_shared>>
        tpu.enqueue_indirect_dma source(%arg8 : memref<128x128xf32, #tpu.memory_space<vmem>>) target(%dma_start3A_123 : memref<10112x128xf32, #tpu.memory_space<vmem_shared>>) offsets(%dma_start3A_120 : memref<128xi32, #tpu.memory_space<vmem>>) semaphore(%arg13 : memref<!tpu.dma_semaphore, #tpu.memory_space<semaphore_mem>>) {add = true}
        %mul3A_124 = arith.constant 2 : i32
        %mul3A_125 = arith.muli %scan3A_106, %mul3A_124 : i32
        %add3A_126 = arith.constant 1 : i32
        %add3A_127 = arith.addi %mul3A_125, %add3A_126 : i32
        %dma_wait3A_128 = arith.constant 0 : i32
        %dma_wait3A_129 = tpu.memref_slice %arg6[%add3A_127, %dma_wait3A_128] : memref<16x128xi32, #tpu.memory_space<vmem>> -> memref<1x128xi32, #tpu.memory_space<vmem>>
        %dma_wait3A_130 = tpu.memref_squeeze %dma_wait3A_129 : memref<1x128xi32, #tpu.memory_space<vmem>> -> memref<128xi32, #tpu.memory_space<vmem>>
        %dma_wait3A_131 = arith.constant 0 : i32
        %dma_wait3A_132 = arith.constant 0 : i32
        %dma_wait3A_133 = tpu.memref_slice %arg2[%dma_wait3A_131, %dma_wait3A_132] : memref<10000x128xf32, #tpu.memory_space<hbm>> -> memref<10000x128xf32, #tpu.memory_space<hbm>>
        tpu.wait_indirect_dma semaphore(%arg12 : memref<!tpu.dma_semaphore, #tpu.memory_space<semaphore_mem>>) src(%dma_wait3A_133 : memref<10000x128xf32, #tpu.memory_space<hbm>>) dst(%arg9 : memref<128x128xf32, #tpu.memory_space<vmem>>)
        %dma_start3A_134 = arith.constant 0 : i32
        %dma_start3A_135 = tpu.memref_slice %arg7[%add3A_127, %dma_start3A_134] : memref<16x128xi32, #tpu.memory_space<vmem>> -> memref<1x128xi32, #tpu.memory_space<vmem>>
        %dma_start3A_136 = tpu.memref_squeeze %dma_start3A_135 : memref<1x128xi32, #tpu.memory_space<vmem>> -> memref<128xi32, #tpu.memory_space<vmem>>
        %dma_start3A_137 = arith.constant 0 : i32
        %dma_start3A_138 = arith.constant 0 : i32
        %dma_start3A_139 = tpu.memref_slice %arg10[%dma_start3A_137, %dma_start3A_138] : memref<10112x128xf32, #tpu.memory_space<vmem_shared>> -> memref<10112x128xf32, #tpu.memory_space<vmem_shared>>
        tpu.enqueue_indirect_dma source(%arg9 : memref<128x128xf32, #tpu.memory_space<vmem>>) target(%dma_start3A_139 : memref<10112x128xf32, #tpu.memory_space<vmem_shared>>) offsets(%dma_start3A_136 : memref<128xi32, #tpu.memory_space<vmem>>) semaphore(%arg14 : memref<!tpu.dma_semaphore, #tpu.memory_space<semaphore_mem>>) {add = true}
        %mul3A_140 = arith.constant 2 : i32
        %mul3A_141 = arith.muli %scan3A_106, %mul3A_140 : i32
        %add3A_142 = arith.constant 0 : i32
        %add3A_143 = arith.addi %mul3A_141, %add3A_142 : i32
        %dma_wait3A_144 = arith.constant 0 : i32
        %dma_wait3A_145 = tpu.memref_slice %arg7[%add3A_143, %dma_wait3A_144] : memref<16x128xi32, #tpu.memory_space<vmem>> -> memref<1x128xi32, #tpu.memory_space<vmem>>
        %dma_wait3A_146 = tpu.memref_squeeze %dma_wait3A_145 : memref<1x128xi32, #tpu.memory_space<vmem>> -> memref<128xi32, #tpu.memory_space<vmem>>
        %dma_wait3A_147 = arith.constant 0 : i32
        %dma_wait3A_148 = arith.constant 0 : i32
        %dma_wait3A_149 = tpu.memref_slice %arg10[%dma_wait3A_147, %dma_wait3A_148] : memref<10112x128xf32, #tpu.memory_space<vmem_shared>> -> memref<10112x128xf32, #tpu.memory_space<vmem_shared>>
        tpu.wait_indirect_dma semaphore(%arg13 : memref<!tpu.dma_semaphore, #tpu.memory_space<semaphore_mem>>) src(%arg8 : memref<128x128xf32, #tpu.memory_space<vmem>>) dst(%dma_wait3A_149 : memref<10112x128xf32, #tpu.memory_space<vmem_shared>>)
        %add3A_150 = arith.constant 2 : i32
        %add3A_151 = arith.addi %add3A_143, %add3A_150 : i32
        %dma_start3A_152 = arith.constant 0 : i32
        %dma_start3A_153 = tpu.memref_slice %arg6[%add3A_151, %dma_start3A_152] : memref<16x128xi32, #tpu.memory_space<vmem>> -> memref<1x128xi32, #tpu.memory_space<vmem>>
        %dma_start3A_154 = tpu.memref_squeeze %dma_start3A_153 : memref<1x128xi32, #tpu.memory_space<vmem>> -> memref<128xi32, #tpu.memory_space<vmem>>
        %dma_start3A_155 = arith.constant 0 : i32
        %dma_start3A_156 = arith.constant 0 : i32
        %dma_start3A_157 = tpu.memref_slice %arg2[%dma_start3A_155, %dma_start3A_156] : memref<10000x128xf32, #tpu.memory_space<hbm>> -> memref<10000x128xf32, #tpu.memory_space<hbm>>
        tpu.enqueue_indirect_dma source(%dma_start3A_157 : memref<10000x128xf32, #tpu.memory_space<hbm>>) target(%arg8 : memref<128x128xf32, #tpu.memory_space<vmem>>) offsets(%dma_start3A_154 : memref<128xi32, #tpu.memory_space<vmem>>) semaphore(%arg11 : memref<!tpu.dma_semaphore, #tpu.memory_space<semaphore_mem>>)
        %mul3A_158 = arith.constant 2 : i32
        %mul3A_159 = arith.muli %scan3A_106, %mul3A_158 : i32
        %add3A_160 = arith.constant 1 : i32
        %add3A_161 = arith.addi %mul3A_159, %add3A_160 : i32
        %dma_wait3A_162 = arith.constant 0 : i32
        %dma_wait3A_163 = tpu.memref_slice %arg7[%add3A_161, %dma_wait3A_162] : memref<16x128xi32, #tpu.memory_space<vmem>> -> memref<1x128xi32, #tpu.memory_space<vmem>>
        %dma_wait3A_164 = tpu.memref_squeeze %dma_wait3A_163 : memref<1x128xi32, #tpu.memory_space<vmem>> -> memref<128xi32, #tpu.memory_space<vmem>>
        %dma_wait3A_165 = arith.constant 0 : i32
        %dma_wait3A_166 = arith.constant 0 : i32
        %dma_wait3A_167 = tpu.memref_slice %arg10[%dma_wait3A_165, %dma_wait3A_166] : memref<10112x128xf32, #tpu.memory_space<vmem_shared>> -> memref<10112x128xf32, #tpu.memory_space<vmem_shared>>
        tpu.wait_indirect_dma semaphore(%arg14 : memref<!tpu.dma_semaphore, #tpu.memory_space<semaphore_mem>>) src(%arg9 : memref<128x128xf32, #tpu.memory_space<vmem>>) dst(%dma_wait3A_167 : memref<10112x128xf32, #tpu.memory_space<vmem_shared>>)
        %add3A_168 = arith.constant 2 : i32
        %add3A_169 = arith.addi %add3A_161, %add3A_168 : i32
        %dma_start3A_170 = arith.constant 0 : i32
        %dma_start3A_171 = tpu.memref_slice %arg6[%add3A_169, %dma_start3A_170] : memref<16x128xi32, #tpu.memory_space<vmem>> -> memref<1x128xi32, #tpu.memory_space<vmem>>
        %dma_start3A_172 = tpu.memref_squeeze %dma_start3A_171 : memref<1x128xi32, #tpu.memory_space<vmem>> -> memref<128xi32, #tpu.memory_space<vmem>>
        %dma_start3A_173 = arith.constant 0 : i32
        %dma_start3A_174 = arith.constant 0 : i32
        %dma_start3A_175 = tpu.memref_slice %arg2[%dma_start3A_173, %dma_start3A_174] : memref<10000x128xf32, #tpu.memory_space<hbm>> -> memref<10000x128xf32, #tpu.memory_space<hbm>>
        tpu.enqueue_indirect_dma source(%dma_start3A_175 : memref<10000x128xf32, #tpu.memory_space<hbm>>) target(%arg9 : memref<128x128xf32, #tpu.memory_space<vmem>>) offsets(%dma_start3A_172 : memref<128xi32, #tpu.memory_space<vmem>>) semaphore(%arg12 : memref<!tpu.dma_semaphore, #tpu.memory_space<semaphore_mem>>)
        %scan3A_176 = arith.constant 0 : i32
        scf.yield %scan3A_176 : i32
      }
      %scan3A_63 = arith.constant 7 : i32
      %dma_wait3A = arith.constant 14 : i32
      %dma_wait3A_64 = arith.constant 0 : i32
      %dma_wait3A_65 = tpu.memref_slice %arg6[%dma_wait3A, %dma_wait3A_64] : memref<16x128xi32, #tpu.memory_space<vmem>> -> memref<1x128xi32, #tpu.memory_space<vmem>>
      %dma_wait3A_66 = tpu.memref_squeeze %dma_wait3A_65 : memref<1x128xi32, #tpu.memory_space<vmem>> -> memref<128xi32, #tpu.memory_space<vmem>>
      %dma_wait3A_67 = arith.constant 0 : i32
      %dma_wait3A_68 = arith.constant 0 : i32
      %dma_wait3A_69 = tpu.memref_slice %arg2[%dma_wait3A_67, %dma_wait3A_68] : memref<10000x128xf32, #tpu.memory_space<hbm>> -> memref<10000x128xf32, #tpu.memory_space<hbm>>
      tpu.wait_indirect_dma semaphore(%arg11 : memref<!tpu.dma_semaphore, #tpu.memory_space<semaphore_mem>>) src(%dma_wait3A_69 : memref<10000x128xf32, #tpu.memory_space<hbm>>) dst(%arg8 : memref<128x128xf32, #tpu.memory_space<vmem>>)
      %dma_start3A_70 = arith.constant 14 : i32
      %dma_start3A_71 = arith.constant 0 : i32
      %dma_start3A_72 = tpu.memref_slice %arg7[%dma_start3A_70, %dma_start3A_71] : memref<16x128xi32, #tpu.memory_space<vmem>> -> memref<1x128xi32, #tpu.memory_space<vmem>>
      %dma_start3A_73 = tpu.memref_squeeze %dma_start3A_72 : memref<1x128xi32, #tpu.memory_space<vmem>> -> memref<128xi32, #tpu.memory_space<vmem>>
      %dma_start3A_74 = arith.constant 0 : i32
      %dma_start3A_75 = arith.constant 0 : i32
      %dma_start3A_76 = tpu.memref_slice %arg10[%dma_start3A_74, %dma_start3A_75] : memref<10112x128xf32, #tpu.memory_space<vmem_shared>> -> memref<10112x128xf32, #tpu.memory_space<vmem_shared>>
      tpu.enqueue_indirect_dma source(%arg8 : memref<128x128xf32, #tpu.memory_space<vmem>>) target(%dma_start3A_76 : memref<10112x128xf32, #tpu.memory_space<vmem_shared>>) offsets(%dma_start3A_73 : memref<128xi32, #tpu.memory_space<vmem>>) semaphore(%arg13 : memref<!tpu.dma_semaphore, #tpu.memory_space<semaphore_mem>>) {add = true}
      %dma_wait3A_77 = arith.constant 15 : i32
      %dma_wait3A_78 = arith.constant 0 : i32
      %dma_wait3A_79 = tpu.memref_slice %arg6[%dma_wait3A_77, %dma_wait3A_78] : memref<16x128xi32, #tpu.memory_space<vmem>> -> memref<1x128xi32, #tpu.memory_space<vmem>>
      %dma_wait3A_80 = tpu.memref_squeeze %dma_wait3A_79 : memref<1x128xi32, #tpu.memory_space<vmem>> -> memref<128xi32, #tpu.memory_space<vmem>>
      %dma_wait3A_81 = arith.constant 0 : i32
      %dma_wait3A_82 = arith.constant 0 : i32
      %dma_wait3A_83 = tpu.memref_slice %arg2[%dma_wait3A_81, %dma_wait3A_82] : memref<10000x128xf32, #tpu.memory_space<hbm>> -> memref<10000x128xf32, #tpu.memory_space<hbm>>
      tpu.wait_indirect_dma semaphore(%arg12 : memref<!tpu.dma_semaphore, #tpu.memory_space<semaphore_mem>>) src(%dma_wait3A_83 : memref<10000x128xf32, #tpu.memory_space<hbm>>) dst(%arg9 : memref<128x128xf32, #tpu.memory_space<vmem>>)
      %dma_start3A_84 = arith.constant 15 : i32
      %dma_start3A_85 = arith.constant 0 : i32
      %dma_start3A_86 = tpu.memref_slice %arg7[%dma_start3A_84, %dma_start3A_85] : memref<16x128xi32, #tpu.memory_space<vmem>> -> memref<1x128xi32, #tpu.memory_space<vmem>>
      %dma_start3A_87 = tpu.memref_squeeze %dma_start3A_86 : memref<1x128xi32, #tpu.memory_space<vmem>> -> memref<128xi32, #tpu.memory_space<vmem>>
      %dma_start3A_88 = arith.constant 0 : i32
      %dma_start3A_89 = arith.constant 0 : i32
      %dma_start3A_90 = tpu.memref_slice %arg10[%dma_start3A_88, %dma_start3A_89] : memref<10112x128xf32, #tpu.memory_space<vmem_shared>> -> memref<10112x128xf32, #tpu.memory_space<vmem_shared>>
      tpu.enqueue_indirect_dma source(%arg9 : memref<128x128xf32, #tpu.memory_space<vmem>>) target(%dma_start3A_90 : memref<10112x128xf32, #tpu.memory_space<vmem_shared>>) offsets(%dma_start3A_87 : memref<128xi32, #tpu.memory_space<vmem>>) semaphore(%arg14 : memref<!tpu.dma_semaphore, #tpu.memory_space<semaphore_mem>>) {add = true}
      %dma_wait3A_91 = arith.constant 14 : i32
      %dma_wait3A_92 = arith.constant 0 : i32
      %dma_wait3A_93 = tpu.memref_slice %arg7[%dma_wait3A_91, %dma_wait3A_92] : memref<16x128xi32, #tpu.memory_space<vmem>> -> memref<1x128xi32, #tpu.memory_space<vmem>>
      %dma_wait3A_94 = tpu.memref_squeeze %dma_wait3A_93 : memref<1x128xi32, #tpu.memory_space<vmem>> -> memref<128xi32, #tpu.memory_space<vmem>>
      %dma_wait3A_95 = arith.constant 0 : i32
      %dma_wait3A_96 = arith.constant 0 : i32
      %dma_wait3A_97 = tpu.memref_slice %arg10[%dma_wait3A_95, %dma_wait3A_96] : memref<10112x128xf32, #tpu.memory_space<vmem_shared>> -> memref<10112x128xf32, #tpu.memory_space<vmem_shared>>
      tpu.wait_indirect_dma semaphore(%arg13 : memref<!tpu.dma_semaphore, #tpu.memory_space<semaphore_mem>>) src(%arg8 : memref<128x128xf32, #tpu.memory_space<vmem>>) dst(%dma_wait3A_97 : memref<10112x128xf32, #tpu.memory_space<vmem_shared>>)
      %dma_wait3A_98 = arith.constant 15 : i32
      %dma_wait3A_99 = arith.constant 0 : i32
      %dma_wait3A_100 = tpu.memref_slice %arg7[%dma_wait3A_98, %dma_wait3A_99] : memref<16x128xi32, #tpu.memory_space<vmem>> -> memref<1x128xi32, #tpu.memory_space<vmem>>
      %dma_wait3A_101 = tpu.memref_squeeze %dma_wait3A_100 : memref<1x128xi32, #tpu.memory_space<vmem>> -> memref<128xi32, #tpu.memory_space<vmem>>
      %dma_wait3A_102 = arith.constant 0 : i32
      %dma_wait3A_103 = arith.constant 0 : i32
      %dma_wait3A_104 = tpu.memref_slice %arg10[%dma_wait3A_102, %dma_wait3A_103] : memref<10112x128xf32, #tpu.memory_space<vmem_shared>> -> memref<10112x128xf32, #tpu.memory_space<vmem_shared>>
      tpu.wait_indirect_dma semaphore(%arg14 : memref<!tpu.dma_semaphore, #tpu.memory_space<semaphore_mem>>) src(%arg9 : memref<128x128xf32, #tpu.memory_space<vmem>>) dst(%dma_wait3A_104 : memref<10112x128xf32, #tpu.memory_space<vmem_shared>>)
      %while3A_105 = arith.constant 0 : i32
      scf.yield %while3A_105 : i32
    }
    %barrier3A_38 = arith.constant 0 : index
    tpu.barrier barrier_id(%barrier3A_38)
    "tpu.region"() ({
      %run_scoped3A = tpu.sem_alloc : memref<!tpu.dma_semaphore, #tpu.memory_space<semaphore_mem>>
      %dma_start3A = arith.constant 0 : i32
      %dma_start3A_39 = tpu.memref_slice %arg5[%arg0, %mul3A_0, %dma_start3A] : memref<2x10112x128xf32, #tpu.memory_space<hbm>> -> memref<1x632x128xf32, #tpu.memory_space<hbm>>
      %dma_start3A_40 = tpu.memref_squeeze %dma_start3A_39 : memref<1x632x128xf32, #tpu.memory_space<hbm>> -> memref<632x128xf32, #tpu.memory_space<hbm>>
      %dma_start3A_41 = arith.constant 0 : i32
      %dma_start3A_42 = tpu.memref_slice %arg10[%mul3A_0, %dma_start3A_41] : memref<10112x128xf32, #tpu.memory_space<vmem_shared>> -> memref<632x128xf32, #tpu.memory_space<vmem_shared>>
      tpu.enqueue_dma source(%dma_start3A_42 : memref<632x128xf32, #tpu.memory_space<vmem_shared>>) target(%dma_start3A_40 : memref<632x128xf32, #tpu.memory_space<hbm>>) target_semaphore(%run_scoped3A : memref<!tpu.dma_semaphore, #tpu.memory_space<semaphore_mem>>)
      %dma_wait3A = arith.constant 0 : i32
      %dma_wait3A_43 = tpu.memref_slice %arg5[%arg0, %mul3A_0, %dma_wait3A] : memref<2x10112x128xf32, #tpu.memory_space<hbm>> -> memref<1x632x128xf32, #tpu.memory_space<hbm>>
      %dma_wait3A_44 = tpu.memref_squeeze %dma_wait3A_43 : memref<1x632x128xf32, #tpu.memory_space<hbm>> -> memref<632x128xf32, #tpu.memory_space<hbm>>
      %dma_wait3A_45 = arith.constant 0 : i32
      %dma_wait3A_46 = tpu.memref_slice %arg10[%mul3A_0, %dma_wait3A_45] : memref<10112x128xf32, #tpu.memory_space<vmem_shared>> -> memref<632x128xf32, #tpu.memory_space<vmem_shared>>
      tpu.wait_dma2 semaphore(%run_scoped3A : memref<!tpu.dma_semaphore, #tpu.memory_space<semaphore_mem>>) src(%dma_wait3A_46 : memref<632x128xf32, #tpu.memory_space<vmem_shared>>) dst(%dma_wait3A_44 : memref<632x128xf32, #tpu.memory_space<hbm>>)
      tpu.yield
    }) : () -> ()
    return
  }
}

#map = affine_map<(d0, d1) -> (0, 0)>
#map1 = affine_map<(d0, d1) -> (0, 0, 0)>
module attributes {stable_mosaic.version = 14 : i64} {
  func.func @_sc_agg_body(%arg0: i32, %arg1: i32, %arg2: memref<10000x128xf32, #tpu.memory_space<hbm>>, %arg3: memref<2560x128xi32, #tpu.memory_space<hbm>>, %arg4: memref<2560x128xi32, #tpu.memory_space<hbm>>, %arg5: memref<2x10112x128xf32, #tpu.memory_space<hbm>>, %arg6: memref<16x128xi32, #tpu.memory_space<vmem>>, %arg7: memref<16x128xi32, #tpu.memory_space<vmem>>, %arg8: memref<128x128xf32, #tpu.memory_space<vmem>>, %arg9: memref<128x128xf32, #tpu.memory_space<vmem>>, %arg10: memref<10112x128xf32, #tpu.memory_space<vmem_shared>>, %arg11: memref<!tpu.dma_semaphore, #tpu.memory_space<semaphore_mem>>, %arg12: memref<!tpu.dma_semaphore, #tpu.memory_space<semaphore_mem>>, %arg13: memref<!tpu.dma_semaphore, #tpu.memory_space<semaphore_mem>>, %arg14: memref<!tpu.dma_semaphore, #tpu.memory_space<semaphore_mem>>) attributes {dimension_semantics = [#tpu.dimension_semantics<core_parallel>, #tpu.dimension_semantics<subcore_parallel>], iteration_bounds = array<i64: 2, 16>, scalar_prefetch = 0 : i64, scratch_operands = 9 : i64, tpu.core_type = #tpu.core_type<sc_vector_subcore>, window_params = [{transform_indices = #map}, {transform_indices = #map}, {transform_indices = #map}, {transform_indices = #map1}]} {
    %mul3A = arith.constant 632 : i32
    %mul3A_0 = arith.muli %arg1, %mul3A : i32
    %broadcast_in_dim3A = arith.constant 0.000000e+00 : f32
    %broadcast_in_dim3A_1 = vector.broadcast %broadcast_in_dim3A : f32 to vector<16xf32>
    %scan3A = arith.constant 0 : i32
    %scan3A_2 = arith.constant 0 : i32
    %scan3A_3 = arith.constant 128 : i32
    %scan3A_4 = arith.addi %scan3A_2, %scan3A_3 : i32
    %scan3A_5 = arith.constant 1 : i32
    %scan3A_6 = scf.for %scan3A_39 = %scan3A_2 to %scan3A_4 step %scan3A_5 iter_args(%scan3A_40 = %scan3A) -> (i32)  : i32 {
      %swap3A = arith.index_cast %scan3A_39 : i32 to index
      %swap3A_41 = arith.constant 0 : index
      %swap3A_42 = tpu.vector_load %arg8[%swap3A, %swap3A_41] {strides = array<i32>} : memref<128x128xf32, #tpu.memory_space<vmem>>, vector<1x16xf32>,
      %swap3A_43 = vector.shape_cast %swap3A_42 : vector<1x16xf32> to vector<16xf32>
      %swap3A_44 = vector.shape_cast %broadcast_in_dim3A_1 : vector<16xf32> to vector<1x16xf32>
      tpu.vector_store %arg8[%swap3A, %swap3A_41], %swap3A_44 {strides = array<i32>} : memref<128x128xf32, #tpu.memory_space<vmem>>, vector<1x16xf32>,
      %swap3A_45 = arith.index_cast %scan3A_39 : i32 to index
      %swap3A_46 = arith.constant 16 : index
      %swap3A_47 = tpu.vector_load %arg8[%swap3A_45, %swap3A_46] {strides = array<i32>} : memref<128x128xf32, #tpu.memory_space<vmem>>, vector<1x16xf32>,
      %swap3A_48 = vector.shape_cast %swap3A_47 : vector<1x16xf32> to vector<16xf32>
      %swap3A_49 = vector.shape_cast %broadcast_in_dim3A_1 : vector<16xf32> to vector<1x16xf32>
      tpu.vector_store %arg8[%swap3A_45, %swap3A_46], %swap3A_49 {strides = array<i32>} : memref<128x128xf32, #tpu.memory_space<vmem>>, vector<1x16xf32>,
      %swap3A_50 = arith.index_cast %scan3A_39 : i32 to index
      %swap3A_51 = arith.constant 32 : index
      %swap3A_52 = tpu.vector_load %arg8[%swap3A_50, %swap3A_51] {strides = array<i32>} : memref<128x128xf32, #tpu.memory_space<vmem>>, vector<1x16xf32>,
      %swap3A_53 = vector.shape_cast %swap3A_52 : vector<1x16xf32> to vector<16xf32>
      %swap3A_54 = vector.shape_cast %broadcast_in_dim3A_1 : vector<16xf32> to vector<1x16xf32>
      tpu.vector_store %arg8[%swap3A_50, %swap3A_51], %swap3A_54 {strides = array<i32>} : memref<128x128xf32, #tpu.memory_space<vmem>>, vector<1x16xf32>,
      %swap3A_55 = arith.index_cast %scan3A_39 : i32 to index
      %swap3A_56 = arith.constant 48 : index
      %swap3A_57 = tpu.vector_load %arg8[%swap3A_55, %swap3A_56] {strides = array<i32>} : memref<128x128xf32, #tpu.memory_space<vmem>>, vector<1x16xf32>,
      %swap3A_58 = vector.shape_cast %swap3A_57 : vector<1x16xf32> to vector<16xf32>
      %swap3A_59 = vector.shape_cast %broadcast_in_dim3A_1 : vector<16xf32> to vector<1x16xf32>
      tpu.vector_store %arg8[%swap3A_55, %swap3A_56], %swap3A_59 {strides = array<i32>} : memref<128x128xf32, #tpu.memory_space<vmem>>, vector<1x16xf32>,
      %swap3A_60 = arith.index_cast %scan3A_39 : i32 to index
      %swap3A_61 = arith.constant 64 : index
      %swap3A_62 = tpu.vector_load %arg8[%swap3A_60, %swap3A_61] {strides = array<i32>} : memref<128x128xf32, #tpu.memory_space<vmem>>, vector<1x16xf32>,
      %swap3A_63 = vector.shape_cast %swap3A_62 : vector<1x16xf32> to vector<16xf32>
      %swap3A_64 = vector.shape_cast %broadcast_in_dim3A_1 : vector<16xf32> to vector<1x16xf32>
      tpu.vector_store %arg8[%swap3A_60, %swap3A_61], %swap3A_64 {strides = array<i32>} : memref<128x128xf32, #tpu.memory_space<vmem>>, vector<1x16xf32>,
      %swap3A_65 = arith.index_cast %scan3A_39 : i32 to index
      %swap3A_66 = arith.constant 80 : index
      %swap3A_67 = tpu.vector_load %arg8[%swap3A_65, %swap3A_66] {strides = array<i32>} : memref<128x128xf32, #tpu.memory_space<vmem>>, vector<1x16xf32>,
      %swap3A_68 = vector.shape_cast %swap3A_67 : vector<1x16xf32> to vector<16xf32>
      %swap3A_69 = vector.shape_cast %broadcast_in_dim3A_1 : vector<16xf32> to vector<1x16xf32>
      tpu.vector_store %arg8[%swap3A_65, %swap3A_66], %swap3A_69 {strides = array<i32>} : memref<128x128xf32, #tpu.memory_space<vmem>>, vector<1x16xf32>,
      %swap3A_70 = arith.index_cast %scan3A_39 : i32 to index
      %swap3A_71 = arith.constant 96 : index
      %swap3A_72 = tpu.vector_load %arg8[%swap3A_70, %swap3A_71] {strides = array<i32>} : memref<128x128xf32, #tpu.memory_space<vmem>>, vector<1x16xf32>,
      %swap3A_73 = vector.shape_cast %swap3A_72 : vector<1x16xf32> to vector<16xf32>
      %swap3A_74 = vector.shape_cast %broadcast_in_dim3A_1 : vector<16xf32> to vector<1x16xf32>
      tpu.vector_store %arg8[%swap3A_70, %swap3A_71], %swap3A_74 {strides = array<i32>} : memref<128x128xf32, #tpu.memory_space<vmem>>, vector<1x16xf32>,
      %swap3A_75 = arith.index_cast %scan3A_39 : i32 to index
      %swap3A_76 = arith.constant 112 : index
      %swap3A_77 = tpu.vector_load %arg8[%swap3A_75, %swap3A_76] {strides = array<i32>} : memref<128x128xf32, #tpu.memory_space<vmem>>, vector<1x16xf32>,
      %swap3A_78 = vector.shape_cast %swap3A_77 : vector<1x16xf32> to vector<16xf32>
      %swap3A_79 = vector.shape_cast %broadcast_in_dim3A_1 : vector<16xf32> to vector<1x16xf32>
      tpu.vector_store %arg8[%swap3A_75, %swap3A_76], %swap3A_79 {strides = array<i32>} : memref<128x128xf32, #tpu.memory_space<vmem>>, vector<1x16xf32>,
      %scan3A_80 = arith.constant 0 : i32
      scf.yield %scan3A_80 : i32
    }
    %scan3A_7 = arith.constant 128 : i32
    %add3A = arith.constant 0 : i32
    %add3A_8 = arith.addi %mul3A_0, %add3A : i32
    "tpu.region"() ({
      %run_scoped3A = tpu.sem_alloc : memref<!tpu.dma_semaphore, #tpu.memory_space<semaphore_mem>>
      %dma_start3A = arith.constant 0 : i32
      %dma_start3A_39 = arith.constant 0 : i32
      %dma_start3A_40 = tpu.memref_slice %arg8[%dma_start3A, %dma_start3A_39] : memref<128x128xf32, #tpu.memory_space<vmem>> -> memref<128x128xf32, #tpu.memory_space<vmem>>
      %dma_start3A_41 = arith.constant 0 : i32
      %dma_start3A_42 = tpu.memref_slice %arg10[%add3A_8, %dma_start3A_41] : memref<10112x128xf32, #tpu.memory_space<vmem_shared>> -> memref<128x128xf32, #tpu.memory_space<vmem_shared>>
      %dma_start3A_43 = arith.constant 0 : i32
      %dma_start3A_44 = tpu.memref_slice %arg10[%add3A_8, %dma_start3A_43] : memref<10112x128xf32, #tpu.memory_space<vmem_shared>> -> memref<128x128xf32, #tpu.memory_space<vmem_shared>>
      %dma_start3A_45 = arith.constant 0 : i32
      %dma_start3A_46 = arith.constant 0 : i32
      %dma_start3A_47 = tpu.memref_slice %arg8[%dma_start3A_45, %dma_start3A_46] : memref<128x128xf32, #tpu.memory_space<vmem>> -> memref<128x128xf32, #tpu.memory_space<vmem>>
      tpu.enqueue_dma source(%dma_start3A_47 : memref<128x128xf32, #tpu.memory_space<vmem>>) target(%dma_start3A_44 : memref<128x128xf32, #tpu.memory_space<vmem_shared>>) target_semaphore(%run_scoped3A : memref<!tpu.dma_semaphore, #tpu.memory_space<semaphore_mem>>)
      %dma_wait3A = arith.constant 0 : i32
      %dma_wait3A_48 = arith.constant 0 : i32
      %dma_wait3A_49 = tpu.memref_slice %arg8[%dma_wait3A, %dma_wait3A_48] : memref<128x128xf32, #tpu.memory_space<vmem>> -> memref<128x128xf32, #tpu.memory_space<vmem>>
      %dma_wait3A_50 = arith.constant 0 : i32
      %dma_wait3A_51 = tpu.memref_slice %arg10[%add3A_8, %dma_wait3A_50] : memref<10112x128xf32, #tpu.memory_space<vmem_shared>> -> memref<128x128xf32, #tpu.memory_space<vmem_shared>>
      %dma_wait3A_52 = arith.constant 0 : i32
      %dma_wait3A_53 = tpu.memref_slice %arg10[%add3A_8, %dma_wait3A_52] : memref<10112x128xf32, #tpu.memory_space<vmem_shared>> -> memref<128x128xf32, #tpu.memory_space<vmem_shared>>
      %dma_wait3A_54 = arith.constant 0 : i32
      %dma_wait3A_55 = arith.constant 0 : i32
      %dma_wait3A_56 = tpu.memref_slice %arg8[%dma_wait3A_54, %dma_wait3A_55] : memref<128x128xf32, #tpu.memory_space<vmem>> -> memref<128x128xf32, #tpu.memory_space<vmem>>
      tpu.wait_dma2 semaphore(%run_scoped3A : memref<!tpu.dma_semaphore, #tpu.memory_space<semaphore_mem>>) src(%dma_wait3A_56 : memref<128x128xf32, #tpu.memory_space<vmem>>) dst(%dma_wait3A_53 : memref<128x128xf32, #tpu.memory_space<vmem_shared>>)
      tpu.yield
    }) : () -> ()
    %add3A_9 = arith.constant 128 : i32
    %add3A_10 = arith.addi %mul3A_0, %add3A_9 : i32
    "tpu.region"() ({
      %run_scoped3A = tpu.sem_alloc : memref<!tpu.dma_semaphore, #tpu.memory_space<semaphore_mem>>
      %dma_start3A = arith.constant 0 : i32
      %dma_start3A_39 = arith.constant 0 : i32
      %dma_start3A_40 = tpu.memref_slice %arg8[%dma_start3A, %dma_start3A_39] : memref<128x128xf32, #tpu.memory_space<vmem>> -> memref<128x128xf32, #tpu.memory_space<vmem>>
      %dma_start3A_41 = arith.constant 0 : i32
      %dma_start3A_42 = tpu.memref_slice %arg10[%add3A_10, %dma_start3A_41] : memref<10112x128xf32, #tpu.memory_space<vmem_shared>> -> memref<128x128xf32, #tpu.memory_space<vmem_shared>>
      %dma_start3A_43 = arith.constant 0 : i32
      %dma_start3A_44 = tpu.memref_slice %arg10[%add3A_10, %dma_start3A_43] : memref<10112x128xf32, #tpu.memory_space<vmem_shared>> -> memref<128x128xf32, #tpu.memory_space<vmem_shared>>
      %dma_start3A_45 = arith.constant 0 : i32
      %dma_start3A_46 = arith.constant 0 : i32
      %dma_start3A_47 = tpu.memref_slice %arg8[%dma_start3A_45, %dma_start3A_46] : memref<128x128xf32, #tpu.memory_space<vmem>> -> memref<128x128xf32, #tpu.memory_space<vmem>>
      tpu.enqueue_dma source(%dma_start3A_47 : memref<128x128xf32, #tpu.memory_space<vmem>>) target(%dma_start3A_44 : memref<128x128xf32, #tpu.memory_space<vmem_shared>>) target_semaphore(%run_scoped3A : memref<!tpu.dma_semaphore, #tpu.memory_space<semaphore_mem>>)
      %dma_wait3A = arith.constant 0 : i32
      %dma_wait3A_48 = arith.constant 0 : i32
      %dma_wait3A_49 = tpu.memref_slice %arg8[%dma_wait3A, %dma_wait3A_48] : memref<128x128xf32, #tpu.memory_space<vmem>> -> memref<128x128xf32, #tpu.memory_space<vmem>>
      %dma_wait3A_50 = arith.constant 0 : i32
      %dma_wait3A_51 = tpu.memref_slice %arg10[%add3A_10, %dma_wait3A_50] : memref<10112x128xf32, #tpu.memory_space<vmem_shared>> -> memref<128x128xf32, #tpu.memory_space<vmem_shared>>
      %dma_wait3A_52 = arith.constant 0 : i32
      %dma_wait3A_53 = tpu.memref_slice %arg10[%add3A_10, %dma_wait3A_52] : memref<10112x128xf32, #tpu.memory_space<vmem_shared>> -> memref<128x128xf32, #tpu.memory_space<vmem_shared>>
      %dma_wait3A_54 = arith.constant 0 : i32
      %dma_wait3A_55 = arith.constant 0 : i32
      %dma_wait3A_56 = tpu.memref_slice %arg8[%dma_wait3A_54, %dma_wait3A_55] : memref<128x128xf32, #tpu.memory_space<vmem>> -> memref<128x128xf32, #tpu.memory_space<vmem>>
      tpu.wait_dma2 semaphore(%run_scoped3A : memref<!tpu.dma_semaphore, #tpu.memory_space<semaphore_mem>>) src(%dma_wait3A_56 : memref<128x128xf32, #tpu.memory_space<vmem>>) dst(%dma_wait3A_53 : memref<128x128xf32, #tpu.memory_space<vmem_shared>>)
      tpu.yield
    }) : () -> ()
    %add3A_11 = arith.constant 256 : i32
    %add3A_12 = arith.addi %mul3A_0, %add3A_11 : i32
    "tpu.region"() ({
      %run_scoped3A = tpu.sem_alloc : memref<!tpu.dma_semaphore, #tpu.memory_space<semaphore_mem>>
      %dma_start3A = arith.constant 0 : i32
      %dma_start3A_39 = arith.constant 0 : i32
      %dma_start3A_40 = tpu.memref_slice %arg8[%dma_start3A, %dma_start3A_39] : memref<128x128xf32, #tpu.memory_space<vmem>> -> memref<128x128xf32, #tpu.memory_space<vmem>>
      %dma_start3A_41 = arith.constant 0 : i32
      %dma_start3A_42 = tpu.memref_slice %arg10[%add3A_12, %dma_start3A_41] : memref<10112x128xf32, #tpu.memory_space<vmem_shared>> -> memref<128x128xf32, #tpu.memory_space<vmem_shared>>
      %dma_start3A_43 = arith.constant 0 : i32
      %dma_start3A_44 = tpu.memref_slice %arg10[%add3A_12, %dma_start3A_43] : memref<10112x128xf32, #tpu.memory_space<vmem_shared>> -> memref<128x128xf32, #tpu.memory_space<vmem_shared>>
      %dma_start3A_45 = arith.constant 0 : i32
      %dma_start3A_46 = arith.constant 0 : i32
      %dma_start3A_47 = tpu.memref_slice %arg8[%dma_start3A_45, %dma_start3A_46] : memref<128x128xf32, #tpu.memory_space<vmem>> -> memref<128x128xf32, #tpu.memory_space<vmem>>
      tpu.enqueue_dma source(%dma_start3A_47 : memref<128x128xf32, #tpu.memory_space<vmem>>) target(%dma_start3A_44 : memref<128x128xf32, #tpu.memory_space<vmem_shared>>) target_semaphore(%run_scoped3A : memref<!tpu.dma_semaphore, #tpu.memory_space<semaphore_mem>>)
      %dma_wait3A = arith.constant 0 : i32
      %dma_wait3A_48 = arith.constant 0 : i32
      %dma_wait3A_49 = tpu.memref_slice %arg8[%dma_wait3A, %dma_wait3A_48] : memref<128x128xf32, #tpu.memory_space<vmem>> -> memref<128x128xf32, #tpu.memory_space<vmem>>
      %dma_wait3A_50 = arith.constant 0 : i32
      %dma_wait3A_51 = tpu.memref_slice %arg10[%add3A_12, %dma_wait3A_50] : memref<10112x128xf32, #tpu.memory_space<vmem_shared>> -> memref<128x128xf32, #tpu.memory_space<vmem_shared>>
      %dma_wait3A_52 = arith.constant 0 : i32
      %dma_wait3A_53 = tpu.memref_slice %arg10[%add3A_12, %dma_wait3A_52] : memref<10112x128xf32, #tpu.memory_space<vmem_shared>> -> memref<128x128xf32, #tpu.memory_space<vmem_shared>>
      %dma_wait3A_54 = arith.constant 0 : i32
      %dma_wait3A_55 = arith.constant 0 : i32
      %dma_wait3A_56 = tpu.memref_slice %arg8[%dma_wait3A_54, %dma_wait3A_55] : memref<128x128xf32, #tpu.memory_space<vmem>> -> memref<128x128xf32, #tpu.memory_space<vmem>>
      tpu.wait_dma2 semaphore(%run_scoped3A : memref<!tpu.dma_semaphore, #tpu.memory_space<semaphore_mem>>) src(%dma_wait3A_56 : memref<128x128xf32, #tpu.memory_space<vmem>>) dst(%dma_wait3A_53 : memref<128x128xf32, #tpu.memory_space<vmem_shared>>)
      tpu.yield
    }) : () -> ()
    %add3A_13 = arith.constant 384 : i32
    %add3A_14 = arith.addi %mul3A_0, %add3A_13 : i32
    "tpu.region"() ({
      %run_scoped3A = tpu.sem_alloc : memref<!tpu.dma_semaphore, #tpu.memory_space<semaphore_mem>>
      %dma_start3A = arith.constant 0 : i32
      %dma_start3A_39 = arith.constant 0 : i32
      %dma_start3A_40 = tpu.memref_slice %arg8[%dma_start3A, %dma_start3A_39] : memref<128x128xf32, #tpu.memory_space<vmem>> -> memref<128x128xf32, #tpu.memory_space<vmem>>
      %dma_start3A_41 = arith.constant 0 : i32
      %dma_start3A_42 = tpu.memref_slice %arg10[%add3A_14, %dma_start3A_41] : memref<10112x128xf32, #tpu.memory_space<vmem_shared>> -> memref<128x128xf32, #tpu.memory_space<vmem_shared>>
      %dma_start3A_43 = arith.constant 0 : i32
      %dma_start3A_44 = tpu.memref_slice %arg10[%add3A_14, %dma_start3A_43] : memref<10112x128xf32, #tpu.memory_space<vmem_shared>> -> memref<128x128xf32, #tpu.memory_space<vmem_shared>>
      %dma_start3A_45 = arith.constant 0 : i32
      %dma_start3A_46 = arith.constant 0 : i32
      %dma_start3A_47 = tpu.memref_slice %arg8[%dma_start3A_45, %dma_start3A_46] : memref<128x128xf32, #tpu.memory_space<vmem>> -> memref<128x128xf32, #tpu.memory_space<vmem>>
      tpu.enqueue_dma source(%dma_start3A_47 : memref<128x128xf32, #tpu.memory_space<vmem>>) target(%dma_start3A_44 : memref<128x128xf32, #tpu.memory_space<vmem_shared>>) target_semaphore(%run_scoped3A : memref<!tpu.dma_semaphore, #tpu.memory_space<semaphore_mem>>)
      %dma_wait3A = arith.constant 0 : i32
      %dma_wait3A_48 = arith.constant 0 : i32
      %dma_wait3A_49 = tpu.memref_slice %arg8[%dma_wait3A, %dma_wait3A_48] : memref<128x128xf32, #tpu.memory_space<vmem>> -> memref<128x128xf32, #tpu.memory_space<vmem>>
      %dma_wait3A_50 = arith.constant 0 : i32
      %dma_wait3A_51 = tpu.memref_slice %arg10[%add3A_14, %dma_wait3A_50] : memref<10112x128xf32, #tpu.memory_space<vmem_shared>> -> memref<128x128xf32, #tpu.memory_space<vmem_shared>>
      %dma_wait3A_52 = arith.constant 0 : i32
      %dma_wait3A_53 = tpu.memref_slice %arg10[%add3A_14, %dma_wait3A_52] : memref<10112x128xf32, #tpu.memory_space<vmem_shared>> -> memref<128x128xf32, #tpu.memory_space<vmem_shared>>
      %dma_wait3A_54 = arith.constant 0 : i32
      %dma_wait3A_55 = arith.constant 0 : i32
      %dma_wait3A_56 = tpu.memref_slice %arg8[%dma_wait3A_54, %dma_wait3A_55] : memref<128x128xf32, #tpu.memory_space<vmem>> -> memref<128x128xf32, #tpu.memory_space<vmem>>
      tpu.wait_dma2 semaphore(%run_scoped3A : memref<!tpu.dma_semaphore, #tpu.memory_space<semaphore_mem>>) src(%dma_wait3A_56 : memref<128x128xf32, #tpu.memory_space<vmem>>) dst(%dma_wait3A_53 : memref<128x128xf32, #tpu.memory_space<vmem_shared>>)
      tpu.yield
    }) : () -> ()
    %add3A_15 = arith.constant 512 : i32
    %add3A_16 = arith.addi %mul3A_0, %add3A_15 : i32
    "tpu.region"() ({
      %run_scoped3A = tpu.sem_alloc : memref<!tpu.dma_semaphore, #tpu.memory_space<semaphore_mem>>
      %dma_start3A = arith.constant 0 : i32
      %dma_start3A_39 = arith.constant 0 : i32
      %dma_start3A_40 = tpu.memref_slice %arg8[%dma_start3A, %dma_start3A_39] : memref<128x128xf32, #tpu.memory_space<vmem>> -> memref<120x128xf32, #tpu.memory_space<vmem>>
      %dma_start3A_41 = arith.constant 0 : i32
      %dma_start3A_42 = tpu.memref_slice %arg10[%add3A_16, %dma_start3A_41] : memref<10112x128xf32, #tpu.memory_space<vmem_shared>> -> memref<120x128xf32, #tpu.memory_space<vmem_shared>>
      %dma_start3A_43 = arith.constant 0 : i32
      %dma_start3A_44 = tpu.memref_slice %arg10[%add3A_16, %dma_start3A_43] : memref<10112x128xf32, #tpu.memory_space<vmem_shared>> -> memref<120x128xf32, #tpu.memory_space<vmem_shared>>
      %dma_start3A_45 = arith.constant 0 : i32
      %dma_start3A_46 = arith.constant 0 : i32
      %dma_start3A_47 = tpu.memref_slice %arg8[%dma_start3A_45, %dma_start3A_46] : memref<128x128xf32, #tpu.memory_space<vmem>> -> memref<120x128xf32, #tpu.memory_space<vmem>>
      tpu.enqueue_dma source(%dma_start3A_47 : memref<120x128xf32, #tpu.memory_space<vmem>>) target(%dma_start3A_44 : memref<120x128xf32, #tpu.memory_space<vmem_shared>>) target_semaphore(%run_scoped3A : memref<!tpu.dma_semaphore, #tpu.memory_space<semaphore_mem>>)
      %dma_wait3A = arith.constant 0 : i32
      %dma_wait3A_48 = arith.constant 0 : i32
      %dma_wait3A_49 = tpu.memref_slice %arg8[%dma_wait3A, %dma_wait3A_48] : memref<128x128xf32, #tpu.memory_space<vmem>> -> memref<120x128xf32, #tpu.memory_space<vmem>>
      %dma_wait3A_50 = arith.constant 0 : i32
      %dma_wait3A_51 = tpu.memref_slice %arg10[%add3A_16, %dma_wait3A_50] : memref<10112x128xf32, #tpu.memory_space<vmem_shared>> -> memref<120x128xf32, #tpu.memory_space<vmem_shared>>
      %dma_wait3A_52 = arith.constant 0 : i32
      %dma_wait3A_53 = tpu.memref_slice %arg10[%add3A_16, %dma_wait3A_52] : memref<10112x128xf32, #tpu.memory_space<vmem_shared>> -> memref<120x128xf32, #tpu.memory_space<vmem_shared>>
      %dma_wait3A_54 = arith.constant 0 : i32
      %dma_wait3A_55 = arith.constant 0 : i32
      %dma_wait3A_56 = tpu.memref_slice %arg8[%dma_wait3A_54, %dma_wait3A_55] : memref<128x128xf32, #tpu.memory_space<vmem>> -> memref<120x128xf32, #tpu.memory_space<vmem>>
      tpu.wait_dma2 semaphore(%run_scoped3A : memref<!tpu.dma_semaphore, #tpu.memory_space<semaphore_mem>>) src(%dma_wait3A_56 : memref<120x128xf32, #tpu.memory_space<vmem>>) dst(%dma_wait3A_53 : memref<120x128xf32, #tpu.memory_space<vmem_shared>>)
      tpu.yield
    }) : () -> ()
    %barrier3A = arith.constant 0 : index
    tpu.barrier barrier_id(%barrier3A)
    %mul3A_17 = arith.constant 160 : i32
    %mul3A_18 = arith.muli %arg1, %mul3A_17 : i32
    %eq3A = arith.constant 0 : i32
    %eq3A_19 = arith.cmpi eq, %arg0, %eq3A : i32
    %jit3A = arith.constant 0 : i32
    %jit3A_20 = arith.constant 128 : i32
    %select_n3A = arith.select %eq3A_19, %jit3A, %jit3A_20 : i32
    %add3A_21 = arith.addi %mul3A_18, %select_n3A : i32
    %eq3A_22 = arith.constant 0 : i32
    %eq3A_23 = arith.cmpi eq, %arg0, %eq3A_22 : i32
    %jit3A_24 = arith.constant 8 : i32
    %jit3A_25 = arith.constant 2 : i32
    %select_n3A_26 = arith.select %eq3A_23, %jit3A_24, %jit3A_25 : i32
    %while3A = arith.constant 0 : i32
    %while3A_27 = arith.constant 0 : i32
    %while3A_28 = arith.subi %select_n3A_26, %while3A : i32
    %while3A_29 = arith.addi %while3A, %while3A_28 : i32
    %while3A_30 = arith.constant 1 : i32
    %while3A_31 = arith.divsi %while3A_28, %while3A_30 : i32
    %while3A_32 = arith.muli %while3A_31, %while3A_30 : i32
    %while3A_33 = arith.addi %while3A, %while3A_32 : i32
    %while3A_34 = arith.constant 1 : i32
    %while3A_35 = scf.for %while3A_39 = %while3A to %while3A_33 step %while3A_34 iter_args(%while3A_40 = %while3A_27) -> (i32)  : i32 {
      %mul3A_41 = arith.constant 16 : i32
      %mul3A_42 = arith.muli %while3A_39, %mul3A_41 : i32
      %add3A_43 = arith.addi %add3A_21, %mul3A_42 : i32
      "tpu.region"() ({
        %run_scoped3A = tpu.sem_alloc : memref<!tpu.dma_semaphore, #tpu.memory_space<semaphore_mem>>
        %dma_start3A_106 = arith.constant 0 : i32
        %dma_start3A_107 = tpu.memref_slice %arg3[%add3A_43, %dma_start3A_106] : memref<2560x128xi32, #tpu.memory_space<hbm>> -> memref<16x128xi32, #tpu.memory_space<hbm>>
        %dma_start3A_108 = arith.constant 0 : i32
        %dma_start3A_109 = tpu.memref_slice %arg3[%add3A_43, %dma_start3A_108] : memref<2560x128xi32, #tpu.memory_space<hbm>> -> memref<16x128xi32, #tpu.memory_space<hbm>>
        tpu.enqueue_dma source(%dma_start3A_109 : memref<16x128xi32, #tpu.memory_space<hbm>>) target(%arg6 : memref<16x128xi32, #tpu.memory_space<vmem>>) target_semaphore(%run_scoped3A : memref<!tpu.dma_semaphore, #tpu.memory_space<semaphore_mem>>)
        %dma_wait3A_110 = arith.constant 0 : i32
        %dma_wait3A_111 = tpu.memref_slice %arg3[%add3A_43, %dma_wait3A_110] : memref<2560x128xi32, #tpu.memory_space<hbm>> -> memref<16x128xi32, #tpu.memory_space<hbm>>
        %dma_wait3A_112 = arith.constant 0 : i32
        %dma_wait3A_113 = tpu.memref_slice %arg3[%add3A_43, %dma_wait3A_112] : memref<2560x128xi32, #tpu.memory_space<hbm>> -> memref<16x128xi32, #tpu.memory_space<hbm>>
        tpu.wait_dma2 semaphore(%run_scoped3A : memref<!tpu.dma_semaphore, #tpu.memory_space<semaphore_mem>>) src(%dma_wait3A_113 : memref<16x128xi32, #tpu.memory_space<hbm>>) dst(%arg6 : memref<16x128xi32, #tpu.memory_space<vmem>>)
        tpu.yield
      }) : () -> ()
      "tpu.region"() ({
        %run_scoped3A = tpu.sem_alloc : memref<!tpu.dma_semaphore, #tpu.memory_space<semaphore_mem>>
        %dma_start3A_106 = arith.constant 0 : i32
        %dma_start3A_107 = tpu.memref_slice %arg4[%add3A_43, %dma_start3A_106] : memref<2560x128xi32, #tpu.memory_space<hbm>> -> memref<16x128xi32, #tpu.memory_space<hbm>>
        %dma_start3A_108 = arith.constant 0 : i32
        %dma_start3A_109 = tpu.memref_slice %arg4[%add3A_43, %dma_start3A_108] : memref<2560x128xi32, #tpu.memory_space<hbm>> -> memref<16x128xi32, #tpu.memory_space<hbm>>
        tpu.enqueue_dma source(%dma_start3A_109 : memref<16x128xi32, #tpu.memory_space<hbm>>) target(%arg7 : memref<16x128xi32, #tpu.memory_space<vmem>>) target_semaphore(%run_scoped3A : memref<!tpu.dma_semaphore, #tpu.memory_space<semaphore_mem>>)
        %dma_wait3A_110 = arith.constant 0 : i32
        %dma_wait3A_111 = tpu.memref_slice %arg4[%add3A_43, %dma_wait3A_110] : memref<2560x128xi32, #tpu.memory_space<hbm>> -> memref<16x128xi32, #tpu.memory_space<hbm>>
        %dma_wait3A_112 = arith.constant 0 : i32
        %dma_wait3A_113 = tpu.memref_slice %arg4[%add3A_43, %dma_wait3A_112] : memref<2560x128xi32, #tpu.memory_space<hbm>> -> memref<16x128xi32, #tpu.memory_space<hbm>>
        tpu.wait_dma2 semaphore(%run_scoped3A : memref<!tpu.dma_semaphore, #tpu.memory_space<semaphore_mem>>) src(%dma_wait3A_113 : memref<16x128xi32, #tpu.memory_space<hbm>>) dst(%arg7 : memref<16x128xi32, #tpu.memory_space<vmem>>)
        tpu.yield
      }) : () -> ()
      %dma_start3A = arith.constant 0 : i32
      %dma_start3A_44 = arith.constant 0 : i32
      %dma_start3A_45 = tpu.memref_slice %arg6[%dma_start3A, %dma_start3A_44] : memref<16x128xi32, #tpu.memory_space<vmem>> -> memref<1x128xi32, #tpu.memory_space<vmem>>
      %dma_start3A_46 = tpu.memref_squeeze %dma_start3A_45 : memref<1x128xi32, #tpu.memory_space<vmem>> -> memref<128xi32, #tpu.memory_space<vmem>>
      %dma_start3A_47 = arith.constant 0 : i32
      %dma_start3A_48 = arith.constant 0 : i32
      %dma_start3A_49 = tpu.memref_slice %arg2[%dma_start3A_47, %dma_start3A_48] : memref<10000x128xf32, #tpu.memory_space<hbm>> -> memref<10000x128xf32, #tpu.memory_space<hbm>>
      tpu.enqueue_indirect_dma source(%dma_start3A_49 : memref<10000x128xf32, #tpu.memory_space<hbm>>) target(%arg8 : memref<128x128xf32, #tpu.memory_space<vmem>>) offsets(%dma_start3A_46 : memref<128xi32, #tpu.memory_space<vmem>>) semaphore(%arg11 : memref<!tpu.dma_semaphore, #tpu.memory_space<semaphore_mem>>)
      %dma_start3A_50 = arith.constant 1 : i32
      %dma_start3A_51 = arith.constant 0 : i32
      %dma_start3A_52 = tpu.memref_slice %arg6[%dma_start3A_50, %dma_start3A_51] : memref<16x128xi32, #tpu.memory_space<vmem>> -> memref<1x128xi32, #tpu.memory_space<vmem>>
      %dma_start3A_53 = tpu.memref_squeeze %dma_start3A_52 : memref<1x128xi32, #tpu.memory_space<vmem>> -> memref<128xi32, #tpu.memory_space<vmem>>
      %dma_start3A_54 = arith.constant 0 : i32
      %dma_start3A_55 = arith.constant 0 : i32
      %dma_start3A_56 = tpu.memref_slice %arg2[%dma_start3A_54, %dma_start3A_55] : memref<10000x128xf32, #tpu.memory_space<hbm>> -> memref<10000x128xf32, #tpu.memory_space<hbm>>
      tpu.enqueue_indirect_dma source(%dma_start3A_56 : memref<10000x128xf32, #tpu.memory_space<hbm>>) target(%arg9 : memref<128x128xf32, #tpu.memory_space<vmem>>) offsets(%dma_start3A_53 : memref<128xi32, #tpu.memory_space<vmem>>) semaphore(%arg12 : memref<!tpu.dma_semaphore, #tpu.memory_space<semaphore_mem>>)
      %scan3A_57 = arith.constant 0 : i32
      %scan3A_58 = arith.constant 0 : i32
      %scan3A_59 = arith.constant 7 : i32
      %scan3A_60 = arith.addi %scan3A_58, %scan3A_59 : i32
      %scan3A_61 = arith.constant 1 : i32
      %scan3A_62 = scf.for %scan3A_106 = %scan3A_58 to %scan3A_60 step %scan3A_61 iter_args(%scan3A_107 = %scan3A_57) -> (i32)  : i32 {
        %mul3A_108 = arith.constant 2 : i32
        %mul3A_109 = arith.muli %scan3A_106, %mul3A_108 : i32
        %add3A_110 = arith.constant 0 : i32
        %add3A_111 = arith.addi %mul3A_109, %add3A_110 : i32
        %dma_wait3A_112 = arith.constant 0 : i32
        %dma_wait3A_113 = tpu.memref_slice %arg6[%add3A_111, %dma_wait3A_112] : memref<16x128xi32, #tpu.memory_space<vmem>> -> memref<1x128xi32, #tpu.memory_space<vmem>>
        %dma_wait3A_114 = tpu.memref_squeeze %dma_wait3A_113 : memref<1x128xi32, #tpu.memory_space<vmem>> -> memref<128xi32, #tpu.memory_space<vmem>>
        %dma_wait3A_115 = arith.constant 0 : i32
        %dma_wait3A_116 = arith.constant 0 : i32
        %dma_wait3A_117 = tpu.memref_slice %arg2[%dma_wait3A_115, %dma_wait3A_116] : memref<10000x128xf32, #tpu.memory_space<hbm>> -> memref<10000x128xf32, #tpu.memory_space<hbm>>
        tpu.wait_indirect_dma semaphore(%arg11 : memref<!tpu.dma_semaphore, #tpu.memory_space<semaphore_mem>>) src(%dma_wait3A_117 : memref<10000x128xf32, #tpu.memory_space<hbm>>) dst(%arg8 : memref<128x128xf32, #tpu.memory_space<vmem>>)
        %dma_start3A_118 = arith.constant 0 : i32
        %dma_start3A_119 = tpu.memref_slice %arg7[%add3A_111, %dma_start3A_118] : memref<16x128xi32, #tpu.memory_space<vmem>> -> memref<1x128xi32, #tpu.memory_space<vmem>>
        %dma_start3A_120 = tpu.memref_squeeze %dma_start3A_119 : memref<1x128xi32, #tpu.memory_space<vmem>> -> memref<128xi32, #tpu.memory_space<vmem>>
        %dma_start3A_121 = arith.constant 0 : i32
        %dma_start3A_122 = arith.constant 0 : i32
        %dma_start3A_123 = tpu.memref_slice %arg10[%dma_start3A_121, %dma_start3A_122] : memref<10112x128xf32, #tpu.memory_space<vmem_shared>> -> memref<10112x128xf32, #tpu.memory_space<vmem_shared>>
        tpu.enqueue_indirect_dma source(%arg8 : memref<128x128xf32, #tpu.memory_space<vmem>>) target(%dma_start3A_123 : memref<10112x128xf32, #tpu.memory_space<vmem_shared>>) offsets(%dma_start3A_120 : memref<128xi32, #tpu.memory_space<vmem>>) semaphore(%arg13 : memref<!tpu.dma_semaphore, #tpu.memory_space<semaphore_mem>>) {add = true}
        %mul3A_124 = arith.constant 2 : i32
        %mul3A_125 = arith.muli %scan3A_106, %mul3A_124 : i32
        %add3A_126 = arith.constant 1 : i32
        %add3A_127 = arith.addi %mul3A_125, %add3A_126 : i32
        %dma_wait3A_128 = arith.constant 0 : i32
        %dma_wait3A_129 = tpu.memref_slice %arg6[%add3A_127, %dma_wait3A_128] : memref<16x128xi32, #tpu.memory_space<vmem>> -> memref<1x128xi32, #tpu.memory_space<vmem>>
        %dma_wait3A_130 = tpu.memref_squeeze %dma_wait3A_129 : memref<1x128xi32, #tpu.memory_space<vmem>> -> memref<128xi32, #tpu.memory_space<vmem>>
        %dma_wait3A_131 = arith.constant 0 : i32
        %dma_wait3A_132 = arith.constant 0 : i32
        %dma_wait3A_133 = tpu.memref_slice %arg2[%dma_wait3A_131, %dma_wait3A_132] : memref<10000x128xf32, #tpu.memory_space<hbm>> -> memref<10000x128xf32, #tpu.memory_space<hbm>>
        tpu.wait_indirect_dma semaphore(%arg12 : memref<!tpu.dma_semaphore, #tpu.memory_space<semaphore_mem>>) src(%dma_wait3A_133 : memref<10000x128xf32, #tpu.memory_space<hbm>>) dst(%arg9 : memref<128x128xf32, #tpu.memory_space<vmem>>)
        %dma_start3A_134 = arith.constant 0 : i32
        %dma_start3A_135 = tpu.memref_slice %arg7[%add3A_127, %dma_start3A_134] : memref<16x128xi32, #tpu.memory_space<vmem>> -> memref<1x128xi32, #tpu.memory_space<vmem>>
        %dma_start3A_136 = tpu.memref_squeeze %dma_start3A_135 : memref<1x128xi32, #tpu.memory_space<vmem>> -> memref<128xi32, #tpu.memory_space<vmem>>
        %dma_start3A_137 = arith.constant 0 : i32
        %dma_start3A_138 = arith.constant 0 : i32
        %dma_start3A_139 = tpu.memref_slice %arg10[%dma_start3A_137, %dma_start3A_138] : memref<10112x128xf32, #tpu.memory_space<vmem_shared>> -> memref<10112x128xf32, #tpu.memory_space<vmem_shared>>
        tpu.enqueue_indirect_dma source(%arg9 : memref<128x128xf32, #tpu.memory_space<vmem>>) target(%dma_start3A_139 : memref<10112x128xf32, #tpu.memory_space<vmem_shared>>) offsets(%dma_start3A_136 : memref<128xi32, #tpu.memory_space<vmem>>) semaphore(%arg14 : memref<!tpu.dma_semaphore, #tpu.memory_space<semaphore_mem>>) {add = true}
        %mul3A_140 = arith.constant 2 : i32
        %mul3A_141 = arith.muli %scan3A_106, %mul3A_140 : i32
        %add3A_142 = arith.constant 0 : i32
        %add3A_143 = arith.addi %mul3A_141, %add3A_142 : i32
        %dma_wait3A_144 = arith.constant 0 : i32
        %dma_wait3A_145 = tpu.memref_slice %arg7[%add3A_143, %dma_wait3A_144] : memref<16x128xi32, #tpu.memory_space<vmem>> -> memref<1x128xi32, #tpu.memory_space<vmem>>
        %dma_wait3A_146 = tpu.memref_squeeze %dma_wait3A_145 : memref<1x128xi32, #tpu.memory_space<vmem>> -> memref<128xi32, #tpu.memory_space<vmem>>
        %dma_wait3A_147 = arith.constant 0 : i32
        %dma_wait3A_148 = arith.constant 0 : i32
        %dma_wait3A_149 = tpu.memref_slice %arg10[%dma_wait3A_147, %dma_wait3A_148] : memref<10112x128xf32, #tpu.memory_space<vmem_shared>> -> memref<10112x128xf32, #tpu.memory_space<vmem_shared>>
        tpu.wait_indirect_dma semaphore(%arg13 : memref<!tpu.dma_semaphore, #tpu.memory_space<semaphore_mem>>) src(%arg8 : memref<128x128xf32, #tpu.memory_space<vmem>>) dst(%dma_wait3A_149 : memref<10112x128xf32, #tpu.memory_space<vmem_shared>>)
        %add3A_150 = arith.constant 2 : i32
        %add3A_151 = arith.addi %add3A_143, %add3A_150 : i32
        %dma_start3A_152 = arith.constant 0 : i32
        %dma_start3A_153 = tpu.memref_slice %arg6[%add3A_151, %dma_start3A_152] : memref<16x128xi32, #tpu.memory_space<vmem>> -> memref<1x128xi32, #tpu.memory_space<vmem>>
        %dma_start3A_154 = tpu.memref_squeeze %dma_start3A_153 : memref<1x128xi32, #tpu.memory_space<vmem>> -> memref<128xi32, #tpu.memory_space<vmem>>
        %dma_start3A_155 = arith.constant 0 : i32
        %dma_start3A_156 = arith.constant 0 : i32
        %dma_start3A_157 = tpu.memref_slice %arg2[%dma_start3A_155, %dma_start3A_156] : memref<10000x128xf32, #tpu.memory_space<hbm>> -> memref<10000x128xf32, #tpu.memory_space<hbm>>
        tpu.enqueue_indirect_dma source(%dma_start3A_157 : memref<10000x128xf32, #tpu.memory_space<hbm>>) target(%arg8 : memref<128x128xf32, #tpu.memory_space<vmem>>) offsets(%dma_start3A_154 : memref<128xi32, #tpu.memory_space<vmem>>) semaphore(%arg11 : memref<!tpu.dma_semaphore, #tpu.memory_space<semaphore_mem>>)
        %mul3A_158 = arith.constant 2 : i32
        %mul3A_159 = arith.muli %scan3A_106, %mul3A_158 : i32
        %add3A_160 = arith.constant 1 : i32
        %add3A_161 = arith.addi %mul3A_159, %add3A_160 : i32
        %dma_wait3A_162 = arith.constant 0 : i32
        %dma_wait3A_163 = tpu.memref_slice %arg7[%add3A_161, %dma_wait3A_162] : memref<16x128xi32, #tpu.memory_space<vmem>> -> memref<1x128xi32, #tpu.memory_space<vmem>>
        %dma_wait3A_164 = tpu.memref_squeeze %dma_wait3A_163 : memref<1x128xi32, #tpu.memory_space<vmem>> -> memref<128xi32, #tpu.memory_space<vmem>>
        %dma_wait3A_165 = arith.constant 0 : i32
        %dma_wait3A_166 = arith.constant 0 : i32
        %dma_wait3A_167 = tpu.memref_slice %arg10[%dma_wait3A_165, %dma_wait3A_166] : memref<10112x128xf32, #tpu.memory_space<vmem_shared>> -> memref<10112x128xf32, #tpu.memory_space<vmem_shared>>
        tpu.wait_indirect_dma semaphore(%arg14 : memref<!tpu.dma_semaphore, #tpu.memory_space<semaphore_mem>>) src(%arg9 : memref<128x128xf32, #tpu.memory_space<vmem>>) dst(%dma_wait3A_167 : memref<10112x128xf32, #tpu.memory_space<vmem_shared>>)
        %add3A_168 = arith.constant 2 : i32
        %add3A_169 = arith.addi %add3A_161, %add3A_168 : i32
        %dma_start3A_170 = arith.constant 0 : i32
        %dma_start3A_171 = tpu.memref_slice %arg6[%add3A_169, %dma_start3A_170] : memref<16x128xi32, #tpu.memory_space<vmem>> -> memref<1x128xi32, #tpu.memory_space<vmem>>
        %dma_start3A_172 = tpu.memref_squeeze %dma_start3A_171 : memref<1x128xi32, #tpu.memory_space<vmem>> -> memref<128xi32, #tpu.memory_space<vmem>>
        %dma_start3A_173 = arith.constant 0 : i32
        %dma_start3A_174 = arith.constant 0 : i32
        %dma_start3A_175 = tpu.memref_slice %arg2[%dma_start3A_173, %dma_start3A_174] : memref<10000x128xf32, #tpu.memory_space<hbm>> -> memref<10000x128xf32, #tpu.memory_space<hbm>>
        tpu.enqueue_indirect_dma source(%dma_start3A_175 : memref<10000x128xf32, #tpu.memory_space<hbm>>) target(%arg9 : memref<128x128xf32, #tpu.memory_space<vmem>>) offsets(%dma_start3A_172 : memref<128xi32, #tpu.memory_space<vmem>>) semaphore(%arg12 : memref<!tpu.dma_semaphore, #tpu.memory_space<semaphore_mem>>)
        %scan3A_176 = arith.constant 0 : i32
        scf.yield %scan3A_176 : i32
      }
      %scan3A_63 = arith.constant 7 : i32
      %dma_wait3A = arith.constant 14 : i32
      %dma_wait3A_64 = arith.constant 0 : i32
      %dma_wait3A_65 = tpu.memref_slice %arg6[%dma_wait3A, %dma_wait3A_64] : memref<16x128xi32, #tpu.memory_space<vmem>> -> memref<1x128xi32, #tpu.memory_space<vmem>>
      %dma_wait3A_66 = tpu.memref_squeeze %dma_wait3A_65 : memref<1x128xi32, #tpu.memory_space<vmem>> -> memref<128xi32, #tpu.memory_space<vmem>>
      %dma_wait3A_67 = arith.constant 0 : i32
      %dma_wait3A_68 = arith.constant 0 : i32
      %dma_wait3A_69 = tpu.memref_slice %arg2[%dma_wait3A_67, %dma_wait3A_68] : memref<10000x128xf32, #tpu.memory_space<hbm>> -> memref<10000x128xf32, #tpu.memory_space<hbm>>
      tpu.wait_indirect_dma semaphore(%arg11 : memref<!tpu.dma_semaphore, #tpu.memory_space<semaphore_mem>>) src(%dma_wait3A_69 : memref<10000x128xf32, #tpu.memory_space<hbm>>) dst(%arg8 : memref<128x128xf32, #tpu.memory_space<vmem>>)
      %dma_start3A_70 = arith.constant 14 : i32
      %dma_start3A_71 = arith.constant 0 : i32
      %dma_start3A_72 = tpu.memref_slice %arg7[%dma_start3A_70, %dma_start3A_71] : memref<16x128xi32, #tpu.memory_space<vmem>> -> memref<1x128xi32, #tpu.memory_space<vmem>>
      %dma_start3A_73 = tpu.memref_squeeze %dma_start3A_72 : memref<1x128xi32, #tpu.memory_space<vmem>> -> memref<128xi32, #tpu.memory_space<vmem>>
      %dma_start3A_74 = arith.constant 0 : i32
      %dma_start3A_75 = arith.constant 0 : i32
      %dma_start3A_76 = tpu.memref_slice %arg10[%dma_start3A_74, %dma_start3A_75] : memref<10112x128xf32, #tpu.memory_space<vmem_shared>> -> memref<10112x128xf32, #tpu.memory_space<vmem_shared>>
      tpu.enqueue_indirect_dma source(%arg8 : memref<128x128xf32, #tpu.memory_space<vmem>>) target(%dma_start3A_76 : memref<10112x128xf32, #tpu.memory_space<vmem_shared>>) offsets(%dma_start3A_73 : memref<128xi32, #tpu.memory_space<vmem>>) semaphore(%arg13 : memref<!tpu.dma_semaphore, #tpu.memory_space<semaphore_mem>>) {add = true}
      %dma_wait3A_77 = arith.constant 15 : i32
      %dma_wait3A_78 = arith.constant 0 : i32
      %dma_wait3A_79 = tpu.memref_slice %arg6[%dma_wait3A_77, %dma_wait3A_78] : memref<16x128xi32, #tpu.memory_space<vmem>> -> memref<1x128xi32, #tpu.memory_space<vmem>>
      %dma_wait3A_80 = tpu.memref_squeeze %dma_wait3A_79 : memref<1x128xi32, #tpu.memory_space<vmem>> -> memref<128xi32, #tpu.memory_space<vmem>>
      %dma_wait3A_81 = arith.constant 0 : i32
      %dma_wait3A_82 = arith.constant 0 : i32
      %dma_wait3A_83 = tpu.memref_slice %arg2[%dma_wait3A_81, %dma_wait3A_82] : memref<10000x128xf32, #tpu.memory_space<hbm>> -> memref<10000x128xf32, #tpu.memory_space<hbm>>
      tpu.wait_indirect_dma semaphore(%arg12 : memref<!tpu.dma_semaphore, #tpu.memory_space<semaphore_mem>>) src(%dma_wait3A_83 : memref<10000x128xf32, #tpu.memory_space<hbm>>) dst(%arg9 : memref<128x128xf32, #tpu.memory_space<vmem>>)
      %dma_start3A_84 = arith.constant 15 : i32
      %dma_start3A_85 = arith.constant 0 : i32
      %dma_start3A_86 = tpu.memref_slice %arg7[%dma_start3A_84, %dma_start3A_85] : memref<16x128xi32, #tpu.memory_space<vmem>> -> memref<1x128xi32, #tpu.memory_space<vmem>>
      %dma_start3A_87 = tpu.memref_squeeze %dma_start3A_86 : memref<1x128xi32, #tpu.memory_space<vmem>> -> memref<128xi32, #tpu.memory_space<vmem>>
      %dma_start3A_88 = arith.constant 0 : i32
      %dma_start3A_89 = arith.constant 0 : i32
      %dma_start3A_90 = tpu.memref_slice %arg10[%dma_start3A_88, %dma_start3A_89] : memref<10112x128xf32, #tpu.memory_space<vmem_shared>> -> memref<10112x128xf32, #tpu.memory_space<vmem_shared>>
      tpu.enqueue_indirect_dma source(%arg9 : memref<128x128xf32, #tpu.memory_space<vmem>>) target(%dma_start3A_90 : memref<10112x128xf32, #tpu.memory_space<vmem_shared>>) offsets(%dma_start3A_87 : memref<128xi32, #tpu.memory_space<vmem>>) semaphore(%arg14 : memref<!tpu.dma_semaphore, #tpu.memory_space<semaphore_mem>>) {add = true}
      %dma_wait3A_91 = arith.constant 14 : i32
      %dma_wait3A_92 = arith.constant 0 : i32
      %dma_wait3A_93 = tpu.memref_slice %arg7[%dma_wait3A_91, %dma_wait3A_92] : memref<16x128xi32, #tpu.memory_space<vmem>> -> memref<1x128xi32, #tpu.memory_space<vmem>>
      %dma_wait3A_94 = tpu.memref_squeeze %dma_wait3A_93 : memref<1x128xi32, #tpu.memory_space<vmem>> -> memref<128xi32, #tpu.memory_space<vmem>>
      %dma_wait3A_95 = arith.constant 0 : i32
      %dma_wait3A_96 = arith.constant 0 : i32
      %dma_wait3A_97 = tpu.memref_slice %arg10[%dma_wait3A_95, %dma_wait3A_96] : memref<10112x128xf32, #tpu.memory_space<vmem_shared>> -> memref<10112x128xf32, #tpu.memory_space<vmem_shared>>
      tpu.wait_indirect_dma semaphore(%arg13 : memref<!tpu.dma_semaphore, #tpu.memory_space<semaphore_mem>>) src(%arg8 : memref<128x128xf32, #tpu.memory_space<vmem>>) dst(%dma_wait3A_97 : memref<10112x128xf32, #tpu.memory_space<vmem_shared>>)
      %dma_wait3A_98 = arith.constant 15 : i32
      %dma_wait3A_99 = arith.constant 0 : i32
      %dma_wait3A_100 = tpu.memref_slice %arg7[%dma_wait3A_98, %dma_wait3A_99] : memref<16x128xi32, #tpu.memory_space<vmem>> -> memref<1x128xi32, #tpu.memory_space<vmem>>
      %dma_wait3A_101 = tpu.memref_squeeze %dma_wait3A_100 : memref<1x128xi32, #tpu.memory_space<vmem>> -> memref<128xi32, #tpu.memory_space<vmem>>
      %dma_wait3A_102 = arith.constant 0 : i32
      %dma_wait3A_103 = arith.constant 0 : i32
      %dma_wait3A_104 = tpu.memref_slice %arg10[%dma_wait3A_102, %dma_wait3A_103] : memref<10112x128xf32, #tpu.memory_space<vmem_shared>> -> memref<10112x128xf32, #tpu.memory_space<vmem_shared>>
      tpu.wait_indirect_dma semaphore(%arg14 : memref<!tpu.dma_semaphore, #tpu.memory_space<semaphore_mem>>) src(%arg9 : memref<128x128xf32, #tpu.memory_space<vmem>>) dst(%dma_wait3A_104 : memref<10112x128xf32, #tpu.memory_space<vmem_shared>>)
      %while3A_105 = arith.constant 0 : i32
      scf.yield %while3A_105 : i32
    }
    %while3A_36 = arith.constant 1 : i32
    %while3A_37 = scf.for %while3A_39 = %while3A_33 to %while3A_29 step %while3A_36 iter_args(%while3A_40 = %while3A_35) -> (i32)  : i32 {
      %mul3A_41 = arith.constant 16 : i32
      %mul3A_42 = arith.muli %while3A_39, %mul3A_41 : i32
      %add3A_43 = arith.addi %add3A_21, %mul3A_42 : i32
      "tpu.region"() ({
        %run_scoped3A = tpu.sem_alloc : memref<!tpu.dma_semaphore, #tpu.memory_space<semaphore_mem>>
        %dma_start3A_106 = arith.constant 0 : i32
        %dma_start3A_107 = tpu.memref_slice %arg3[%add3A_43, %dma_start3A_106] : memref<2560x128xi32, #tpu.memory_space<hbm>> -> memref<16x128xi32, #tpu.memory_space<hbm>>
        %dma_start3A_108 = arith.constant 0 : i32
        %dma_start3A_109 = tpu.memref_slice %arg3[%add3A_43, %dma_start3A_108] : memref<2560x128xi32, #tpu.memory_space<hbm>> -> memref<16x128xi32, #tpu.memory_space<hbm>>
        tpu.enqueue_dma source(%dma_start3A_109 : memref<16x128xi32, #tpu.memory_space<hbm>>) target(%arg6 : memref<16x128xi32, #tpu.memory_space<vmem>>) target_semaphore(%run_scoped3A : memref<!tpu.dma_semaphore, #tpu.memory_space<semaphore_mem>>)
        %dma_wait3A_110 = arith.constant 0 : i32
        %dma_wait3A_111 = tpu.memref_slice %arg3[%add3A_43, %dma_wait3A_110] : memref<2560x128xi32, #tpu.memory_space<hbm>> -> memref<16x128xi32, #tpu.memory_space<hbm>>
        %dma_wait3A_112 = arith.constant 0 : i32
        %dma_wait3A_113 = tpu.memref_slice %arg3[%add3A_43, %dma_wait3A_112] : memref<2560x128xi32, #tpu.memory_space<hbm>> -> memref<16x128xi32, #tpu.memory_space<hbm>>
        tpu.wait_dma2 semaphore(%run_scoped3A : memref<!tpu.dma_semaphore, #tpu.memory_space<semaphore_mem>>) src(%dma_wait3A_113 : memref<16x128xi32, #tpu.memory_space<hbm>>) dst(%arg6 : memref<16x128xi32, #tpu.memory_space<vmem>>)
        tpu.yield
      }) : () -> ()
      "tpu.region"() ({
        %run_scoped3A = tpu.sem_alloc : memref<!tpu.dma_semaphore, #tpu.memory_space<semaphore_mem>>
        %dma_start3A_106 = arith.constant 0 : i32
        %dma_start3A_107 = tpu.memref_slice %arg4[%add3A_43, %dma_start3A_106] : memref<2560x128xi32, #tpu.memory_space<hbm>> -> memref<16x128xi32, #tpu.memory_space<hbm>>
        %dma_start3A_108 = arith.constant 0 : i32
        %dma_start3A_109 = tpu.memref_slice %arg4[%add3A_43, %dma_start3A_108] : memref<2560x128xi32, #tpu.memory_space<hbm>> -> memref<16x128xi32, #tpu.memory_space<hbm>>
        tpu.enqueue_dma source(%dma_start3A_109 : memref<16x128xi32, #tpu.memory_space<hbm>>) target(%arg7 : memref<16x128xi32, #tpu.memory_space<vmem>>) target_semaphore(%run_scoped3A : memref<!tpu.dma_semaphore, #tpu.memory_space<semaphore_mem>>)
        %dma_wait3A_110 = arith.constant 0 : i32
        %dma_wait3A_111 = tpu.memref_slice %arg4[%add3A_43, %dma_wait3A_110] : memref<2560x128xi32, #tpu.memory_space<hbm>> -> memref<16x128xi32, #tpu.memory_space<hbm>>
        %dma_wait3A_112 = arith.constant 0 : i32
        %dma_wait3A_113 = tpu.memref_slice %arg4[%add3A_43, %dma_wait3A_112] : memref<2560x128xi32, #tpu.memory_space<hbm>> -> memref<16x128xi32, #tpu.memory_space<hbm>>
        tpu.wait_dma2 semaphore(%run_scoped3A : memref<!tpu.dma_semaphore, #tpu.memory_space<semaphore_mem>>) src(%dma_wait3A_113 : memref<16x128xi32, #tpu.memory_space<hbm>>) dst(%arg7 : memref<16x128xi32, #tpu.memory_space<vmem>>)
        tpu.yield
      }) : () -> ()
      %dma_start3A = arith.constant 0 : i32
      %dma_start3A_44 = arith.constant 0 : i32
      %dma_start3A_45 = tpu.memref_slice %arg6[%dma_start3A, %dma_start3A_44] : memref<16x128xi32, #tpu.memory_space<vmem>> -> memref<1x128xi32, #tpu.memory_space<vmem>>
      %dma_start3A_46 = tpu.memref_squeeze %dma_start3A_45 : memref<1x128xi32, #tpu.memory_space<vmem>> -> memref<128xi32, #tpu.memory_space<vmem>>
      %dma_start3A_47 = arith.constant 0 : i32
      %dma_start3A_48 = arith.constant 0 : i32
      %dma_start3A_49 = tpu.memref_slice %arg2[%dma_start3A_47, %dma_start3A_48] : memref<10000x128xf32, #tpu.memory_space<hbm>> -> memref<10000x128xf32, #tpu.memory_space<hbm>>
      tpu.enqueue_indirect_dma source(%dma_start3A_49 : memref<10000x128xf32, #tpu.memory_space<hbm>>) target(%arg8 : memref<128x128xf32, #tpu.memory_space<vmem>>) offsets(%dma_start3A_46 : memref<128xi32, #tpu.memory_space<vmem>>) semaphore(%arg11 : memref<!tpu.dma_semaphore, #tpu.memory_space<semaphore_mem>>)
      %dma_start3A_50 = arith.constant 1 : i32
      %dma_start3A_51 = arith.constant 0 : i32
      %dma_start3A_52 = tpu.memref_slice %arg6[%dma_start3A_50, %dma_start3A_51] : memref<16x128xi32, #tpu.memory_space<vmem>> -> memref<1x128xi32, #tpu.memory_space<vmem>>
      %dma_start3A_53 = tpu.memref_squeeze %dma_start3A_52 : memref<1x128xi32, #tpu.memory_space<vmem>> -> memref<128xi32, #tpu.memory_space<vmem>>
      %dma_start3A_54 = arith.constant 0 : i32
      %dma_start3A_55 = arith.constant 0 : i32
      %dma_start3A_56 = tpu.memref_slice %arg2[%dma_start3A_54, %dma_start3A_55] : memref<10000x128xf32, #tpu.memory_space<hbm>> -> memref<10000x128xf32, #tpu.memory_space<hbm>>
      tpu.enqueue_indirect_dma source(%dma_start3A_56 : memref<10000x128xf32, #tpu.memory_space<hbm>>) target(%arg9 : memref<128x128xf32, #tpu.memory_space<vmem>>) offsets(%dma_start3A_53 : memref<128xi32, #tpu.memory_space<vmem>>) semaphore(%arg12 : memref<!tpu.dma_semaphore, #tpu.memory_space<semaphore_mem>>)
      %scan3A_57 = arith.constant 0 : i32
      %scan3A_58 = arith.constant 0 : i32
      %scan3A_59 = arith.constant 7 : i32
      %scan3A_60 = arith.addi %scan3A_58, %scan3A_59 : i32
      %scan3A_61 = arith.constant 1 : i32
      %scan3A_62 = scf.for %scan3A_106 = %scan3A_58 to %scan3A_60 step %scan3A_61 iter_args(%scan3A_107 = %scan3A_57) -> (i32)  : i32 {
        %mul3A_108 = arith.constant 2 : i32
        %mul3A_109 = arith.muli %scan3A_106, %mul3A_108 : i32
        %add3A_110 = arith.constant 0 : i32
        %add3A_111 = arith.addi %mul3A_109, %add3A_110 : i32
        %dma_wait3A_112 = arith.constant 0 : i32
        %dma_wait3A_113 = tpu.memref_slice %arg6[%add3A_111, %dma_wait3A_112] : memref<16x128xi32, #tpu.memory_space<vmem>> -> memref<1x128xi32, #tpu.memory_space<vmem>>
        %dma_wait3A_114 = tpu.memref_squeeze %dma_wait3A_113 : memref<1x128xi32, #tpu.memory_space<vmem>> -> memref<128xi32, #tpu.memory_space<vmem>>
        %dma_wait3A_115 = arith.constant 0 : i32
        %dma_wait3A_116 = arith.constant 0 : i32
        %dma_wait3A_117 = tpu.memref_slice %arg2[%dma_wait3A_115, %dma_wait3A_116] : memref<10000x128xf32, #tpu.memory_space<hbm>> -> memref<10000x128xf32, #tpu.memory_space<hbm>>
        tpu.wait_indirect_dma semaphore(%arg11 : memref<!tpu.dma_semaphore, #tpu.memory_space<semaphore_mem>>) src(%dma_wait3A_117 : memref<10000x128xf32, #tpu.memory_space<hbm>>) dst(%arg8 : memref<128x128xf32, #tpu.memory_space<vmem>>)
        %dma_start3A_118 = arith.constant 0 : i32
        %dma_start3A_119 = tpu.memref_slice %arg7[%add3A_111, %dma_start3A_118] : memref<16x128xi32, #tpu.memory_space<vmem>> -> memref<1x128xi32, #tpu.memory_space<vmem>>
        %dma_start3A_120 = tpu.memref_squeeze %dma_start3A_119 : memref<1x128xi32, #tpu.memory_space<vmem>> -> memref<128xi32, #tpu.memory_space<vmem>>
        %dma_start3A_121 = arith.constant 0 : i32
        %dma_start3A_122 = arith.constant 0 : i32
        %dma_start3A_123 = tpu.memref_slice %arg10[%dma_start3A_121, %dma_start3A_122] : memref<10112x128xf32, #tpu.memory_space<vmem_shared>> -> memref<10112x128xf32, #tpu.memory_space<vmem_shared>>
        tpu.enqueue_indirect_dma source(%arg8 : memref<128x128xf32, #tpu.memory_space<vmem>>) target(%dma_start3A_123 : memref<10112x128xf32, #tpu.memory_space<vmem_shared>>) offsets(%dma_start3A_120 : memref<128xi32, #tpu.memory_space<vmem>>) semaphore(%arg13 : memref<!tpu.dma_semaphore, #tpu.memory_space<semaphore_mem>>) {add = true}
        %mul3A_124 = arith.constant 2 : i32
        %mul3A_125 = arith.muli %scan3A_106, %mul3A_124 : i32
        %add3A_126 = arith.constant 1 : i32
        %add3A_127 = arith.addi %mul3A_125, %add3A_126 : i32
        %dma_wait3A_128 = arith.constant 0 : i32
        %dma_wait3A_129 = tpu.memref_slice %arg6[%add3A_127, %dma_wait3A_128] : memref<16x128xi32, #tpu.memory_space<vmem>> -> memref<1x128xi32, #tpu.memory_space<vmem>>
        %dma_wait3A_130 = tpu.memref_squeeze %dma_wait3A_129 : memref<1x128xi32, #tpu.memory_space<vmem>> -> memref<128xi32, #tpu.memory_space<vmem>>
        %dma_wait3A_131 = arith.constant 0 : i32
        %dma_wait3A_132 = arith.constant 0 : i32
        %dma_wait3A_133 = tpu.memref_slice %arg2[%dma_wait3A_131, %dma_wait3A_132] : memref<10000x128xf32, #tpu.memory_space<hbm>> -> memref<10000x128xf32, #tpu.memory_space<hbm>>
        tpu.wait_indirect_dma semaphore(%arg12 : memref<!tpu.dma_semaphore, #tpu.memory_space<semaphore_mem>>) src(%dma_wait3A_133 : memref<10000x128xf32, #tpu.memory_space<hbm>>) dst(%arg9 : memref<128x128xf32, #tpu.memory_space<vmem>>)
        %dma_start3A_134 = arith.constant 0 : i32
        %dma_start3A_135 = tpu.memref_slice %arg7[%add3A_127, %dma_start3A_134] : memref<16x128xi32, #tpu.memory_space<vmem>> -> memref<1x128xi32, #tpu.memory_space<vmem>>
        %dma_start3A_136 = tpu.memref_squeeze %dma_start3A_135 : memref<1x128xi32, #tpu.memory_space<vmem>> -> memref<128xi32, #tpu.memory_space<vmem>>
        %dma_start3A_137 = arith.constant 0 : i32
        %dma_start3A_138 = arith.constant 0 : i32
        %dma_start3A_139 = tpu.memref_slice %arg10[%dma_start3A_137, %dma_start3A_138] : memref<10112x128xf32, #tpu.memory_space<vmem_shared>> -> memref<10112x128xf32, #tpu.memory_space<vmem_shared>>
        tpu.enqueue_indirect_dma source(%arg9 : memref<128x128xf32, #tpu.memory_space<vmem>>) target(%dma_start3A_139 : memref<10112x128xf32, #tpu.memory_space<vmem_shared>>) offsets(%dma_start3A_136 : memref<128xi32, #tpu.memory_space<vmem>>) semaphore(%arg14 : memref<!tpu.dma_semaphore, #tpu.memory_space<semaphore_mem>>) {add = true}
        %mul3A_140 = arith.constant 2 : i32
        %mul3A_141 = arith.muli %scan3A_106, %mul3A_140 : i32
        %add3A_142 = arith.constant 0 : i32
        %add3A_143 = arith.addi %mul3A_141, %add3A_142 : i32
        %dma_wait3A_144 = arith.constant 0 : i32
        %dma_wait3A_145 = tpu.memref_slice %arg7[%add3A_143, %dma_wait3A_144] : memref<16x128xi32, #tpu.memory_space<vmem>> -> memref<1x128xi32, #tpu.memory_space<vmem>>
        %dma_wait3A_146 = tpu.memref_squeeze %dma_wait3A_145 : memref<1x128xi32, #tpu.memory_space<vmem>> -> memref<128xi32, #tpu.memory_space<vmem>>
        %dma_wait3A_147 = arith.constant 0 : i32
        %dma_wait3A_148 = arith.constant 0 : i32
        %dma_wait3A_149 = tpu.memref_slice %arg10[%dma_wait3A_147, %dma_wait3A_148] : memref<10112x128xf32, #tpu.memory_space<vmem_shared>> -> memref<10112x128xf32, #tpu.memory_space<vmem_shared>>
        tpu.wait_indirect_dma semaphore(%arg13 : memref<!tpu.dma_semaphore, #tpu.memory_space<semaphore_mem>>) src(%arg8 : memref<128x128xf32, #tpu.memory_space<vmem>>) dst(%dma_wait3A_149 : memref<10112x128xf32, #tpu.memory_space<vmem_shared>>)
        %add3A_150 = arith.constant 2 : i32
        %add3A_151 = arith.addi %add3A_143, %add3A_150 : i32
        %dma_start3A_152 = arith.constant 0 : i32
        %dma_start3A_153 = tpu.memref_slice %arg6[%add3A_151, %dma_start3A_152] : memref<16x128xi32, #tpu.memory_space<vmem>> -> memref<1x128xi32, #tpu.memory_space<vmem>>
        %dma_start3A_154 = tpu.memref_squeeze %dma_start3A_153 : memref<1x128xi32, #tpu.memory_space<vmem>> -> memref<128xi32, #tpu.memory_space<vmem>>
        %dma_start3A_155 = arith.constant 0 : i32
        %dma_start3A_156 = arith.constant 0 : i32
        %dma_start3A_157 = tpu.memref_slice %arg2[%dma_start3A_155, %dma_start3A_156] : memref<10000x128xf32, #tpu.memory_space<hbm>> -> memref<10000x128xf32, #tpu.memory_space<hbm>>
        tpu.enqueue_indirect_dma source(%dma_start3A_157 : memref<10000x128xf32, #tpu.memory_space<hbm>>) target(%arg8 : memref<128x128xf32, #tpu.memory_space<vmem>>) offsets(%dma_start3A_154 : memref<128xi32, #tpu.memory_space<vmem>>) semaphore(%arg11 : memref<!tpu.dma_semaphore, #tpu.memory_space<semaphore_mem>>)
        %mul3A_158 = arith.constant 2 : i32
        %mul3A_159 = arith.muli %scan3A_106, %mul3A_158 : i32
        %add3A_160 = arith.constant 1 : i32
        %add3A_161 = arith.addi %mul3A_159, %add3A_160 : i32
        %dma_wait3A_162 = arith.constant 0 : i32
        %dma_wait3A_163 = tpu.memref_slice %arg7[%add3A_161, %dma_wait3A_162] : memref<16x128xi32, #tpu.memory_space<vmem>> -> memref<1x128xi32, #tpu.memory_space<vmem>>
        %dma_wait3A_164 = tpu.memref_squeeze %dma_wait3A_163 : memref<1x128xi32, #tpu.memory_space<vmem>> -> memref<128xi32, #tpu.memory_space<vmem>>
        %dma_wait3A_165 = arith.constant 0 : i32
        %dma_wait3A_166 = arith.constant 0 : i32
        %dma_wait3A_167 = tpu.memref_slice %arg10[%dma_wait3A_165, %dma_wait3A_166] : memref<10112x128xf32, #tpu.memory_space<vmem_shared>> -> memref<10112x128xf32, #tpu.memory_space<vmem_shared>>
        tpu.wait_indirect_dma semaphore(%arg14 : memref<!tpu.dma_semaphore, #tpu.memory_space<semaphore_mem>>) src(%arg9 : memref<128x128xf32, #tpu.memory_space<vmem>>) dst(%dma_wait3A_167 : memref<10112x128xf32, #tpu.memory_space<vmem_shared>>)
        %add3A_168 = arith.constant 2 : i32
        %add3A_169 = arith.addi %add3A_161, %add3A_168 : i32
        %dma_start3A_170 = arith.constant 0 : i32
        %dma_start3A_171 = tpu.memref_slice %arg6[%add3A_169, %dma_start3A_170] : memref<16x128xi32, #tpu.memory_space<vmem>> -> memref<1x128xi32, #tpu.memory_space<vmem>>
        %dma_start3A_172 = tpu.memref_squeeze %dma_start3A_171 : memref<1x128xi32, #tpu.memory_space<vmem>> -> memref<128xi32, #tpu.memory_space<vmem>>
        %dma_start3A_173 = arith.constant 0 : i32
        %dma_start3A_174 = arith.constant 0 : i32
        %dma_start3A_175 = tpu.memref_slice %arg2[%dma_start3A_173, %dma_start3A_174] : memref<10000x128xf32, #tpu.memory_space<hbm>> -> memref<10000x128xf32, #tpu.memory_space<hbm>>
        tpu.enqueue_indirect_dma source(%dma_start3A_175 : memref<10000x128xf32, #tpu.memory_space<hbm>>) target(%arg9 : memref<128x128xf32, #tpu.memory_space<vmem>>) offsets(%dma_start3A_172 : memref<128xi32, #tpu.memory_space<vmem>>) semaphore(%arg12 : memref<!tpu.dma_semaphore, #tpu.memory_space<semaphore_mem>>)
        %scan3A_176 = arith.constant 0 : i32
        scf.yield %scan3A_176 : i32
      }
      %scan3A_63 = arith.constant 7 : i32
      %dma_wait3A = arith.constant 14 : i32
      %dma_wait3A_64 = arith.constant 0 : i32
      %dma_wait3A_65 = tpu.memref_slice %arg6[%dma_wait3A, %dma_wait3A_64] : memref<16x128xi32, #tpu.memory_space<vmem>> -> memref<1x128xi32, #tpu.memory_space<vmem>>
      %dma_wait3A_66 = tpu.memref_squeeze %dma_wait3A_65 : memref<1x128xi32, #tpu.memory_space<vmem>> -> memref<128xi32, #tpu.memory_space<vmem>>
      %dma_wait3A_67 = arith.constant 0 : i32
      %dma_wait3A_68 = arith.constant 0 : i32
      %dma_wait3A_69 = tpu.memref_slice %arg2[%dma_wait3A_67, %dma_wait3A_68] : memref<10000x128xf32, #tpu.memory_space<hbm>> -> memref<10000x128xf32, #tpu.memory_space<hbm>>
      tpu.wait_indirect_dma semaphore(%arg11 : memref<!tpu.dma_semaphore, #tpu.memory_space<semaphore_mem>>) src(%dma_wait3A_69 : memref<10000x128xf32, #tpu.memory_space<hbm>>) dst(%arg8 : memref<128x128xf32, #tpu.memory_space<vmem>>)
      %dma_start3A_70 = arith.constant 14 : i32
      %dma_start3A_71 = arith.constant 0 : i32
      %dma_start3A_72 = tpu.memref_slice %arg7[%dma_start3A_70, %dma_start3A_71] : memref<16x128xi32, #tpu.memory_space<vmem>> -> memref<1x128xi32, #tpu.memory_space<vmem>>
      %dma_start3A_73 = tpu.memref_squeeze %dma_start3A_72 : memref<1x128xi32, #tpu.memory_space<vmem>> -> memref<128xi32, #tpu.memory_space<vmem>>
      %dma_start3A_74 = arith.constant 0 : i32
      %dma_start3A_75 = arith.constant 0 : i32
      %dma_start3A_76 = tpu.memref_slice %arg10[%dma_start3A_74, %dma_start3A_75] : memref<10112x128xf32, #tpu.memory_space<vmem_shared>> -> memref<10112x128xf32, #tpu.memory_space<vmem_shared>>
      tpu.enqueue_indirect_dma source(%arg8 : memref<128x128xf32, #tpu.memory_space<vmem>>) target(%dma_start3A_76 : memref<10112x128xf32, #tpu.memory_space<vmem_shared>>) offsets(%dma_start3A_73 : memref<128xi32, #tpu.memory_space<vmem>>) semaphore(%arg13 : memref<!tpu.dma_semaphore, #tpu.memory_space<semaphore_mem>>) {add = true}
      %dma_wait3A_77 = arith.constant 15 : i32
      %dma_wait3A_78 = arith.constant 0 : i32
      %dma_wait3A_79 = tpu.memref_slice %arg6[%dma_wait3A_77, %dma_wait3A_78] : memref<16x128xi32, #tpu.memory_space<vmem>> -> memref<1x128xi32, #tpu.memory_space<vmem>>
      %dma_wait3A_80 = tpu.memref_squeeze %dma_wait3A_79 : memref<1x128xi32, #tpu.memory_space<vmem>> -> memref<128xi32, #tpu.memory_space<vmem>>
      %dma_wait3A_81 = arith.constant 0 : i32
      %dma_wait3A_82 = arith.constant 0 : i32
      %dma_wait3A_83 = tpu.memref_slice %arg2[%dma_wait3A_81, %dma_wait3A_82] : memref<10000x128xf32, #tpu.memory_space<hbm>> -> memref<10000x128xf32, #tpu.memory_space<hbm>>
      tpu.wait_indirect_dma semaphore(%arg12 : memref<!tpu.dma_semaphore, #tpu.memory_space<semaphore_mem>>) src(%dma_wait3A_83 : memref<10000x128xf32, #tpu.memory_space<hbm>>) dst(%arg9 : memref<128x128xf32, #tpu.memory_space<vmem>>)
      %dma_start3A_84 = arith.constant 15 : i32
      %dma_start3A_85 = arith.constant 0 : i32
      %dma_start3A_86 = tpu.memref_slice %arg7[%dma_start3A_84, %dma_start3A_85] : memref<16x128xi32, #tpu.memory_space<vmem>> -> memref<1x128xi32, #tpu.memory_space<vmem>>
      %dma_start3A_87 = tpu.memref_squeeze %dma_start3A_86 : memref<1x128xi32, #tpu.memory_space<vmem>> -> memref<128xi32, #tpu.memory_space<vmem>>
      %dma_start3A_88 = arith.constant 0 : i32
      %dma_start3A_89 = arith.constant 0 : i32
      %dma_start3A_90 = tpu.memref_slice %arg10[%dma_start3A_88, %dma_start3A_89] : memref<10112x128xf32, #tpu.memory_space<vmem_shared>> -> memref<10112x128xf32, #tpu.memory_space<vmem_shared>>
      tpu.enqueue_indirect_dma source(%arg9 : memref<128x128xf32, #tpu.memory_space<vmem>>) target(%dma_start3A_90 : memref<10112x128xf32, #tpu.memory_space<vmem_shared>>) offsets(%dma_start3A_87 : memref<128xi32, #tpu.memory_space<vmem>>) semaphore(%arg14 : memref<!tpu.dma_semaphore, #tpu.memory_space<semaphore_mem>>) {add = true}
      %dma_wait3A_91 = arith.constant 14 : i32
      %dma_wait3A_92 = arith.constant 0 : i32
      %dma_wait3A_93 = tpu.memref_slice %arg7[%dma_wait3A_91, %dma_wait3A_92] : memref<16x128xi32, #tpu.memory_space<vmem>> -> memref<1x128xi32, #tpu.memory_space<vmem>>
      %dma_wait3A_94 = tpu.memref_squeeze %dma_wait3A_93 : memref<1x128xi32, #tpu.memory_space<vmem>> -> memref<128xi32, #tpu.memory_space<vmem>>
      %dma_wait3A_95 = arith.constant 0 : i32
      %dma_wait3A_96 = arith.constant 0 : i32
      %dma_wait3A_97 = tpu.memref_slice %arg10[%dma_wait3A_95, %dma_wait3A_96] : memref<10112x128xf32, #tpu.memory_space<vmem_shared>> -> memref<10112x128xf32, #tpu.memory_space<vmem_shared>>
      tpu.wait_indirect_dma semaphore(%arg13 : memref<!tpu.dma_semaphore, #tpu.memory_space<semaphore_mem>>) src(%arg8 : memref<128x128xf32, #tpu.memory_space<vmem>>) dst(%dma_wait3A_97 : memref<10112x128xf32, #tpu.memory_space<vmem_shared>>)
      %dma_wait3A_98 = arith.constant 15 : i32
      %dma_wait3A_99 = arith.constant 0 : i32
      %dma_wait3A_100 = tpu.memref_slice %arg7[%dma_wait3A_98, %dma_wait3A_99] : memref<16x128xi32, #tpu.memory_space<vmem>> -> memref<1x128xi32, #tpu.memory_space<vmem>>
      %dma_wait3A_101 = tpu.memref_squeeze %dma_wait3A_100 : memref<1x128xi32, #tpu.memory_space<vmem>> -> memref<128xi32, #tpu.memory_space<vmem>>
      %dma_wait3A_102 = arith.constant 0 : i32
      %dma_wait3A_103 = arith.constant 0 : i32
      %dma_wait3A_104 = tpu.memref_slice %arg10[%dma_wait3A_102, %dma_wait3A_103] : memref<10112x128xf32, #tpu.memory_space<vmem_shared>> -> memref<10112x128xf32, #tpu.memory_space<vmem_shared>>
      tpu.wait_indirect_dma semaphore(%arg14 : memref<!tpu.dma_semaphore, #tpu.memory_space<semaphore_mem>>) src(%arg9 : memref<128x128xf32, #tpu.memory_space<vmem>>) dst(%dma_wait3A_104 : memref<10112x128xf32, #tpu.memory_space<vmem_shared>>)
      %while3A_105 = arith.constant 0 : i32
      scf.yield %while3A_105 : i32
    }
    %barrier3A_38 = arith.constant 0 : index
    tpu.barrier barrier_id(%barrier3A_38)
    "tpu.region"() ({
      %run_scoped3A = tpu.sem_alloc : memref<!tpu.dma_semaphore, #tpu.memory_space<semaphore_mem>>
      %dma_start3A = arith.constant 0 : i32
      %dma_start3A_39 = tpu.memref_slice %arg5[%arg0, %mul3A_0, %dma_start3A] : memref<2x10112x128xf32, #tpu.memory_space<hbm>> -> memref<1x632x128xf32, #tpu.memory_space<hbm>>
      %dma_start3A_40 = tpu.memref_squeeze %dma_start3A_39 : memref<1x632x128xf32, #tpu.memory_space<hbm>> -> memref<632x128xf32, #tpu.memory_space<hbm>>
      %dma_start3A_41 = arith.constant 0 : i32
      %dma_start3A_42 = tpu.memref_slice %arg10[%mul3A_0, %dma_start3A_41] : memref<10112x128xf32, #tpu.memory_space<vmem_shared>> -> memref<632x128xf32, #tpu.memory_space<vmem_shared>>
      tpu.enqueue_dma source(%dma_start3A_42 : memref<632x128xf32, #tpu.memory_space<vmem_shared>>) target(%dma_start3A_40 : memref<632x128xf32, #tpu.memory_space<hbm>>) target_semaphore(%run_scoped3A : memref<!tpu.dma_semaphore, #tpu.memory_space<semaphore_mem>>)
      %dma_wait3A = arith.constant 0 : i32
      %dma_wait3A_43 = tpu.memref_slice %arg5[%arg0, %mul3A_0, %dma_wait3A] : memref<2x10112x128xf32, #tpu.memory_space<hbm>> -> memref<1x632x128xf32, #tpu.memory_space<hbm>>
      %dma_wait3A_44 = tpu.memref_squeeze %dma_wait3A_43 : memref<1x632x128xf32, #tpu.memory_space<hbm>> -> memref<632x128xf32, #tpu.memory_space<hbm>>
      %dma_wait3A_45 = arith.constant 0 : i32
      %dma_wait3A_46 = tpu.memref_slice %arg10[%mul3A_0, %dma_wait3A_45] : memref<10112x128xf32, #tpu.memory_space<vmem_shared>> -> memref<632x128xf32, #tpu.memory_space<vmem_shared>>
      tpu.wait_dma2 semaphore(%run_scoped3A : memref<!tpu.dma_semaphore, #tpu.memory_space<semaphore_mem>>) src(%dma_wait3A_46 : memref<632x128xf32, #tpu.memory_space<vmem_shared>>) dst(%dma_wait3A_44 : memref<632x128xf32, #tpu.memory_space<hbm>>)
      tpu.yield
    }) : () -> ()
    return
  }
}

#map = affine_map<(d0, d1) -> (0, 0)>
#map1 = affine_map<(d0, d1) -> (0, 0, 0)>
module attributes {stable_mosaic.version = 14 : i64} {
  func.func @_sc_agg_body(%arg0: i32, %arg1: i32, %arg2: memref<10000x128xf32, #tpu.memory_space<hbm>>, %arg3: memref<2560x128xi32, #tpu.memory_space<hbm>>, %arg4: memref<2560x128xi32, #tpu.memory_space<hbm>>, %arg5: memref<2x10112x128xf32, #tpu.memory_space<hbm>>, %arg6: memref<16x128xi32, #tpu.memory_space<vmem>>, %arg7: memref<16x128xi32, #tpu.memory_space<vmem>>, %arg8: memref<128x128xf32, #tpu.memory_space<vmem>>, %arg9: memref<128x128xf32, #tpu.memory_space<vmem>>, %arg10: memref<10112x128xf32, #tpu.memory_space<vmem_shared>>, %arg11: memref<!tpu.dma_semaphore, #tpu.memory_space<semaphore_mem>>, %arg12: memref<!tpu.dma_semaphore, #tpu.memory_space<semaphore_mem>>, %arg13: memref<!tpu.dma_semaphore, #tpu.memory_space<semaphore_mem>>, %arg14: memref<!tpu.dma_semaphore, #tpu.memory_space<semaphore_mem>>) attributes {dimension_semantics = [#tpu.dimension_semantics<core_parallel>, #tpu.dimension_semantics<subcore_parallel>], iteration_bounds = array<i64: 2, 16>, scalar_prefetch = 0 : i64, scratch_operands = 9 : i64, tpu.core_type = #tpu.core_type<sc_vector_subcore>, window_params = [{transform_indices = #map}, {transform_indices = #map}, {transform_indices = #map}, {transform_indices = #map1}]} {
    %mul3A = arith.constant 632 : i32
    %mul3A_0 = arith.muli %arg1, %mul3A : i32
    %broadcast_in_dim3A = arith.constant 0.000000e+00 : f32
    %broadcast_in_dim3A_1 = vector.broadcast %broadcast_in_dim3A : f32 to vector<16xf32>
    %scan3A = arith.constant 0 : i32
    %scan3A_2 = arith.constant 0 : i32
    %scan3A_3 = arith.constant 128 : i32
    %scan3A_4 = arith.addi %scan3A_2, %scan3A_3 : i32
    %scan3A_5 = arith.constant 1 : i32
    %scan3A_6 = scf.for %scan3A_39 = %scan3A_2 to %scan3A_4 step %scan3A_5 iter_args(%scan3A_40 = %scan3A) -> (i32)  : i32 {
      %swap3A = arith.index_cast %scan3A_39 : i32 to index
      %swap3A_41 = arith.constant 0 : index
      %swap3A_42 = tpu.vector_load %arg8[%swap3A, %swap3A_41] {strides = array<i32>} : memref<128x128xf32, #tpu.memory_space<vmem>>, vector<1x16xf32>,
      %swap3A_43 = vector.shape_cast %swap3A_42 : vector<1x16xf32> to vector<16xf32>
      %swap3A_44 = vector.shape_cast %broadcast_in_dim3A_1 : vector<16xf32> to vector<1x16xf32>
      tpu.vector_store %arg8[%swap3A, %swap3A_41], %swap3A_44 {strides = array<i32>} : memref<128x128xf32, #tpu.memory_space<vmem>>, vector<1x16xf32>,
      %swap3A_45 = arith.index_cast %scan3A_39 : i32 to index
      %swap3A_46 = arith.constant 16 : index
      %swap3A_47 = tpu.vector_load %arg8[%swap3A_45, %swap3A_46] {strides = array<i32>} : memref<128x128xf32, #tpu.memory_space<vmem>>, vector<1x16xf32>,
      %swap3A_48 = vector.shape_cast %swap3A_47 : vector<1x16xf32> to vector<16xf32>
      %swap3A_49 = vector.shape_cast %broadcast_in_dim3A_1 : vector<16xf32> to vector<1x16xf32>
      tpu.vector_store %arg8[%swap3A_45, %swap3A_46], %swap3A_49 {strides = array<i32>} : memref<128x128xf32, #tpu.memory_space<vmem>>, vector<1x16xf32>,
      %swap3A_50 = arith.index_cast %scan3A_39 : i32 to index
      %swap3A_51 = arith.constant 32 : index
      %swap3A_52 = tpu.vector_load %arg8[%swap3A_50, %swap3A_51] {strides = array<i32>} : memref<128x128xf32, #tpu.memory_space<vmem>>, vector<1x16xf32>,
      %swap3A_53 = vector.shape_cast %swap3A_52 : vector<1x16xf32> to vector<16xf32>
      %swap3A_54 = vector.shape_cast %broadcast_in_dim3A_1 : vector<16xf32> to vector<1x16xf32>
      tpu.vector_store %arg8[%swap3A_50, %swap3A_51], %swap3A_54 {strides = array<i32>} : memref<128x128xf32, #tpu.memory_space<vmem>>, vector<1x16xf32>,
      %swap3A_55 = arith.index_cast %scan3A_39 : i32 to index
      %swap3A_56 = arith.constant 48 : index
      %swap3A_57 = tpu.vector_load %arg8[%swap3A_55, %swap3A_56] {strides = array<i32>} : memref<128x128xf32, #tpu.memory_space<vmem>>, vector<1x16xf32>,
      %swap3A_58 = vector.shape_cast %swap3A_57 : vector<1x16xf32> to vector<16xf32>
      %swap3A_59 = vector.shape_cast %broadcast_in_dim3A_1 : vector<16xf32> to vector<1x16xf32>
      tpu.vector_store %arg8[%swap3A_55, %swap3A_56], %swap3A_59 {strides = array<i32>} : memref<128x128xf32, #tpu.memory_space<vmem>>, vector<1x16xf32>,
      %swap3A_60 = arith.index_cast %scan3A_39 : i32 to index
      %swap3A_61 = arith.constant 64 : index
      %swap3A_62 = tpu.vector_load %arg8[%swap3A_60, %swap3A_61] {strides = array<i32>} : memref<128x128xf32, #tpu.memory_space<vmem>>, vector<1x16xf32>,
      %swap3A_63 = vector.shape_cast %swap3A_62 : vector<1x16xf32> to vector<16xf32>
      %swap3A_64 = vector.shape_cast %broadcast_in_dim3A_1 : vector<16xf32> to vector<1x16xf32>
      tpu.vector_store %arg8[%swap3A_60, %swap3A_61], %swap3A_64 {strides = array<i32>} : memref<128x128xf32, #tpu.memory_space<vmem>>, vector<1x16xf32>,
      %swap3A_65 = arith.index_cast %scan3A_39 : i32 to index
      %swap3A_66 = arith.constant 80 : index
      %swap3A_67 = tpu.vector_load %arg8[%swap3A_65, %swap3A_66] {strides = array<i32>} : memref<128x128xf32, #tpu.memory_space<vmem>>, vector<1x16xf32>,
      %swap3A_68 = vector.shape_cast %swap3A_67 : vector<1x16xf32> to vector<16xf32>
      %swap3A_69 = vector.shape_cast %broadcast_in_dim3A_1 : vector<16xf32> to vector<1x16xf32>
      tpu.vector_store %arg8[%swap3A_65, %swap3A_66], %swap3A_69 {strides = array<i32>} : memref<128x128xf32, #tpu.memory_space<vmem>>, vector<1x16xf32>,
      %swap3A_70 = arith.index_cast %scan3A_39 : i32 to index
      %swap3A_71 = arith.constant 96 : index
      %swap3A_72 = tpu.vector_load %arg8[%swap3A_70, %swap3A_71] {strides = array<i32>} : memref<128x128xf32, #tpu.memory_space<vmem>>, vector<1x16xf32>,
      %swap3A_73 = vector.shape_cast %swap3A_72 : vector<1x16xf32> to vector<16xf32>
      %swap3A_74 = vector.shape_cast %broadcast_in_dim3A_1 : vector<16xf32> to vector<1x16xf32>
      tpu.vector_store %arg8[%swap3A_70, %swap3A_71], %swap3A_74 {strides = array<i32>} : memref<128x128xf32, #tpu.memory_space<vmem>>, vector<1x16xf32>,
      %swap3A_75 = arith.index_cast %scan3A_39 : i32 to index
      %swap3A_76 = arith.constant 112 : index
      %swap3A_77 = tpu.vector_load %arg8[%swap3A_75, %swap3A_76] {strides = array<i32>} : memref<128x128xf32, #tpu.memory_space<vmem>>, vector<1x16xf32>,
      %swap3A_78 = vector.shape_cast %swap3A_77 : vector<1x16xf32> to vector<16xf32>
      %swap3A_79 = vector.shape_cast %broadcast_in_dim3A_1 : vector<16xf32> to vector<1x16xf32>
      tpu.vector_store %arg8[%swap3A_75, %swap3A_76], %swap3A_79 {strides = array<i32>} : memref<128x128xf32, #tpu.memory_space<vmem>>, vector<1x16xf32>,
      %scan3A_80 = arith.constant 0 : i32
      scf.yield %scan3A_80 : i32
    }
    %scan3A_7 = arith.constant 128 : i32
    %add3A = arith.constant 0 : i32
    %add3A_8 = arith.addi %mul3A_0, %add3A : i32
    "tpu.region"() ({
      %run_scoped3A = tpu.sem_alloc : memref<!tpu.dma_semaphore, #tpu.memory_space<semaphore_mem>>
      %dma_start3A = arith.constant 0 : i32
      %dma_start3A_39 = arith.constant 0 : i32
      %dma_start3A_40 = tpu.memref_slice %arg8[%dma_start3A, %dma_start3A_39] : memref<128x128xf32, #tpu.memory_space<vmem>> -> memref<128x128xf32, #tpu.memory_space<vmem>>
      %dma_start3A_41 = arith.constant 0 : i32
      %dma_start3A_42 = tpu.memref_slice %arg10[%add3A_8, %dma_start3A_41] : memref<10112x128xf32, #tpu.memory_space<vmem_shared>> -> memref<128x128xf32, #tpu.memory_space<vmem_shared>>
      %dma_start3A_43 = arith.constant 0 : i32
      %dma_start3A_44 = tpu.memref_slice %arg10[%add3A_8, %dma_start3A_43] : memref<10112x128xf32, #tpu.memory_space<vmem_shared>> -> memref<128x128xf32, #tpu.memory_space<vmem_shared>>
      %dma_start3A_45 = arith.constant 0 : i32
      %dma_start3A_46 = arith.constant 0 : i32
      %dma_start3A_47 = tpu.memref_slice %arg8[%dma_start3A_45, %dma_start3A_46] : memref<128x128xf32, #tpu.memory_space<vmem>> -> memref<128x128xf32, #tpu.memory_space<vmem>>
      tpu.enqueue_dma source(%dma_start3A_47 : memref<128x128xf32, #tpu.memory_space<vmem>>) target(%dma_start3A_44 : memref<128x128xf32, #tpu.memory_space<vmem_shared>>) target_semaphore(%run_scoped3A : memref<!tpu.dma_semaphore, #tpu.memory_space<semaphore_mem>>)
      %dma_wait3A = arith.constant 0 : i32
      %dma_wait3A_48 = arith.constant 0 : i32
      %dma_wait3A_49 = tpu.memref_slice %arg8[%dma_wait3A, %dma_wait3A_48] : memref<128x128xf32, #tpu.memory_space<vmem>> -> memref<128x128xf32, #tpu.memory_space<vmem>>
      %dma_wait3A_50 = arith.constant 0 : i32
      %dma_wait3A_51 = tpu.memref_slice %arg10[%add3A_8, %dma_wait3A_50] : memref<10112x128xf32, #tpu.memory_space<vmem_shared>> -> memref<128x128xf32, #tpu.memory_space<vmem_shared>>
      %dma_wait3A_52 = arith.constant 0 : i32
      %dma_wait3A_53 = tpu.memref_slice %arg10[%add3A_8, %dma_wait3A_52] : memref<10112x128xf32, #tpu.memory_space<vmem_shared>> -> memref<128x128xf32, #tpu.memory_space<vmem_shared>>
      %dma_wait3A_54 = arith.constant 0 : i32
      %dma_wait3A_55 = arith.constant 0 : i32
      %dma_wait3A_56 = tpu.memref_slice %arg8[%dma_wait3A_54, %dma_wait3A_55] : memref<128x128xf32, #tpu.memory_space<vmem>> -> memref<128x128xf32, #tpu.memory_space<vmem>>
      tpu.wait_dma2 semaphore(%run_scoped3A : memref<!tpu.dma_semaphore, #tpu.memory_space<semaphore_mem>>) src(%dma_wait3A_56 : memref<128x128xf32, #tpu.memory_space<vmem>>) dst(%dma_wait3A_53 : memref<128x128xf32, #tpu.memory_space<vmem_shared>>)
      tpu.yield
    }) : () -> ()
    %add3A_9 = arith.constant 128 : i32
    %add3A_10 = arith.addi %mul3A_0, %add3A_9 : i32
    "tpu.region"() ({
      %run_scoped3A = tpu.sem_alloc : memref<!tpu.dma_semaphore, #tpu.memory_space<semaphore_mem>>
      %dma_start3A = arith.constant 0 : i32
      %dma_start3A_39 = arith.constant 0 : i32
      %dma_start3A_40 = tpu.memref_slice %arg8[%dma_start3A, %dma_start3A_39] : memref<128x128xf32, #tpu.memory_space<vmem>> -> memref<128x128xf32, #tpu.memory_space<vmem>>
      %dma_start3A_41 = arith.constant 0 : i32
      %dma_start3A_42 = tpu.memref_slice %arg10[%add3A_10, %dma_start3A_41] : memref<10112x128xf32, #tpu.memory_space<vmem_shared>> -> memref<128x128xf32, #tpu.memory_space<vmem_shared>>
      %dma_start3A_43 = arith.constant 0 : i32
      %dma_start3A_44 = tpu.memref_slice %arg10[%add3A_10, %dma_start3A_43] : memref<10112x128xf32, #tpu.memory_space<vmem_shared>> -> memref<128x128xf32, #tpu.memory_space<vmem_shared>>
      %dma_start3A_45 = arith.constant 0 : i32
      %dma_start3A_46 = arith.constant 0 : i32
      %dma_start3A_47 = tpu.memref_slice %arg8[%dma_start3A_45, %dma_start3A_46] : memref<128x128xf32, #tpu.memory_space<vmem>> -> memref<128x128xf32, #tpu.memory_space<vmem>>
      tpu.enqueue_dma source(%dma_start3A_47 : memref<128x128xf32, #tpu.memory_space<vmem>>) target(%dma_start3A_44 : memref<128x128xf32, #tpu.memory_space<vmem_shared>>) target_semaphore(%run_scoped3A : memref<!tpu.dma_semaphore, #tpu.memory_space<semaphore_mem>>)
      %dma_wait3A = arith.constant 0 : i32
      %dma_wait3A_48 = arith.constant 0 : i32
      %dma_wait3A_49 = tpu.memref_slice %arg8[%dma_wait3A, %dma_wait3A_48] : memref<128x128xf32, #tpu.memory_space<vmem>> -> memref<128x128xf32, #tpu.memory_space<vmem>>
      %dma_wait3A_50 = arith.constant 0 : i32
      %dma_wait3A_51 = tpu.memref_slice %arg10[%add3A_10, %dma_wait3A_50] : memref<10112x128xf32, #tpu.memory_space<vmem_shared>> -> memref<128x128xf32, #tpu.memory_space<vmem_shared>>
      %dma_wait3A_52 = arith.constant 0 : i32
      %dma_wait3A_53 = tpu.memref_slice %arg10[%add3A_10, %dma_wait3A_52] : memref<10112x128xf32, #tpu.memory_space<vmem_shared>> -> memref<128x128xf32, #tpu.memory_space<vmem_shared>>
      %dma_wait3A_54 = arith.constant 0 : i32
      %dma_wait3A_55 = arith.constant 0 : i32
      %dma_wait3A_56 = tpu.memref_slice %arg8[%dma_wait3A_54, %dma_wait3A_55] : memref<128x128xf32, #tpu.memory_space<vmem>> -> memref<128x128xf32, #tpu.memory_space<vmem>>
      tpu.wait_dma2 semaphore(%run_scoped3A : memref<!tpu.dma_semaphore, #tpu.memory_space<semaphore_mem>>) src(%dma_wait3A_56 : memref<128x128xf32, #tpu.memory_space<vmem>>) dst(%dma_wait3A_53 : memref<128x128xf32, #tpu.memory_space<vmem_shared>>)
      tpu.yield
    }) : () -> ()
    %add3A_11 = arith.constant 256 : i32
    %add3A_12 = arith.addi %mul3A_0, %add3A_11 : i32
    "tpu.region"() ({
      %run_scoped3A = tpu.sem_alloc : memref<!tpu.dma_semaphore, #tpu.memory_space<semaphore_mem>>
      %dma_start3A = arith.constant 0 : i32
      %dma_start3A_39 = arith.constant 0 : i32
      %dma_start3A_40 = tpu.memref_slice %arg8[%dma_start3A, %dma_start3A_39] : memref<128x128xf32, #tpu.memory_space<vmem>> -> memref<128x128xf32, #tpu.memory_space<vmem>>
      %dma_start3A_41 = arith.constant 0 : i32
      %dma_start3A_42 = tpu.memref_slice %arg10[%add3A_12, %dma_start3A_41] : memref<10112x128xf32, #tpu.memory_space<vmem_shared>> -> memref<128x128xf32, #tpu.memory_space<vmem_shared>>
      %dma_start3A_43 = arith.constant 0 : i32
      %dma_start3A_44 = tpu.memref_slice %arg10[%add3A_12, %dma_start3A_43] : memref<10112x128xf32, #tpu.memory_space<vmem_shared>> -> memref<128x128xf32, #tpu.memory_space<vmem_shared>>
      %dma_start3A_45 = arith.constant 0 : i32
      %dma_start3A_46 = arith.constant 0 : i32
      %dma_start3A_47 = tpu.memref_slice %arg8[%dma_start3A_45, %dma_start3A_46] : memref<128x128xf32, #tpu.memory_space<vmem>> -> memref<128x128xf32, #tpu.memory_space<vmem>>
      tpu.enqueue_dma source(%dma_start3A_47 : memref<128x128xf32, #tpu.memory_space<vmem>>) target(%dma_start3A_44 : memref<128x128xf32, #tpu.memory_space<vmem_shared>>) target_semaphore(%run_scoped3A : memref<!tpu.dma_semaphore, #tpu.memory_space<semaphore_mem>>)
      %dma_wait3A = arith.constant 0 : i32
      %dma_wait3A_48 = arith.constant 0 : i32
      %dma_wait3A_49 = tpu.memref_slice %arg8[%dma_wait3A, %dma_wait3A_48] : memref<128x128xf32, #tpu.memory_space<vmem>> -> memref<128x128xf32, #tpu.memory_space<vmem>>
      %dma_wait3A_50 = arith.constant 0 : i32
      %dma_wait3A_51 = tpu.memref_slice %arg10[%add3A_12, %dma_wait3A_50] : memref<10112x128xf32, #tpu.memory_space<vmem_shared>> -> memref<128x128xf32, #tpu.memory_space<vmem_shared>>
      %dma_wait3A_52 = arith.constant 0 : i32
      %dma_wait3A_53 = tpu.memref_slice %arg10[%add3A_12, %dma_wait3A_52] : memref<10112x128xf32, #tpu.memory_space<vmem_shared>> -> memref<128x128xf32, #tpu.memory_space<vmem_shared>>
      %dma_wait3A_54 = arith.constant 0 : i32
      %dma_wait3A_55 = arith.constant 0 : i32
      %dma_wait3A_56 = tpu.memref_slice %arg8[%dma_wait3A_54, %dma_wait3A_55] : memref<128x128xf32, #tpu.memory_space<vmem>> -> memref<128x128xf32, #tpu.memory_space<vmem>>
      tpu.wait_dma2 semaphore(%run_scoped3A : memref<!tpu.dma_semaphore, #tpu.memory_space<semaphore_mem>>) src(%dma_wait3A_56 : memref<128x128xf32, #tpu.memory_space<vmem>>) dst(%dma_wait3A_53 : memref<128x128xf32, #tpu.memory_space<vmem_shared>>)
      tpu.yield
    }) : () -> ()
    %add3A_13 = arith.constant 384 : i32
    %add3A_14 = arith.addi %mul3A_0, %add3A_13 : i32
    "tpu.region"() ({
      %run_scoped3A = tpu.sem_alloc : memref<!tpu.dma_semaphore, #tpu.memory_space<semaphore_mem>>
      %dma_start3A = arith.constant 0 : i32
      %dma_start3A_39 = arith.constant 0 : i32
      %dma_start3A_40 = tpu.memref_slice %arg8[%dma_start3A, %dma_start3A_39] : memref<128x128xf32, #tpu.memory_space<vmem>> -> memref<128x128xf32, #tpu.memory_space<vmem>>
      %dma_start3A_41 = arith.constant 0 : i32
      %dma_start3A_42 = tpu.memref_slice %arg10[%add3A_14, %dma_start3A_41] : memref<10112x128xf32, #tpu.memory_space<vmem_shared>> -> memref<128x128xf32, #tpu.memory_space<vmem_shared>>
      %dma_start3A_43 = arith.constant 0 : i32
      %dma_start3A_44 = tpu.memref_slice %arg10[%add3A_14, %dma_start3A_43] : memref<10112x128xf32, #tpu.memory_space<vmem_shared>> -> memref<128x128xf32, #tpu.memory_space<vmem_shared>>
      %dma_start3A_45 = arith.constant 0 : i32
      %dma_start3A_46 = arith.constant 0 : i32
      %dma_start3A_47 = tpu.memref_slice %arg8[%dma_start3A_45, %dma_start3A_46] : memref<128x128xf32, #tpu.memory_space<vmem>> -> memref<128x128xf32, #tpu.memory_space<vmem>>
      tpu.enqueue_dma source(%dma_start3A_47 : memref<128x128xf32, #tpu.memory_space<vmem>>) target(%dma_start3A_44 : memref<128x128xf32, #tpu.memory_space<vmem_shared>>) target_semaphore(%run_scoped3A : memref<!tpu.dma_semaphore, #tpu.memory_space<semaphore_mem>>)
      %dma_wait3A = arith.constant 0 : i32
      %dma_wait3A_48 = arith.constant 0 : i32
      %dma_wait3A_49 = tpu.memref_slice %arg8[%dma_wait3A, %dma_wait3A_48] : memref<128x128xf32, #tpu.memory_space<vmem>> -> memref<128x128xf32, #tpu.memory_space<vmem>>
      %dma_wait3A_50 = arith.constant 0 : i32
      %dma_wait3A_51 = tpu.memref_slice %arg10[%add3A_14, %dma_wait3A_50] : memref<10112x128xf32, #tpu.memory_space<vmem_shared>> -> memref<128x128xf32, #tpu.memory_space<vmem_shared>>
      %dma_wait3A_52 = arith.constant 0 : i32
      %dma_wait3A_53 = tpu.memref_slice %arg10[%add3A_14, %dma_wait3A_52] : memref<10112x128xf32, #tpu.memory_space<vmem_shared>> -> memref<128x128xf32, #tpu.memory_space<vmem_shared>>
      %dma_wait3A_54 = arith.constant 0 : i32
      %dma_wait3A_55 = arith.constant 0 : i32
      %dma_wait3A_56 = tpu.memref_slice %arg8[%dma_wait3A_54, %dma_wait3A_55] : memref<128x128xf32, #tpu.memory_space<vmem>> -> memref<128x128xf32, #tpu.memory_space<vmem>>
      tpu.wait_dma2 semaphore(%run_scoped3A : memref<!tpu.dma_semaphore, #tpu.memory_space<semaphore_mem>>) src(%dma_wait3A_56 : memref<128x128xf32, #tpu.memory_space<vmem>>) dst(%dma_wait3A_53 : memref<128x128xf32, #tpu.memory_space<vmem_shared>>)
      tpu.yield
    }) : () -> ()
    %add3A_15 = arith.constant 512 : i32
    %add3A_16 = arith.addi %mul3A_0, %add3A_15 : i32
    "tpu.region"() ({
      %run_scoped3A = tpu.sem_alloc : memref<!tpu.dma_semaphore, #tpu.memory_space<semaphore_mem>>
      %dma_start3A = arith.constant 0 : i32
      %dma_start3A_39 = arith.constant 0 : i32
      %dma_start3A_40 = tpu.memref_slice %arg8[%dma_start3A, %dma_start3A_39] : memref<128x128xf32, #tpu.memory_space<vmem>> -> memref<120x128xf32, #tpu.memory_space<vmem>>
      %dma_start3A_41 = arith.constant 0 : i32
      %dma_start3A_42 = tpu.memref_slice %arg10[%add3A_16, %dma_start3A_41] : memref<10112x128xf32, #tpu.memory_space<vmem_shared>> -> memref<120x128xf32, #tpu.memory_space<vmem_shared>>
      %dma_start3A_43 = arith.constant 0 : i32
      %dma_start3A_44 = tpu.memref_slice %arg10[%add3A_16, %dma_start3A_43] : memref<10112x128xf32, #tpu.memory_space<vmem_shared>> -> memref<120x128xf32, #tpu.memory_space<vmem_shared>>
      %dma_start3A_45 = arith.constant 0 : i32
      %dma_start3A_46 = arith.constant 0 : i32
      %dma_start3A_47 = tpu.memref_slice %arg8[%dma_start3A_45, %dma_start3A_46] : memref<128x128xf32, #tpu.memory_space<vmem>> -> memref<120x128xf32, #tpu.memory_space<vmem>>
      tpu.enqueue_dma source(%dma_start3A_47 : memref<120x128xf32, #tpu.memory_space<vmem>>) target(%dma_start3A_44 : memref<120x128xf32, #tpu.memory_space<vmem_shared>>) target_semaphore(%run_scoped3A : memref<!tpu.dma_semaphore, #tpu.memory_space<semaphore_mem>>)
      %dma_wait3A = arith.constant 0 : i32
      %dma_wait3A_48 = arith.constant 0 : i32
      %dma_wait3A_49 = tpu.memref_slice %arg8[%dma_wait3A, %dma_wait3A_48] : memref<128x128xf32, #tpu.memory_space<vmem>> -> memref<120x128xf32, #tpu.memory_space<vmem>>
      %dma_wait3A_50 = arith.constant 0 : i32
      %dma_wait3A_51 = tpu.memref_slice %arg10[%add3A_16, %dma_wait3A_50] : memref<10112x128xf32, #tpu.memory_space<vmem_shared>> -> memref<120x128xf32, #tpu.memory_space<vmem_shared>>
      %dma_wait3A_52 = arith.constant 0 : i32
      %dma_wait3A_53 = tpu.memref_slice %arg10[%add3A_16, %dma_wait3A_52] : memref<10112x128xf32, #tpu.memory_space<vmem_shared>> -> memref<120x128xf32, #tpu.memory_space<vmem_shared>>
      %dma_wait3A_54 = arith.constant 0 : i32
      %dma_wait3A_55 = arith.constant 0 : i32
      %dma_wait3A_56 = tpu.memref_slice %arg8[%dma_wait3A_54, %dma_wait3A_55] : memref<128x128xf32, #tpu.memory_space<vmem>> -> memref<120x128xf32, #tpu.memory_space<vmem>>
      tpu.wait_dma2 semaphore(%run_scoped3A : memref<!tpu.dma_semaphore, #tpu.memory_space<semaphore_mem>>) src(%dma_wait3A_56 : memref<120x128xf32, #tpu.memory_space<vmem>>) dst(%dma_wait3A_53 : memref<120x128xf32, #tpu.memory_space<vmem_shared>>)
      tpu.yield
    }) : () -> ()
    %barrier3A = arith.constant 0 : index
    tpu.barrier barrier_id(%barrier3A)
    %mul3A_17 = arith.constant 160 : i32
    %mul3A_18 = arith.muli %arg1, %mul3A_17 : i32
    %eq3A = arith.constant 0 : i32
    %eq3A_19 = arith.cmpi eq, %arg0, %eq3A : i32
    %jit3A = arith.constant 0 : i32
    %jit3A_20 = arith.constant 128 : i32
    %select_n3A = arith.select %eq3A_19, %jit3A, %jit3A_20 : i32
    %add3A_21 = arith.addi %mul3A_18, %select_n3A : i32
    %eq3A_22 = arith.constant 0 : i32
    %eq3A_23 = arith.cmpi eq, %arg0, %eq3A_22 : i32
    %jit3A_24 = arith.constant 8 : i32
    %jit3A_25 = arith.constant 2 : i32
    %select_n3A_26 = arith.select %eq3A_23, %jit3A_24, %jit3A_25 : i32
    %while3A = arith.constant 0 : i32
    %while3A_27 = arith.constant 0 : i32
    %while3A_28 = arith.subi %select_n3A_26, %while3A : i32
    %while3A_29 = arith.addi %while3A, %while3A_28 : i32
    %while3A_30 = arith.constant 1 : i32
    %while3A_31 = arith.divsi %while3A_28, %while3A_30 : i32
    %while3A_32 = arith.muli %while3A_31, %while3A_30 : i32
    %while3A_33 = arith.addi %while3A, %while3A_32 : i32
    %while3A_34 = arith.constant 1 : i32
    %while3A_35 = scf.for %while3A_39 = %while3A to %while3A_33 step %while3A_34 iter_args(%while3A_40 = %while3A_27) -> (i32)  : i32 {
      %mul3A_41 = arith.constant 16 : i32
      %mul3A_42 = arith.muli %while3A_39, %mul3A_41 : i32
      %add3A_43 = arith.addi %add3A_21, %mul3A_42 : i32
      "tpu.region"() ({
        %run_scoped3A = tpu.sem_alloc : memref<!tpu.dma_semaphore, #tpu.memory_space<semaphore_mem>>
        %dma_start3A_106 = arith.constant 0 : i32
        %dma_start3A_107 = tpu.memref_slice %arg3[%add3A_43, %dma_start3A_106] : memref<2560x128xi32, #tpu.memory_space<hbm>> -> memref<16x128xi32, #tpu.memory_space<hbm>>
        %dma_start3A_108 = arith.constant 0 : i32
        %dma_start3A_109 = tpu.memref_slice %arg3[%add3A_43, %dma_start3A_108] : memref<2560x128xi32, #tpu.memory_space<hbm>> -> memref<16x128xi32, #tpu.memory_space<hbm>>
        tpu.enqueue_dma source(%dma_start3A_109 : memref<16x128xi32, #tpu.memory_space<hbm>>) target(%arg6 : memref<16x128xi32, #tpu.memory_space<vmem>>) target_semaphore(%run_scoped3A : memref<!tpu.dma_semaphore, #tpu.memory_space<semaphore_mem>>)
        %dma_wait3A_110 = arith.constant 0 : i32
        %dma_wait3A_111 = tpu.memref_slice %arg3[%add3A_43, %dma_wait3A_110] : memref<2560x128xi32, #tpu.memory_space<hbm>> -> memref<16x128xi32, #tpu.memory_space<hbm>>
        %dma_wait3A_112 = arith.constant 0 : i32
        %dma_wait3A_113 = tpu.memref_slice %arg3[%add3A_43, %dma_wait3A_112] : memref<2560x128xi32, #tpu.memory_space<hbm>> -> memref<16x128xi32, #tpu.memory_space<hbm>>
        tpu.wait_dma2 semaphore(%run_scoped3A : memref<!tpu.dma_semaphore, #tpu.memory_space<semaphore_mem>>) src(%dma_wait3A_113 : memref<16x128xi32, #tpu.memory_space<hbm>>) dst(%arg6 : memref<16x128xi32, #tpu.memory_space<vmem>>)
        tpu.yield
      }) : () -> ()
      "tpu.region"() ({
        %run_scoped3A = tpu.sem_alloc : memref<!tpu.dma_semaphore, #tpu.memory_space<semaphore_mem>>
        %dma_start3A_106 = arith.constant 0 : i32
        %dma_start3A_107 = tpu.memref_slice %arg4[%add3A_43, %dma_start3A_106] : memref<2560x128xi32, #tpu.memory_space<hbm>> -> memref<16x128xi32, #tpu.memory_space<hbm>>
        %dma_start3A_108 = arith.constant 0 : i32
        %dma_start3A_109 = tpu.memref_slice %arg4[%add3A_43, %dma_start3A_108] : memref<2560x128xi32, #tpu.memory_space<hbm>> -> memref<16x128xi32, #tpu.memory_space<hbm>>
        tpu.enqueue_dma source(%dma_start3A_109 : memref<16x128xi32, #tpu.memory_space<hbm>>) target(%arg7 : memref<16x128xi32, #tpu.memory_space<vmem>>) target_semaphore(%run_scoped3A : memref<!tpu.dma_semaphore, #tpu.memory_space<semaphore_mem>>)
        %dma_wait3A_110 = arith.constant 0 : i32
        %dma_wait3A_111 = tpu.memref_slice %arg4[%add3A_43, %dma_wait3A_110] : memref<2560x128xi32, #tpu.memory_space<hbm>> -> memref<16x128xi32, #tpu.memory_space<hbm>>
        %dma_wait3A_112 = arith.constant 0 : i32
        %dma_wait3A_113 = tpu.memref_slice %arg4[%add3A_43, %dma_wait3A_112] : memref<2560x128xi32, #tpu.memory_space<hbm>> -> memref<16x128xi32, #tpu.memory_space<hbm>>
        tpu.wait_dma2 semaphore(%run_scoped3A : memref<!tpu.dma_semaphore, #tpu.memory_space<semaphore_mem>>) src(%dma_wait3A_113 : memref<16x128xi32, #tpu.memory_space<hbm>>) dst(%arg7 : memref<16x128xi32, #tpu.memory_space<vmem>>)
        tpu.yield
      }) : () -> ()
      %dma_start3A = arith.constant 0 : i32
      %dma_start3A_44 = arith.constant 0 : i32
      %dma_start3A_45 = tpu.memref_slice %arg6[%dma_start3A, %dma_start3A_44] : memref<16x128xi32, #tpu.memory_space<vmem>> -> memref<1x128xi32, #tpu.memory_space<vmem>>
      %dma_start3A_46 = tpu.memref_squeeze %dma_start3A_45 : memref<1x128xi32, #tpu.memory_space<vmem>> -> memref<128xi32, #tpu.memory_space<vmem>>
      %dma_start3A_47 = arith.constant 0 : i32
      %dma_start3A_48 = arith.constant 0 : i32
      %dma_start3A_49 = tpu.memref_slice %arg2[%dma_start3A_47, %dma_start3A_48] : memref<10000x128xf32, #tpu.memory_space<hbm>> -> memref<10000x128xf32, #tpu.memory_space<hbm>>
      tpu.enqueue_indirect_dma source(%dma_start3A_49 : memref<10000x128xf32, #tpu.memory_space<hbm>>) target(%arg8 : memref<128x128xf32, #tpu.memory_space<vmem>>) offsets(%dma_start3A_46 : memref<128xi32, #tpu.memory_space<vmem>>) semaphore(%arg11 : memref<!tpu.dma_semaphore, #tpu.memory_space<semaphore_mem>>)
      %dma_start3A_50 = arith.constant 1 : i32
      %dma_start3A_51 = arith.constant 0 : i32
      %dma_start3A_52 = tpu.memref_slice %arg6[%dma_start3A_50, %dma_start3A_51] : memref<16x128xi32, #tpu.memory_space<vmem>> -> memref<1x128xi32, #tpu.memory_space<vmem>>
      %dma_start3A_53 = tpu.memref_squeeze %dma_start3A_52 : memref<1x128xi32, #tpu.memory_space<vmem>> -> memref<128xi32, #tpu.memory_space<vmem>>
      %dma_start3A_54 = arith.constant 0 : i32
      %dma_start3A_55 = arith.constant 0 : i32
      %dma_start3A_56 = tpu.memref_slice %arg2[%dma_start3A_54, %dma_start3A_55] : memref<10000x128xf32, #tpu.memory_space<hbm>> -> memref<10000x128xf32, #tpu.memory_space<hbm>>
      tpu.enqueue_indirect_dma source(%dma_start3A_56 : memref<10000x128xf32, #tpu.memory_space<hbm>>) target(%arg9 : memref<128x128xf32, #tpu.memory_space<vmem>>) offsets(%dma_start3A_53 : memref<128xi32, #tpu.memory_space<vmem>>) semaphore(%arg12 : memref<!tpu.dma_semaphore, #tpu.memory_space<semaphore_mem>>)
      %scan3A_57 = arith.constant 0 : i32
      %scan3A_58 = arith.constant 0 : i32
      %scan3A_59 = arith.constant 7 : i32
      %scan3A_60 = arith.addi %scan3A_58, %scan3A_59 : i32
      %scan3A_61 = arith.constant 1 : i32
      %scan3A_62 = scf.for %scan3A_106 = %scan3A_58 to %scan3A_60 step %scan3A_61 iter_args(%scan3A_107 = %scan3A_57) -> (i32)  : i32 {
        %mul3A_108 = arith.constant 2 : i32
        %mul3A_109 = arith.muli %scan3A_106, %mul3A_108 : i32
        %add3A_110 = arith.constant 0 : i32
        %add3A_111 = arith.addi %mul3A_109, %add3A_110 : i32
        %dma_wait3A_112 = arith.constant 0 : i32
        %dma_wait3A_113 = tpu.memref_slice %arg6[%add3A_111, %dma_wait3A_112] : memref<16x128xi32, #tpu.memory_space<vmem>> -> memref<1x128xi32, #tpu.memory_space<vmem>>
        %dma_wait3A_114 = tpu.memref_squeeze %dma_wait3A_113 : memref<1x128xi32, #tpu.memory_space<vmem>> -> memref<128xi32, #tpu.memory_space<vmem>>
        %dma_wait3A_115 = arith.constant 0 : i32
        %dma_wait3A_116 = arith.constant 0 : i32
        %dma_wait3A_117 = tpu.memref_slice %arg2[%dma_wait3A_115, %dma_wait3A_116] : memref<10000x128xf32, #tpu.memory_space<hbm>> -> memref<10000x128xf32, #tpu.memory_space<hbm>>
        tpu.wait_indirect_dma semaphore(%arg11 : memref<!tpu.dma_semaphore, #tpu.memory_space<semaphore_mem>>) src(%dma_wait3A_117 : memref<10000x128xf32, #tpu.memory_space<hbm>>) dst(%arg8 : memref<128x128xf32, #tpu.memory_space<vmem>>)
        %dma_start3A_118 = arith.constant 0 : i32
        %dma_start3A_119 = tpu.memref_slice %arg7[%add3A_111, %dma_start3A_118] : memref<16x128xi32, #tpu.memory_space<vmem>> -> memref<1x128xi32, #tpu.memory_space<vmem>>
        %dma_start3A_120 = tpu.memref_squeeze %dma_start3A_119 : memref<1x128xi32, #tpu.memory_space<vmem>> -> memref<128xi32, #tpu.memory_space<vmem>>
        %dma_start3A_121 = arith.constant 0 : i32
        %dma_start3A_122 = arith.constant 0 : i32
        %dma_start3A_123 = tpu.memref_slice %arg10[%dma_start3A_121, %dma_start3A_122] : memref<10112x128xf32, #tpu.memory_space<vmem_shared>> -> memref<10112x128xf32, #tpu.memory_space<vmem_shared>>
        tpu.enqueue_indirect_dma source(%arg8 : memref<128x128xf32, #tpu.memory_space<vmem>>) target(%dma_start3A_123 : memref<10112x128xf32, #tpu.memory_space<vmem_shared>>) offsets(%dma_start3A_120 : memref<128xi32, #tpu.memory_space<vmem>>) semaphore(%arg13 : memref<!tpu.dma_semaphore, #tpu.memory_space<semaphore_mem>>) {add = true}
        %mul3A_124 = arith.constant 2 : i32
        %mul3A_125 = arith.muli %scan3A_106, %mul3A_124 : i32
        %add3A_126 = arith.constant 1 : i32
        %add3A_127 = arith.addi %mul3A_125, %add3A_126 : i32
        %dma_wait3A_128 = arith.constant 0 : i32
        %dma_wait3A_129 = tpu.memref_slice %arg6[%add3A_127, %dma_wait3A_128] : memref<16x128xi32, #tpu.memory_space<vmem>> -> memref<1x128xi32, #tpu.memory_space<vmem>>
        %dma_wait3A_130 = tpu.memref_squeeze %dma_wait3A_129 : memref<1x128xi32, #tpu.memory_space<vmem>> -> memref<128xi32, #tpu.memory_space<vmem>>
        %dma_wait3A_131 = arith.constant 0 : i32
        %dma_wait3A_132 = arith.constant 0 : i32
        %dma_wait3A_133 = tpu.memref_slice %arg2[%dma_wait3A_131, %dma_wait3A_132] : memref<10000x128xf32, #tpu.memory_space<hbm>> -> memref<10000x128xf32, #tpu.memory_space<hbm>>
        tpu.wait_indirect_dma semaphore(%arg12 : memref<!tpu.dma_semaphore, #tpu.memory_space<semaphore_mem>>) src(%dma_wait3A_133 : memref<10000x128xf32, #tpu.memory_space<hbm>>) dst(%arg9 : memref<128x128xf32, #tpu.memory_space<vmem>>)
        %dma_start3A_134 = arith.constant 0 : i32
        %dma_start3A_135 = tpu.memref_slice %arg7[%add3A_127, %dma_start3A_134] : memref<16x128xi32, #tpu.memory_space<vmem>> -> memref<1x128xi32, #tpu.memory_space<vmem>>
        %dma_start3A_136 = tpu.memref_squeeze %dma_start3A_135 : memref<1x128xi32, #tpu.memory_space<vmem>> -> memref<128xi32, #tpu.memory_space<vmem>>
        %dma_start3A_137 = arith.constant 0 : i32
        %dma_start3A_138 = arith.constant 0 : i32
        %dma_start3A_139 = tpu.memref_slice %arg10[%dma_start3A_137, %dma_start3A_138] : memref<10112x128xf32, #tpu.memory_space<vmem_shared>> -> memref<10112x128xf32, #tpu.memory_space<vmem_shared>>
        tpu.enqueue_indirect_dma source(%arg9 : memref<128x128xf32, #tpu.memory_space<vmem>>) target(%dma_start3A_139 : memref<10112x128xf32, #tpu.memory_space<vmem_shared>>) offsets(%dma_start3A_136 : memref<128xi32, #tpu.memory_space<vmem>>) semaphore(%arg14 : memref<!tpu.dma_semaphore, #tpu.memory_space<semaphore_mem>>) {add = true}
        %mul3A_140 = arith.constant 2 : i32
        %mul3A_141 = arith.muli %scan3A_106, %mul3A_140 : i32
        %add3A_142 = arith.constant 0 : i32
        %add3A_143 = arith.addi %mul3A_141, %add3A_142 : i32
        %dma_wait3A_144 = arith.constant 0 : i32
        %dma_wait3A_145 = tpu.memref_slice %arg7[%add3A_143, %dma_wait3A_144] : memref<16x128xi32, #tpu.memory_space<vmem>> -> memref<1x128xi32, #tpu.memory_space<vmem>>
        %dma_wait3A_146 = tpu.memref_squeeze %dma_wait3A_145 : memref<1x128xi32, #tpu.memory_space<vmem>> -> memref<128xi32, #tpu.memory_space<vmem>>
        %dma_wait3A_147 = arith.constant 0 : i32
        %dma_wait3A_148 = arith.constant 0 : i32
        %dma_wait3A_149 = tpu.memref_slice %arg10[%dma_wait3A_147, %dma_wait3A_148] : memref<10112x128xf32, #tpu.memory_space<vmem_shared>> -> memref<10112x128xf32, #tpu.memory_space<vmem_shared>>
        tpu.wait_indirect_dma semaphore(%arg13 : memref<!tpu.dma_semaphore, #tpu.memory_space<semaphore_mem>>) src(%arg8 : memref<128x128xf32, #tpu.memory_space<vmem>>) dst(%dma_wait3A_149 : memref<10112x128xf32, #tpu.memory_space<vmem_shared>>)
        %add3A_150 = arith.constant 2 : i32
        %add3A_151 = arith.addi %add3A_143, %add3A_150 : i32
        %dma_start3A_152 = arith.constant 0 : i32
        %dma_start3A_153 = tpu.memref_slice %arg6[%add3A_151, %dma_start3A_152] : memref<16x128xi32, #tpu.memory_space<vmem>> -> memref<1x128xi32, #tpu.memory_space<vmem>>
        %dma_start3A_154 = tpu.memref_squeeze %dma_start3A_153 : memref<1x128xi32, #tpu.memory_space<vmem>> -> memref<128xi32, #tpu.memory_space<vmem>>
        %dma_start3A_155 = arith.constant 0 : i32
        %dma_start3A_156 = arith.constant 0 : i32
        %dma_start3A_157 = tpu.memref_slice %arg2[%dma_start3A_155, %dma_start3A_156] : memref<10000x128xf32, #tpu.memory_space<hbm>> -> memref<10000x128xf32, #tpu.memory_space<hbm>>
        tpu.enqueue_indirect_dma source(%dma_start3A_157 : memref<10000x128xf32, #tpu.memory_space<hbm>>) target(%arg8 : memref<128x128xf32, #tpu.memory_space<vmem>>) offsets(%dma_start3A_154 : memref<128xi32, #tpu.memory_space<vmem>>) semaphore(%arg11 : memref<!tpu.dma_semaphore, #tpu.memory_space<semaphore_mem>>)
        %mul3A_158 = arith.constant 2 : i32
        %mul3A_159 = arith.muli %scan3A_106, %mul3A_158 : i32
        %add3A_160 = arith.constant 1 : i32
        %add3A_161 = arith.addi %mul3A_159, %add3A_160 : i32
        %dma_wait3A_162 = arith.constant 0 : i32
        %dma_wait3A_163 = tpu.memref_slice %arg7[%add3A_161, %dma_wait3A_162] : memref<16x128xi32, #tpu.memory_space<vmem>> -> memref<1x128xi32, #tpu.memory_space<vmem>>
        %dma_wait3A_164 = tpu.memref_squeeze %dma_wait3A_163 : memref<1x128xi32, #tpu.memory_space<vmem>> -> memref<128xi32, #tpu.memory_space<vmem>>
        %dma_wait3A_165 = arith.constant 0 : i32
        %dma_wait3A_166 = arith.constant 0 : i32
        %dma_wait3A_167 = tpu.memref_slice %arg10[%dma_wait3A_165, %dma_wait3A_166] : memref<10112x128xf32, #tpu.memory_space<vmem_shared>> -> memref<10112x128xf32, #tpu.memory_space<vmem_shared>>
        tpu.wait_indirect_dma semaphore(%arg14 : memref<!tpu.dma_semaphore, #tpu.memory_space<semaphore_mem>>) src(%arg9 : memref<128x128xf32, #tpu.memory_space<vmem>>) dst(%dma_wait3A_167 : memref<10112x128xf32, #tpu.memory_space<vmem_shared>>)
        %add3A_168 = arith.constant 2 : i32
        %add3A_169 = arith.addi %add3A_161, %add3A_168 : i32
        %dma_start3A_170 = arith.constant 0 : i32
        %dma_start3A_171 = tpu.memref_slice %arg6[%add3A_169, %dma_start3A_170] : memref<16x128xi32, #tpu.memory_space<vmem>> -> memref<1x128xi32, #tpu.memory_space<vmem>>
        %dma_start3A_172 = tpu.memref_squeeze %dma_start3A_171 : memref<1x128xi32, #tpu.memory_space<vmem>> -> memref<128xi32, #tpu.memory_space<vmem>>
        %dma_start3A_173 = arith.constant 0 : i32
        %dma_start3A_174 = arith.constant 0 : i32
        %dma_start3A_175 = tpu.memref_slice %arg2[%dma_start3A_173, %dma_start3A_174] : memref<10000x128xf32, #tpu.memory_space<hbm>> -> memref<10000x128xf32, #tpu.memory_space<hbm>>
        tpu.enqueue_indirect_dma source(%dma_start3A_175 : memref<10000x128xf32, #tpu.memory_space<hbm>>) target(%arg9 : memref<128x128xf32, #tpu.memory_space<vmem>>) offsets(%dma_start3A_172 : memref<128xi32, #tpu.memory_space<vmem>>) semaphore(%arg12 : memref<!tpu.dma_semaphore, #tpu.memory_space<semaphore_mem>>)
        %scan3A_176 = arith.constant 0 : i32
        scf.yield %scan3A_176 : i32
      }
      %scan3A_63 = arith.constant 7 : i32
      %dma_wait3A = arith.constant 14 : i32
      %dma_wait3A_64 = arith.constant 0 : i32
      %dma_wait3A_65 = tpu.memref_slice %arg6[%dma_wait3A, %dma_wait3A_64] : memref<16x128xi32, #tpu.memory_space<vmem>> -> memref<1x128xi32, #tpu.memory_space<vmem>>
      %dma_wait3A_66 = tpu.memref_squeeze %dma_wait3A_65 : memref<1x128xi32, #tpu.memory_space<vmem>> -> memref<128xi32, #tpu.memory_space<vmem>>
      %dma_wait3A_67 = arith.constant 0 : i32
      %dma_wait3A_68 = arith.constant 0 : i32
      %dma_wait3A_69 = tpu.memref_slice %arg2[%dma_wait3A_67, %dma_wait3A_68] : memref<10000x128xf32, #tpu.memory_space<hbm>> -> memref<10000x128xf32, #tpu.memory_space<hbm>>
      tpu.wait_indirect_dma semaphore(%arg11 : memref<!tpu.dma_semaphore, #tpu.memory_space<semaphore_mem>>) src(%dma_wait3A_69 : memref<10000x128xf32, #tpu.memory_space<hbm>>) dst(%arg8 : memref<128x128xf32, #tpu.memory_space<vmem>>)
      %dma_start3A_70 = arith.constant 14 : i32
      %dma_start3A_71 = arith.constant 0 : i32
      %dma_start3A_72 = tpu.memref_slice %arg7[%dma_start3A_70, %dma_start3A_71] : memref<16x128xi32, #tpu.memory_space<vmem>> -> memref<1x128xi32, #tpu.memory_space<vmem>>
      %dma_start3A_73 = tpu.memref_squeeze %dma_start3A_72 : memref<1x128xi32, #tpu.memory_space<vmem>> -> memref<128xi32, #tpu.memory_space<vmem>>
      %dma_start3A_74 = arith.constant 0 : i32
      %dma_start3A_75 = arith.constant 0 : i32
      %dma_start3A_76 = tpu.memref_slice %arg10[%dma_start3A_74, %dma_start3A_75] : memref<10112x128xf32, #tpu.memory_space<vmem_shared>> -> memref<10112x128xf32, #tpu.memory_space<vmem_shared>>
      tpu.enqueue_indirect_dma source(%arg8 : memref<128x128xf32, #tpu.memory_space<vmem>>) target(%dma_start3A_76 : memref<10112x128xf32, #tpu.memory_space<vmem_shared>>) offsets(%dma_start3A_73 : memref<128xi32, #tpu.memory_space<vmem>>) semaphore(%arg13 : memref<!tpu.dma_semaphore, #tpu.memory_space<semaphore_mem>>) {add = true}
      %dma_wait3A_77 = arith.constant 15 : i32
      %dma_wait3A_78 = arith.constant 0 : i32
      %dma_wait3A_79 = tpu.memref_slice %arg6[%dma_wait3A_77, %dma_wait3A_78] : memref<16x128xi32, #tpu.memory_space<vmem>> -> memref<1x128xi32, #tpu.memory_space<vmem>>
      %dma_wait3A_80 = tpu.memref_squeeze %dma_wait3A_79 : memref<1x128xi32, #tpu.memory_space<vmem>> -> memref<128xi32, #tpu.memory_space<vmem>>
      %dma_wait3A_81 = arith.constant 0 : i32
      %dma_wait3A_82 = arith.constant 0 : i32
      %dma_wait3A_83 = tpu.memref_slice %arg2[%dma_wait3A_81, %dma_wait3A_82] : memref<10000x128xf32, #tpu.memory_space<hbm>> -> memref<10000x128xf32, #tpu.memory_space<hbm>>
      tpu.wait_indirect_dma semaphore(%arg12 : memref<!tpu.dma_semaphore, #tpu.memory_space<semaphore_mem>>) src(%dma_wait3A_83 : memref<10000x128xf32, #tpu.memory_space<hbm>>) dst(%arg9 : memref<128x128xf32, #tpu.memory_space<vmem>>)
      %dma_start3A_84 = arith.constant 15 : i32
      %dma_start3A_85 = arith.constant 0 : i32
      %dma_start3A_86 = tpu.memref_slice %arg7[%dma_start3A_84, %dma_start3A_85] : memref<16x128xi32, #tpu.memory_space<vmem>> -> memref<1x128xi32, #tpu.memory_space<vmem>>
      %dma_start3A_87 = tpu.memref_squeeze %dma_start3A_86 : memref<1x128xi32, #tpu.memory_space<vmem>> -> memref<128xi32, #tpu.memory_space<vmem>>
      %dma_start3A_88 = arith.constant 0 : i32
      %dma_start3A_89 = arith.constant 0 : i32
      %dma_start3A_90 = tpu.memref_slice %arg10[%dma_start3A_88, %dma_start3A_89] : memref<10112x128xf32, #tpu.memory_space<vmem_shared>> -> memref<10112x128xf32, #tpu.memory_space<vmem_shared>>
      tpu.enqueue_indirect_dma source(%arg9 : memref<128x128xf32, #tpu.memory_space<vmem>>) target(%dma_start3A_90 : memref<10112x128xf32, #tpu.memory_space<vmem_shared>>) offsets(%dma_start3A_87 : memref<128xi32, #tpu.memory_space<vmem>>) semaphore(%arg14 : memref<!tpu.dma_semaphore, #tpu.memory_space<semaphore_mem>>) {add = true}
      %dma_wait3A_91 = arith.constant 14 : i32
      %dma_wait3A_92 = arith.constant 0 : i32
      %dma_wait3A_93 = tpu.memref_slice %arg7[%dma_wait3A_91, %dma_wait3A_92] : memref<16x128xi32, #tpu.memory_space<vmem>> -> memref<1x128xi32, #tpu.memory_space<vmem>>
      %dma_wait3A_94 = tpu.memref_squeeze %dma_wait3A_93 : memref<1x128xi32, #tpu.memory_space<vmem>> -> memref<128xi32, #tpu.memory_space<vmem>>
      %dma_wait3A_95 = arith.constant 0 : i32
      %dma_wait3A_96 = arith.constant 0 : i32
      %dma_wait3A_97 = tpu.memref_slice %arg10[%dma_wait3A_95, %dma_wait3A_96] : memref<10112x128xf32, #tpu.memory_space<vmem_shared>> -> memref<10112x128xf32, #tpu.memory_space<vmem_shared>>
      tpu.wait_indirect_dma semaphore(%arg13 : memref<!tpu.dma_semaphore, #tpu.memory_space<semaphore_mem>>) src(%arg8 : memref<128x128xf32, #tpu.memory_space<vmem>>) dst(%dma_wait3A_97 : memref<10112x128xf32, #tpu.memory_space<vmem_shared>>)
      %dma_wait3A_98 = arith.constant 15 : i32
      %dma_wait3A_99 = arith.constant 0 : i32
      %dma_wait3A_100 = tpu.memref_slice %arg7[%dma_wait3A_98, %dma_wait3A_99] : memref<16x128xi32, #tpu.memory_space<vmem>> -> memref<1x128xi32, #tpu.memory_space<vmem>>
      %dma_wait3A_101 = tpu.memref_squeeze %dma_wait3A_100 : memref<1x128xi32, #tpu.memory_space<vmem>> -> memref<128xi32, #tpu.memory_space<vmem>>
      %dma_wait3A_102 = arith.constant 0 : i32
      %dma_wait3A_103 = arith.constant 0 : i32
      %dma_wait3A_104 = tpu.memref_slice %arg10[%dma_wait3A_102, %dma_wait3A_103] : memref<10112x128xf32, #tpu.memory_space<vmem_shared>> -> memref<10112x128xf32, #tpu.memory_space<vmem_shared>>
      tpu.wait_indirect_dma semaphore(%arg14 : memref<!tpu.dma_semaphore, #tpu.memory_space<semaphore_mem>>) src(%arg9 : memref<128x128xf32, #tpu.memory_space<vmem>>) dst(%dma_wait3A_104 : memref<10112x128xf32, #tpu.memory_space<vmem_shared>>)
      %while3A_105 = arith.constant 0 : i32
      scf.yield %while3A_105 : i32
    }
    %while3A_36 = arith.constant 1 : i32
    %while3A_37 = scf.for %while3A_39 = %while3A_33 to %while3A_29 step %while3A_36 iter_args(%while3A_40 = %while3A_35) -> (i32)  : i32 {
      %mul3A_41 = arith.constant 16 : i32
      %mul3A_42 = arith.muli %while3A_39, %mul3A_41 : i32
      %add3A_43 = arith.addi %add3A_21, %mul3A_42 : i32
      "tpu.region"() ({
        %run_scoped3A = tpu.sem_alloc : memref<!tpu.dma_semaphore, #tpu.memory_space<semaphore_mem>>
        %dma_start3A_106 = arith.constant 0 : i32
        %dma_start3A_107 = tpu.memref_slice %arg3[%add3A_43, %dma_start3A_106] : memref<2560x128xi32, #tpu.memory_space<hbm>> -> memref<16x128xi32, #tpu.memory_space<hbm>>
        %dma_start3A_108 = arith.constant 0 : i32
        %dma_start3A_109 = tpu.memref_slice %arg3[%add3A_43, %dma_start3A_108] : memref<2560x128xi32, #tpu.memory_space<hbm>> -> memref<16x128xi32, #tpu.memory_space<hbm>>
        tpu.enqueue_dma source(%dma_start3A_109 : memref<16x128xi32, #tpu.memory_space<hbm>>) target(%arg6 : memref<16x128xi32, #tpu.memory_space<vmem>>) target_semaphore(%run_scoped3A : memref<!tpu.dma_semaphore, #tpu.memory_space<semaphore_mem>>)
        %dma_wait3A_110 = arith.constant 0 : i32
        %dma_wait3A_111 = tpu.memref_slice %arg3[%add3A_43, %dma_wait3A_110] : memref<2560x128xi32, #tpu.memory_space<hbm>> -> memref<16x128xi32, #tpu.memory_space<hbm>>
        %dma_wait3A_112 = arith.constant 0 : i32
        %dma_wait3A_113 = tpu.memref_slice %arg3[%add3A_43, %dma_wait3A_112] : memref<2560x128xi32, #tpu.memory_space<hbm>> -> memref<16x128xi32, #tpu.memory_space<hbm>>
        tpu.wait_dma2 semaphore(%run_scoped3A : memref<!tpu.dma_semaphore, #tpu.memory_space<semaphore_mem>>) src(%dma_wait3A_113 : memref<16x128xi32, #tpu.memory_space<hbm>>) dst(%arg6 : memref<16x128xi32, #tpu.memory_space<vmem>>)
        tpu.yield
      }) : () -> ()
      "tpu.region"() ({
        %run_scoped3A = tpu.sem_alloc : memref<!tpu.dma_semaphore, #tpu.memory_space<semaphore_mem>>
        %dma_start3A_106 = arith.constant 0 : i32
        %dma_start3A_107 = tpu.memref_slice %arg4[%add3A_43, %dma_start3A_106] : memref<2560x128xi32, #tpu.memory_space<hbm>> -> memref<16x128xi32, #tpu.memory_space<hbm>>
        %dma_start3A_108 = arith.constant 0 : i32
        %dma_start3A_109 = tpu.memref_slice %arg4[%add3A_43, %dma_start3A_108] : memref<2560x128xi32, #tpu.memory_space<hbm>> -> memref<16x128xi32, #tpu.memory_space<hbm>>
        tpu.enqueue_dma source(%dma_start3A_109 : memref<16x128xi32, #tpu.memory_space<hbm>>) target(%arg7 : memref<16x128xi32, #tpu.memory_space<vmem>>) target_semaphore(%run_scoped3A : memref<!tpu.dma_semaphore, #tpu.memory_space<semaphore_mem>>)
        %dma_wait3A_110 = arith.constant 0 : i32
        %dma_wait3A_111 = tpu.memref_slice %arg4[%add3A_43, %dma_wait3A_110] : memref<2560x128xi32, #tpu.memory_space<hbm>> -> memref<16x128xi32, #tpu.memory_space<hbm>>
        %dma_wait3A_112 = arith.constant 0 : i32
        %dma_wait3A_113 = tpu.memref_slice %arg4[%add3A_43, %dma_wait3A_112] : memref<2560x128xi32, #tpu.memory_space<hbm>> -> memref<16x128xi32, #tpu.memory_space<hbm>>
        tpu.wait_dma2 semaphore(%run_scoped3A : memref<!tpu.dma_semaphore, #tpu.memory_space<semaphore_mem>>) src(%dma_wait3A_113 : memref<16x128xi32, #tpu.memory_space<hbm>>) dst(%arg7 : memref<16x128xi32, #tpu.memory_space<vmem>>)
        tpu.yield
      }) : () -> ()
      %dma_start3A = arith.constant 0 : i32
      %dma_start3A_44 = arith.constant 0 : i32
      %dma_start3A_45 = tpu.memref_slice %arg6[%dma_start3A, %dma_start3A_44] : memref<16x128xi32, #tpu.memory_space<vmem>> -> memref<1x128xi32, #tpu.memory_space<vmem>>
      %dma_start3A_46 = tpu.memref_squeeze %dma_start3A_45 : memref<1x128xi32, #tpu.memory_space<vmem>> -> memref<128xi32, #tpu.memory_space<vmem>>
      %dma_start3A_47 = arith.constant 0 : i32
      %dma_start3A_48 = arith.constant 0 : i32
      %dma_start3A_49 = tpu.memref_slice %arg2[%dma_start3A_47, %dma_start3A_48] : memref<10000x128xf32, #tpu.memory_space<hbm>> -> memref<10000x128xf32, #tpu.memory_space<hbm>>
      tpu.enqueue_indirect_dma source(%dma_start3A_49 : memref<10000x128xf32, #tpu.memory_space<hbm>>) target(%arg8 : memref<128x128xf32, #tpu.memory_space<vmem>>) offsets(%dma_start3A_46 : memref<128xi32, #tpu.memory_space<vmem>>) semaphore(%arg11 : memref<!tpu.dma_semaphore, #tpu.memory_space<semaphore_mem>>)
      %dma_start3A_50 = arith.constant 1 : i32
      %dma_start3A_51 = arith.constant 0 : i32
      %dma_start3A_52 = tpu.memref_slice %arg6[%dma_start3A_50, %dma_start3A_51] : memref<16x128xi32, #tpu.memory_space<vmem>> -> memref<1x128xi32, #tpu.memory_space<vmem>>
      %dma_start3A_53 = tpu.memref_squeeze %dma_start3A_52 : memref<1x128xi32, #tpu.memory_space<vmem>> -> memref<128xi32, #tpu.memory_space<vmem>>
      %dma_start3A_54 = arith.constant 0 : i32
      %dma_start3A_55 = arith.constant 0 : i32
      %dma_start3A_56 = tpu.memref_slice %arg2[%dma_start3A_54, %dma_start3A_55] : memref<10000x128xf32, #tpu.memory_space<hbm>> -> memref<10000x128xf32, #tpu.memory_space<hbm>>
      tpu.enqueue_indirect_dma source(%dma_start3A_56 : memref<10000x128xf32, #tpu.memory_space<hbm>>) target(%arg9 : memref<128x128xf32, #tpu.memory_space<vmem>>) offsets(%dma_start3A_53 : memref<128xi32, #tpu.memory_space<vmem>>) semaphore(%arg12 : memref<!tpu.dma_semaphore, #tpu.memory_space<semaphore_mem>>)
      %scan3A_57 = arith.constant 0 : i32
      %scan3A_58 = arith.constant 0 : i32
      %scan3A_59 = arith.constant 7 : i32
      %scan3A_60 = arith.addi %scan3A_58, %scan3A_59 : i32
      %scan3A_61 = arith.constant 1 : i32
      %scan3A_62 = scf.for %scan3A_106 = %scan3A_58 to %scan3A_60 step %scan3A_61 iter_args(%scan3A_107 = %scan3A_57) -> (i32)  : i32 {
        %mul3A_108 = arith.constant 2 : i32
        %mul3A_109 = arith.muli %scan3A_106, %mul3A_108 : i32
        %add3A_110 = arith.constant 0 : i32
        %add3A_111 = arith.addi %mul3A_109, %add3A_110 : i32
        %dma_wait3A_112 = arith.constant 0 : i32
        %dma_wait3A_113 = tpu.memref_slice %arg6[%add3A_111, %dma_wait3A_112] : memref<16x128xi32, #tpu.memory_space<vmem>> -> memref<1x128xi32, #tpu.memory_space<vmem>>
        %dma_wait3A_114 = tpu.memref_squeeze %dma_wait3A_113 : memref<1x128xi32, #tpu.memory_space<vmem>> -> memref<128xi32, #tpu.memory_space<vmem>>
        %dma_wait3A_115 = arith.constant 0 : i32
        %dma_wait3A_116 = arith.constant 0 : i32
        %dma_wait3A_117 = tpu.memref_slice %arg2[%dma_wait3A_115, %dma_wait3A_116] : memref<10000x128xf32, #tpu.memory_space<hbm>> -> memref<10000x128xf32, #tpu.memory_space<hbm>>
        tpu.wait_indirect_dma semaphore(%arg11 : memref<!tpu.dma_semaphore, #tpu.memory_space<semaphore_mem>>) src(%dma_wait3A_117 : memref<10000x128xf32, #tpu.memory_space<hbm>>) dst(%arg8 : memref<128x128xf32, #tpu.memory_space<vmem>>)
        %dma_start3A_118 = arith.constant 0 : i32
        %dma_start3A_119 = tpu.memref_slice %arg7[%add3A_111, %dma_start3A_118] : memref<16x128xi32, #tpu.memory_space<vmem>> -> memref<1x128xi32, #tpu.memory_space<vmem>>
        %dma_start3A_120 = tpu.memref_squeeze %dma_start3A_119 : memref<1x128xi32, #tpu.memory_space<vmem>> -> memref<128xi32, #tpu.memory_space<vmem>>
        %dma_start3A_121 = arith.constant 0 : i32
        %dma_start3A_122 = arith.constant 0 : i32
        %dma_start3A_123 = tpu.memref_slice %arg10[%dma_start3A_121, %dma_start3A_122] : memref<10112x128xf32, #tpu.memory_space<vmem_shared>> -> memref<10112x128xf32, #tpu.memory_space<vmem_shared>>
        tpu.enqueue_indirect_dma source(%arg8 : memref<128x128xf32, #tpu.memory_space<vmem>>) target(%dma_start3A_123 : memref<10112x128xf32, #tpu.memory_space<vmem_shared>>) offsets(%dma_start3A_120 : memref<128xi32, #tpu.memory_space<vmem>>) semaphore(%arg13 : memref<!tpu.dma_semaphore, #tpu.memory_space<semaphore_mem>>) {add = true}
        %mul3A_124 = arith.constant 2 : i32
        %mul3A_125 = arith.muli %scan3A_106, %mul3A_124 : i32
        %add3A_126 = arith.constant 1 : i32
        %add3A_127 = arith.addi %mul3A_125, %add3A_126 : i32
        %dma_wait3A_128 = arith.constant 0 : i32
        %dma_wait3A_129 = tpu.memref_slice %arg6[%add3A_127, %dma_wait3A_128] : memref<16x128xi32, #tpu.memory_space<vmem>> -> memref<1x128xi32, #tpu.memory_space<vmem>>
        %dma_wait3A_130 = tpu.memref_squeeze %dma_wait3A_129 : memref<1x128xi32, #tpu.memory_space<vmem>> -> memref<128xi32, #tpu.memory_space<vmem>>
        %dma_wait3A_131 = arith.constant 0 : i32
        %dma_wait3A_132 = arith.constant 0 : i32
        %dma_wait3A_133 = tpu.memref_slice %arg2[%dma_wait3A_131, %dma_wait3A_132] : memref<10000x128xf32, #tpu.memory_space<hbm>> -> memref<10000x128xf32, #tpu.memory_space<hbm>>
        tpu.wait_indirect_dma semaphore(%arg12 : memref<!tpu.dma_semaphore, #tpu.memory_space<semaphore_mem>>) src(%dma_wait3A_133 : memref<10000x128xf32, #tpu.memory_space<hbm>>) dst(%arg9 : memref<128x128xf32, #tpu.memory_space<vmem>>)
        %dma_start3A_134 = arith.constant 0 : i32
        %dma_start3A_135 = tpu.memref_slice %arg7[%add3A_127, %dma_start3A_134] : memref<16x128xi32, #tpu.memory_space<vmem>> -> memref<1x128xi32, #tpu.memory_space<vmem>>
        %dma_start3A_136 = tpu.memref_squeeze %dma_start3A_135 : memref<1x128xi32, #tpu.memory_space<vmem>> -> memref<128xi32, #tpu.memory_space<vmem>>
        %dma_start3A_137 = arith.constant 0 : i32
        %dma_start3A_138 = arith.constant 0 : i32
        %dma_start3A_139 = tpu.memref_slice %arg10[%dma_start3A_137, %dma_start3A_138] : memref<10112x128xf32, #tpu.memory_space<vmem_shared>> -> memref<10112x128xf32, #tpu.memory_space<vmem_shared>>
        tpu.enqueue_indirect_dma source(%arg9 : memref<128x128xf32, #tpu.memory_space<vmem>>) target(%dma_start3A_139 : memref<10112x128xf32, #tpu.memory_space<vmem_shared>>) offsets(%dma_start3A_136 : memref<128xi32, #tpu.memory_space<vmem>>) semaphore(%arg14 : memref<!tpu.dma_semaphore, #tpu.memory_space<semaphore_mem>>) {add = true}
        %mul3A_140 = arith.constant 2 : i32
        %mul3A_141 = arith.muli %scan3A_106, %mul3A_140 : i32
        %add3A_142 = arith.constant 0 : i32
        %add3A_143 = arith.addi %mul3A_141, %add3A_142 : i32
        %dma_wait3A_144 = arith.constant 0 : i32
        %dma_wait3A_145 = tpu.memref_slice %arg7[%add3A_143, %dma_wait3A_144] : memref<16x128xi32, #tpu.memory_space<vmem>> -> memref<1x128xi32, #tpu.memory_space<vmem>>
        %dma_wait3A_146 = tpu.memref_squeeze %dma_wait3A_145 : memref<1x128xi32, #tpu.memory_space<vmem>> -> memref<128xi32, #tpu.memory_space<vmem>>
        %dma_wait3A_147 = arith.constant 0 : i32
        %dma_wait3A_148 = arith.constant 0 : i32
        %dma_wait3A_149 = tpu.memref_slice %arg10[%dma_wait3A_147, %dma_wait3A_148] : memref<10112x128xf32, #tpu.memory_space<vmem_shared>> -> memref<10112x128xf32, #tpu.memory_space<vmem_shared>>
        tpu.wait_indirect_dma semaphore(%arg13 : memref<!tpu.dma_semaphore, #tpu.memory_space<semaphore_mem>>) src(%arg8 : memref<128x128xf32, #tpu.memory_space<vmem>>) dst(%dma_wait3A_149 : memref<10112x128xf32, #tpu.memory_space<vmem_shared>>)
        %add3A_150 = arith.constant 2 : i32
        %add3A_151 = arith.addi %add3A_143, %add3A_150 : i32
        %dma_start3A_152 = arith.constant 0 : i32
        %dma_start3A_153 = tpu.memref_slice %arg6[%add3A_151, %dma_start3A_152] : memref<16x128xi32, #tpu.memory_space<vmem>> -> memref<1x128xi32, #tpu.memory_space<vmem>>
        %dma_start3A_154 = tpu.memref_squeeze %dma_start3A_153 : memref<1x128xi32, #tpu.memory_space<vmem>> -> memref<128xi32, #tpu.memory_space<vmem>>
        %dma_start3A_155 = arith.constant 0 : i32
        %dma_start3A_156 = arith.constant 0 : i32
        %dma_start3A_157 = tpu.memref_slice %arg2[%dma_start3A_155, %dma_start3A_156] : memref<10000x128xf32, #tpu.memory_space<hbm>> -> memref<10000x128xf32, #tpu.memory_space<hbm>>
        tpu.enqueue_indirect_dma source(%dma_start3A_157 : memref<10000x128xf32, #tpu.memory_space<hbm>>) target(%arg8 : memref<128x128xf32, #tpu.memory_space<vmem>>) offsets(%dma_start3A_154 : memref<128xi32, #tpu.memory_space<vmem>>) semaphore(%arg11 : memref<!tpu.dma_semaphore, #tpu.memory_space<semaphore_mem>>)
        %mul3A_158 = arith.constant 2 : i32
        %mul3A_159 = arith.muli %scan3A_106, %mul3A_158 : i32
        %add3A_160 = arith.constant 1 : i32
        %add3A_161 = arith.addi %mul3A_159, %add3A_160 : i32
        %dma_wait3A_162 = arith.constant 0 : i32
        %dma_wait3A_163 = tpu.memref_slice %arg7[%add3A_161, %dma_wait3A_162] : memref<16x128xi32, #tpu.memory_space<vmem>> -> memref<1x128xi32, #tpu.memory_space<vmem>>
        %dma_wait3A_164 = tpu.memref_squeeze %dma_wait3A_163 : memref<1x128xi32, #tpu.memory_space<vmem>> -> memref<128xi32, #tpu.memory_space<vmem>>
        %dma_wait3A_165 = arith.constant 0 : i32
        %dma_wait3A_166 = arith.constant 0 : i32
        %dma_wait3A_167 = tpu.memref_slice %arg10[%dma_wait3A_165, %dma_wait3A_166] : memref<10112x128xf32, #tpu.memory_space<vmem_shared>> -> memref<10112x128xf32, #tpu.memory_space<vmem_shared>>
        tpu.wait_indirect_dma semaphore(%arg14 : memref<!tpu.dma_semaphore, #tpu.memory_space<semaphore_mem>>) src(%arg9 : memref<128x128xf32, #tpu.memory_space<vmem>>) dst(%dma_wait3A_167 : memref<10112x128xf32, #tpu.memory_space<vmem_shared>>)
        %add3A_168 = arith.constant 2 : i32
        %add3A_169 = arith.addi %add3A_161, %add3A_168 : i32
        %dma_start3A_170 = arith.constant 0 : i32
        %dma_start3A_171 = tpu.memref_slice %arg6[%add3A_169, %dma_start3A_170] : memref<16x128xi32, #tpu.memory_space<vmem>> -> memref<1x128xi32, #tpu.memory_space<vmem>>
        %dma_start3A_172 = tpu.memref_squeeze %dma_start3A_171 : memref<1x128xi32, #tpu.memory_space<vmem>> -> memref<128xi32, #tpu.memory_space<vmem>>
        %dma_start3A_173 = arith.constant 0 : i32
        %dma_start3A_174 = arith.constant 0 : i32
        %dma_start3A_175 = tpu.memref_slice %arg2[%dma_start3A_173, %dma_start3A_174] : memref<10000x128xf32, #tpu.memory_space<hbm>> -> memref<10000x128xf32, #tpu.memory_space<hbm>>
        tpu.enqueue_indirect_dma source(%dma_start3A_175 : memref<10000x128xf32, #tpu.memory_space<hbm>>) target(%arg9 : memref<128x128xf32, #tpu.memory_space<vmem>>) offsets(%dma_start3A_172 : memref<128xi32, #tpu.memory_space<vmem>>) semaphore(%arg12 : memref<!tpu.dma_semaphore, #tpu.memory_space<semaphore_mem>>)
        %scan3A_176 = arith.constant 0 : i32
        scf.yield %scan3A_176 : i32
      }
      %scan3A_63 = arith.constant 7 : i32
      %dma_wait3A = arith.constant 14 : i32
      %dma_wait3A_64 = arith.constant 0 : i32
      %dma_wait3A_65 = tpu.memref_slice %arg6[%dma_wait3A, %dma_wait3A_64] : memref<16x128xi32, #tpu.memory_space<vmem>> -> memref<1x128xi32, #tpu.memory_space<vmem>>
      %dma_wait3A_66 = tpu.memref_squeeze %dma_wait3A_65 : memref<1x128xi32, #tpu.memory_space<vmem>> -> memref<128xi32, #tpu.memory_space<vmem>>
      %dma_wait3A_67 = arith.constant 0 : i32
      %dma_wait3A_68 = arith.constant 0 : i32
      %dma_wait3A_69 = tpu.memref_slice %arg2[%dma_wait3A_67, %dma_wait3A_68] : memref<10000x128xf32, #tpu.memory_space<hbm>> -> memref<10000x128xf32, #tpu.memory_space<hbm>>
      tpu.wait_indirect_dma semaphore(%arg11 : memref<!tpu.dma_semaphore, #tpu.memory_space<semaphore_mem>>) src(%dma_wait3A_69 : memref<10000x128xf32, #tpu.memory_space<hbm>>) dst(%arg8 : memref<128x128xf32, #tpu.memory_space<vmem>>)
      %dma_start3A_70 = arith.constant 14 : i32
      %dma_start3A_71 = arith.constant 0 : i32
      %dma_start3A_72 = tpu.memref_slice %arg7[%dma_start3A_70, %dma_start3A_71] : memref<16x128xi32, #tpu.memory_space<vmem>> -> memref<1x128xi32, #tpu.memory_space<vmem>>
      %dma_start3A_73 = tpu.memref_squeeze %dma_start3A_72 : memref<1x128xi32, #tpu.memory_space<vmem>> -> memref<128xi32, #tpu.memory_space<vmem>>
      %dma_start3A_74 = arith.constant 0 : i32
      %dma_start3A_75 = arith.constant 0 : i32
      %dma_start3A_76 = tpu.memref_slice %arg10[%dma_start3A_74, %dma_start3A_75] : memref<10112x128xf32, #tpu.memory_space<vmem_shared>> -> memref<10112x128xf32, #tpu.memory_space<vmem_shared>>
      tpu.enqueue_indirect_dma source(%arg8 : memref<128x128xf32, #tpu.memory_space<vmem>>) target(%dma_start3A_76 : memref<10112x128xf32, #tpu.memory_space<vmem_shared>>) offsets(%dma_start3A_73 : memref<128xi32, #tpu.memory_space<vmem>>) semaphore(%arg13 : memref<!tpu.dma_semaphore, #tpu.memory_space<semaphore_mem>>) {add = true}
      %dma_wait3A_77 = arith.constant 15 : i32
      %dma_wait3A_78 = arith.constant 0 : i32
      %dma_wait3A_79 = tpu.memref_slice %arg6[%dma_wait3A_77, %dma_wait3A_78] : memref<16x128xi32, #tpu.memory_space<vmem>> -> memref<1x128xi32, #tpu.memory_space<vmem>>
      %dma_wait3A_80 = tpu.memref_squeeze %dma_wait3A_79 : memref<1x128xi32, #tpu.memory_space<vmem>> -> memref<128xi32, #tpu.memory_space<vmem>>
      %dma_wait3A_81 = arith.constant 0 : i32
      %dma_wait3A_82 = arith.constant 0 : i32
      %dma_wait3A_83 = tpu.memref_slice %arg2[%dma_wait3A_81, %dma_wait3A_82] : memref<10000x128xf32, #tpu.memory_space<hbm>> -> memref<10000x128xf32, #tpu.memory_space<hbm>>
      tpu.wait_indirect_dma semaphore(%arg12 : memref<!tpu.dma_semaphore, #tpu.memory_space<semaphore_mem>>) src(%dma_wait3A_83 : memref<10000x128xf32, #tpu.memory_space<hbm>>) dst(%arg9 : memref<128x128xf32, #tpu.memory_space<vmem>>)
      %dma_start3A_84 = arith.constant 15 : i32
      %dma_start3A_85 = arith.constant 0 : i32
      %dma_start3A_86 = tpu.memref_slice %arg7[%dma_start3A_84, %dma_start3A_85] : memref<16x128xi32, #tpu.memory_space<vmem>> -> memref<1x128xi32, #tpu.memory_space<vmem>>
      %dma_start3A_87 = tpu.memref_squeeze %dma_start3A_86 : memref<1x128xi32, #tpu.memory_space<vmem>> -> memref<128xi32, #tpu.memory_space<vmem>>
      %dma_start3A_88 = arith.constant 0 : i32
      %dma_start3A_89 = arith.constant 0 : i32
      %dma_start3A_90 = tpu.memref_slice %arg10[%dma_start3A_88, %dma_start3A_89] : memref<10112x128xf32, #tpu.memory_space<vmem_shared>> -> memref<10112x128xf32, #tpu.memory_space<vmem_shared>>
      tpu.enqueue_indirect_dma source(%arg9 : memref<128x128xf32, #tpu.memory_space<vmem>>) target(%dma_start3A_90 : memref<10112x128xf32, #tpu.memory_space<vmem_shared>>) offsets(%dma_start3A_87 : memref<128xi32, #tpu.memory_space<vmem>>) semaphore(%arg14 : memref<!tpu.dma_semaphore, #tpu.memory_space<semaphore_mem>>) {add = true}
      %dma_wait3A_91 = arith.constant 14 : i32
      %dma_wait3A_92 = arith.constant 0 : i32
      %dma_wait3A_93 = tpu.memref_slice %arg7[%dma_wait3A_91, %dma_wait3A_92] : memref<16x128xi32, #tpu.memory_space<vmem>> -> memref<1x128xi32, #tpu.memory_space<vmem>>
      %dma_wait3A_94 = tpu.memref_squeeze %dma_wait3A_93 : memref<1x128xi32, #tpu.memory_space<vmem>> -> memref<128xi32, #tpu.memory_space<vmem>>
      %dma_wait3A_95 = arith.constant 0 : i32
      %dma_wait3A_96 = arith.constant 0 : i32
      %dma_wait3A_97 = tpu.memref_slice %arg10[%dma_wait3A_95, %dma_wait3A_96] : memref<10112x128xf32, #tpu.memory_space<vmem_shared>> -> memref<10112x128xf32, #tpu.memory_space<vmem_shared>>
      tpu.wait_indirect_dma semaphore(%arg13 : memref<!tpu.dma_semaphore, #tpu.memory_space<semaphore_mem>>) src(%arg8 : memref<128x128xf32, #tpu.memory_space<vmem>>) dst(%dma_wait3A_97 : memref<10112x128xf32, #tpu.memory_space<vmem_shared>>)
      %dma_wait3A_98 = arith.constant 15 : i32
      %dma_wait3A_99 = arith.constant 0 : i32
      %dma_wait3A_100 = tpu.memref_slice %arg7[%dma_wait3A_98, %dma_wait3A_99] : memref<16x128xi32, #tpu.memory_space<vmem>> -> memref<1x128xi32, #tpu.memory_space<vmem>>
      %dma_wait3A_101 = tpu.memref_squeeze %dma_wait3A_100 : memref<1x128xi32, #tpu.memory_space<vmem>> -> memref<128xi32, #tpu.memory_space<vmem>>
      %dma_wait3A_102 = arith.constant 0 : i32
      %dma_wait3A_103 = arith.constant 0 : i32
      %dma_wait3A_104 = tpu.memref_slice %arg10[%dma_wait3A_102, %dma_wait3A_103] : memref<10112x128xf32, #tpu.memory_space<vmem_shared>> -> memref<10112x128xf32, #tpu.memory_space<vmem_shared>>
      tpu.wait_indirect_dma semaphore(%arg14 : memref<!tpu.dma_semaphore, #tpu.memory_space<semaphore_mem>>) src(%arg9 : memref<128x128xf32, #tpu.memory_space<vmem>>) dst(%dma_wait3A_104 : memref<10112x128xf32, #tpu.memory_space<vmem_shared>>)
      %while3A_105 = arith.constant 0 : i32
      scf.yield %while3A_105 : i32
    }
    %barrier3A_38 = arith.constant 0 : index
    tpu.barrier barrier_id(%barrier3A_38)
    "tpu.region"() ({
      %run_scoped3A = tpu.sem_alloc : memref<!tpu.dma_semaphore, #tpu.memory_space<semaphore_mem>>
      %dma_start3A = arith.constant 0 : i32
      %dma_start3A_39 = tpu.memref_slice %arg5[%arg0, %mul3A_0, %dma_start3A] : memref<2x10112x128xf32, #tpu.memory_space<hbm>> -> memref<1x632x128xf32, #tpu.memory_space<hbm>>
      %dma_start3A_40 = tpu.memref_squeeze %dma_start3A_39 : memref<1x632x128xf32, #tpu.memory_space<hbm>> -> memref<632x128xf32, #tpu.memory_space<hbm>>
      %dma_start3A_41 = arith.constant 0 : i32
      %dma_start3A_42 = tpu.memref_slice %arg10[%mul3A_0, %dma_start3A_41] : memref<10112x128xf32, #tpu.memory_space<vmem_shared>> -> memref<632x128xf32, #tpu.memory_space<vmem_shared>>
      tpu.enqueue_dma source(%dma_start3A_42 : memref<632x128xf32, #tpu.memory_space<vmem_shared>>) target(%dma_start3A_40 : memref<632x128xf32, #tpu.memory_space<hbm>>) target_semaphore(%run_scoped3A : memref<!tpu.dma_semaphore, #tpu.memory_space<semaphore_mem>>)
      %dma_wait3A = arith.constant 0 : i32
      %dma_wait3A_43 = tpu.memref_slice %arg5[%arg0, %mul3A_0, %dma_wait3A] : memref<2x10112x128xf32, #tpu.memory_space<hbm>> -> memref<1x632x128xf32, #tpu.memory_space<hbm>>
      %dma_wait3A_44 = tpu.memref_squeeze %dma_wait3A_43 : memref<1x632x128xf32, #tpu.memory_space<hbm>> -> memref<632x128xf32, #tpu.memory_space<hbm>>
      %dma_wait3A_45 = arith.constant 0 : i32
      %dma_wait3A_46 = tpu.memref_slice %arg10[%mul3A_0, %dma_wait3A_45] : memref<10112x128xf32, #tpu.memory_space<vmem_shared>> -> memref<632x128xf32, #tpu.memory_space<vmem_shared>>
      tpu.wait_dma2 semaphore(%run_scoped3A : memref<!tpu.dma_semaphore, #tpu.memory_space<semaphore_mem>>) src(%dma_wait3A_46 : memref<632x128xf32, #tpu.memory_space<vmem_shared>>) dst(%dma_wait3A_44 : memref<632x128xf32, #tpu.memory_space<hbm>>)
      tpu.yield
    }) : () -> ()
    return
  }
}

module attributes {stable_mosaic.version = 14 : i64} {
  func.func @_mid_body(%arg0: memref<2x10112x128xf32, #tpu.memory_space<vmem>>, %arg1: memref<10000x128xf32, #tpu.memory_space<vmem>>, %arg2: memref<2x10112x128xf32, #tpu.memory_space<vmem>>, %arg3: memref<128x128xf32, #tpu.memory_space<vmem>>, %arg4: memref<1x128xf32, #tpu.memory_space<vmem>>, %arg5: memref<1x128xf32, #tpu.memory_space<vmem>>, %arg6: memref<10000x128xf32, #tpu.memory_space<vmem>>, %arg7: memref<10000x128xf32, #tpu.memory_space<vmem>>) attributes {dimension_semantics = [], scalar_prefetch = 0 : i64, scratch_operands = 0 : i64, tpu.core_type = #tpu.core_type<tc>} {
    %get3A = arith.constant 0 : index
    %get3A_0 = arith.constant 0 : index
    %get3A_1 = arith.constant 0 : index
    %get3A_2 = vector.load %arg2[%get3A, %get3A_0, %get3A_1] : memref<2x10112x128xf32, #tpu.memory_space<vmem>>, vector<1x10000x1xf32>
    %get3A_3 = vector.shape_cast %get3A_2 : vector<1x10000x1xf32> to vector<10000x1xf32>
    %get3A_4 = arith.constant 1 : index
    %get3A_5 = arith.constant 0 : index
    %get3A_6 = arith.constant 0 : index
    %get3A_7 = vector.load %arg2[%get3A_4, %get3A_5, %get3A_6] : memref<2x10112x128xf32, #tpu.memory_space<vmem>>, vector<1x10000x1xf32>
    %get3A_8 = vector.shape_cast %get3A_7 : vector<1x10000x1xf32> to vector<10000x1xf32>
    %add3A = arith.addf %get3A_3, %get3A_8 : vector<10000x1xf32>
    %add3A_9 = arith.constant 1.000000e+00 : f32
    %add3A_10 = vector.broadcast %add3A_9 : f32 to vector<10000x1xf32>
    %add3A_11 = arith.addf %add3A, %add3A_10 : vector<10000x1xf32>
    %rsqrt3A = math.rsqrt %add3A_11 : vector<10000x1xf32>
    %get3A_12 = arith.constant 0 : index
    %get3A_13 = arith.constant 0 : index
    %get3A_14 = arith.constant 0 : index
    %get3A_15 = vector.load %arg0[%get3A_12, %get3A_13, %get3A_14] : memref<2x10112x128xf32, #tpu.memory_space<vmem>>, vector<1x10000x128xf32>
    %get3A_16 = vector.shape_cast %get3A_15 : vector<1x10000x128xf32> to vector<10000x128xf32>
    %get3A_17 = arith.constant 1 : index
    %get3A_18 = arith.constant 0 : index
    %get3A_19 = arith.constant 0 : index
    %get3A_20 = vector.load %arg0[%get3A_17, %get3A_18, %get3A_19] : memref<2x10112x128xf32, #tpu.memory_space<vmem>>, vector<1x10000x128xf32>
    %get3A_21 = vector.shape_cast %get3A_20 : vector<1x10000x128xf32> to vector<10000x128xf32>
    %add3A_22 = arith.addf %get3A_16, %get3A_21 : vector<10000x128xf32>
    %get3A_23 = arith.constant 0 : index
    %get3A_24 = arith.constant 0 : index
    %get3A_25 = vector.load %arg1[%get3A_23, %get3A_24] : memref<10000x128xf32, #tpu.memory_space<vmem>>, vector<10000x128xf32>
    %add3A_26 = arith.addf %add3A_22, %get3A_25 : vector<10000x128xf32>
    %mul3A = vector.broadcast %rsqrt3A : vector<10000x1xf32> to vector<10000x128xf32>
    %mul3A_27 = arith.mulf %mul3A, %add3A_26 : vector<10000x128xf32>
    %get3A_28 = arith.constant 0 : index
    %get3A_29 = arith.constant 0 : index
    %get3A_30 = vector.load %arg4[%get3A_28, %get3A_29] : memref<1x128xf32, #tpu.memory_space<vmem>>, vector<1x128xf32>
    %get3A_31 = arith.constant 0 : index
    %get3A_32 = arith.constant 0 : index
    %get3A_33 = vector.load %arg5[%get3A_31, %get3A_32] : memref<1x128xf32, #tpu.memory_space<vmem>>, vector<1x128xf32>
    %reduce_sum3A = arith.constant dense<0.000000e+00> : vector<128xf32>
    %reduce_sum3A_34 = vector.multi_reduction <add>, %mul3A_27, %reduce_sum3A [0] : vector<10000x128xf32> to vector<128xf32>
    %broadcast_in_dim3A = vector.shape_cast %reduce_sum3A_34 : vector<128xf32> to vector<1x128xf32>
    %div3A = arith.constant 1.000000e+04 : f32
    %div3A_35 = vector.broadcast %div3A : f32 to vector<1x128xf32>
    %div3A_36 = arith.divf %broadcast_in_dim3A, %div3A_35 : vector<1x128xf32>
    %mul3A_37 = arith.mulf %mul3A_27, %mul3A_27 : vector<10000x128xf32>
    %reduce_sum3A_38 = arith.constant dense<0.000000e+00> : vector<128xf32>
    %reduce_sum3A_39 = vector.multi_reduction <add>, %mul3A_37, %reduce_sum3A_38 [0] : vector<10000x128xf32> to vector<128xf32>
    %broadcast_in_dim3A_40 = vector.shape_cast %reduce_sum3A_39 : vector<128xf32> to vector<1x128xf32>
    %div3A_41 = arith.constant 1.000000e+04 : f32
    %div3A_42 = vector.broadcast %div3A_41 : f32 to vector<1x128xf32>
    %div3A_43 = arith.divf %broadcast_in_dim3A_40, %div3A_42 : vector<1x128xf32>
    %mul3A_44 = arith.mulf %div3A_36, %div3A_36 : vector<1x128xf32>
    %sub3A = arith.subf %div3A_43, %mul3A_44 : vector<1x128xf32>
    %sub3A_45 = vector.broadcast %div3A_36 : vector<1x128xf32> to vector<10000x128xf32>
    %sub3A_46 = arith.subf %mul3A_27, %sub3A_45 : vector<10000x128xf32>
    %add3A_47 = arith.constant 9.99999974E-6 : f32
    %add3A_48 = vector.broadcast %add3A_47 : f32 to vector<1x128xf32>
    %add3A_49 = arith.addf %sub3A, %add3A_48 : vector<1x128xf32>
    %rsqrt3A_50 = math.rsqrt %add3A_49 : vector<1x128xf32>
    %mul3A_51 = vector.broadcast %rsqrt3A_50 : vector<1x128xf32> to vector<10000x128xf32>
    %mul3A_52 = arith.mulf %sub3A_46, %mul3A_51 : vector<10000x128xf32>
    %mul3A_53 = vector.broadcast %get3A_30 : vector<1x128xf32> to vector<10000x128xf32>
    %mul3A_54 = arith.mulf %mul3A_52, %mul3A_53 : vector<10000x128xf32>
    %add3A_55 = vector.broadcast %get3A_33 : vector<1x128xf32> to vector<10000x128xf32>
    %add3A_56 = arith.addf %mul3A_54, %add3A_55 : vector<10000x128xf32>
    %max3A = arith.constant 0.000000e+00 : f32
    %max3A_57 = vector.broadcast %max3A : f32 to vector<10000x128xf32>
    %max3A_58 = arith.maximumf %add3A_56, %max3A_57 : vector<10000x128xf32>
    %swap3A = arith.constant 0 : index
    %swap3A_59 = arith.constant 0 : index
    %swap3A_60 = vector.load %arg6[%swap3A, %swap3A_59] : memref<10000x128xf32, #tpu.memory_space<vmem>>, vector<10000x128xf32>
    tpu.vector_store %arg6[%swap3A, %swap3A_59], %max3A_58 {strides = array<i32>} : memref<10000x128xf32, #tpu.memory_space<vmem>>, vector<10000x128xf32>,
    %get3A_61 = arith.constant 0 : index
    %get3A_62 = arith.constant 0 : index
    %get3A_63 = vector.load %arg3[%get3A_61, %get3A_62] : memref<128x128xf32, #tpu.memory_space<vmem>>, vector<128x128xf32>
    %dot_general3A = arith.constant dense<0.000000e+00> : vector<10000x128xf32>
    %dot_general3A_64 = tpu.matmul %max3A_58, %get3A_63, %dot_general3A {dimension_numbers = #tpu.dot_dimension_numbers<[1], [0], [0], [1], [0, 0, 1, 1], [], []>, transpose_lhs_hint = false} : vector<10000x128xf32>, vector<128x128xf32>, vector<10000x128xf32> -> vector<10000x128xf32>
    %mul3A_65 = vector.broadcast %rsqrt3A : vector<10000x1xf32> to vector<10000x128xf32>
    %mul3A_66 = arith.mulf %dot_general3A_64, %mul3A_65 : vector<10000x128xf32>
    %swap3A_67 = arith.constant 0 : index
    %swap3A_68 = arith.constant 0 : index
    %swap3A_69 = vector.load %arg7[%swap3A_67, %swap3A_68] : memref<10000x128xf32, #tpu.memory_space<vmem>>, vector<10000x128xf32>
    tpu.vector_store %arg7[%swap3A_67, %swap3A_68], %mul3A_66 {strides = array<i32>} : memref<10000x128xf32, #tpu.memory_space<vmem>>, vector<10000x128xf32>,
    return
  }
}

module attributes {stable_mosaic.version = 14 : i64} {
  func.func @_pre_body(%arg0: memref<10000x128xf32, #tpu.memory_space<vmem>>, %arg1: memref<128x128xf32, #tpu.memory_space<vmem>>, %arg2: memref<2x10112x128xf32, #tpu.memory_space<vmem>>, %arg3: memref<10000x128xf32, #tpu.memory_space<vmem>>) attributes {dimension_semantics = [], scalar_prefetch = 0 : i64, scratch_operands = 0 : i64, tpu.core_type = #tpu.core_type<tc>} {
    %get3A = arith.constant 0 : index
    %get3A_0 = arith.constant 0 : index
    %get3A_1 = arith.constant 0 : index
    %get3A_2 = vector.load %arg2[%get3A, %get3A_0, %get3A_1] : memref<2x10112x128xf32, #tpu.memory_space<vmem>>, vector<1x10000x1xf32>
    %get3A_3 = vector.shape_cast %get3A_2 : vector<1x10000x1xf32> to vector<10000x1xf32>
    %get3A_4 = arith.constant 1 : index
    %get3A_5 = arith.constant 0 : index
    %get3A_6 = arith.constant 0 : index
    %get3A_7 = vector.load %arg2[%get3A_4, %get3A_5, %get3A_6] : memref<2x10112x128xf32, #tpu.memory_space<vmem>>, vector<1x10000x1xf32>
    %get3A_8 = vector.shape_cast %get3A_7 : vector<1x10000x1xf32> to vector<10000x1xf32>
    %add3A = arith.addf %get3A_3, %get3A_8 : vector<10000x1xf32>
    %add3A_9 = arith.constant 1.000000e+00 : f32
    %add3A_10 = vector.broadcast %add3A_9 : f32 to vector<10000x1xf32>
    %add3A_11 = arith.addf %add3A, %add3A_10 : vector<10000x1xf32>
    %rsqrt3A = math.rsqrt %add3A_11 : vector<10000x1xf32>
    %get3A_12 = arith.constant 0 : index
    %get3A_13 = arith.constant 0 : index
    %get3A_14 = vector.load %arg0[%get3A_12, %get3A_13] : memref<10000x128xf32, #tpu.memory_space<vmem>>, vector<10000x128xf32>
    %get3A_15 = arith.constant 0 : index
    %get3A_16 = arith.constant 0 : index
    %get3A_17 = vector.load %arg1[%get3A_15, %get3A_16] : memref<128x128xf32, #tpu.memory_space<vmem>>, vector<128x128xf32>
    %dot_general3A = arith.constant dense<0.000000e+00> : vector<10000x128xf32>
    %dot_general3A_18 = tpu.matmul %get3A_14, %get3A_17, %dot_general3A {dimension_numbers = #tpu.dot_dimension_numbers<[1], [0], [0], [1], [0, 0, 1, 1], [], []>, transpose_lhs_hint = false} : vector<10000x128xf32>, vector<128x128xf32>, vector<10000x128xf32> -> vector<10000x128xf32>
    %mul3A = vector.broadcast %rsqrt3A : vector<10000x1xf32> to vector<10000x128xf32>
    %mul3A_19 = arith.mulf %dot_general3A_18, %mul3A : vector<10000x128xf32>
    %swap3A = arith.constant 0 : index
    %swap3A_20 = arith.constant 0 : index
    %swap3A_21 = vector.load %arg3[%swap3A, %swap3A_20] : memref<10000x128xf32, #tpu.memory_space<vmem>>, vector<10000x128xf32>
    tpu.vector_store %arg3[%swap3A, %swap3A_20], %mul3A_19 {strides = array<i32>} : memref<10000x128xf32, #tpu.memory_space<vmem>>, vector<10000x128xf32>,
    return
  }
}

module attributes {stable_mosaic.version = 14 : i64} {
  func.func @_fin_body(%arg0: memref<2x10112x128xf32, #tpu.memory_space<vmem>>, %arg1: memref<10000x128xf32, #tpu.memory_space<vmem>>, %arg2: memref<2x10112x128xf32, #tpu.memory_space<vmem>>, %arg3: memref<1x128xf32, #tpu.memory_space<vmem>>, %arg4: memref<1x128xf32, #tpu.memory_space<vmem>>, %arg5: memref<10000x128xf32, #tpu.memory_space<vmem>>, %arg6: memref<10000x128xf32, #tpu.memory_space<vmem>>, %arg7: memref<10000x1xi32, #tpu.memory_space<vmem>>, %arg8: memref<384x128xf32, #tpu.memory_space<vmem>>, %arg9: memref<1x128xf32, #tpu.memory_space<vmem>>, %arg10: memref<1x128xf32, #tpu.memory_space<vmem>>, %arg11: memref<128x16xf32, #tpu.memory_space<vmem>>, %arg12: memref<1x16xf32, #tpu.memory_space<vmem>>, %arg13: memref<64x16xf32, #tpu.memory_space<vmem>>) attributes {dimension_semantics = [], scalar_prefetch = 0 : i64, scratch_operands = 0 : i64, tpu.core_type = #tpu.core_type<tc>} {
    %get3A = arith.constant 0 : index
    %get3A_0 = arith.constant 0 : index
    %get3A_1 = arith.constant 0 : index
    %get3A_2 = vector.load %arg2[%get3A, %get3A_0, %get3A_1] : memref<2x10112x128xf32, #tpu.memory_space<vmem>>, vector<1x10000x1xf32>
    %get3A_3 = vector.shape_cast %get3A_2 : vector<1x10000x1xf32> to vector<10000x1xf32>
    %get3A_4 = arith.constant 1 : index
    %get3A_5 = arith.constant 0 : index
    %get3A_6 = arith.constant 0 : index
    %get3A_7 = vector.load %arg2[%get3A_4, %get3A_5, %get3A_6] : memref<2x10112x128xf32, #tpu.memory_space<vmem>>, vector<1x10000x1xf32>
    %get3A_8 = vector.shape_cast %get3A_7 : vector<1x10000x1xf32> to vector<10000x1xf32>
    %add3A = arith.addf %get3A_3, %get3A_8 : vector<10000x1xf32>
    %add3A_9 = arith.constant 1.000000e+00 : f32
    %add3A_10 = vector.broadcast %add3A_9 : f32 to vector<10000x1xf32>
    %add3A_11 = arith.addf %add3A, %add3A_10 : vector<10000x1xf32>
    %rsqrt3A = math.rsqrt %add3A_11 : vector<10000x1xf32>
    %get3A_12 = arith.constant 0 : index
    %get3A_13 = arith.constant 0 : index
    %get3A_14 = arith.constant 0 : index
    %get3A_15 = vector.load %arg0[%get3A_12, %get3A_13, %get3A_14] : memref<2x10112x128xf32, #tpu.memory_space<vmem>>, vector<1x10000x128xf32>
    %get3A_16 = vector.shape_cast %get3A_15 : vector<1x10000x128xf32> to vector<10000x128xf32>
    %get3A_17 = arith.constant 1 : index
    %get3A_18 = arith.constant 0 : index
    %get3A_19 = arith.constant 0 : index
    %get3A_20 = vector.load %arg0[%get3A_17, %get3A_18, %get3A_19] : memref<2x10112x128xf32, #tpu.memory_space<vmem>>, vector<1x10000x128xf32>
    %get3A_21 = vector.shape_cast %get3A_20 : vector<1x10000x128xf32> to vector<10000x128xf32>
    %add3A_22 = arith.addf %get3A_16, %get3A_21 : vector<10000x128xf32>
    %get3A_23 = arith.constant 0 : index
    %get3A_24 = arith.constant 0 : index
    %get3A_25 = vector.load %arg1[%get3A_23, %get3A_24] : memref<10000x128xf32, #tpu.memory_space<vmem>>, vector<10000x128xf32>
    %add3A_26 = arith.addf %add3A_22, %get3A_25 : vector<10000x128xf32>
    %mul3A = vector.broadcast %rsqrt3A : vector<10000x1xf32> to vector<10000x128xf32>
    %mul3A_27 = arith.mulf %mul3A, %add3A_26 : vector<10000x128xf32>
    %get3A_28 = arith.constant 0 : index
    %get3A_29 = arith.constant 0 : index
    %get3A_30 = vector.load %arg3[%get3A_28, %get3A_29] : memref<1x128xf32, #tpu.memory_space<vmem>>, vector<1x128xf32>
    %get3A_31 = arith.constant 0 : index
    %get3A_32 = arith.constant 0 : index
    %get3A_33 = vector.load %arg4[%get3A_31, %get3A_32] : memref<1x128xf32, #tpu.memory_space<vmem>>, vector<1x128xf32>
    %reduce_sum3A = arith.constant dense<0.000000e+00> : vector<128xf32>
    %reduce_sum3A_34 = vector.multi_reduction <add>, %mul3A_27, %reduce_sum3A [0] : vector<10000x128xf32> to vector<128xf32>
    %broadcast_in_dim3A = vector.shape_cast %reduce_sum3A_34 : vector<128xf32> to vector<1x128xf32>
    %div3A = arith.constant 1.000000e+04 : f32
    %div3A_35 = vector.broadcast %div3A : f32 to vector<1x128xf32>
    %div3A_36 = arith.divf %broadcast_in_dim3A, %div3A_35 : vector<1x128xf32>
    %mul3A_37 = arith.mulf %mul3A_27, %mul3A_27 : vector<10000x128xf32>
    %reduce_sum3A_38 = arith.constant dense<0.000000e+00> : vector<128xf32>
    %reduce_sum3A_39 = vector.multi_reduction <add>, %mul3A_37, %reduce_sum3A_38 [0] : vector<10000x128xf32> to vector<128xf32>
    %broadcast_in_dim3A_40 = vector.shape_cast %reduce_sum3A_39 : vector<128xf32> to vector<1x128xf32>
    %div3A_41 = arith.constant 1.000000e+04 : f32
    %div3A_42 = vector.broadcast %div3A_41 : f32 to vector<1x128xf32>
    %div3A_43 = arith.divf %broadcast_in_dim3A_40, %div3A_42 : vector<1x128xf32>
    %mul3A_44 = arith.mulf %div3A_36, %div3A_36 : vector<1x128xf32>
    %sub3A = arith.subf %div3A_43, %mul3A_44 : vector<1x128xf32>
    %sub3A_45 = vector.broadcast %div3A_36 : vector<1x128xf32> to vector<10000x128xf32>
    %sub3A_46 = arith.subf %mul3A_27, %sub3A_45 : vector<10000x128xf32>
    %add3A_47 = arith.constant 9.99999974E-6 : f32
    %add3A_48 = vector.broadcast %add3A_47 : f32 to vector<1x128xf32>
    %add3A_49 = arith.addf %sub3A, %add3A_48 : vector<1x128xf32>
    %rsqrt3A_50 = math.rsqrt %add3A_49 : vector<1x128xf32>
    %mul3A_51 = vector.broadcast %rsqrt3A_50 : vector<1x128xf32> to vector<10000x128xf32>
    %mul3A_52 = arith.mulf %sub3A_46, %mul3A_51 : vector<10000x128xf32>
    %mul3A_53 = vector.broadcast %get3A_30 : vector<1x128xf32> to vector<10000x128xf32>
    %mul3A_54 = arith.mulf %mul3A_52, %mul3A_53 : vector<10000x128xf32>
    %add3A_55 = vector.broadcast %get3A_33 : vector<1x128xf32> to vector<10000x128xf32>
    %add3A_56 = arith.addf %mul3A_54, %add3A_55 : vector<10000x128xf32>
    %max3A = arith.constant 0.000000e+00 : f32
    %max3A_57 = vector.broadcast %max3A : f32 to vector<10000x128xf32>
    %max3A_58 = arith.maximumf %add3A_56, %max3A_57 : vector<10000x128xf32>
    %get3A_59 = arith.constant 0 : index
    %get3A_60 = arith.constant 0 : index
    %get3A_61 = vector.load %arg7[%get3A_59, %get3A_60] : memref<10000x1xi32, #tpu.memory_space<vmem>>, vector<10000x1xi32>
    %iota3A = tpu.iota {dimensions = array<i32: 1>} : vector<10000x64xi32>
    %eq3A = vector.broadcast %get3A_61 : vector<10000x1xi32> to vector<10000x64xi32>
    %eq3A_62 = arith.cmpi eq, %eq3A, %iota3A : vector<10000x64xi32>
    %convert_element_type3A = arith.extui %eq3A_62 : vector<10000x64xi1> to vector<10000x64xi32>
    %convert_element_type3A_63 = arith.sitofp %convert_element_type3A : vector<10000x64xi32> to vector<10000x64xf32>
    %get3A_64 = arith.constant 0 : index
    %get3A_65 = arith.constant 0 : index
    %get3A_66 = vector.load %arg5[%get3A_64, %get3A_65] : memref<10000x128xf32, #tpu.memory_space<vmem>>, vector<10000x128xf32>
    %dot_general3A = arith.constant dense<0.000000e+00> : vector<64x128xf32>
    %dot_general3A_67 = tpu.matmul %convert_element_type3A_63, %get3A_66, %dot_general3A {dimension_numbers = #tpu.dot_dimension_numbers<[0], [0], [1], [1], [0, 1, 1, 1], [], []>, transpose_lhs_hint = false} : vector<10000x64xf32>, vector<10000x128xf32>, vector<64x128xf32> -> vector<64x128xf32>
    %get3A_68 = arith.constant 0 : index
    %get3A_69 = arith.constant 0 : index
    %get3A_70 = vector.load %arg6[%get3A_68, %get3A_69] : memref<10000x128xf32, #tpu.memory_space<vmem>>, vector<10000x128xf32>
    %dot_general3A_71 = arith.constant dense<0.000000e+00> : vector<64x128xf32>
    %dot_general3A_72 = tpu.matmul %convert_element_type3A_63, %get3A_70, %dot_general3A_71 {dimension_numbers = #tpu.dot_dimension_numbers<[0], [0], [1], [1], [0, 1, 1, 1], [], []>, transpose_lhs_hint = false} : vector<10000x64xf32>, vector<10000x128xf32>, vector<64x128xf32> -> vector<64x128xf32>
    %dot_general3A_73 = arith.constant dense<0.000000e+00> : vector<64x128xf32>
    %dot_general3A_74 = tpu.matmul %convert_element_type3A_63, %max3A_58, %dot_general3A_73 {dimension_numbers = #tpu.dot_dimension_numbers<[0], [0], [1], [1], [0, 1, 1, 1], [], []>, transpose_lhs_hint = false} : vector<10000x64xf32>, vector<10000x128xf32>, vector<64x128xf32> -> vector<64x128xf32>
    %reduce_sum3A_75 = arith.constant dense<0.000000e+00> : vector<64xf32>
    %reduce_sum3A_76 = vector.multi_reduction <add>, %convert_element_type3A_63, %reduce_sum3A_75 [0] : vector<10000x64xf32> to vector<64xf32>
    %broadcast_in_dim3A_77 = vector.shape_cast %reduce_sum3A_76 : vector<64xf32> to vector<64x1xf32>
    %jit3A = arith.constant 1.000000e+00 : f32
    %max3A_78 = vector.broadcast %jit3A : f32 to vector<64x1xf32>
    %max3A_79 = arith.maximumf %max3A_78, %broadcast_in_dim3A_77 : vector<64x1xf32>
    %div3A_80 = arith.constant 1.000000e+00 : f32
    %div3A_81 = vector.broadcast %div3A_80 : f32 to vector<64x1xf32>
    %div3A_82 = arith.divf %div3A_81, %max3A_79 : vector<64x1xf32>
    %concatenate3A = tpu.concatenate %dot_general3A_67, %dot_general3A_72, %dot_general3A_74 in 1 : vector<64x128xf32>, vector<64x128xf32>, vector<64x128xf32> -> vector<64x384xf32>
    %mul3A_83 = vector.broadcast %div3A_82 : vector<64x1xf32> to vector<64x384xf32>
    %mul3A_84 = arith.mulf %concatenate3A, %mul3A_83 : vector<64x384xf32>
    %get3A_85 = arith.constant 0 : index
    %get3A_86 = arith.constant 0 : index
    %get3A_87 = vector.load %arg8[%get3A_85, %get3A_86] : memref<384x128xf32, #tpu.memory_space<vmem>>, vector<384x128xf32>
    %dot_general3A_88 = arith.constant dense<0.000000e+00> : vector<64x128xf32>
    %dot_general3A_89 = tpu.matmul %mul3A_84, %get3A_87, %dot_general3A_88 {dimension_numbers = #tpu.dot_dimension_numbers<[1], [0], [0], [1], [0, 0, 1, 1], [], []>, transpose_lhs_hint = false} : vector<64x384xf32>, vector<384x128xf32>, vector<64x128xf32> -> vector<64x128xf32>
    %get3A_90 = arith.constant 0 : index
    %get3A_91 = arith.constant 0 : index
    %get3A_92 = vector.load %arg9[%get3A_90, %get3A_91] : memref<1x128xf32, #tpu.memory_space<vmem>>, vector<1x128xf32>
    %get3A_93 = arith.constant 0 : index
    %get3A_94 = arith.constant 0 : index
    %get3A_95 = vector.load %arg10[%get3A_93, %get3A_94] : memref<1x128xf32, #tpu.memory_space<vmem>>, vector<1x128xf32>
    %reduce_sum3A_96 = arith.constant dense<0.000000e+00> : vector<128xf32>
    %reduce_sum3A_97 = vector.multi_reduction <add>, %dot_general3A_89, %reduce_sum3A_96 [0] : vector<64x128xf32> to vector<128xf32>
    %broadcast_in_dim3A_98 = vector.shape_cast %reduce_sum3A_97 : vector<128xf32> to vector<1x128xf32>
    %div3A_99 = arith.constant 6.400000e+01 : f32
    %div3A_100 = vector.broadcast %div3A_99 : f32 to vector<1x128xf32>
    %div3A_101 = arith.divf %broadcast_in_dim3A_98, %div3A_100 : vector<1x128xf32>
    %mul3A_102 = arith.mulf %dot_general3A_89, %dot_general3A_89 : vector<64x128xf32>
    %reduce_sum3A_103 = arith.constant dense<0.000000e+00> : vector<128xf32>
    %reduce_sum3A_104 = vector.multi_reduction <add>, %mul3A_102, %reduce_sum3A_103 [0] : vector<64x128xf32> to vector<128xf32>
    %broadcast_in_dim3A_105 = vector.shape_cast %reduce_sum3A_104 : vector<128xf32> to vector<1x128xf32>
    %div3A_106 = arith.constant 6.400000e+01 : f32
    %div3A_107 = vector.broadcast %div3A_106 : f32 to vector<1x128xf32>
    %div3A_108 = arith.divf %broadcast_in_dim3A_105, %div3A_107 : vector<1x128xf32>
    %mul3A_109 = arith.mulf %div3A_101, %div3A_101 : vector<1x128xf32>
    %sub3A_110 = arith.subf %div3A_108, %mul3A_109 : vector<1x128xf32>
    %sub3A_111 = vector.broadcast %div3A_101 : vector<1x128xf32> to vector<64x128xf32>
    %sub3A_112 = arith.subf %dot_general3A_89, %sub3A_111 : vector<64x128xf32>
    %add3A_113 = arith.constant 9.99999974E-6 : f32
    %add3A_114 = vector.broadcast %add3A_113 : f32 to vector<1x128xf32>
    %add3A_115 = arith.addf %sub3A_110, %add3A_114 : vector<1x128xf32>
    %rsqrt3A_116 = math.rsqrt %add3A_115 : vector<1x128xf32>
    %mul3A_117 = vector.broadcast %rsqrt3A_116 : vector<1x128xf32> to vector<64x128xf32>
    %mul3A_118 = arith.mulf %sub3A_112, %mul3A_117 : vector<64x128xf32>
    %mul3A_119 = vector.broadcast %get3A_92 : vector<1x128xf32> to vector<64x128xf32>
    %mul3A_120 = arith.mulf %mul3A_118, %mul3A_119 : vector<64x128xf32>
    %add3A_121 = vector.broadcast %get3A_95 : vector<1x128xf32> to vector<64x128xf32>
    %add3A_122 = arith.addf %mul3A_120, %add3A_121 : vector<64x128xf32>
    %max3A_123 = arith.constant 0.000000e+00 : f32
    %max3A_124 = vector.broadcast %max3A_123 : f32 to vector<64x128xf32>
    %max3A_125 = arith.maximumf %add3A_122, %max3A_124 : vector<64x128xf32>
    %get3A_126 = arith.constant 0 : index
    %get3A_127 = arith.constant 0 : index
    %get3A_128 = vector.load %arg11[%get3A_126, %get3A_127] : memref<128x16xf32, #tpu.memory_space<vmem>>, vector<128x16xf32>
    %dot_general3A_129 = arith.constant dense<0.000000e+00> : vector<64x16xf32>
    %dot_general3A_130 = tpu.matmul %max3A_125, %get3A_128, %dot_general3A_129 {dimension_numbers = #tpu.dot_dimension_numbers<[1], [0], [0], [1], [0, 0, 1, 1], [], []>, transpose_lhs_hint = false} : vector<64x128xf32>, vector<128x16xf32>, vector<64x16xf32> -> vector<64x16xf32>
    %get3A_131 = arith.constant 0 : index
    %get3A_132 = arith.constant 0 : index
    %get3A_133 = vector.load %arg12[%get3A_131, %get3A_132] : memref<1x16xf32, #tpu.memory_space<vmem>>, vector<1x16xf32>
    %add3A_134 = vector.broadcast %get3A_133 : vector<1x16xf32> to vector<64x16xf32>
    %add3A_135 = arith.addf %dot_general3A_130, %add3A_134 : vector<64x16xf32>
    %reduce_max3A = arith.constant dense<0xFF800000> : vector<64xf32>
    %reduce_max3A_136 = vector.multi_reduction <maximumf>, %add3A_135, %reduce_max3A [1] : vector<64x16xf32> to vector<64xf32>
    %broadcast_in_dim3A_137 = vector.shape_cast %reduce_max3A_136 : vector<64xf32> to vector<64x1xf32>
    %sub3A_138 = vector.broadcast %broadcast_in_dim3A_137 : vector<64x1xf32> to vector<64x16xf32>
    %sub3A_139 = arith.subf %add3A_135, %sub3A_138 : vector<64x16xf32>
    %sub3A_140 = vector.broadcast %broadcast_in_dim3A_137 : vector<64x1xf32> to vector<64x16xf32>
    %sub3A_141 = arith.subf %add3A_135, %sub3A_140 : vector<64x16xf32>
    %exp3A = math.exp %sub3A_141 : vector<64x16xf32>
    %reduce_sum3A_142 = arith.constant dense<0.000000e+00> : vector<64xf32>
    %reduce_sum3A_143 = vector.multi_reduction <add>, %exp3A, %reduce_sum3A_142 [1] : vector<64x16xf32> to vector<64xf32>
    %broadcast_in_dim3A_144 = vector.shape_cast %reduce_sum3A_143 : vector<64xf32> to vector<64x1xf32>
    %log3A = math.log %broadcast_in_dim3A_144 : vector<64x1xf32>
    %sub3A_145 = vector.broadcast %log3A : vector<64x1xf32> to vector<64x16xf32>
    %sub3A_146 = arith.subf %sub3A_139, %sub3A_145 : vector<64x16xf32>
    %swap3A = arith.constant 0 : index
    %swap3A_147 = arith.constant 0 : index
    %swap3A_148 = vector.load %arg13[%swap3A, %swap3A_147] : memref<64x16xf32, #tpu.memory_space<vmem>>, vector<64x16xf32>
    tpu.vector_store %arg13[%swap3A, %swap3A_147], %sub3A_146 {strides = array<i32>} : memref<64x16xf32, #tpu.memory_space<vmem>>, vector<64x16xf32>,
    return
  }
}

</mosaic_0001>

<sc_bundles>
// kernel: kernel.10.cloned.1.call-start
scs
__scs_entry_jumppad:
0x0: {  	(pc) =	sbr.rel $0x88, $3  }
0x1: {  	(tag) =	ssettag $0x0;
	lr =	simm.s32 $0x1  }
0x2: {  	[smem:$0x3F90] =	sst lr;
	_ =	strace $0xD0000000  }
0x3: {  	_ = 	snop  }
0x4: {  	_ = 	snop  }
0x5: {  	_ = 	snop  }
0x6: {  	_ = 	snop  }
0x7: {  	_ = 	snop  }
__scs_overlays_trampoline_lowered:
0x8: {  	[smem:$0x3F9F] =	sst s0  }
0x9: {  	[smem:$0x3FA0] =	sst s1  }
0xa: {  	[smem:$0x3FA1] =	sst s2  }
0xb: {  	[smem:$0x3FA2] =	sst s3  }
0xc: {  	[smem:$0x3FA3] =	sst s4  }
0xd: {  	[smem:$0x3FA4] =	sst s5  }
0xe: {  	[smem:$0x3FA5] =	sst s6  }
0xf: {  	[smem:$0x3FA6] =	sst s7  }
0x10: {  	[smem:$0x3FA7] =	sst s8  }
0x11: {  	[smem:$0x3FA8] =	sst s9;
	s0 =	simm.s32 @!p0 $0x0  }
0x12: {  	s1 =	sld [smem:$0x3F8E];
	s0 =	simm.s32 @p0 $0x1  }
0x13: {  	[smem:$0x3FA9] =	sst s0;
	s0 =	simm.s32 @!p1 $0x0  }
0x14: {  	s2 =	sld [smem:$0x3F8D];
	s0 =	simm.s32 @p1 $0x1  }
0x15: {  	[smem:$0x3FAA] =	sst s0;
	s0 =	simm.s32 @!p2 $0x0  }
0x16: {  	s3 =	sld [smem:$0x3FDB];
	s0 =	simm.s32 @p2 $0x1  }
0x17: {  	s4 =	simm.s32 $0x1BF5;
	[smem:$0x3FAC] =	sst s0  }
0x18: {  	s0 =	sld [smem:$0x3F8F];
	_ =	swait.ge [sflag:s4], $0x0  }
0x19: {  	s7 =	sld [smem:$0x3F90]  }
0x1a: {  	s8 =	sadd.s32 $0xFFFFE003, lr  }
0x1b: {  	s9 =	sadd.s32 $0xFFFFFEF7, lr;
	s5 =	simm.s32 $0xFFFFFFFF;
	p2 =	slt.u32 s8, $0xFFFFF086  }
0x1c: {  	p1 =	slt.u32 s9, $0xF7A;
	s5 =	simm.s32 @!p2 $0x0  }
0x1d: {  	s5 =	simm.s32 @p1 $0x1;
	p0 =	seq.s32 s7, s2  }
0x1e: {  	s7 =	smul.u32 @!p0 $0xF7A, s2;
	p2 =	seq.s32 @!p0 s5, $0x0  }
0x1f: {  	s9 =	smul.u32 $0xF7A, s1;
	s8 =	simm.s32 @!p0 $0x1BF5;
	p2 =	por !p2, p0  }
0x20: {  	[sflag:s8] =	ssyncset.s32 @!p0 $0xFFFFF086;
	s6 =	sadd.s32 @!p0 s3, s7;
	s7 =	simm.s32 @!p0 $0x108  }
0x21: {  	s3 =	sadd.s32 s3, s9;
	s6 =	sadd.s32 @!p0 $0x88, s6;
	s7 =	simm.s32 @p2 $0x1082  }
0x22: {  	[simem:s7], [sflag:s8] =	dma.local @!p0 [hbm:s6], $0xF7A  }
0x23: {  	s9 =	sor.u32 $0xD0000000, s2;
	s6 =	simm.s32 $0x108;
	_ =	swait.ge @!p0 [sflag:s8], $0x0  }
0x24: {  	s3 =	sadd.s32 $0x88, s3;
	s6 =	simm.s32 @!p1 $0x1082;
	[sflag:s4] =	ssyncset.s32 $0xFFFFF086  }
0x25: {  	[simem:s6], [sflag:s4] =	dma.local [hbm:s3], $0xF7A  }
0x26: {  	[smem:$0x3F90] =	sst s1;
	(tag) =	ssettag s2;
	_ =	strace s9  }
0x27: {  	s1 =	sld [smem:$0x3FA0]  }
0x28: {  	s2 =	sld [smem:$0x3FA1]  }
0x29: {  	s4 =	sld [smem:$0x3FA3]  }
0x2a: {  	p0 =	seq.s32 s5, $0x0;
	s5 =	sld [smem:$0x3FA4]  }
0x2b: {  	s6 =	sld [smem:$0x3FA5]  }
0x2c: {  	s7 =	sld [smem:$0x3FA6]  }
0x2d: {  	s3 =	simm.s32 $0x108;
	s8 =	sld [smem:$0x3FA7]  }
0x2e: {  	s3 =	simm.s32 @!p0 $0x1082;
	s9 =	sld [smem:$0x3FA8]  }
0x2f: {  	lr =	sadd.s32 s0, s3;
	s0 =	sld [smem:$0x3F9F]  }
0x30: {  	s3 =	sld [smem:$0x3FA2]  }
0x31: {  	[smem:$0x3FAB] =	sst s10  }
0x32: {  	s10 =	sld [smem:$0x3FA9];
	_ =	sdelay $0x3  }
0x33: {  	p0 =	seq.s32 s10, $0x1;
	s10 =	sld [smem:$0x3FAB];
	_ =	sdelay $0x3  }
0x34: {  	[smem:$0x3FAB] =	sst s10  }
0x35: {  	s10 =	sld [smem:$0x3FAA];
	_ =	sdelay $0x3  }
0x36: {  	p1 =	seq.s32 s10, $0x1;
	s10 =	sld [smem:$0x3FAB];
	_ =	sdelay $0x3  }
0x37: {  	[smem:$0x3FAB] =	sst s10  }
0x38: {  	s10 =	sld [smem:$0x3FAC]  }
0x39: {  	_ = 	snop;
	(pc) =	sbr.ind lr, $3  }
0x3a: {  	_ = 	snop  }
0x3b: {  	_ = 	snop  }
0x3c: {  	p2 =	seq.s32 s10, $0x1;
	s10 =	sld [smem:$0x3FAB]  }
0x3d: {  	_ =	shalt  }
0x3e: {  	_ =	shalt  }
0x3f: {  	_ =	shalt  }
0x40: {  	_ =	shalt  }
0x41: {  	_ =	shalt  }
0x42: {  	_ =	shalt  }
0x43: {  	_ =	shalt  }
0x44: {  	_ =	shalt  }
0x45: {  	_ =	shalt  }
0x46: {  	_ =	shalt  }
0x47: {  	_ =	shalt  }
0x48: {  	_ =	shalt  }
0x49: {  	_ =	shalt  }
0x4a: {  	_ =	shalt  }
0x4b: {  	_ =	shalt  }
0x4c: {  	_ =	shalt  }
0x4d: {  	_ =	shalt  }
0x4e: {  	_ =	shalt  }
0x4f: {  	_ =	shalt  }
0x50: {  	_ =	shalt  }
0x51: {  	_ =	shalt  }
0x52: {  	_ =	shalt  }
0x53: {  	_ =	shalt  }
0x54: {  	_ =	shalt  }
0x55: {  	_ =	shalt  }
0x56: {  	_ =	shalt  }
0x57: {  	_ =	shalt  }
0x58: {  	_ =	shalt  }
0x59: {  	_ =	shalt  }
0x5a: {  	_ =	shalt  }
0x5b: {  	_ =	shalt  }
0x5c: {  	_ =	shalt  }
0x5d: {  	_ =	shalt  }
0x5e: {  	_ =	shalt  }
0x5f: {  	_ =	shalt  }
0x60: {  	_ =	shalt  }
0x61: {  	_ =	shalt  }
0x62: {  	_ =	shalt  }
0x63: {  	_ =	shalt  }
0x64: {  	_ =	shalt  }
0x65: {  	_ =	shalt  }
0x66: {  	_ =	shalt  }
0x67: {  	_ =	shalt  }
0x68: {  	_ =	shalt  }
0x69: {  	_ =	shalt  }
0x6a: {  	_ =	shalt  }
0x6b: {  	_ =	shalt  }
0x6c: {  	_ =	shalt  }
0x6d: {  	_ =	shalt  }
0x6e: {  	_ =	shalt  }
0x6f: {  	_ =	shalt  }
0x70: {  	_ =	shalt  }
0x71: {  	_ =	shalt  }
0x72: {  	_ =	shalt  }
0x73: {  	_ =	shalt  }
0x74: {  	_ =	shalt  }
0x75: {  	_ =	shalt  }
0x76: {  	_ =	shalt  }
0x77: {  	_ =	shalt  }
0x78: {  	_ =	shalt  }
0x79: {  	_ =	shalt  }
0x7a: {  	_ =	shalt  }
0x7b: {  	_ =	shalt  }
0x7c: {  	_ =	shalt  }
0x7d: {  	_ =	shalt  }
0x7e: {  	_ =	shalt  }
0x7f: {  	_ =	shalt  }
0x80: {  	_ =	shalt  }
0x81: {  	_ =	shalt  }
0x82: {  	_ =	shalt  }
0x83: {  	_ =	shalt  }
0x84: {  	_ =	shalt  }
0x85: {  	_ =	shalt  }
0x86: {  	_ =	shalt  }
0x87: {  	_ =	shalt  }
.Lfunc_end0:
.L_simem_size_0:
called_computation_lowered:
.L_overlay_start_0:
0x88: {  	s2 =	sld [smem:$0x3FD9]  }
0x89: {  	s3 =	sld [smem:$0x3FFE];
	_ =	sdelay $0x1  }
0x8a: {  	s1 =	srdreg.scid  }
0x8b: {  	s0 =	sand.u32 $0x1, s1  }
0x8c: {  	s16 =	sshll.u32 s0, $0xA;
	s2 =	sadd.s32 s3, s2  }
0x8d: {  	s2 =	sadd.s32 s2, s16  }
0x8e: {  	[smem:$0x3FB7] =	sst s2  }
0x8f: {  	_ = 	snop  }
0x90: {  	(tm) =	ssettm $0x1  }
0x91: {  	s17 =	sld [smem:$0x3FFB];
	_ =	sdelay $0x3  }
0x92: {  	_ =	strace s17  }
0x93: {  	s2 =	sld [smem:$0x3FFC];
	_ =	sdelay $0x3  }
0x94: {  	_ =	strace s2  }
0x95: {  	s2 =	sld [smem:$0x3FFD];
	_ =	sdelay $0x3  }
0x96: {  	_ =	strace s2  }
0x97: {  	_ =	strace $0x8FFFFFFF  }
0x98: {  	s18 =	sld [smem:$0x3FDB];
	_ =	sdelay $0x1  }
0x99: {  	s19 =	simm.s32 $_scs_section_size  }
0x9a: {  	s4 =	simm.s32 $_size__tile_overlayer_lowered;
	s5 =	simm.s32 $_tile_overlayer_lowered  }
0x9b: {  	s22 =	simm.s32 $0x1BFF;
	s21 =	sshll.u32 s5, $0x1;
	s2 =	sadd.s32 s19, s18  }
0x9c: {  	s6 =	simm.s32 $0x0;
	s20 =	sshll.u32 s4, $0x1;
	s4 =	sadd.s32 s21, s2  }
0x9d: {  	[timem:s6], [sflag:s22] =	dma.local [hbm:s4], s20  }
0x9e: {  	_ =	swait.ge [sflag:s22], s20  }
0x9f: {  	s3 =	ssub.s32 $0x0, s20;
	[sflag:s22] =	ssyncset.done $0x0  }
0xa0: {  	[sflag:s22] =	ssyncadd.s32 s3;
	_ =	sdelay $0x1  }
0xa1: {  	s23 =	simm.s32 $0x1B8B  }
0xa2: {  	_ =	swait.ge [sflag:s23], $0x1  }
0xa3: {  	[sflag:s23] =	ssyncset.done $0x0  }
0xa4: {  	s25 =	simm.s32 $0x1B8E;
	s24 =	sld [smem:$0x3FFE];
	[sflag:s23] =	ssyncadd.s32 $0xFFFFFFFF  }
0xa5: {  	s26 =	simm.s32 $execute0_lowered;
	[smem:$0x3FD2] =	sst s25  }
0xa6: {  	s4 =	sshll.u32 s26, $0x1;
	_ =	strace $0x80000046;
	[dreg:$0x1] =	wrdreg $0xFFFFFFFF  }
0xa7: {  	s28 =	simm.s32 $_size_execute0_lowered;
	s2 =	sadd.s32 s2, s4;
	[dreg:$0x0] =	wrdreg $0x0  }
0xa8: {  	s4 =	sshll.u32 s28, $0x1;
	[dreg:$0x2] =	wrdreg s2  }
0xa9: {  	[dreg:$0x3] =	wrdreg s4  }
0xaa: {  	[dreg:$0x4] =	wrdreg $0xC0  }
0xab: {  	_ =	task [dreg:s6], $0x5FFFF  }
0xac: {  	[dreg:$0x1] =	wrdreg $0xFFFFFFFF  }
0xad: {  	[dreg:$0x0] =	wrdreg $0x60  }
0xae: {  	[dreg:$0x2] =	wrdreg s24  }
0xaf: {  	[dreg:$0x3] =	wrdreg $0x68000  }
0xb0: {  	[dreg:$0x4] =	wrdreg $0x9  }
0xb1: {  	_ =	task.clear_ibuf [dreg:s6], $0x5FFFF;
	_ =	strace $0x90000046  }
0xb2: {  	s29 =	simm.s32 $0x9;
	_ =	strace $0x80000048  }
0xb3: {  	_ =	swait.ge [sflag:s29], $0x1  }
0xb4: {  	[sflag:s29] =	ssyncadd.s32 $0xFFFFFFFF  }
0xb5: {  	_ =	strace $0x90000048  }
0xb6: {  	_ =	sfence  }
0xb7: {  	s30 =	sld [smem:$0x0];
	_ =	sdelay $0x2  }
0xb8: {  	s31 =	sshll.u32 s1, $0xD;
	s1 =	sshrl.u32 s1, $0x2  }
0xb9: {  	s3 =	sand.u32 $0x4000, s31;
	s1 =	sadd.s32 s1, s30  }
0xba: {  	s0 =	sor.u32 s3, s0;
	s1 =	sshll.u32 s1, $0x11  }
0xbb: {  	s0 =	sor.u32 s1, s0  }
0xbc: {  	s0 =	sadd.s32 $0x8F2B, s0  }
0xbd: {  	[sflag:s0] =	ssyncadd.remote.s32 $0x1  }
0xbe: {  	_ =	sfence.sel $0xFFFF  }
0xbf: {  	[dreg:$0x0] =	wrdreg $0xFFFFFFFF;
	(pc) =	sbr.abs _section_cstart, $3  }
0xc0: {  	[dreg:$0x1] =	wrdreg $0xFFFFFFFF  }
0xc1: {  	_ =	task.clear_ibuf [dreg:s6], $0x2FFFF;
	_ =	strace $0x9FFFFFFF  }
0xc2: {  	(tm) =	ssettm $0x7FFFFFFF  }
0xc3: {  	_ =	shalt  }
tec
execute0_lowered:
.L_overlay_start_1:
0x0: {  	(tag) =	ssettag $0x1  }
0x1: {  	s1 =	srdreg.scid;
	s5 =	rddreg [dreg:$0x0]  }
0x2: {  	s0 =	stileid.u32;
	s2 =	rddreg [dreg:$0x1]  }
0x3: {  	s3 =	simm.s32 $0x0;
	s13 =	simm.s32 $0x1;
	s14 =	simm.s32 $0x80  }
0x4: {  	s4 =	sand.u32 $0x1, s1;
	s26 =	sshll.u32 s0, $0x1;
	s8 =	smul.u32 $0x13C00, s0  }
0x5: {  	[smem:$0x7FF] =	sst s3;
	s9 =	smul.u32 $0x4F000, s0;
	s15 =	sshll.u32 s0, $0x6  }
0x6: {  	s1 =	sor.u32 s4, s26;
	s7 =	smul.u32 $0x13C000, s4;
	s29 =	ssub.s32 $0x2, s4  }
0x7: {  	s15 =	sor.u32 $0x1C01, s15;
	s6 =	smul.u32 $0x500, s1;
	s1 =	rddreg [dreg:$0x2]  }
0x8: {  	_ =	strace $0x80000047;
	s30 =	sshrl.u32 s9, $0x2;
	s31 =	sshrl.u32 s29, $0x1  }
0x9: {  	s28 =	sadd.s32 s8, s7;
	s4 =	sadd.s32 s30, s2;
	s12 =	ssub.s32 s29, s31  }
0xa: {  	s10 =	sadd.s32 s6, s5;
	s6 =	sshrl.u32 s28, $0x3;
	s7 =	sadd.s32 $0xC000, s4  }
0xb: {  	s8 =	sadd.s32 $0x10000, s4;
	s16 =	sshrl.u32 s4, $0x3;
	s11 =	sadd.s32 s6, s5  }
0xc: {  	s5 =	sadd.s32 $0x4000, s4;
	s6 =	sadd.s32 $0x8000, s4;
	s9 =	sadd.s32 $0xF400, s10  }
0xd: {  	v0 =	vimm.f32 $0.0e+00;
	v1 =	vimm.f32 $1.000000000e+00;
	s10 =	sadd.s32 $0x19400, s11;
	s11 =	smax.u32 s12, $0x1;
	s12 =	simm.s32 $0x2800  }
.LBB2_1:
0xe: {  	s17 =	simm.s32 $0x0;
	s18 =	simm.s32 $0x200  }
.LBB2_2:
0xf: {  	p0 =	sne.s32 s18, $0xFE00;
	[tilespmem:s17+$0x2870] =	vst v0  }
0x10: {  	[tilespmem:s17+$0x2800] =	vst v0  }
0x11: {  	[tilespmem:s17+$0x2810] =	vst v0  }
.Ltmp0:
0x12: {  	[tilespmem:s17+$0x2820] =	vst v0;
	(pc) =	sbr.rel @p0 .LBB2_2-.Ltmp0, $4  }
0x13: {  	[tilespmem:s17+$0x2830] =	vst v0  }
0x14: {  	[tilespmem:s17+$0x2840] =	vst v0  }
0x15: {  	[tilespmem:s17+$0x2850] =	vst v0  }
0x16: {  	[tilespmem:s17+$0x2860] =	vst v0;
	s17 =	sshra.s32 s18, $0x2;
	s18 =	sadd.s32 $0x200, s18  }
0x17: {  	[tilespmem:s17+$0x2870] =	vst v0  }
0x18: {  	[tilespmem:s17+$0x2800] =	vst v0  }
0x19: {  	[tilespmem:s17+$0x2810] =	vst v0  }
0x1a: {  	[tilespmem:s17+$0x2820] =	vst v0  }
0x1b: {  	[tilespmem:s17+$0x2830] =	vst v0  }
0x1c: {  	[tilespmem:s17+$0x2840] =	vst v0  }
0x1d: {  	[tilespmem:s17+$0x2850] =	vst v0  }
0x1e: {  	[tilespmem:s17+$0x2860] =	vst v0  }
0x1f: {  	[spmem:s4] =	stream.linear.scatter [tilespmem:s12], [sflag:$0x1], $0x4000, $0x38;
	[tilespmem:$0x1A400] =	vst v63  }
0x20: {  	_ =	swait.ge [sflag:s13], $0x4000  }
0x21: {  	[sflag:s13] =	ssyncset.done $0x0  }
0x22: {  	[sflag:s13] =	ssyncadd.s32 $0xFFFFC000  }
0x23: {  	[spmem:s5] =	stream.linear.scatter [tilespmem:s12], [sflag:$0x1], $0x4000, $0x38;
	[tilespmem:$0x1A400] =	vst v63  }
0x24: {  	_ =	swait.ge [sflag:s13], $0x4000  }
0x25: {  	[sflag:s13] =	ssyncset.done $0x0  }
0x26: {  	[sflag:s13] =	ssyncadd.s32 $0xFFFFC000  }
0x27: {  	[spmem:s6] =	stream.linear.scatter [tilespmem:s12], [sflag:$0x1], $0x4000, $0x38;
	[tilespmem:$0x1A400] =	vst v63  }
0x28: {  	_ =	swait.ge [sflag:s13], $0x4000  }
0x29: {  	[sflag:s13] =	ssyncset.done $0x0  }
0x2a: {  	[sflag:s13] =	ssyncadd.s32 $0xFFFFC000  }
0x2b: {  	[spmem:s7] =	stream.linear.scatter [tilespmem:s12], [sflag:$0x1], $0x4000, $0x38;
	[tilespmem:$0x1A400] =	vst v63  }
0x2c: {  	_ =	swait.ge [sflag:s13], $0x4000  }
0x2d: {  	[sflag:s13] =	ssyncset.done $0x0  }
0x2e: {  	[sflag:s13] =	ssyncadd.s32 $0xFFFFC000  }
0x2f: {  	[spmem:s8] =	stream.linear.scatter [tilespmem:s12], [sflag:$0x1], $0x3C00, $0x38;
	[tilespmem:$0x1A400] =	vst v63  }
0x30: {  	_ =	swait.ge [sflag:s13], $0x3C00  }
0x31: {  	[sflag:s13] =	ssyncset.done $0x0  }
0x32: {  	[sflag:s13] =	ssyncadd.s32 $0xFFFFC400  }
0x33: {  	s31 =	simm.s32 $0x0;
	[bflag:$0x0] =	sbarrier.arrive $0xFFFF  }
0x34: {  	[tilespmem:s31], [sflag:$0x1] =	stream.linear.gather [hbm4b:s9+s31], $0x2800, $0x38;
	[tilespmem:$0x1A400] =	vst v63  }
0x35: {  	_ =	swait.ge [sflag:s13], $0x2800  }
0x36: {  	[sflag:s13] =	ssyncset.done $0x0  }
0x37: {  	s17 =	simm.s32 $0x0;
	s18 =	simm.s32 $0x200;
	[sflag:s13] =	ssyncadd.s32 $0xFFFFD800  }
.LBB2_4:
0x38: {  	p0 =	sne.s32 s18, $0xFE00;
	[tilespmem:s17+$0x2870] =	vst v1  }
0x39: {  	[tilespmem:s17+$0x2800] =	vst v1  }
0x3a: {  	[tilespmem:s17+$0x2810] =	vst v1  }
.Ltmp1:
0x3b: {  	[tilespmem:s17+$0x2820] =	vst v1;
	(pc) =	sbr.rel @p0 .LBB2_4-.Ltmp1, $4  }
0x3c: {  	[tilespmem:s17+$0x2830] =	vst v1  }
0x3d: {  	[tilespmem:s17+$0x2840] =	vst v1  }
0x3e: {  	[tilespmem:s17+$0x2850] =	vst v1  }
0x3f: {  	[tilespmem:s17+$0x2860] =	vst v1;
	s17 =	sshra.s32 s18, $0x2;
	s18 =	sadd.s32 $0x200, s18  }
0x40: {  	[tilespmem:s17+$0x2870] =	vst v1  }
0x41: {  	[tilespmem:s17+$0x2800] =	vst v1  }
0x42: {  	[tilespmem:s17+$0x2810] =	vst v1  }
0x43: {  	[tilespmem:s17+$0x2820] =	vst v1  }
0x44: {  	[tilespmem:s17+$0x2830] =	vst v1  }
0x45: {  	[tilespmem:s17+$0x2840] =	vst v1  }
0x46: {  	[tilespmem:s17+$0x2850] =	vst v1  }
0x47: {  	[tilespmem:s17+$0x2860] =	vst v1;
	s31 =	simm.s32 $0x0  }
0x48: {  	[spmem:s2] =	stream.indirect.scatter.add.f32 [tilespmem:s12], [sflag:$0x1], $0x80, s31, s14, $0xb8;
	[tilespmem:$0x1A400] =	vst v63  }
0x49: {  	_ =	swait.ge [sflag:s13], $0x4000  }
0x4a: {  	s17 =	simm.s32 $0x200;
	[sflag:s13] =	ssyncset.done $0x0  }
.LBB2_6:
0x4b: {  	s18 =	sshra.s32 s17, $0x2;
	[sflag:s13] =	ssyncadd.s32 $0xFFFFC000;
	p0 =	sne.s32 s17, $0x9E00  }
0x4c: {  	[spmem:s2] =	stream.indirect.scatter.add.f32 [tilespmem:s12], [sflag:$0x1], $0x80, s18, s14, $0xb8;
	[tilespmem:$0x1A400] =	vst v63  }
.Ltmp2:
0x4d: {  	_ = 	snop;
	(pc) =	sbr.rel @p0 .LBB2_6-.Ltmp2, $4  }
0x4e: {  	_ = 	snop  }
0x4f: {  	s17 =	sadd.s32 $0x200, s17  }
0x50: {  	_ =	swait.ge [sflag:s13], $0x4000  }
0x51: {  	[sflag:s13] =	ssyncset.done $0x0  }
0x52: {  	s3 =	sadd.s32 $0x1, s3  }
0x53: {  	[sflag:s13] =	ssyncadd.s32 $0xFFFFC000;
	p0 =	sne.s32 s3, s11  }
.Ltmp3:
0x54: {  	[bflag:$0x0] =	sbarrier.arrive $0xFFFF;
	(pc) =	sbr.rel @p0 .LBB2_1-.Ltmp3, $4  }
0x55: {  	[hbm:s10], [sflag:s15] =	dma.local [spmem:s16], $0x2780  }
0x56: {  	_ =	swait.ge [sflag:s13], $0x2780  }
0x57: {  	[sflag:s13] =	ssyncset.done $0x0  }
0x58: {  	[sflag:s13] =	ssyncadd.s32 $0xFFFFD880  }
0x59: {  	_ =	sfence.sel $0x180000  }
0x5a: {  	[bflag:$0x0] =	sbarrier.arrive $0xFFFF  }
0x5b: {  	p0 =	sne.s32 s0, $0x0;
	_ =	strace $0x90000047  }
0x5c: {  	s0 =	sadd.s32 @!p0 $0x100000, s1;
	[bflag:$0x2] =	sbarrier.arrive $0xFFFF  }
0x5d: {  	[sflag:s0] =	ssyncadd.tile.s32 @!p0 $0x1;
	_ =	shalt  }
.Lfunc_end2:
_tile_overlayer_lowered:
.L_overlay_start_2:
0x5e: {  	(tag) =	ssettag $0x2  }
0x5f: {  	s0 =	rddreg [dreg:$0x0];
	s2 =	stileid.u32  }
0x60: {  	s1 =	rddreg [dreg:$0x1];
	p0 =	sne.s32 s2, $0x0  }
0x61: {  	s3 =	rddreg [dreg:$0x2];
	[bflag:$0x3] =	sbarrier.arrive $0xFFFF;
	s2 =	simm.s32 @!p0 $0x1C01  }
0x62: {  	[timem:s3], [sflag:s2] =	dma.local @!p0 [hbm:s0], s1  }
0x63: {  	s0 =	simm.s32 @!p0 $0x1  }
0x64: {  	_ =	swait.ge @!p0 [sflag:s0], s1  }
0x65: {  	s1 =	ssub.s32 @!p0 $0x0, s1;
	[sflag:s0] =	ssyncset.done @!p0 $0x0  }
0x66: {  	[sflag:s0] =	ssyncadd.s32 @!p0 s1  }
0x67: {  	[bflag:$0x3] =	sbarrier.arrive $0xFFFF  }
0x68: {  	_ =	shalt  }

// kernel: kernel.13.cloned.1.call-start
scs
__scs_entry_jumppad:
0x0: {  	(pc) =	sbr.rel $0x88, $3  }
0x1: {  	(tag) =	ssettag $0x0;
	lr =	simm.s32 $0x1  }
0x2: {  	[smem:$0x3F90] =	sst lr;
	_ =	strace $0xD0000000  }
0x3: {  	_ = 	snop  }
0x4: {  	_ = 	snop  }
0x5: {  	_ = 	snop  }
0x6: {  	_ = 	snop  }
0x7: {  	_ = 	snop  }
__scs_overlays_trampoline_lowered:
0x8: {  	[smem:$0x3F9F] =	sst s0  }
0x9: {  	[smem:$0x3FA0] =	sst s1  }
0xa: {  	[smem:$0x3FA1] =	sst s2  }
0xb: {  	[smem:$0x3FA2] =	sst s3  }
0xc: {  	[smem:$0x3FA3] =	sst s4  }
0xd: {  	[smem:$0x3FA4] =	sst s5  }
0xe: {  	[smem:$0x3FA5] =	sst s6  }
0xf: {  	[smem:$0x3FA6] =	sst s7  }
0x10: {  	[smem:$0x3FA7] =	sst s8  }
0x11: {  	[smem:$0x3FA8] =	sst s9;
	s0 =	simm.s32 @!p0 $0x0  }
0x12: {  	s1 =	sld [smem:$0x3F8E];
	s0 =	simm.s32 @p0 $0x1  }
0x13: {  	[smem:$0x3FA9] =	sst s0;
	s0 =	simm.s32 @!p1 $0x0  }
0x14: {  	s2 =	sld [smem:$0x3F8D];
	s0 =	simm.s32 @p1 $0x1  }
0x15: {  	[smem:$0x3FAA] =	sst s0;
	s0 =	simm.s32 @!p2 $0x0  }
0x16: {  	s3 =	sld [smem:$0x3FDB];
	s0 =	simm.s32 @p2 $0x1  }
0x17: {  	s4 =	simm.s32 $0x1BF5;
	[smem:$0x3FAC] =	sst s0  }
0x18: {  	s0 =	sld [smem:$0x3F8F];
	_ =	swait.ge [sflag:s4], $0x0  }
0x19: {  	s7 =	sld [smem:$0x3F90]  }
0x1a: {  	s8 =	sadd.s32 $0xFFFFE003, lr  }
0x1b: {  	s9 =	sadd.s32 $0xFFFFFEF7, lr;
	s5 =	simm.s32 $0xFFFFFFFF;
	p2 =	slt.u32 s8, $0xFFFFF086  }
0x1c: {  	p1 =	slt.u32 s9, $0xF7A;
	s5 =	simm.s32 @!p2 $0x0  }
0x1d: {  	s5 =	simm.s32 @p1 $0x1;
	p0 =	seq.s32 s7, s2  }
0x1e: {  	s7 =	smul.u32 @!p0 $0xF7A, s2;
	p2 =	seq.s32 @!p0 s5, $0x0  }
0x1f: {  	s9 =	smul.u32 $0xF7A, s1;
	s8 =	simm.s32 @!p0 $0x1BF5;
	p2 =	por !p2, p0  }
0x20: {  	[sflag:s8] =	ssyncset.s32 @!p0 $0xFFFFF086;
	s6 =	sadd.s32 @!p0 s3, s7;
	s7 =	simm.s32 @!p0 $0x108  }
0x21: {  	s3 =	sadd.s32 s3, s9;
	s6 =	sadd.s32 @!p0 $0x88, s6;
	s7 =	simm.s32 @p2 $0x1082  }
0x22: {  	[simem:s7], [sflag:s8] =	dma.local @!p0 [hbm:s6], $0xF7A  }
0x23: {  	s9 =	sor.u32 $0xD0000000, s2;
	s6 =	simm.s32 $0x108;
	_ =	swait.ge @!p0 [sflag:s8], $0x0  }
0x24: {  	s3 =	sadd.s32 $0x88, s3;
	s6 =	simm.s32 @!p1 $0x1082;
	[sflag:s4] =	ssyncset.s32 $0xFFFFF086  }
0x25: {  	[simem:s6], [sflag:s4] =	dma.local [hbm:s3], $0xF7A  }
0x26: {  	[smem:$0x3F90] =	sst s1;
	(tag) =	ssettag s2;
	_ =	strace s9  }
0x27: {  	s1 =	sld [smem:$0x3FA0]  }
0x28: {  	s2 =	sld [smem:$0x3FA1]  }
0x29: {  	s4 =	sld [smem:$0x3FA3]  }
0x2a: {  	p0 =	seq.s32 s5, $0x0;
	s5 =	sld [smem:$0x3FA4]  }
0x2b: {  	s6 =	sld [smem:$0x3FA5]  }
0x2c: {  	s7 =	sld [smem:$0x3FA6]  }
0x2d: {  	s3 =	simm.s32 $0x108;
	s8 =	sld [smem:$0x3FA7]  }
0x2e: {  	s3 =	simm.s32 @!p0 $0x1082;
	s9 =	sld [smem:$0x3FA8]  }
0x2f: {  	lr =	sadd.s32 s0, s3;
	s0 =	sld [smem:$0x3F9F]  }
0x30: {  	s3 =	sld [smem:$0x3FA2]  }
0x31: {  	[smem:$0x3FAB] =	sst s10  }
0x32: {  	s10 =	sld [smem:$0x3FA9];
	_ =	sdelay $0x3  }
0x33: {  	p0 =	seq.s32 s10, $0x1;
	s10 =	sld [smem:$0x3FAB];
	_ =	sdelay $0x3  }
0x34: {  	[smem:$0x3FAB] =	sst s10  }
0x35: {  	s10 =	sld [smem:$0x3FAA];
	_ =	sdelay $0x3  }
0x36: {  	p1 =	seq.s32 s10, $0x1;
	s10 =	sld [smem:$0x3FAB];
	_ =	sdelay $0x3  }
0x37: {  	[smem:$0x3FAB] =	sst s10  }
0x38: {  	s10 =	sld [smem:$0x3FAC]  }
0x39: {  	_ = 	snop;
	(pc) =	sbr.ind lr, $3  }
0x3a: {  	_ = 	snop  }
0x3b: {  	_ = 	snop  }
0x3c: {  	p2 =	seq.s32 s10, $0x1;
	s10 =	sld [smem:$0x3FAB]  }
0x3d: {  	_ =	shalt  }
0x3e: {  	_ =	shalt  }
0x3f: {  	_ =	shalt  }
0x40: {  	_ =	shalt  }
0x41: {  	_ =	shalt  }
0x42: {  	_ =	shalt  }
0x43: {  	_ =	shalt  }
0x44: {  	_ =	shalt  }
0x45: {  	_ =	shalt  }
0x46: {  	_ =	shalt  }
0x47: {  	_ =	shalt  }
0x48: {  	_ =	shalt  }
0x49: {  	_ =	shalt  }
0x4a: {  	_ =	shalt  }
0x4b: {  	_ =	shalt  }
0x4c: {  	_ =	shalt  }
0x4d: {  	_ =	shalt  }
0x4e: {  	_ =	shalt  }
0x4f: {  	_ =	shalt  }
0x50: {  	_ =	shalt  }
0x51: {  	_ =	shalt  }
0x52: {  	_ =	shalt  }
0x53: {  	_ =	shalt  }
0x54: {  	_ =	shalt  }
0x55: {  	_ =	shalt  }
0x56: {  	_ =	shalt  }
0x57: {  	_ =	shalt  }
0x58: {  	_ =	shalt  }
0x59: {  	_ =	shalt  }
0x5a: {  	_ =	shalt  }
0x5b: {  	_ =	shalt  }
0x5c: {  	_ =	shalt  }
0x5d: {  	_ =	shalt  }
0x5e: {  	_ =	shalt  }
0x5f: {  	_ =	shalt  }
0x60: {  	_ =	shalt  }
0x61: {  	_ =	shalt  }
0x62: {  	_ =	shalt  }
0x63: {  	_ =	shalt  }
0x64: {  	_ =	shalt  }
0x65: {  	_ =	shalt  }
0x66: {  	_ =	shalt  }
0x67: {  	_ =	shalt  }
0x68: {  	_ =	shalt  }
0x69: {  	_ =	shalt  }
0x6a: {  	_ =	shalt  }
0x6b: {  	_ =	shalt  }
0x6c: {  	_ =	shalt  }
0x6d: {  	_ =	shalt  }
0x6e: {  	_ =	shalt  }
0x6f: {  	_ =	shalt  }
0x70: {  	_ =	shalt  }
0x71: {  	_ =	shalt  }
0x72: {  	_ =	shalt  }
0x73: {  	_ =	shalt  }
0x74: {  	_ =	shalt  }
0x75: {  	_ =	shalt  }
0x76: {  	_ =	shalt  }
0x77: {  	_ =	shalt  }
0x78: {  	_ =	shalt  }
0x79: {  	_ =	shalt  }
0x7a: {  	_ =	shalt  }
0x7b: {  	_ =	shalt  }
0x7c: {  	_ =	shalt  }
0x7d: {  	_ =	shalt  }
0x7e: {  	_ =	shalt  }
0x7f: {  	_ =	shalt  }
0x80: {  	_ =	shalt  }
0x81: {  	_ =	shalt  }
0x82: {  	_ =	shalt  }
0x83: {  	_ =	shalt  }
0x84: {  	_ =	shalt  }
0x85: {  	_ =	shalt  }
0x86: {  	_ =	shalt  }
0x87: {  	_ =	shalt  }
.Lfunc_end0:
.L_simem_size_0:
called_computation.1_lowered:
.L_overlay_start_0:
0x88: {  	s2 =	sld [smem:$0x3FD9]  }
0x89: {  	s3 =	sld [smem:$0x3FFE];
	_ =	sdelay $0x1  }
0x8a: {  	s1 =	srdreg.scid  }
0x8b: {  	s0 =	sand.u32 $0x1, s1  }
0x8c: {  	s16 =	sshll.u32 s0, $0xA;
	s2 =	sadd.s32 s3, s2  }
0x8d: {  	s2 =	sadd.s32 s2, s16  }
0x8e: {  	[smem:$0x3FB7] =	sst s2  }
0x8f: {  	_ = 	snop  }
0x90: {  	(tm) =	ssettm $0x1  }
0x91: {  	s17 =	sld [smem:$0x3FFB];
	_ =	sdelay $0x3  }
0x92: {  	_ =	strace s17  }
0x93: {  	s2 =	sld [smem:$0x3FFC];
	_ =	sdelay $0x3  }
0x94: {  	_ =	strace s2  }
0x95: {  	s2 =	sld [smem:$0x3FFD];
	_ =	sdelay $0x3  }
0x96: {  	_ =	strace s2  }
0x97: {  	_ =	strace $0x8FFFFFFF  }
0x98: {  	s18 =	sld [smem:$0x3FDB];
	_ =	sdelay $0x1  }
0x99: {  	s19 =	simm.s32 $_scs_section_size  }
0x9a: {  	s4 =	simm.s32 $_size__tile_overlayer_lowered;
	s5 =	simm.s32 $_tile_overlayer_lowered  }
0x9b: {  	s22 =	simm.s32 $0x1BFF;
	s21 =	sshll.u32 s5, $0x1;
	s2 =	sadd.s32 s19, s18  }
0x9c: {  	s6 =	simm.s32 $0x0;
	s20 =	sshll.u32 s4, $0x1;
	s4 =	sadd.s32 s21, s2  }
0x9d: {  	[timem:s6], [sflag:s22] =	dma.local [hbm:s4], s20  }
0x9e: {  	_ =	swait.ge [sflag:s22], s20  }
0x9f: {  	s3 =	ssub.s32 $0x0, s20;
	[sflag:s22] =	ssyncset.done $0x0  }
0xa0: {  	[sflag:s22] =	ssyncadd.s32 s3;
	_ =	sdelay $0x1  }
0xa1: {  	s23 =	simm.s32 $0x1B8B  }
0xa2: {  	_ =	swait.ge [sflag:s23], $0x1  }
0xa3: {  	[sflag:s23] =	ssyncset.done $0x0  }
0xa4: {  	s25 =	simm.s32 $0x1B8E;
	s24 =	sld [smem:$0x3FFE];
	[sflag:s23] =	ssyncadd.s32 $0xFFFFFFFF  }
0xa5: {  	s26 =	simm.s32 $execute0_lowered;
	[smem:$0x3FD2] =	sst s25  }
0xa6: {  	s4 =	sshll.u32 s26, $0x1;
	_ =	strace $0x80000049;
	[dreg:$0x1] =	wrdreg $0xFFFFFFFF  }
0xa7: {  	s28 =	simm.s32 $_size_execute0_lowered;
	s2 =	sadd.s32 s2, s4;
	[dreg:$0x0] =	wrdreg $0x0  }
0xa8: {  	s4 =	sshll.u32 s28, $0x1;
	[dreg:$0x2] =	wrdreg s2  }
0xa9: {  	[dreg:$0x3] =	wrdreg s4  }
0xaa: {  	[dreg:$0x4] =	wrdreg $0xC0  }
0xab: {  	_ =	task [dreg:s6], $0x5FFFF  }
0xac: {  	[dreg:$0x1] =	wrdreg $0xFFFFFFFF  }
0xad: {  	[dreg:$0x0] =	wrdreg $0x60  }
0xae: {  	[dreg:$0x2] =	wrdreg s24  }
0xaf: {  	[dreg:$0x3] =	wrdreg $0x90000  }
0xb0: {  	[dreg:$0x4] =	wrdreg $0x9  }
0xb1: {  	_ =	task.clear_ibuf [dreg:s6], $0x5FFFF;
	_ =	strace $0x90000049  }
0xb2: {  	s29 =	simm.s32 $0x9;
	_ =	strace $0x8000004B  }
0xb3: {  	_ =	swait.ge [sflag:s29], $0x1  }
0xb4: {  	[sflag:s29] =	ssyncadd.s32 $0xFFFFFFFF  }
0xb5: {  	_ =	strace $0x9000004B  }
0xb6: {  	_ =	sfence  }
0xb7: {  	s30 =	sld [smem:$0x0];
	_ =	sdelay $0x2  }
0xb8: {  	s31 =	sshll.u32 s1, $0xD;
	s1 =	sshrl.u32 s1, $0x2  }
0xb9: {  	s3 =	sand.u32 $0x4000, s31;
	s1 =	sadd.s32 s1, s30  }
0xba: {  	s0 =	sor.u32 s3, s0;
	s1 =	sshll.u32 s1, $0x11  }
0xbb: {  	s0 =	sor.u32 s1, s0  }
0xbc: {  	s0 =	sadd.s32 $0x8F2B, s0  }
0xbd: {  	[sflag:s0] =	ssyncadd.remote.s32 $0x1  }
0xbe: {  	_ =	sfence.sel $0xFFFF  }
0xbf: {  	[dreg:$0x0] =	wrdreg $0xFFFFFFFF;
	(pc) =	sbr.abs _section_cstart, $3  }
0xc0: {  	[dreg:$0x1] =	wrdreg $0xFFFFFFFF  }
0xc1: {  	_ =	task.clear_ibuf [dreg:s6], $0x2FFFF;
	_ =	strace $0x9FFFFFFF  }
0xc2: {  	(tm) =	ssettm $0x7FFFFFFF  }
0xc3: {  	_ =	shalt  }
tec
execute0_lowered:
.L_overlay_start_1:
0x0: {  	(tag) =	ssettag $0x1  }
0x1: {  	s0 =	rddreg [dreg:$0x0]  }
0x2: {  	s1 =	rddreg [dreg:$0x1];
	s3 =	simm.s32 $0x0  }
0x3: {  	s2 =	srdreg.scid;
	s9 =	stileid.u32;
	s10 =	simm.s32 $0x100  }
0x4: {  	s11 =	simm.s32 $0x180;
	s12 =	simm.s32 $0x900;
	s13 =	simm.s32 $0x980  }
0x5: {  	s15 =	simm.s32 $0x200;
	[smem:$0x7FF] =	sst s3;
	s4 =	sadd.s32 $0x5400, s0  }
0x6: {  	s7 =	sadd.s32 $0xF400, s0;
	_ =	strace $0x8000004A;
	[dreg:$0x3] =	wrdreg s4  }
0x7: {  	s16 =	simm.s32 $0x280;
	s17 =	simm.s32 $0xA00;
	[dreg:$0x4] =	wrdreg s7  }
0x8: {  	s18 =	simm.s32 $0xA80;
	s19 =	simm.s32 $0x300;
	[dreg:$0x6] =	wrdreg s10  }
0x9: {  	s20 =	simm.s32 $0x380;
	s28 =	simm.s32 $0x600;
	[dreg:$0x7] =	wrdreg s11  }
0xa: {  	s29 =	simm.s32 $0x680;
	s6 =	smul.u32 $0x13C00, s9;
	[dreg:$0x8] =	wrdreg s12  }
0xb: {  	s30 =	simm.s32 $0xE00;
	s8 =	smul.u32 $0x4F000, s9;
	[dreg:$0x9] =	wrdreg s13  }
0xc: {  	s2 =	sand.u32 $0x1, s2;
	s14 =	smul.u32 $0x5000, s9;
	[dreg:$0xa] =	wrdreg s15  }
0xd: {  	s31 =	simm.s32 $0xE80;
	s5 =	smul.u32 $0x13C000, s2;
	[dreg:$0xb] =	wrdreg s16  }
0xe: {  	s4 =	sadd.s32 $0x68400, s0;
	s21 =	ssub.s32 $0x2, s2;
	[dreg:$0xc] =	wrdreg s17  }
0xf: {  	p0 =	seq.s32 s2, $0x0;
	s2 =	sshll.u32 s2, $0xE;
	[dreg:$0xd] =	wrdreg s18  }
0x10: {  	s15 =	simm.s32 $0x5;
	[dreg:$0xe] =	wrdreg s19;
	s16 =	simm.s32 $0x800  }
0x11: {  	[dreg:$0xf] =	wrdreg s20;
	s17 =	simm.s32 $0x80;
	s18 =	simm.s32 $0x5000  }
0x12: {  	s19 =	simm.s32 $0x1;
	s20 =	simm.s32 $0x2;
	s22 =	sshrl.u32 s8, $0x2  }
0x13: {  	s23 =	sshrl.u32 s21, $0x1;
	s8 =	simm.s32 $0x880;
	s5 =	sadd.s32 s6, s5  }
0x14: {  	s6 =	ssub.s32 s21, s23;
	[dreg:$0x5] =	wrdreg s8;
	s21 =	simm.s32 $0xB00  }
0x15: {  	s8 =	simm.s32 $0x8;
	s23 =	simm.s32 $0x400;
	[dreg:$0x10] =	wrdreg s21  }
0x16: {  	s5 =	sshrl.u32 s5, $0x3;
	s8 =	simm.s32 @!p0 $0x2;
	[dreg:$0x12] =	wrdreg s23  }
0x17: {  	s6 =	smax.u32 s6, $0x1;
	s0 =	sadd.s32 s5, s0;
	[dreg:$0x1a] =	wrdreg s8  }
0x18: {  	s5 =	sadd.s32 s22, s1;
	[dreg:$0x1c] =	wrdreg s6;
	s22 =	simm.s32 $0xB80  }
0x19: {  	s9 =	sadd.s32 s2, s14;
	s7 =	sadd.s32 $0x4000, s5;
	[dreg:$0x11] =	wrdreg s22  }
0x1a: {  	s14 =	simm.s32 $0x1000;
	s24 =	sadd.s32 $0x8000, s5;
	[dreg:$0x16] =	wrdreg s7  }
0x1b: {  	s2 =	simm.s32 $0x780;
	s25 =	sadd.s32 $0xC000, s5;
	[dreg:$0x17] =	wrdreg s24  }
0x1c: {  	s21 =	simm.s32 $0x3;
	s26 =	sadd.s32 $0x10000, s5;
	[dreg:$0x18] =	wrdreg s25  }
0x1d: {  	s23 =	simm.s32 $0x500;
	s0 =	sadd.s32 $0x8F600, s0;
	[dreg:$0x19] =	wrdreg s26  }
0x1e: {  	s6 =	simm.s32 $0xF00;
	[dreg:$0x1b] =	wrdreg s0;
	s24 =	simm.s32 $0x480  }
0x1f: {  	s8 =	simm.s32 $0x0;
	s25 =	simm.s32 $0xC00;
	[dreg:$0x13] =	wrdreg s24  }
0x20: {  	s22 =	simm.s32 $0x4;
	s26 =	simm.s32 $0xC80;
	[dreg:$0x14] =	wrdreg s25  }
0x21: {  	s0 =	simm.s32 $0x700;
	s7 =	simm.s32 $0xF80;
	[dreg:$0x15] =	wrdreg s26  }
0x22: {  	v0 =	vimm.f32 $0.0e+00;
	s24 =	simm.s32 $0x580;
	s25 =	simm.s32 $0xD00;
	s26 =	simm.s32 $0xD80  }
.LBB2_1:
0x23: {  	s11 =	simm.s32 $0x0;
	s12 =	simm.s32 $0x200  }
.LBB2_2:
0x24: {  	p0 =	sne.s32 s12, $0xFE00;
	[tilespmem:s11+$0x1070] =	vst v0  }
0x25: {  	[tilespmem:s11+$0x1000] =	vst v0  }
0x26: {  	[tilespmem:s11+$0x1010] =	vst v0  }
.Ltmp0:
0x27: {  	[tilespmem:s11+$0x1020] =	vst v0;
	(pc) =	sbr.rel @p0 .LBB2_2-.Ltmp0, $4  }
0x28: {  	[tilespmem:s11+$0x1030] =	vst v0  }
0x29: {  	[tilespmem:s11+$0x1040] =	vst v0  }
0x2a: {  	[tilespmem:s11+$0x1050] =	vst v0  }
0x2b: {  	[tilespmem:s11+$0x1060] =	vst v0;
	s11 =	sshra.s32 s12, $0x2;
	s12 =	sadd.s32 $0x200, s12  }
0x2c: {  	[tilespmem:s11+$0x1070] =	vst v0  }
0x2d: {  	[tilespmem:s11+$0x1000] =	vst v0  }
0x2e: {  	[tilespmem:s11+$0x1010] =	vst v0  }
0x2f: {  	[tilespmem:s11+$0x1020] =	vst v0  }
0x30: {  	[tilespmem:s11+$0x1030] =	vst v0  }
0x31: {  	[tilespmem:s11+$0x1040] =	vst v0  }
0x32: {  	[tilespmem:s11+$0x1050] =	vst v0  }
0x33: {  	[tilespmem:s11+$0x1060] =	vst v0  }
0x34: {  	[spmem:s5] =	stream.linear.scatter [tilespmem:s14], [sflag:$0x5], $0x4000, $0x38;
	[tilespmem:$0x1CC00] =	vst v63  }
0x35: {  	_ =	swait.ge [sflag:s15], $0x4000  }
0x36: {  	[sflag:s15] =	ssyncset.done $0x0  }
0x37: {  	s10 =	rddreg [dreg:$0x16];
	[sflag:s15] =	ssyncadd.s32 $0xFFFFC000  }
0x38: {  	[spmem:s10] =	stream.linear.scatter [tilespmem:s14], [sflag:$0x5], $0x4000, $0x38;
	[tilespmem:$0x1CC00] =	vst v63  }
0x39: {  	_ =	swait.ge [sflag:s15], $0x4000  }
0x3a: {  	[sflag:s15] =	ssyncset.done $0x0  }
0x3b: {  	s13 =	rddreg [dreg:$0x17];
	[sflag:s15] =	ssyncadd.s32 $0xFFFFC000  }
0x3c: {  	[spmem:s13] =	stream.linear.scatter [tilespmem:s14], [sflag:$0x5], $0x4000, $0x38;
	[tilespmem:$0x1CC00] =	vst v63  }
0x3d: {  	_ =	swait.ge [sflag:s15], $0x4000  }
0x3e: {  	[sflag:s15] =	ssyncset.done $0x0  }
0x3f: {  	s11 =	rddreg [dreg:$0x18];
	[sflag:s15] =	ssyncadd.s32 $0xFFFFC000  }
0x40: {  	[spmem:s11] =	stream.linear.scatter [tilespmem:s14], [sflag:$0x5], $0x4000, $0x38;
	[tilespmem:$0x1CC00] =	vst v63  }
0x41: {  	_ =	swait.ge [sflag:s15], $0x4000  }
0x42: {  	[sflag:s15] =	ssyncset.done $0x0  }
0x43: {  	s12 =	rddreg [dreg:$0x19];
	[sflag:s15] =	ssyncadd.s32 $0xFFFFC000  }
0x44: {  	[spmem:s12] =	stream.linear.scatter [tilespmem:s14], [sflag:$0x5], $0x3C00, $0x38;
	[tilespmem:$0x1CC00] =	vst v63  }
0x45: {  	_ =	swait.ge [sflag:s15], $0x3C00  }
0x46: {  	[sflag:s15] =	ssyncset.done $0x0  }
0x47: {  	[sflag:s15] =	ssyncadd.s32 $0xFFFFC400  }
0x48: {  	[bflag:$0x0] =	sbarrier.arrive $0xFFFF  }
0x49: {  	s13 =	rddreg [dreg:$0x1a]  }
0x4a: {  	p1 =	sne.s32 s13, $0x1  }
.Ltmp1:
0x4b: {  	_ = 	snop;
	(pc) =	sbr.rel @!p1 .LBB2_4-.Ltmp1, $2  }
0x4c: {  	_ =	sdelay $0x2  }
0x4d: {  	p0 =	por $0x0, $0x0;
	s12 =	rddreg [dreg:$0x3];
	s11 =	sadd.s32 $0xFFFFFFFF, s13  }
0x4e: {  	s13 =	sshrl.u32 s9, $0x3  }
0x4f: {  	s12 =	sadd.s32 s12, s13  }
0x50: {  	[tilespmem:s3], [sflag:$0x5] =	stream.linear.gather [hbm4b:s12+s3], $0x800, $0x38;
	[tilespmem:$0x1CC00] =	vst v63  }
0x51: {  	_ =	swait.ge [sflag:s15], $0x800  }
0x52: {  	s10 =	rddreg [dreg:$0x4];
	[sflag:s15] =	ssyncset.done $0x0  }
0x53: {  	[sflag:s15] =	ssyncadd.s32 $0xFFFFF800;
	s12 =	sadd.s32 s10, s13  }
0x54: {  	[tilespmem:s16], [sflag:$0x5] =	stream.linear.gather [hbm4b:s12+s3], $0x800, $0x38;
	[tilespmem:$0x1CC00] =	vst v63  }
0x55: {  	_ =	swait.ge [sflag:s15], $0x800  }
0x56: {  	[sflag:s15] =	ssyncset.done $0x0  }
0x57: {  	[sflag:s15] =	ssyncadd.s32 $0xFFFFF800  }
0x58: {  	[tilespmem:s14], [sflag:$0x1] =	stream.indirect.gather [hbm4b:s4+s17], $0x80, s3, s17, $0xb8;
	[tilespmem:$0x1CC00] =	vst v63  }
0x59: {  	_ = 	snop  }
0x5a: {  	[tilespmem:s18], [sflag:$0x2] =	stream.indirect.gather [hbm4b:s4+s17], $0x80, s17, s17, $0xb8;
	[tilespmem:$0x1CC00] =	vst v63  }
0x5b: {  	_ =	swait.ge [sflag:s19], $0x4000  }
0x5c: {  	[sflag:s19] =	ssyncset.done $0x0  }
0x5d: {  	[sflag:s19] =	ssyncadd.s32 $0xFFFFC000  }
0x5e: {  	[spmem:s1] =	stream.indirect.scatter.add.f32 [tilespmem:s14], [sflag:$0x3], $0x80, s16, s17, $0xb8;
	[tilespmem:$0x1CC00] =	vst v63  }
0x5f: {  	_ =	swait.ge [sflag:s20], $0x4000  }
0x60: {  	[sflag:s20] =	ssyncset.done $0x0  }
0x61: {  	s13 =	rddreg [dreg:$0x5];
	[sflag:s20] =	ssyncadd.s32 $0xFFFFC000  }
0x62: {  	[spmem:s1] =	stream.indirect.scatter.add.f32 [tilespmem:s18], [sflag:$0x4], $0x80, s13, s17, $0xb8;
	[tilespmem:$0x1CC00] =	vst v63  }
0x63: {  	_ =	swait.ge [sflag:s21], $0x4000  }
0x64: {  	[sflag:s21] =	ssyncset.done $0x0  }
0x65: {  	s10 =	rddreg [dreg:$0x6];
	[sflag:s21] =	ssyncadd.s32 $0xFFFFC000  }
0x66: {  	[tilespmem:s14], [sflag:$0x1] =	stream.indirect.gather [hbm4b:s4+s17], $0x80, s10, s17, $0xb8;
	[tilespmem:$0x1CC00] =	vst v63  }
0x67: {  	_ =	swait.ge [sflag:s22], $0x4000  }
0x68: {  	[sflag:s22] =	ssyncset.done $0x0  }
0x69: {  	s13 =	rddreg [dreg:$0x7];
	[sflag:s22] =	ssyncadd.s32 $0xFFFFC000  }
0x6a: {  	[tilespmem:s18], [sflag:$0x2] =	stream.indirect.gather [hbm4b:s4+s17], $0x80, s13, s17, $0xb8;
	[tilespmem:$0x1CC00] =	vst v63  }
0x6b: {  	_ =	swait.ge [sflag:s19], $0x4000  }
0x6c: {  	[sflag:s19] =	ssyncset.done $0x0  }
0x6d: {  	s10 =	rddreg [dreg:$0x8];
	[sflag:s19] =	ssyncadd.s32 $0xFFFFC000  }
0x6e: {  	[spmem:s1] =	stream.indirect.scatter.add.f32 [tilespmem:s14], [sflag:$0x3], $0x80, s10, s17, $0xb8;
	[tilespmem:$0x1CC00] =	vst v63  }
0x6f: {  	_ =	swait.ge [sflag:s20], $0x4000  }
0x70: {  	[sflag:s20] =	ssyncset.done $0x0  }
0x71: {  	s13 =	rddreg [dreg:$0x9];
	[sflag:s20] =	ssyncadd.s32 $0xFFFFC000  }
0x72: {  	[spmem:s1] =	stream.indirect.scatter.add.f32 [tilespmem:s18], [sflag:$0x4], $0x80, s13, s17, $0xb8;
	[tilespmem:$0x1CC00] =	vst v63  }
0x73: {  	_ =	swait.ge [sflag:s21], $0x4000  }
0x74: {  	[sflag:s21] =	ssyncset.done $0x0  }
0x75: {  	s10 =	rddreg [dreg:$0xa];
	[sflag:s21] =	ssyncadd.s32 $0xFFFFC000  }
0x76: {  	[tilespmem:s14], [sflag:$0x1] =	stream.indirect.gather [hbm4b:s4+s17], $0x80, s10, s17, $0xb8;
	[tilespmem:$0x1CC00] =	vst v63  }
0x77: {  	_ =	swait.ge [sflag:s22], $0x4000  }
0x78: {  	[sflag:s22] =	ssyncset.done $0x0  }
0x79: {  	s13 =	rddreg [dreg:$0xb];
	[sflag:s22] =	ssyncadd.s32 $0xFFFFC000  }
0x7a: {  	[tilespmem:s18], [sflag:$0x2] =	stream.indirect.gather [hbm4b:s4+s17], $0x80, s13, s17, $0xb8;
	[tilespmem:$0x1CC00] =	vst v63  }
0x7b: {  	_ =	swait.ge [sflag:s19], $0x4000  }
0x7c: {  	[sflag:s19] =	ssyncset.done $0x0  }
0x7d: {  	s10 =	rddreg [dreg:$0xc];
	[sflag:s19] =	ssyncadd.s32 $0xFFFFC000  }
0x7e: {  	[spmem:s1] =	stream.indirect.scatter.add.f32 [tilespmem:s14], [sflag:$0x3], $0x80, s10, s17, $0xb8;
	[tilespmem:$0x1CC00] =	vst v63  }
0x7f: {  	_ =	swait.ge [sflag:s20], $0x4000  }
0x80: {  	[sflag:s20] =	ssyncset.done $0x0  }
0x81: {  	s13 =	rddreg [dreg:$0xd];
	[sflag:s20] =	ssyncadd.s32 $0xFFFFC000  }
0x82: {  	[spmem:s1] =	stream.indirect.scatter.add.f32 [tilespmem:s18], [sflag:$0x4], $0x80, s13, s17, $0xb8;
	[tilespmem:$0x1CC00] =	vst v63  }
0x83: {  	_ =	swait.ge [sflag:s21], $0x4000  }
0x84: {  	[sflag:s21] =	ssyncset.done $0x0  }
0x85: {  	s10 =	rddreg [dreg:$0xe];
	[sflag:s21] =	ssyncadd.s32 $0xFFFFC000  }
0x86: {  	[tilespmem:s14], [sflag:$0x1] =	stream.indirect.gather [hbm4b:s4+s17], $0x80, s10, s17, $0xb8;
	[tilespmem:$0x1CC00] =	vst v63  }
0x87: {  	_ =	swait.ge [sflag:s22], $0x4000  }
0x88: {  	[sflag:s22] =	ssyncset.done $0x0  }
0x89: {  	s13 =	rddreg [dreg:$0xf];
	[sflag:s22] =	ssyncadd.s32 $0xFFFFC000  }
0x8a: {  	[tilespmem:s18], [sflag:$0x2] =	stream.indirect.gather [hbm4b:s4+s17], $0x80, s13, s17, $0xb8;
	[tilespmem:$0x1CC00] =	vst v63  }
0x8b: {  	_ =	swait.ge [sflag:s19], $0x4000  }
0x8c: {  	[sflag:s19] =	ssyncset.done $0x0  }
0x8d: {  	s10 =	rddreg [dreg:$0x10];
	[sflag:s19] =	ssyncadd.s32 $0xFFFFC000  }
0x8e: {  	[spmem:s1] =	stream.indirect.scatter.add.f32 [tilespmem:s14], [sflag:$0x3], $0x80, s10, s17, $0xb8;
	[tilespmem:$0x1CC00] =	vst v63  }
0x8f: {  	_ =	swait.ge [sflag:s20], $0x4000  }
0x90: {  	[sflag:s20] =	ssyncset.done $0x0  }
0x91: {  	s13 =	rddreg [dreg:$0x11];
	[sflag:s20] =	ssyncadd.s32 $0xFFFFC000  }
0x92: {  	[spmem:s1] =	stream.indirect.scatter.add.f32 [tilespmem:s18], [sflag:$0x4], $0x80, s13, s17, $0xb8;
	[tilespmem:$0x1CC00] =	vst v63  }
0x93: {  	_ =	swait.ge [sflag:s21], $0x4000  }
0x94: {  	[sflag:s21] =	ssyncset.done $0x0  }
0x95: {  	s10 =	rddreg [dreg:$0x12];
	[sflag:s21] =	ssyncadd.s32 $0xFFFFC000  }
0x96: {  	[tilespmem:s14], [sflag:$0x1] =	stream.indirect.gather [hbm4b:s4+s17], $0x80, s10, s17, $0xb8;
	[tilespmem:$0x1CC00] =	vst v63  }
0x97: {  	_ =	swait.ge [sflag:s22], $0x4000  }
0x98: {  	[sflag:s22] =	ssyncset.done $0x0  }
0x99: {  	s13 =	rddreg [dreg:$0x13];
	[sflag:s22] =	ssyncadd.s32 $0xFFFFC000  }
0x9a: {  	[tilespmem:s18], [sflag:$0x2] =	stream.indirect.gather [hbm4b:s4+s17], $0x80, s13, s17, $0xb8;
	[tilespmem:$0x1CC00] =	vst v63  }
0x9b: {  	_ =	swait.ge [sflag:s19], $0x4000  }
0x9c: {  	[sflag:s19] =	ssyncset.done $0x0  }
0x9d: {  	s10 =	rddreg [dreg:$0x14];
	[sflag:s19] =	ssyncadd.s32 $0xFFFFC000  }
0x9e: {  	[spmem:s1] =	stream.indirect.scatter.add.f32 [tilespmem:s14], [sflag:$0x3], $0x80, s10, s17, $0xb8;
	[tilespmem:$0x1CC00] =	vst v63  }
0x9f: {  	_ =	swait.ge [sflag:s20], $0x4000  }
0xa0: {  	[sflag:s20] =	ssyncset.done $0x0  }
0xa1: {  	s13 =	rddreg [dreg:$0x15];
	[sflag:s20] =	ssyncadd.s32 $0xFFFFC000  }
0xa2: {  	[spmem:s1] =	stream.indirect.scatter.add.f32 [tilespmem:s18], [sflag:$0x4], $0x80, s13, s17, $0xb8;
	[tilespmem:$0x1CC00] =	vst v63  }
0xa3: {  	_ =	swait.ge [sflag:s21], $0x4000  }
0xa4: {  	[sflag:s21] =	ssyncset.done $0x0  }
0xa5: {  	[sflag:s21] =	ssyncadd.s32 $0xFFFFC000  }
0xa6: {  	[tilespmem:s14], [sflag:$0x1] =	stream.indirect.gather [hbm4b:s4+s17], $0x80, s23, s17, $0xb8;
	[tilespmem:$0x1CC00] =	vst v63  }
0xa7: {  	_ =	swait.ge [sflag:s22], $0x4000  }
0xa8: {  	[sflag:s22] =	ssyncset.done $0x0  }
0xa9: {  	[sflag:s22] =	ssyncadd.s32 $0xFFFFC000  }
0xaa: {  	[tilespmem:s18], [sflag:$0x2] =	stream.indirect.gather [hbm4b:s4+s17], $0x80, s24, s17, $0xb8;
	[tilespmem:$0x1CC00] =	vst v63  }
0xab: {  	_ =	swait.ge [sflag:s19], $0x4000  }
0xac: {  	[sflag:s19] =	ssyncset.done $0x0  }
0xad: {  	[sflag:s19] =	ssyncadd.s32 $0xFFFFC000  }
0xae: {  	[spmem:s1] =	stream.indirect.scatter.add.f32 [tilespmem:s14], [sflag:$0x3], $0x80, s25, s17, $0xb8;
	[tilespmem:$0x1CC00] =	vst v63  }
0xaf: {  	_ =	swait.ge [sflag:s20], $0x4000  }
0xb0: {  	[sflag:s20] =	ssyncset.done $0x0  }
0xb1: {  	[sflag:s20] =	ssyncadd.s32 $0xFFFFC000  }
0xb2: {  	[spmem:s1] =	stream.indirect.scatter.add.f32 [tilespmem:s18], [sflag:$0x4], $0x80, s26, s17, $0xb8;
	[tilespmem:$0x1CC00] =	vst v63  }
0xb3: {  	_ =	swait.ge [sflag:s21], $0x4000  }
0xb4: {  	[sflag:s21] =	ssyncset.done $0x0  }
0xb5: {  	[sflag:s21] =	ssyncadd.s32 $0xFFFFC000  }
0xb6: {  	[tilespmem:s14], [sflag:$0x1] =	stream.indirect.gather [hbm4b:s4+s17], $0x80, s28, s17, $0xb8;
	[tilespmem:$0x1CC00] =	vst v63  }
0xb7: {  	_ =	swait.ge [sflag:s22], $0x4000  }
0xb8: {  	[sflag:s22] =	ssyncset.done $0x0  }
0xb9: {  	[sflag:s22] =	ssyncadd.s32 $0xFFFFC000  }
0xba: {  	[tilespmem:s18], [sflag:$0x2] =	stream.indirect.gather [hbm4b:s4+s17], $0x80, s29, s17, $0xb8;
	[tilespmem:$0x1CC00] =	vst v63  }
0xbb: {  	_ =	swait.ge [sflag:s19], $0x4000  }
0xbc: {  	[sflag:s19] =	ssyncset.done $0x0  }
0xbd: {  	[sflag:s19] =	ssyncadd.s32 $0xFFFFC000  }
0xbe: {  	[spmem:s1] =	stream.indirect.scatter.add.f32 [tilespmem:s14], [sflag:$0x3], $0x80, s30, s17, $0xb8;
	[tilespmem:$0x1CC00] =	vst v63  }
0xbf: {  	_ =	swait.ge [sflag:s20], $0x4000  }
0xc0: {  	[sflag:s20] =	ssyncset.done $0x0  }
0xc1: {  	[sflag:s20] =	ssyncadd.s32 $0xFFFFC000  }
0xc2: {  	[spmem:s1] =	stream.indirect.scatter.add.f32 [tilespmem:s18], [sflag:$0x4], $0x80, s31, s17, $0xb8;
	[tilespmem:$0x1CC00] =	vst v63  }
0xc3: {  	_ =	swait.ge [sflag:s21], $0x4000  }
0xc4: {  	[sflag:s21] =	ssyncset.done $0x0  }
0xc5: {  	[sflag:s21] =	ssyncadd.s32 $0xFFFFC000  }
0xc6: {  	[tilespmem:s14], [sflag:$0x1] =	stream.indirect.gather [hbm4b:s4+s17], $0x80, s0, s17, $0xb8;
	[tilespmem:$0x1CC00] =	vst v63  }
0xc7: {  	_ =	swait.ge [sflag:s22], $0x4000  }
0xc8: {  	[sflag:s22] =	ssyncset.done $0x0  }
0xc9: {  	[sflag:s22] =	ssyncadd.s32 $0xFFFFC000  }
0xca: {  	[tilespmem:s18], [sflag:$0x2] =	stream.indirect.gather [hbm4b:s4+s17], $0x80, s2, s17, $0xb8;
	[tilespmem:$0x1CC00] =	vst v63  }
0xcb: {  	_ =	swait.ge [sflag:s19], $0x4000  }
0xcc: {  	[sflag:s19] =	ssyncset.done $0x0  }
0xcd: {  	[sflag:s19] =	ssyncadd.s32 $0xFFFFC000  }
0xce: {  	[spmem:s1] =	stream.indirect.scatter.add.f32 [tilespmem:s14], [sflag:$0x3], $0x80, s6, s17, $0xb8;
	[tilespmem:$0x1CC00] =	vst v63  }
0xcf: {  	_ =	swait.ge [sflag:s20], $0x4000  }
0xd0: {  	[sflag:s20] =	ssyncset.done $0x0  }
0xd1: {  	p1 =	sne.s32 s11, $0x1;
	[sflag:s20] =	ssyncadd.s32 $0xFFFFC000  }
0xd2: {  	[spmem:s1] =	stream.indirect.scatter.add.f32 [tilespmem:s18], [sflag:$0x4], $0x80, s7, s17, $0xb8;
	[tilespmem:$0x1CC00] =	vst v63  }
.Ltmp2:
0xd3: {  	_ =	swait.ge [sflag:s21], $0x4000;
	(pc) =	sbr.rel @!p1 .LBB2_6-.Ltmp2, $4  }
0xd4: {  	[sflag:s21] =	ssyncset.done $0x0  }
0xd5: {  	[sflag:s21] =	ssyncadd.s32 $0xFFFFC000  }
0xd6: {  	s11 =	sadd.s32 $0xFFFFFFFF, s11;
	p0 =	por $0x1, $0x1;
	_ =	swait.ge [sflag:s22], $0x4000  }
0xd7: {  	s13 =	smov.u32 s9;
	s12 =	rddreg [dreg:$0x3];
	[sflag:s22] =	ssyncset.done $0x0  }
.LBB2_7:
0xd8: {  	s13 =	sadd.s32 $0x800, s13  }
0xd9: {  	s10 =	sshrl.u32 s13, $0x3  }
0xda: {  	[sflag:s22] =	ssyncadd.s32 $0xFFFFC000;
	s12 =	sadd.s32 s12, s10  }
0xdb: {  	[tilespmem:s3], [sflag:$0x5] =	stream.linear.gather [hbm4b:s12+s3], $0x800, $0x38;
	[tilespmem:$0x1CC00] =	vst v63  }
0xdc: {  	_ =	swait.ge [sflag:s15], $0x800  }
0xdd: {  	s12 =	rddreg [dreg:$0x4];
	[sflag:s15] =	ssyncset.done $0x0  }
0xde: {  	[sflag:s15] =	ssyncadd.s32 $0xFFFFF800;
	s10 =	sadd.s32 s12, s10  }
0xdf: {  	[tilespmem:s16], [sflag:$0x5] =	stream.linear.gather [hbm4b:s10+s3], $0x800, $0x38;
	[tilespmem:$0x1CC00] =	vst v63  }
0xe0: {  	_ =	swait.ge [sflag:s15], $0x800  }
0xe1: {  	[sflag:s15] =	ssyncset.done $0x0  }
0xe2: {  	[sflag:s15] =	ssyncadd.s32 $0xFFFFF800  }
0xe3: {  	[tilespmem:s14], [sflag:$0x1] =	stream.indirect.gather [hbm4b:s4+s17], $0x80, s3, s17, $0xb8;
	[tilespmem:$0x1CC00] =	vst v63  }
0xe4: {  	_ = 	snop  }
0xe5: {  	[tilespmem:s18], [sflag:$0x2] =	stream.indirect.gather [hbm4b:s4+s17], $0x80, s17, s17, $0xb8;
	[tilespmem:$0x1CC00] =	vst v63  }
0xe6: {  	_ =	swait.ge [sflag:s19], $0x4000  }
0xe7: {  	[sflag:s19] =	ssyncset.done $0x0  }
0xe8: {  	[sflag:s19] =	ssyncadd.s32 $0xFFFFC000  }
0xe9: {  	[spmem:s1] =	stream.indirect.scatter.add.f32 [tilespmem:s14], [sflag:$0x3], $0x80, s16, s17, $0xb8;
	[tilespmem:$0x1CC00] =	vst v63  }
0xea: {  	_ =	swait.ge [sflag:s20], $0x4000  }
0xeb: {  	[sflag:s20] =	ssyncset.done $0x0  }
0xec: {  	s12 =	rddreg [dreg:$0x5];
	[sflag:s20] =	ssyncadd.s32 $0xFFFFC000  }
0xed: {  	[spmem:s1] =	stream.indirect.scatter.add.f32 [tilespmem:s18], [sflag:$0x4], $0x80, s12, s17, $0xb8;
	[tilespmem:$0x1CC00] =	vst v63  }
0xee: {  	_ =	swait.ge [sflag:s21], $0x4000  }
0xef: {  	[sflag:s21] =	ssyncset.done $0x0  }
0xf0: {  	s12 =	rddreg [dreg:$0x6];
	[sflag:s21] =	ssyncadd.s32 $0xFFFFC000  }
0xf1: {  	[tilespmem:s14], [sflag:$0x1] =	stream.indirect.gather [hbm4b:s4+s17], $0x80, s12, s17, $0xb8;
	[tilespmem:$0x1CC00] =	vst v63  }
0xf2: {  	_ =	swait.ge [sflag:s22], $0x4000  }
0xf3: {  	[sflag:s22] =	ssyncset.done $0x0  }
0xf4: {  	s12 =	rddreg [dreg:$0x7];
	[sflag:s22] =	ssyncadd.s32 $0xFFFFC000  }
0xf5: {  	[tilespmem:s18], [sflag:$0x2] =	stream.indirect.gather [hbm4b:s4+s17], $0x80, s12, s17, $0xb8;
	[tilespmem:$0x1CC00] =	vst v63  }
0xf6: {  	_ =	swait.ge [sflag:s19], $0x4000  }
0xf7: {  	[sflag:s19] =	ssyncset.done $0x0  }
0xf8: {  	s12 =	rddreg [dreg:$0x8];
	[sflag:s19] =	ssyncadd.s32 $0xFFFFC000  }
0xf9: {  	[spmem:s1] =	stream.indirect.scatter.add.f32 [tilespmem:s14], [sflag:$0x3], $0x80, s12, s17, $0xb8;
	[tilespmem:$0x1CC00] =	vst v63  }
0xfa: {  	_ =	swait.ge [sflag:s20], $0x4000  }
0xfb: {  	[sflag:s20] =	ssyncset.done $0x0  }
0xfc: {  	s12 =	rddreg [dreg:$0x9];
	[sflag:s20] =	ssyncadd.s32 $0xFFFFC000  }
0xfd: {  	[spmem:s1] =	stream.indirect.scatter.add.f32 [tilespmem:s18], [sflag:$0x4], $0x80, s12, s17, $0xb8;
	[tilespmem:$0x1CC00] =	vst v63  }
0xfe: {  	_ =	swait.ge [sflag:s21], $0x4000  }
0xff: {  	[sflag:s21] =	ssyncset.done $0x0  }
0x100: {  	s12 =	rddreg [dreg:$0xa];
	[sflag:s21] =	ssyncadd.s32 $0xFFFFC000  }
0x101: {  	[tilespmem:s14], [sflag:$0x1] =	stream.indirect.gather [hbm4b:s4+s17], $0x80, s12, s17, $0xb8;
	[tilespmem:$0x1CC00] =	vst v63  }
0x102: {  	_ =	swait.ge [sflag:s22], $0x4000  }
0x103: {  	[sflag:s22] =	ssyncset.done $0x0  }
0x104: {  	s12 =	rddreg [dreg:$0xb];
	[sflag:s22] =	ssyncadd.s32 $0xFFFFC000  }
0x105: {  	[tilespmem:s18], [sflag:$0x2] =	stream.indirect.gather [hbm4b:s4+s17], $0x80, s12, s17, $0xb8;
	[tilespmem:$0x1CC00] =	vst v63  }
0x106: {  	_ =	swait.ge [sflag:s19], $0x4000  }
0x107: {  	[sflag:s19] =	ssyncset.done $0x0  }
0x108: {  	s12 =	rddreg [dreg:$0xc];
	[sflag:s19] =	ssyncadd.s32 $0xFFFFC000  }
0x109: {  	[spmem:s1] =	stream.indirect.scatter.add.f32 [tilespmem:s14], [sflag:$0x3], $0x80, s12, s17, $0xb8;
	[tilespmem:$0x1CC00] =	vst v63  }
0x10a: {  	_ =	swait.ge [sflag:s20], $0x4000  }
0x10b: {  	[sflag:s20] =	ssyncset.done $0x0  }
0x10c: {  	s12 =	rddreg [dreg:$0xd];
	[sflag:s20] =	ssyncadd.s32 $0xFFFFC000  }
0x10d: {  	[spmem:s1] =	stream.indirect.scatter.add.f32 [tilespmem:s18], [sflag:$0x4], $0x80, s12, s17, $0xb8;
	[tilespmem:$0x1CC00] =	vst v63  }
0x10e: {  	_ =	swait.ge [sflag:s21], $0x4000  }
0x10f: {  	[sflag:s21] =	ssyncset.done $0x0  }
0x110: {  	s12 =	rddreg [dreg:$0xe];
	[sflag:s21] =	ssyncadd.s32 $0xFFFFC000  }
0x111: {  	[tilespmem:s14], [sflag:$0x1] =	stream.indirect.gather [hbm4b:s4+s17], $0x80, s12, s17, $0xb8;
	[tilespmem:$0x1CC00] =	vst v63  }
0x112: {  	_ =	swait.ge [sflag:s22], $0x4000  }
0x113: {  	[sflag:s22] =	ssyncset.done $0x0  }
0x114: {  	s12 =	rddreg [dreg:$0xf];
	[sflag:s22] =	ssyncadd.s32 $0xFFFFC000  }
0x115: {  	[tilespmem:s18], [sflag:$0x2] =	stream.indirect.gather [hbm4b:s4+s17], $0x80, s12, s17, $0xb8;
	[tilespmem:$0x1CC00] =	vst v63  }
0x116: {  	_ =	swait.ge [sflag:s19], $0x4000  }
0x117: {  	[sflag:s19] =	ssyncset.done $0x0  }
0x118: {  	s12 =	rddreg [dreg:$0x10];
	[sflag:s19] =	ssyncadd.s32 $0xFFFFC000  }
0x119: {  	[spmem:s1] =	stream.indirect.scatter.add.f32 [tilespmem:s14], [sflag:$0x3], $0x80, s12, s17, $0xb8;
	[tilespmem:$0x1CC00] =	vst v63  }
0x11a: {  	_ =	swait.ge [sflag:s20], $0x4000  }
0x11b: {  	[sflag:s20] =	ssyncset.done $0x0  }
0x11c: {  	s12 =	rddreg [dreg:$0x11];
	[sflag:s20] =	ssyncadd.s32 $0xFFFFC000  }
0x11d: {  	[spmem:s1] =	stream.indirect.scatter.add.f32 [tilespmem:s18], [sflag:$0x4], $0x80, s12, s17, $0xb8;
	[tilespmem:$0x1CC00] =	vst v63  }
0x11e: {  	_ =	swait.ge [sflag:s21], $0x4000  }
0x11f: {  	[sflag:s21] =	ssyncset.done $0x0  }
0x120: {  	s12 =	rddreg [dreg:$0x12];
	[sflag:s21] =	ssyncadd.s32 $0xFFFFC000  }
0x121: {  	[tilespmem:s14], [sflag:$0x1] =	stream.indirect.gather [hbm4b:s4+s17], $0x80, s12, s17, $0xb8;
	[tilespmem:$0x1CC00] =	vst v63  }
0x122: {  	_ =	swait.ge [sflag:s22], $0x4000  }
0x123: {  	[sflag:s22] =	ssyncset.done $0x0  }
0x124: {  	s12 =	rddreg [dreg:$0x13];
	[sflag:s22] =	ssyncadd.s32 $0xFFFFC000  }
0x125: {  	[tilespmem:s18], [sflag:$0x2] =	stream.indirect.gather [hbm4b:s4+s17], $0x80, s12, s17, $0xb8;
	[tilespmem:$0x1CC00] =	vst v63  }
0x126: {  	_ =	swait.ge [sflag:s19], $0x4000  }
0x127: {  	[sflag:s19] =	ssyncset.done $0x0  }
0x128: {  	s12 =	rddreg [dreg:$0x14];
	[sflag:s19] =	ssyncadd.s32 $0xFFFFC000  }
0x129: {  	[spmem:s1] =	stream.indirect.scatter.add.f32 [tilespmem:s14], [sflag:$0x3], $0x80, s12, s17, $0xb8;
	[tilespmem:$0x1CC00] =	vst v63  }
0x12a: {  	_ =	swait.ge [sflag:s20], $0x4000  }
0x12b: {  	[sflag:s20] =	ssyncset.done $0x0  }
0x12c: {  	s12 =	rddreg [dreg:$0x15];
	[sflag:s20] =	ssyncadd.s32 $0xFFFFC000  }
0x12d: {  	[spmem:s1] =	stream.indirect.scatter.add.f32 [tilespmem:s18], [sflag:$0x4], $0x80, s12, s17, $0xb8;
	[tilespmem:$0x1CC00] =	vst v63  }
0x12e: {  	_ =	swait.ge [sflag:s21], $0x4000  }
0x12f: {  	[sflag:s21] =	ssyncset.done $0x0  }
0x130: {  	[sflag:s21] =	ssyncadd.s32 $0xFFFFC000  }
0x131: {  	[tilespmem:s14], [sflag:$0x1] =	stream.indirect.gather [hbm4b:s4+s17], $0x80, s23, s17, $0xb8;
	[tilespmem:$0x1CC00] =	vst v63  }
0x132: {  	_ =	swait.ge [sflag:s22], $0x4000  }
0x133: {  	[sflag:s22] =	ssyncset.done $0x0  }
0x134: {  	[sflag:s22] =	ssyncadd.s32 $0xFFFFC000  }
0x135: {  	[tilespmem:s18], [sflag:$0x2] =	stream.indirect.gather [hbm4b:s4+s17], $0x80, s24, s17, $0xb8;
	[tilespmem:$0x1CC00] =	vst v63  }
0x136: {  	_ =	swait.ge [sflag:s19], $0x4000  }
0x137: {  	[sflag:s19] =	ssyncset.done $0x0  }
0x138: {  	[sflag:s19] =	ssyncadd.s32 $0xFFFFC000  }
0x139: {  	[spmem:s1] =	stream.indirect.scatter.add.f32 [tilespmem:s14], [sflag:$0x3], $0x80, s25, s17, $0xb8;
	[tilespmem:$0x1CC00] =	vst v63  }
0x13a: {  	_ =	swait.ge [sflag:s20], $0x4000  }
0x13b: {  	[sflag:s20] =	ssyncset.done $0x0  }
0x13c: {  	[sflag:s20] =	ssyncadd.s32 $0xFFFFC000  }
0x13d: {  	[spmem:s1] =	stream.indirect.scatter.add.f32 [tilespmem:s18], [sflag:$0x4], $0x80, s26, s17, $0xb8;
	[tilespmem:$0x1CC00] =	vst v63  }
0x13e: {  	_ =	swait.ge [sflag:s21], $0x4000  }
0x13f: {  	[sflag:s21] =	ssyncset.done $0x0  }
0x140: {  	[sflag:s21] =	ssyncadd.s32 $0xFFFFC000  }
0x141: {  	[tilespmem:s14], [sflag:$0x1] =	stream.indirect.gather [hbm4b:s4+s17], $0x80, s28, s17, $0xb8;
	[tilespmem:$0x1CC00] =	vst v63  }
0x142: {  	_ =	swait.ge [sflag:s22], $0x4000  }
0x143: {  	[sflag:s22] =	ssyncset.done $0x0  }
0x144: {  	[sflag:s22] =	ssyncadd.s32 $0xFFFFC000  }
0x145: {  	[tilespmem:s18], [sflag:$0x2] =	stream.indirect.gather [hbm4b:s4+s17], $0x80, s29, s17, $0xb8;
	[tilespmem:$0x1CC00] =	vst v63  }
0x146: {  	_ =	swait.ge [sflag:s19], $0x4000  }
0x147: {  	[sflag:s19] =	ssyncset.done $0x0  }
0x148: {  	[sflag:s19] =	ssyncadd.s32 $0xFFFFC000  }
0x149: {  	[spmem:s1] =	stream.indirect.scatter.add.f32 [tilespmem:s14], [sflag:$0x3], $0x80, s30, s17, $0xb8;
	[tilespmem:$0x1CC00] =	vst v63  }
0x14a: {  	_ =	swait.ge [sflag:s20], $0x4000  }
0x14b: {  	[sflag:s20] =	ssyncset.done $0x0  }
0x14c: {  	[sflag:s20] =	ssyncadd.s32 $0xFFFFC000  }
0x14d: {  	[spmem:s1] =	stream.indirect.scatter.add.f32 [tilespmem:s18], [sflag:$0x4], $0x80, s31, s17, $0xb8;
	[tilespmem:$0x1CC00] =	vst v63  }
0x14e: {  	_ =	swait.ge [sflag:s21], $0x4000  }
0x14f: {  	[sflag:s21] =	ssyncset.done $0x0  }
0x150: {  	[sflag:s21] =	ssyncadd.s32 $0xFFFFC000  }
0x151: {  	[tilespmem:s14], [sflag:$0x1] =	stream.indirect.gather [hbm4b:s4+s17], $0x80, s0, s17, $0xb8;
	[tilespmem:$0x1CC00] =	vst v63  }
0x152: {  	_ =	swait.ge [sflag:s22], $0x4000  }
0x153: {  	[sflag:s22] =	ssyncset.done $0x0  }
0x154: {  	[sflag:s22] =	ssyncadd.s32 $0xFFFFC000  }
0x155: {  	[tilespmem:s18], [sflag:$0x2] =	stream.indirect.gather [hbm4b:s4+s17], $0x80, s2, s17, $0xb8;
	[tilespmem:$0x1CC00] =	vst v63  }
0x156: {  	_ =	swait.ge [sflag:s19], $0x4000  }
0x157: {  	[sflag:s19] =	ssyncset.done $0x0  }
0x158: {  	[sflag:s19] =	ssyncadd.s32 $0xFFFFC000  }
0x159: {  	[spmem:s1] =	stream.indirect.scatter.add.f32 [tilespmem:s14], [sflag:$0x3], $0x80, s6, s17, $0xb8;
	[tilespmem:$0x1CC00] =	vst v63  }
0x15a: {  	_ =	swait.ge [sflag:s20], $0x4000  }
0x15b: {  	[sflag:s20] =	ssyncset.done $0x0  }
0x15c: {  	p1 =	sne.s32 s11, $0x1;
	[sflag:s20] =	ssyncadd.s32 $0xFFFFC000  }
0x15d: {  	[spmem:s1] =	stream.indirect.scatter.add.f32 [tilespmem:s18], [sflag:$0x4], $0x80, s7, s17, $0xb8;
	[tilespmem:$0x1CC00] =	vst v63  }
.Ltmp3:
0x15e: {  	_ =	swait.ge [sflag:s21], $0x4000;
	(pc) =	sbr.rel @p1 .LBB2_7-.Ltmp3, $4  }
0x15f: {  	[sflag:s21] =	ssyncset.done $0x0  }
0x160: {  	[sflag:s21] =	ssyncadd.s32 $0xFFFFC000  }
0x161: {  	_ =	swait.ge [sflag:s22], $0x4000  }
0x162: {  	s11 =	sadd.s32 $0xFFFFFFFF, s11;
	s12 =	rddreg [dreg:$0x3];
	[sflag:s22] =	ssyncset.done $0x0  }
.LBB2_8:
0x163: {  	s10 =	sadd.s32 @p0 $0x800, s13;
	s11 =	smov.u32 s9  }
0x164: {  	s11 =	smov.u32 @p0 s10  }
0x165: {  	s10 =	sshrl.u32 s11, $0x3  }
0x166: {  	[sflag:s22] =	ssyncadd.s32 @p0 $0xFFFFC000;
	s11 =	sadd.s32 s12, s10  }
0x167: {  	[tilespmem:s3], [sflag:$0x5] =	stream.linear.gather [hbm4b:s11+s3], $0x800, $0x38;
	[tilespmem:$0x1CC00] =	vst v63  }
0x168: {  	_ =	swait.ge [sflag:s15], $0x800  }
0x169: {  	s13 =	rddreg [dreg:$0x4];
	[sflag:s15] =	ssyncset.done $0x0  }
0x16a: {  	[sflag:s15] =	ssyncadd.s32 $0xFFFFF800;
	s10 =	sadd.s32 s13, s10  }
0x16b: {  	[tilespmem:s16], [sflag:$0x5] =	stream.linear.gather [hbm4b:s10+s3], $0x800, $0x38;
	[tilespmem:$0x1CC00] =	vst v63  }
0x16c: {  	_ =	swait.ge [sflag:s15], $0x800  }
0x16d: {  	[sflag:s15] =	ssyncset.done $0x0  }
0x16e: {  	[sflag:s15] =	ssyncadd.s32 $0xFFFFF800  }
0x16f: {  	[tilespmem:s14], [sflag:$0x1] =	stream.indirect.gather [hbm4b:s4+s17], $0x80, s3, s17, $0xb8;
	[tilespmem:$0x1CC00] =	vst v63  }
0x170: {  	_ = 	snop  }
0x171: {  	[tilespmem:s18], [sflag:$0x2] =	stream.indirect.gather [hbm4b:s4+s17], $0x80, s17, s17, $0xb8;
	[tilespmem:$0x1CC00] =	vst v63  }
0x172: {  	_ =	swait.ge [sflag:s19], $0x4000  }
0x173: {  	[sflag:s19] =	ssyncset.done $0x0  }
0x174: {  	[sflag:s19] =	ssyncadd.s32 $0xFFFFC000  }
0x175: {  	[spmem:s1] =	stream.indirect.scatter.add.f32 [tilespmem:s14], [sflag:$0x3], $0x80, s16, s17, $0xb8;
	[tilespmem:$0x1CC00] =	vst v63  }
0x176: {  	_ =	swait.ge [sflag:s20], $0x4000  }
0x177: {  	[sflag:s20] =	ssyncset.done $0x0  }
0x178: {  	s12 =	rddreg [dreg:$0x5];
	[sflag:s20] =	ssyncadd.s32 $0xFFFFC000  }
0x179: {  	[spmem:s1] =	stream.indirect.scatter.add.f32 [tilespmem:s18], [sflag:$0x4], $0x80, s12, s17, $0xb8;
	[tilespmem:$0x1CC00] =	vst v63  }
0x17a: {  	_ =	swait.ge [sflag:s21], $0x4000  }
0x17b: {  	[sflag:s21] =	ssyncset.done $0x0  }
0x17c: {  	s13 =	rddreg [dreg:$0x6];
	[sflag:s21] =	ssyncadd.s32 $0xFFFFC000  }
0x17d: {  	[tilespmem:s14], [sflag:$0x1] =	stream.indirect.gather [hbm4b:s4+s17], $0x80, s13, s17, $0xb8;
	[tilespmem:$0x1CC00] =	vst v63  }
0x17e: {  	_ =	swait.ge [sflag:s22], $0x4000  }
0x17f: {  	[sflag:s22] =	ssyncset.done $0x0  }
0x180: {  	s11 =	rddreg [dreg:$0x7];
	[sflag:s22] =	ssyncadd.s32 $0xFFFFC000  }
0x181: {  	[tilespmem:s18], [sflag:$0x2] =	stream.indirect.gather [hbm4b:s4+s17], $0x80, s11, s17, $0xb8;
	[tilespmem:$0x1CC00] =	vst v63  }
0x182: {  	_ =	swait.ge [sflag:s19], $0x4000  }
0x183: {  	[sflag:s19] =	ssyncset.done $0x0  }
0x184: {  	s12 =	rddreg [dreg:$0x8];
	[sflag:s19] =	ssyncadd.s32 $0xFFFFC000  }
0x185: {  	[spmem:s1] =	stream.indirect.scatter.add.f32 [tilespmem:s14], [sflag:$0x3], $0x80, s12, s17, $0xb8;
	[tilespmem:$0x1CC00] =	vst v63  }
0x186: {  	_ =	swait.ge [sflag:s20], $0x4000  }
0x187: {  	[sflag:s20] =	ssyncset.done $0x0  }
0x188: {  	s13 =	rddreg [dreg:$0x9];
	[sflag:s20] =	ssyncadd.s32 $0xFFFFC000  }
0x189: {  	[spmem:s1] =	stream.indirect.scatter.add.f32 [tilespmem:s18], [sflag:$0x4], $0x80, s13, s17, $0xb8;
	[tilespmem:$0x1CC00] =	vst v63  }
0x18a: {  	_ =	swait.ge [sflag:s21], $0x4000  }
0x18b: {  	[sflag:s21] =	ssyncset.done $0x0  }
0x18c: {  	s11 =	rddreg [dreg:$0xa];
	[sflag:s21] =	ssyncadd.s32 $0xFFFFC000  }
0x18d: {  	[tilespmem:s14], [sflag:$0x1] =	stream.indirect.gather [hbm4b:s4+s17], $0x80, s11, s17, $0xb8;
	[tilespmem:$0x1CC00] =	vst v63  }
0x18e: {  	_ =	swait.ge [sflag:s22], $0x4000  }
0x18f: {  	[sflag:s22] =	ssyncset.done $0x0  }
0x190: {  	s12 =	rddreg [dreg:$0xb];
	[sflag:s22] =	ssyncadd.s32 $0xFFFFC000  }
0x191: {  	[tilespmem:s18], [sflag:$0x2] =	stream.indirect.gather [hbm4b:s4+s17], $0x80, s12, s17, $0xb8;
	[tilespmem:$0x1CC00] =	vst v63  }
0x192: {  	_ =	swait.ge [sflag:s19], $0x4000  }
0x193: {  	[sflag:s19] =	ssyncset.done $0x0  }
0x194: {  	s13 =	rddreg [dreg:$0xc];
	[sflag:s19] =	ssyncadd.s32 $0xFFFFC000  }
0x195: {  	[spmem:s1] =	stream.indirect.scatter.add.f32 [tilespmem:s14], [sflag:$0x3], $0x80, s13, s17, $0xb8;
	[tilespmem:$0x1CC00] =	vst v63  }
0x196: {  	_ =	swait.ge [sflag:s20], $0x4000  }
0x197: {  	[sflag:s20] =	ssyncset.done $0x0  }
0x198: {  	s11 =	rddreg [dreg:$0xd];
	[sflag:s20] =	ssyncadd.s32 $0xFFFFC000  }
0x199: {  	[spmem:s1] =	stream.indirect.scatter.add.f32 [tilespmem:s18], [sflag:$0x4], $0x80, s11, s17, $0xb8;
	[tilespmem:$0x1CC00] =	vst v63  }
0x19a: {  	_ =	swait.ge [sflag:s21], $0x4000  }
0x19b: {  	[sflag:s21] =	ssyncset.done $0x0  }
0x19c: {  	s12 =	rddreg [dreg:$0xe];
	[sflag:s21] =	ssyncadd.s32 $0xFFFFC000  }
0x19d: {  	[tilespmem:s14], [sflag:$0x1] =	stream.indirect.gather [hbm4b:s4+s17], $0x80, s12, s17, $0xb8;
	[tilespmem:$0x1CC00] =	vst v63  }
0x19e: {  	_ =	swait.ge [sflag:s22], $0x4000  }
0x19f: {  	[sflag:s22] =	ssyncset.done $0x0  }
0x1a0: {  	s13 =	rddreg [dreg:$0xf];
	[sflag:s22] =	ssyncadd.s32 $0xFFFFC000  }
0x1a1: {  	[tilespmem:s18], [sflag:$0x2] =	stream.indirect.gather [hbm4b:s4+s17], $0x80, s13, s17, $0xb8;
	[tilespmem:$0x1CC00] =	vst v63  }
0x1a2: {  	_ =	swait.ge [sflag:s19], $0x4000  }
0x1a3: {  	[sflag:s19] =	ssyncset.done $0x0  }
0x1a4: {  	s11 =	rddreg [dreg:$0x10];
	[sflag:s19] =	ssyncadd.s32 $0xFFFFC000  }
0x1a5: {  	[spmem:s1] =	stream.indirect.scatter.add.f32 [tilespmem:s14], [sflag:$0x3], $0x80, s11, s17, $0xb8;
	[tilespmem:$0x1CC00] =	vst v63  }
0x1a6: {  	_ =	swait.ge [sflag:s20], $0x4000  }
0x1a7: {  	[sflag:s20] =	ssyncset.done $0x0  }
0x1a8: {  	s12 =	rddreg [dreg:$0x11];
	[sflag:s20] =	ssyncadd.s32 $0xFFFFC000  }
0x1a9: {  	[spmem:s1] =	stream.indirect.scatter.add.f32 [tilespmem:s18], [sflag:$0x4], $0x80, s12, s17, $0xb8;
	[tilespmem:$0x1CC00] =	vst v63  }
0x1aa: {  	_ =	swait.ge [sflag:s21], $0x4000  }
0x1ab: {  	[sflag:s21] =	ssyncset.done $0x0  }
0x1ac: {  	s13 =	rddreg [dreg:$0x12];
	[sflag:s21] =	ssyncadd.s32 $0xFFFFC000  }
0x1ad: {  	[tilespmem:s14], [sflag:$0x1] =	stream.indirect.gather [hbm4b:s4+s17], $0x80, s13, s17, $0xb8;
	[tilespmem:$0x1CC00] =	vst v63  }
0x1ae: {  	_ =	swait.ge [sflag:s22], $0x4000  }
0x1af: {  	[sflag:s22] =	ssyncset.done $0x0  }
0x1b0: {  	s11 =	rddreg [dreg:$0x13];
	[sflag:s22] =	ssyncadd.s32 $0xFFFFC000  }
0x1b1: {  	[tilespmem:s18], [sflag:$0x2] =	stream.indirect.gather [hbm4b:s4+s17], $0x80, s11, s17, $0xb8;
	[tilespmem:$0x1CC00] =	vst v63  }
0x1b2: {  	_ =	swait.ge [sflag:s19], $0x4000  }
0x1b3: {  	[sflag:s19] =	ssyncset.done $0x0  }
0x1b4: {  	s12 =	rddreg [dreg:$0x14];
	[sflag:s19] =	ssyncadd.s32 $0xFFFFC000  }
0x1b5: {  	[spmem:s1] =	stream.indirect.scatter.add.f32 [tilespmem:s14], [sflag:$0x3], $0x80, s12, s17, $0xb8;
	[tilespmem:$0x1CC00] =	vst v63  }
0x1b6: {  	_ =	swait.ge [sflag:s20], $0x4000  }
0x1b7: {  	[sflag:s20] =	ssyncset.done $0x0  }
0x1b8: {  	s13 =	rddreg [dreg:$0x15];
	[sflag:s20] =	ssyncadd.s32 $0xFFFFC000  }
0x1b9: {  	[spmem:s1] =	stream.indirect.scatter.add.f32 [tilespmem:s18], [sflag:$0x4], $0x80, s13, s17, $0xb8;
	[tilespmem:$0x1CC00] =	vst v63  }
0x1ba: {  	_ =	swait.ge [sflag:s21], $0x4000  }
0x1bb: {  	[sflag:s21] =	ssyncset.done $0x0  }
0x1bc: {  	[sflag:s21] =	ssyncadd.s32 $0xFFFFC000  }
0x1bd: {  	[tilespmem:s14], [sflag:$0x1] =	stream.indirect.gather [hbm4b:s4+s17], $0x80, s23, s17, $0xb8;
	[tilespmem:$0x1CC00] =	vst v63  }
0x1be: {  	_ =	swait.ge [sflag:s22], $0x4000  }
0x1bf: {  	[sflag:s22] =	ssyncset.done $0x0  }
0x1c0: {  	[sflag:s22] =	ssyncadd.s32 $0xFFFFC000  }
0x1c1: {  	[tilespmem:s18], [sflag:$0x2] =	stream.indirect.gather [hbm4b:s4+s17], $0x80, s24, s17, $0xb8;
	[tilespmem:$0x1CC00] =	vst v63  }
0x1c2: {  	_ =	swait.ge [sflag:s19], $0x4000  }
0x1c3: {  	[sflag:s19] =	ssyncset.done $0x0  }
0x1c4: {  	[sflag:s19] =	ssyncadd.s32 $0xFFFFC000  }
0x1c5: {  	[spmem:s1] =	stream.indirect.scatter.add.f32 [tilespmem:s14], [sflag:$0x3], $0x80, s25, s17, $0xb8;
	[tilespmem:$0x1CC00] =	vst v63  }
0x1c6: {  	_ =	swait.ge [sflag:s20], $0x4000  }
0x1c7: {  	[sflag:s20] =	ssyncset.done $0x0  }
0x1c8: {  	[sflag:s20] =	ssyncadd.s32 $0xFFFFC000  }
0x1c9: {  	[spmem:s1] =	stream.indirect.scatter.add.f32 [tilespmem:s18], [sflag:$0x4], $0x80, s26, s17, $0xb8;
	[tilespmem:$0x1CC00] =	vst v63  }
0x1ca: {  	_ =	swait.ge [sflag:s21], $0x4000  }
0x1cb: {  	[sflag:s21] =	ssyncset.done $0x0  }
0x1cc: {  	[sflag:s21] =	ssyncadd.s32 $0xFFFFC000  }
0x1cd: {  	[tilespmem:s14], [sflag:$0x1] =	stream.indirect.gather [hbm4b:s4+s17], $0x80, s28, s17, $0xb8;
	[tilespmem:$0x1CC00] =	vst v63  }
0x1ce: {  	_ =	swait.ge [sflag:s22], $0x4000  }
0x1cf: {  	[sflag:s22] =	ssyncset.done $0x0  }
0x1d0: {  	[sflag:s22] =	ssyncadd.s32 $0xFFFFC000  }
0x1d1: {  	[tilespmem:s18], [sflag:$0x2] =	stream.indirect.gather [hbm4b:s4+s17], $0x80, s29, s17, $0xb8;
	[tilespmem:$0x1CC00] =	vst v63  }
0x1d2: {  	_ =	swait.ge [sflag:s19], $0x4000  }
0x1d3: {  	[sflag:s19] =	ssyncset.done $0x0  }
0x1d4: {  	[sflag:s19] =	ssyncadd.s32 $0xFFFFC000  }
0x1d5: {  	[spmem:s1] =	stream.indirect.scatter.add.f32 [tilespmem:s14], [sflag:$0x3], $0x80, s30, s17, $0xb8;
	[tilespmem:$0x1CC00] =	vst v63  }
0x1d6: {  	_ =	swait.ge [sflag:s20], $0x4000  }
0x1d7: {  	[sflag:s20] =	ssyncset.done $0x0  }
0x1d8: {  	[sflag:s20] =	ssyncadd.s32 $0xFFFFC000  }
0x1d9: {  	[spmem:s1] =	stream.indirect.scatter.add.f32 [tilespmem:s18], [sflag:$0x4], $0x80, s31, s17, $0xb8;
	[tilespmem:$0x1CC00] =	vst v63  }
0x1da: {  	_ =	swait.ge [sflag:s21], $0x4000  }
0x1db: {  	[sflag:s21] =	ssyncset.done $0x0  }
0x1dc: {  	[sflag:s21] =	ssyncadd.s32 $0xFFFFC000  }
0x1dd: {  	[tilespmem:s14], [sflag:$0x1] =	stream.indirect.gather [hbm4b:s4+s17], $0x80, s0, s17, $0xb8;
	[tilespmem:$0x1CC00] =	vst v63  }
0x1de: {  	_ =	swait.ge [sflag:s22], $0x4000  }
0x1df: {  	[sflag:s22] =	ssyncset.done $0x0  }
0x1e0: {  	[sflag:s22] =	ssyncadd.s32 $0xFFFFC000  }
0x1e1: {  	[tilespmem:s18], [sflag:$0x2] =	stream.indirect.gather [hbm4b:s4+s17], $0x80, s2, s17, $0xb8;
	[tilespmem:$0x1CC00] =	vst v63  }
0x1e2: {  	_ =	swait.ge [sflag:s19], $0x4000  }
0x1e3: {  	[sflag:s19] =	ssyncset.done $0x0  }
0x1e4: {  	[sflag:s19] =	ssyncadd.s32 $0xFFFFC000  }
0x1e5: {  	[spmem:s1] =	stream.indirect.scatter.add.f32 [tilespmem:s14], [sflag:$0x3], $0x80, s6, s17, $0xb8;
	[tilespmem:$0x1CC00] =	vst v63  }
0x1e6: {  	_ =	swait.ge [sflag:s20], $0x4000  }
0x1e7: {  	[sflag:s20] =	ssyncset.done $0x0  }
0x1e8: {  	[sflag:s20] =	ssyncadd.s32 $0xFFFFC000  }
0x1e9: {  	[spmem:s1] =	stream.indirect.scatter.add.f32 [tilespmem:s18], [sflag:$0x4], $0x80, s7, s17, $0xb8;
	[tilespmem:$0x1CC00] =	vst v63  }
0x1ea: {  	_ =	swait.ge [sflag:s21], $0x4000  }
0x1eb: {  	[sflag:s21] =	ssyncset.done $0x0  }
0x1ec: {  	[sflag:s21] =	ssyncadd.s32 $0xFFFFC000  }
0x1ed: {  	_ =	swait.ge [sflag:s22], $0x4000  }
0x1ee: {  	[sflag:s22] =	ssyncset.done $0x0  }
0x1ef: {  	s11 =	stileid.u32;
	[sflag:s22] =	ssyncadd.s32 $0xFFFFC000  }
0x1f0: {  	s10 =	sshll.u32 s11, $0x6;
	[bflag:$0x0] =	sbarrier.arrive $0xFFFF  }
0x1f1: {  	s10 =	sor.u32 $0x1C05, s10;
	s12 =	sshrl.u32 s5, $0x3;
	s13 =	rddreg [dreg:$0x1b]  }
0x1f2: {  	[hbm:s13], [sflag:s10] =	dma.local [spmem:s12], $0x2780  }
0x1f3: {  	_ =	swait.ge [sflag:s15], $0x2780  }
0x1f4: {  	s8 =	sadd.s32 $0x1, s8;
	s13 =	rddreg [dreg:$0x1c]  }
0x1f5: {  	p0 =	sne.s32 s8, s13  }
.Ltmp4:
0x1f6: {  	_ = 	snop;
	(pc) =	sbr.rel @p0 .LBB2_1-.Ltmp4, $4  }
.Ltmp5:
0x1f7: {  	_ = 	snop;
	(pc) =	sbr.rel @!p0 .LBB2_9-.Ltmp5, $4  }
0x1f8: {  	_ = 	snop  }
0x1f9: {  	[sflag:s15] =	ssyncset.done $0x0  }
0x1fa: {  	[sflag:s15] =	ssyncadd.s32 $0xFFFFD880  }
0x1fb: {  	_ = 	snop  }
.LBB2_4:
.Ltmp6:
0x1fc: {  	(pc) =	sbr.rel .LBB2_8-.Ltmp6, $2  }
0x1fd: {  	_ =	sdelay $0x2  }
0x1fe: {  	s13 =	smov.u32 s9  }
.LBB2_6:
.Ltmp7:
0x1ff: {  	(pc) =	sbr.rel .LBB2_8-.Ltmp7, $2  }
0x200: {  	_ =	sdelay $0x2  }
0x201: {  	s13 =	smov.u32 s9  }
.LBB2_9:
0x202: {  	_ =	sfence.sel $0x180000  }
0x203: {  	[bflag:$0x0] =	sbarrier.arrive $0xFFFF  }
0x204: {  	_ =	strace $0x9000004A  }
0x205: {  	s0 =	stileid.u32;
	[bflag:$0x2] =	sbarrier.arrive $0xFFFF  }
0x206: {  	p0 =	sne.s32 s0, $0x0;
	s0 =	rddreg [dreg:$0x2]  }
0x207: {  	s0 =	sadd.s32 @!p0 $0x100000, s0  }
0x208: {  	[sflag:s0] =	ssyncadd.tile.s32 @!p0 $0x1;
	_ =	shalt  }
.Lfunc_end2:
_tile_overlayer_lowered:
.L_overlay_start_2:
0x209: {  	(tag) =	ssettag $0x2  }
0x20a: {  	s0 =	rddreg [dreg:$0x0];
	s2 =	stileid.u32  }
0x20b: {  	s1 =	rddreg [dreg:$0x1];
	p0 =	sne.s32 s2, $0x0  }
0x20c: {  	s3 =	rddreg [dreg:$0x2];
	[bflag:$0x3] =	sbarrier.arrive $0xFFFF;
	s2 =	simm.s32 @!p0 $0x1C05  }
0x20d: {  	[timem:s3], [sflag:s2] =	dma.local @!p0 [hbm:s0], s1  }
0x20e: {  	s0 =	simm.s32 @!p0 $0x5  }
0x20f: {  	_ =	swait.ge @!p0 [sflag:s0], s1  }
0x210: {  	s1 =	ssub.s32 @!p0 $0x0, s1;
	[sflag:s0] =	ssyncset.done @!p0 $0x0  }
0x211: {  	[sflag:s0] =	ssyncadd.s32 @!p0 s1  }
0x212: {  	[bflag:$0x3] =	sbarrier.arrive $0xFFFF  }
0x213: {  	_ =	shalt  }

// kernel: kernel.16.cloned.1.call-start
scs
__scs_entry_jumppad:
0x0: {  	(pc) =	sbr.rel $0x88, $3  }
0x1: {  	(tag) =	ssettag $0x0;
	lr =	simm.s32 $0x1  }
0x2: {  	[smem:$0x3F90] =	sst lr;
	_ =	strace $0xD0000000  }
0x3: {  	_ = 	snop  }
0x4: {  	_ = 	snop  }
0x5: {  	_ = 	snop  }
0x6: {  	_ = 	snop  }
0x7: {  	_ = 	snop  }
__scs_overlays_trampoline_lowered:
0x8: {  	[smem:$0x3F9F] =	sst s0  }
0x9: {  	[smem:$0x3FA0] =	sst s1  }
0xa: {  	[smem:$0x3FA1] =	sst s2  }
0xb: {  	[smem:$0x3FA2] =	sst s3  }
0xc: {  	[smem:$0x3FA3] =	sst s4  }
0xd: {  	[smem:$0x3FA4] =	sst s5  }
0xe: {  	[smem:$0x3FA5] =	sst s6  }
0xf: {  	[smem:$0x3FA6] =	sst s7  }
0x10: {  	[smem:$0x3FA7] =	sst s8  }
0x11: {  	[smem:$0x3FA8] =	sst s9;
	s0 =	simm.s32 @!p0 $0x0  }
0x12: {  	s1 =	sld [smem:$0x3F8E];
	s0 =	simm.s32 @p0 $0x1  }
0x13: {  	[smem:$0x3FA9] =	sst s0;
	s0 =	simm.s32 @!p1 $0x0  }
0x14: {  	s2 =	sld [smem:$0x3F8D];
	s0 =	simm.s32 @p1 $0x1  }
0x15: {  	[smem:$0x3FAA] =	sst s0;
	s0 =	simm.s32 @!p2 $0x0  }
0x16: {  	s3 =	sld [smem:$0x3FDB];
	s0 =	simm.s32 @p2 $0x1  }
0x17: {  	s4 =	simm.s32 $0x1BF5;
	[smem:$0x3FAC] =	sst s0  }
0x18: {  	s0 =	sld [smem:$0x3F8F];
	_ =	swait.ge [sflag:s4], $0x0  }
0x19: {  	s7 =	sld [smem:$0x3F90]  }
0x1a: {  	s8 =	sadd.s32 $0xFFFFE003, lr  }
0x1b: {  	s9 =	sadd.s32 $0xFFFFFEF7, lr;
	s5 =	simm.s32 $0xFFFFFFFF;
	p2 =	slt.u32 s8, $0xFFFFF086  }
0x1c: {  	p1 =	slt.u32 s9, $0xF7A;
	s5 =	simm.s32 @!p2 $0x0  }
0x1d: {  	s5 =	simm.s32 @p1 $0x1;
	p0 =	seq.s32 s7, s2  }
0x1e: {  	s7 =	smul.u32 @!p0 $0xF7A, s2;
	p2 =	seq.s32 @!p0 s5, $0x0  }
0x1f: {  	s9 =	smul.u32 $0xF7A, s1;
	s8 =	simm.s32 @!p0 $0x1BF5;
	p2 =	por !p2, p0  }
0x20: {  	[sflag:s8] =	ssyncset.s32 @!p0 $0xFFFFF086;
	s6 =	sadd.s32 @!p0 s3, s7;
	s7 =	simm.s32 @!p0 $0x108  }
0x21: {  	s3 =	sadd.s32 s3, s9;
	s6 =	sadd.s32 @!p0 $0x88, s6;
	s7 =	simm.s32 @p2 $0x1082  }
0x22: {  	[simem:s7], [sflag:s8] =	dma.local @!p0 [hbm:s6], $0xF7A  }
0x23: {  	s9 =	sor.u32 $0xD0000000, s2;
	s6 =	simm.s32 $0x108;
	_ =	swait.ge @!p0 [sflag:s8], $0x0  }
0x24: {  	s3 =	sadd.s32 $0x88, s3;
	s6 =	simm.s32 @!p1 $0x1082;
	[sflag:s4] =	ssyncset.s32 $0xFFFFF086  }
0x25: {  	[simem:s6], [sflag:s4] =	dma.local [hbm:s3], $0xF7A  }
0x26: {  	[smem:$0x3F90] =	sst s1;
	(tag) =	ssettag s2;
	_ =	strace s9  }
0x27: {  	s1 =	sld [smem:$0x3FA0]  }
0x28: {  	s2 =	sld [smem:$0x3FA1]  }
0x29: {  	s4 =	sld [smem:$0x3FA3]  }
0x2a: {  	p0 =	seq.s32 s5, $0x0;
	s5 =	sld [smem:$0x3FA4]  }
0x2b: {  	s6 =	sld [smem:$0x3FA5]  }
0x2c: {  	s7 =	sld [smem:$0x3FA6]  }
0x2d: {  	s3 =	simm.s32 $0x108;
	s8 =	sld [smem:$0x3FA7]  }
0x2e: {  	s3 =	simm.s32 @!p0 $0x1082;
	s9 =	sld [smem:$0x3FA8]  }
0x2f: {  	lr =	sadd.s32 s0, s3;
	s0 =	sld [smem:$0x3F9F]  }
0x30: {  	s3 =	sld [smem:$0x3FA2]  }
0x31: {  	[smem:$0x3FAB] =	sst s10  }
0x32: {  	s10 =	sld [smem:$0x3FA9];
	_ =	sdelay $0x3  }
0x33: {  	p0 =	seq.s32 s10, $0x1;
	s10 =	sld [smem:$0x3FAB];
	_ =	sdelay $0x3  }
0x34: {  	[smem:$0x3FAB] =	sst s10  }
0x35: {  	s10 =	sld [smem:$0x3FAA];
	_ =	sdelay $0x3  }
0x36: {  	p1 =	seq.s32 s10, $0x1;
	s10 =	sld [smem:$0x3FAB];
	_ =	sdelay $0x3  }
0x37: {  	[smem:$0x3FAB] =	sst s10  }
0x38: {  	s10 =	sld [smem:$0x3FAC]  }
0x39: {  	_ = 	snop;
	(pc) =	sbr.ind lr, $3  }
0x3a: {  	_ = 	snop  }
0x3b: {  	_ = 	snop  }
0x3c: {  	p2 =	seq.s32 s10, $0x1;
	s10 =	sld [smem:$0x3FAB]  }
0x3d: {  	_ =	shalt  }
0x3e: {  	_ =	shalt  }
0x3f: {  	_ =	shalt  }
0x40: {  	_ =	shalt  }
0x41: {  	_ =	shalt  }
0x42: {  	_ =	shalt  }
0x43: {  	_ =	shalt  }
0x44: {  	_ =	shalt  }
0x45: {  	_ =	shalt  }
0x46: {  	_ =	shalt  }
0x47: {  	_ =	shalt  }
0x48: {  	_ =	shalt  }
0x49: {  	_ =	shalt  }
0x4a: {  	_ =	shalt  }
0x4b: {  	_ =	shalt  }
0x4c: {  	_ =	shalt  }
0x4d: {  	_ =	shalt  }
0x4e: {  	_ =	shalt  }
0x4f: {  	_ =	shalt  }
0x50: {  	_ =	shalt  }
0x51: {  	_ =	shalt  }
0x52: {  	_ =	shalt  }
0x53: {  	_ =	shalt  }
0x54: {  	_ =	shalt  }
0x55: {  	_ =	shalt  }
0x56: {  	_ =	shalt  }
0x57: {  	_ =	shalt  }
0x58: {  	_ =	shalt  }
0x59: {  	_ =	shalt  }
0x5a: {  	_ =	shalt  }
0x5b: {  	_ =	shalt  }
0x5c: {  	_ =	shalt  }
0x5d: {  	_ =	shalt  }
0x5e: {  	_ =	shalt  }
0x5f: {  	_ =	shalt  }
0x60: {  	_ =	shalt  }
0x61: {  	_ =	shalt  }
0x62: {  	_ =	shalt  }
0x63: {  	_ =	shalt  }
0x64: {  	_ =	shalt  }
0x65: {  	_ =	shalt  }
0x66: {  	_ =	shalt  }
0x67: {  	_ =	shalt  }
0x68: {  	_ =	shalt  }
0x69: {  	_ =	shalt  }
0x6a: {  	_ =	shalt  }
0x6b: {  	_ =	shalt  }
0x6c: {  	_ =	shalt  }
0x6d: {  	_ =	shalt  }
0x6e: {  	_ =	shalt  }
0x6f: {  	_ =	shalt  }
0x70: {  	_ =	shalt  }
0x71: {  	_ =	shalt  }
0x72: {  	_ =	shalt  }
0x73: {  	_ =	shalt  }
0x74: {  	_ =	shalt  }
0x75: {  	_ =	shalt  }
0x76: {  	_ =	shalt  }
0x77: {  	_ =	shalt  }
0x78: {  	_ =	shalt  }
0x79: {  	_ =	shalt  }
0x7a: {  	_ =	shalt  }
0x7b: {  	_ =	shalt  }
0x7c: {  	_ =	shalt  }
0x7d: {  	_ =	shalt  }
0x7e: {  	_ =	shalt  }
0x7f: {  	_ =	shalt  }
0x80: {  	_ =	shalt  }
0x81: {  	_ =	shalt  }
0x82: {  	_ =	shalt  }
0x83: {  	_ =	shalt  }
0x84: {  	_ =	shalt  }
0x85: {  	_ =	shalt  }
0x86: {  	_ =	shalt  }
0x87: {  	_ =	shalt  }
.Lfunc_end0:
.L_simem_size_0:
called_computation.2_lowered:
.L_overlay_start_0:
0x88: {  	s2 =	sld [smem:$0x3FD9]  }
0x89: {  	s3 =	sld [smem:$0x3FFE];
	_ =	sdelay $0x1  }
0x8a: {  	s1 =	srdreg.scid  }
0x8b: {  	s0 =	sand.u32 $0x1, s1  }
0x8c: {  	s16 =	sshll.u32 s0, $0xA;
	s2 =	sadd.s32 s3, s2  }
0x8d: {  	s2 =	sadd.s32 s2, s16  }
0x8e: {  	[smem:$0x3FB7] =	sst s2  }
0x8f: {  	_ = 	snop  }
0x90: {  	(tm) =	ssettm $0x1  }
0x91: {  	s17 =	sld [smem:$0x3FFB];
	_ =	sdelay $0x3  }
0x92: {  	_ =	strace s17  }
0x93: {  	s2 =	sld [smem:$0x3FFC];
	_ =	sdelay $0x3  }
0x94: {  	_ =	strace s2  }
0x95: {  	s2 =	sld [smem:$0x3FFD];
	_ =	sdelay $0x3  }
0x96: {  	_ =	strace s2  }
0x97: {  	_ =	strace $0x8FFFFFFF  }
0x98: {  	s18 =	sld [smem:$0x3FDB];
	_ =	sdelay $0x1  }
0x99: {  	s19 =	simm.s32 $_scs_section_size  }
0x9a: {  	s4 =	simm.s32 $_size__tile_overlayer_lowered;
	s5 =	simm.s32 $_tile_overlayer_lowered  }
0x9b: {  	s22 =	simm.s32 $0x1BFF;
	s21 =	sshll.u32 s5, $0x1;
	s2 =	sadd.s32 s19, s18  }
0x9c: {  	s6 =	simm.s32 $0x0;
	s20 =	sshll.u32 s4, $0x1;
	s4 =	sadd.s32 s21, s2  }
0x9d: {  	[timem:s6], [sflag:s22] =	dma.local [hbm:s4], s20  }
0x9e: {  	_ =	swait.ge [sflag:s22], s20  }
0x9f: {  	s3 =	ssub.s32 $0x0, s20;
	[sflag:s22] =	ssyncset.done $0x0  }
0xa0: {  	[sflag:s22] =	ssyncadd.s32 s3;
	_ =	sdelay $0x1  }
0xa1: {  	s23 =	simm.s32 $0x1B8B  }
0xa2: {  	_ =	swait.ge [sflag:s23], $0x1  }
0xa3: {  	[sflag:s23] =	ssyncset.done $0x0  }
0xa4: {  	s25 =	simm.s32 $0x1B8E;
	s24 =	sld [smem:$0x3FFE];
	[sflag:s23] =	ssyncadd.s32 $0xFFFFFFFF  }
0xa5: {  	s26 =	simm.s32 $execute0_lowered;
	[smem:$0x3FD2] =	sst s25  }
0xa6: {  	s4 =	sshll.u32 s26, $0x1;
	_ =	strace $0x8000004C;
	[dreg:$0x1] =	wrdreg $0xFFFFFFFF  }
0xa7: {  	s28 =	simm.s32 $_size_execute0_lowered;
	s2 =	sadd.s32 s2, s4;
	[dreg:$0x0] =	wrdreg $0x0  }
0xa8: {  	s4 =	sshll.u32 s28, $0x1;
	[dreg:$0x2] =	wrdreg s2  }
0xa9: {  	[dreg:$0x3] =	wrdreg s4  }
0xaa: {  	[dreg:$0x4] =	wrdreg $0xC0  }
0xab: {  	_ =	task [dreg:s6], $0x5FFFF  }
0xac: {  	[dreg:$0x1] =	wrdreg $0xFFFFFFFF  }
0xad: {  	[dreg:$0x0] =	wrdreg $0x60  }
0xae: {  	[dreg:$0x2] =	wrdreg s24  }
0xaf: {  	[dreg:$0x3] =	wrdreg $0x90000  }
0xb0: {  	[dreg:$0x4] =	wrdreg $0x9  }
0xb1: {  	_ =	task.clear_ibuf [dreg:s6], $0x5FFFF;
	_ =	strace $0x9000004C  }
0xb2: {  	s29 =	simm.s32 $0x9;
	_ =	strace $0x8000004E  }
0xb3: {  	_ =	swait.ge [sflag:s29], $0x1  }
0xb4: {  	[sflag:s29] =	ssyncadd.s32 $0xFFFFFFFF  }
0xb5: {  	_ =	strace $0x9000004E  }
0xb6: {  	_ =	sfence  }
0xb7: {  	s30 =	sld [smem:$0x0];
	_ =	sdelay $0x2  }
0xb8: {  	s31 =	sshll.u32 s1, $0xD;
	s1 =	sshrl.u32 s1, $0x2  }
0xb9: {  	s3 =	sand.u32 $0x4000, s31;
	s1 =	sadd.s32 s1, s30  }
0xba: {  	s0 =	sor.u32 s3, s0;
	s1 =	sshll.u32 s1, $0x11  }
0xbb: {  	s0 =	sor.u32 s1, s0  }
0xbc: {  	s0 =	sadd.s32 $0x8F2B, s0  }
0xbd: {  	[sflag:s0] =	ssyncadd.remote.s32 $0x1  }
0xbe: {  	_ =	sfence.sel $0xFFFF  }
0xbf: {  	[dreg:$0x0] =	wrdreg $0xFFFFFFFF;
	(pc) =	sbr.abs _section_cstart, $3  }
0xc0: {  	[dreg:$0x1] =	wrdreg $0xFFFFFFFF  }
0xc1: {  	_ =	task.clear_ibuf [dreg:s6], $0x2FFFF;
	_ =	strace $0x9FFFFFFF  }
0xc2: {  	(tm) =	ssettm $0x7FFFFFFF  }
0xc3: {  	_ =	shalt  }
tec
execute0_lowered:
.L_overlay_start_1:
0x0: {  	(tag) =	ssettag $0x1  }
0x1: {  	s0 =	rddreg [dreg:$0x0]  }
0x2: {  	s1 =	rddreg [dreg:$0x1];
	s3 =	simm.s32 $0x0  }
0x3: {  	s2 =	srdreg.scid;
	s9 =	stileid.u32;
	s10 =	simm.s32 $0x100  }
0x4: {  	s11 =	simm.s32 $0x180;
	s12 =	simm.s32 $0x900;
	s13 =	simm.s32 $0x980  }
0x5: {  	s15 =	simm.s32 $0x200;
	[smem:$0x7FF] =	sst s3;
	s4 =	sadd.s32 $0x5400, s0  }
0x6: {  	s7 =	sadd.s32 $0xF400, s0;
	_ =	strace $0x8000004D;
	[dreg:$0x3] =	wrdreg s4  }
0x7: {  	s16 =	simm.s32 $0x280;
	s17 =	simm.s32 $0xA00;
	[dreg:$0x4] =	wrdreg s7  }
0x8: {  	s18 =	simm.s32 $0xA80;
	s19 =	simm.s32 $0x300;
	[dreg:$0x6] =	wrdreg s10  }
0x9: {  	s20 =	simm.s32 $0x380;
	s28 =	simm.s32 $0x600;
	[dreg:$0x7] =	wrdreg s11  }
0xa: {  	s29 =	simm.s32 $0x680;
	s6 =	smul.u32 $0x13C00, s9;
	[dreg:$0x8] =	wrdreg s12  }
0xb: {  	s30 =	simm.s32 $0xE00;
	s8 =	smul.u32 $0x4F000, s9;
	[dreg:$0x9] =	wrdreg s13  }
0xc: {  	s2 =	sand.u32 $0x1, s2;
	s14 =	smul.u32 $0x5000, s9;
	[dreg:$0xa] =	wrdreg s15  }
0xd: {  	s31 =	simm.s32 $0xE80;
	s5 =	smul.u32 $0x13C000, s2;
	[dreg:$0xb] =	wrdreg s16  }
0xe: {  	s4 =	sadd.s32 $0x68400, s0;
	s21 =	ssub.s32 $0x2, s2;
	[dreg:$0xc] =	wrdreg s17  }
0xf: {  	p0 =	seq.s32 s2, $0x0;
	s2 =	sshll.u32 s2, $0xE;
	[dreg:$0xd] =	wrdreg s18  }
0x10: {  	s15 =	simm.s32 $0x5;
	[dreg:$0xe] =	wrdreg s19;
	s16 =	simm.s32 $0x800  }
0x11: {  	[dreg:$0xf] =	wrdreg s20;
	s17 =	simm.s32 $0x80;
	s18 =	simm.s32 $0x5000  }
0x12: {  	s19 =	simm.s32 $0x1;
	s20 =	simm.s32 $0x2;
	s22 =	sshrl.u32 s8, $0x2  }
0x13: {  	s23 =	sshrl.u32 s21, $0x1;
	s8 =	simm.s32 $0x880;
	s5 =	sadd.s32 s6, s5  }
0x14: {  	s6 =	ssub.s32 s21, s23;
	[dreg:$0x5] =	wrdreg s8;
	s21 =	simm.s32 $0xB00  }
0x15: {  	s8 =	simm.s32 $0x8;
	s23 =	simm.s32 $0x400;
	[dreg:$0x10] =	wrdreg s21  }
0x16: {  	s5 =	sshrl.u32 s5, $0x3;
	s8 =	simm.s32 @!p0 $0x2;
	[dreg:$0x12] =	wrdreg s23  }
0x17: {  	s6 =	smax.u32 s6, $0x1;
	s0 =	sadd.s32 s5, s0;
	[dreg:$0x1a] =	wrdreg s8  }
0x18: {  	s5 =	sadd.s32 s22, s1;
	[dreg:$0x1c] =	wrdreg s6;
	s22 =	simm.s32 $0xB80  }
0x19: {  	s9 =	sadd.s32 s2, s14;
	s7 =	sadd.s32 $0x4000, s5;
	[dreg:$0x11] =	wrdreg s22  }
0x1a: {  	s14 =	simm.s32 $0x1000;
	s24 =	sadd.s32 $0x8000, s5;
	[dreg:$0x16] =	wrdreg s7  }
0x1b: {  	s2 =	simm.s32 $0x780;
	s25 =	sadd.s32 $0xC000, s5;
	[dreg:$0x17] =	wrdreg s24  }
0x1c: {  	s21 =	simm.s32 $0x3;
	s26 =	sadd.s32 $0x10000, s5;
	[dreg:$0x18] =	wrdreg s25  }
0x1d: {  	s23 =	simm.s32 $0x500;
	s0 =	sadd.s32 $0x8F600, s0;
	[dreg:$0x19] =	wrdreg s26  }
0x1e: {  	s6 =	simm.s32 $0xF00;
	[dreg:$0x1b] =	wrdreg s0;
	s24 =	simm.s32 $0x480  }
0x1f: {  	s8 =	simm.s32 $0x0;
	s25 =	simm.s32 $0xC00;
	[dreg:$0x13] =	wrdreg s24  }
0x20: {  	s22 =	simm.s32 $0x4;
	s26 =	simm.s32 $0xC80;
	[dreg:$0x14] =	wrdreg s25  }
0x21: {  	s0 =	simm.s32 $0x700;
	s7 =	simm.s32 $0xF80;
	[dreg:$0x15] =	wrdreg s26  }
0x22: {  	v0 =	vimm.f32 $0.0e+00;
	s24 =	simm.s32 $0x580;
	s25 =	simm.s32 $0xD00;
	s26 =	simm.s32 $0xD80  }
.LBB2_1:
0x23: {  	s11 =	simm.s32 $0x0;
	s12 =	simm.s32 $0x200  }
.LBB2_2:
0x24: {  	p0 =	sne.s32 s12, $0xFE00;
	[tilespmem:s11+$0x1070] =	vst v0  }
0x25: {  	[tilespmem:s11+$0x1000] =	vst v0  }
0x26: {  	[tilespmem:s11+$0x1010] =	vst v0  }
.Ltmp0:
0x27: {  	[tilespmem:s11+$0x1020] =	vst v0;
	(pc) =	sbr.rel @p0 .LBB2_2-.Ltmp0, $4  }
0x28: {  	[tilespmem:s11+$0x1030] =	vst v0  }
0x29: {  	[tilespmem:s11+$0x1040] =	vst v0  }
0x2a: {  	[tilespmem:s11+$0x1050] =	vst v0  }
0x2b: {  	[tilespmem:s11+$0x1060] =	vst v0;
	s11 =	sshra.s32 s12, $0x2;
	s12 =	sadd.s32 $0x200, s12  }
0x2c: {  	[tilespmem:s11+$0x1070] =	vst v0  }
0x2d: {  	[tilespmem:s11+$0x1000] =	vst v0  }
0x2e: {  	[tilespmem:s11+$0x1010] =	vst v0  }
0x2f: {  	[tilespmem:s11+$0x1020] =	vst v0  }
0x30: {  	[tilespmem:s11+$0x1030] =	vst v0  }
0x31: {  	[tilespmem:s11+$0x1040] =	vst v0  }
0x32: {  	[tilespmem:s11+$0x1050] =	vst v0  }
0x33: {  	[tilespmem:s11+$0x1060] =	vst v0  }
0x34: {  	[spmem:s5] =	stream.linear.scatter [tilespmem:s14], [sflag:$0x5], $0x4000, $0x38;
	[tilespmem:$0x1CC00] =	vst v63  }
0x35: {  	_ =	swait.ge [sflag:s15], $0x4000  }
0x36: {  	[sflag:s15] =	ssyncset.done $0x0  }
0x37: {  	s10 =	rddreg [dreg:$0x16];
	[sflag:s15] =	ssyncadd.s32 $0xFFFFC000  }
0x38: {  	[spmem:s10] =	stream.linear.scatter [tilespmem:s14], [sflag:$0x5], $0x4000, $0x38;
	[tilespmem:$0x1CC00] =	vst v63  }
0x39: {  	_ =	swait.ge [sflag:s15], $0x4000  }
0x3a: {  	[sflag:s15] =	ssyncset.done $0x0  }
0x3b: {  	s13 =	rddreg [dreg:$0x17];
	[sflag:s15] =	ssyncadd.s32 $0xFFFFC000  }
0x3c: {  	[spmem:s13] =	stream.linear.scatter [tilespmem:s14], [sflag:$0x5], $0x4000, $0x38;
	[tilespmem:$0x1CC00] =	vst v63  }
0x3d: {  	_ =	swait.ge [sflag:s15], $0x4000  }
0x3e: {  	[sflag:s15] =	ssyncset.done $0x0  }
0x3f: {  	s11 =	rddreg [dreg:$0x18];
	[sflag:s15] =	ssyncadd.s32 $0xFFFFC000  }
0x40: {  	[spmem:s11] =	stream.linear.scatter [tilespmem:s14], [sflag:$0x5], $0x4000, $0x38;
	[tilespmem:$0x1CC00] =	vst v63  }
0x41: {  	_ =	swait.ge [sflag:s15], $0x4000  }
0x42: {  	[sflag:s15] =	ssyncset.done $0x0  }
0x43: {  	s12 =	rddreg [dreg:$0x19];
	[sflag:s15] =	ssyncadd.s32 $0xFFFFC000  }
0x44: {  	[spmem:s12] =	stream.linear.scatter [tilespmem:s14], [sflag:$0x5], $0x3C00, $0x38;
	[tilespmem:$0x1CC00] =	vst v63  }
0x45: {  	_ =	swait.ge [sflag:s15], $0x3C00  }
0x46: {  	[sflag:s15] =	ssyncset.done $0x0  }
0x47: {  	[sflag:s15] =	ssyncadd.s32 $0xFFFFC400  }
0x48: {  	[bflag:$0x0] =	sbarrier.arrive $0xFFFF  }
0x49: {  	s13 =	rddreg [dreg:$0x1a]  }
0x4a: {  	p1 =	sne.s32 s13, $0x1  }
.Ltmp1:
0x4b: {  	_ = 	snop;
	(pc) =	sbr.rel @!p1 .LBB2_4-.Ltmp1, $2  }
0x4c: {  	_ =	sdelay $0x2  }
0x4d: {  	p0 =	por $0x0, $0x0;
	s12 =	rddreg [dreg:$0x3];
	s11 =	sadd.s32 $0xFFFFFFFF, s13  }
0x4e: {  	s13 =	sshrl.u32 s9, $0x3  }
0x4f: {  	s12 =	sadd.s32 s12, s13  }
0x50: {  	[tilespmem:s3], [sflag:$0x5] =	stream.linear.gather [hbm4b:s12+s3], $0x800, $0x38;
	[tilespmem:$0x1CC00] =	vst v63  }
0x51: {  	_ =	swait.ge [sflag:s15], $0x800  }
0x52: {  	s10 =	rddreg [dreg:$0x4];
	[sflag:s15] =	ssyncset.done $0x0  }
0x53: {  	[sflag:s15] =	ssyncadd.s32 $0xFFFFF800;
	s12 =	sadd.s32 s10, s13  }
0x54: {  	[tilespmem:s16], [sflag:$0x5] =	stream.linear.gather [hbm4b:s12+s3], $0x800, $0x38;
	[tilespmem:$0x1CC00] =	vst v63  }
0x55: {  	_ =	swait.ge [sflag:s15], $0x800  }
0x56: {  	[sflag:s15] =	ssyncset.done $0x0  }
0x57: {  	[sflag:s15] =	ssyncadd.s32 $0xFFFFF800  }
0x58: {  	[tilespmem:s14], [sflag:$0x1] =	stream.indirect.gather [hbm4b:s4+s17], $0x80, s3, s17, $0xb8;
	[tilespmem:$0x1CC00] =	vst v63  }
0x59: {  	_ = 	snop  }
0x5a: {  	[tilespmem:s18], [sflag:$0x2] =	stream.indirect.gather [hbm4b:s4+s17], $0x80, s17, s17, $0xb8;
	[tilespmem:$0x1CC00] =	vst v63  }
0x5b: {  	_ =	swait.ge [sflag:s19], $0x4000  }
0x5c: {  	[sflag:s19] =	ssyncset.done $0x0  }
0x5d: {  	[sflag:s19] =	ssyncadd.s32 $0xFFFFC000  }
0x5e: {  	[spmem:s1] =	stream.indirect.scatter.add.f32 [tilespmem:s14], [sflag:$0x3], $0x80, s16, s17, $0xb8;
	[tilespmem:$0x1CC00] =	vst v63  }
0x5f: {  	_ =	swait.ge [sflag:s20], $0x4000  }
0x60: {  	[sflag:s20] =	ssyncset.done $0x0  }
0x61: {  	s13 =	rddreg [dreg:$0x5];
	[sflag:s20] =	ssyncadd.s32 $0xFFFFC000  }
0x62: {  	[spmem:s1] =	stream.indirect.scatter.add.f32 [tilespmem:s18], [sflag:$0x4], $0x80, s13, s17, $0xb8;
	[tilespmem:$0x1CC00] =	vst v63  }
0x63: {  	_ =	swait.ge [sflag:s21], $0x4000  }
0x64: {  	[sflag:s21] =	ssyncset.done $0x0  }
0x65: {  	s10 =	rddreg [dreg:$0x6];
	[sflag:s21] =	ssyncadd.s32 $0xFFFFC000  }
0x66: {  	[tilespmem:s14], [sflag:$0x1] =	stream.indirect.gather [hbm4b:s4+s17], $0x80, s10, s17, $0xb8;
	[tilespmem:$0x1CC00] =	vst v63  }
0x67: {  	_ =	swait.ge [sflag:s22], $0x4000  }
0x68: {  	[sflag:s22] =	ssyncset.done $0x0  }
0x69: {  	s13 =	rddreg [dreg:$0x7];
	[sflag:s22] =	ssyncadd.s32 $0xFFFFC000  }
0x6a: {  	[tilespmem:s18], [sflag:$0x2] =	stream.indirect.gather [hbm4b:s4+s17], $0x80, s13, s17, $0xb8;
	[tilespmem:$0x1CC00] =	vst v63  }
0x6b: {  	_ =	swait.ge [sflag:s19], $0x4000  }
0x6c: {  	[sflag:s19] =	ssyncset.done $0x0  }
0x6d: {  	s10 =	rddreg [dreg:$0x8];
	[sflag:s19] =	ssyncadd.s32 $0xFFFFC000  }
0x6e: {  	[spmem:s1] =	stream.indirect.scatter.add.f32 [tilespmem:s14], [sflag:$0x3], $0x80, s10, s17, $0xb8;
	[tilespmem:$0x1CC00] =	vst v63  }
0x6f: {  	_ =	swait.ge [sflag:s20], $0x4000  }
0x70: {  	[sflag:s20] =	ssyncset.done $0x0  }
0x71: {  	s13 =	rddreg [dreg:$0x9];
	[sflag:s20] =	ssyncadd.s32 $0xFFFFC000  }
0x72: {  	[spmem:s1] =	stream.indirect.scatter.add.f32 [tilespmem:s18], [sflag:$0x4], $0x80, s13, s17, $0xb8;
	[tilespmem:$0x1CC00] =	vst v63  }
0x73: {  	_ =	swait.ge [sflag:s21], $0x4000  }
0x74: {  	[sflag:s21] =	ssyncset.done $0x0  }
0x75: {  	s10 =	rddreg [dreg:$0xa];
	[sflag:s21] =	ssyncadd.s32 $0xFFFFC000  }
0x76: {  	[tilespmem:s14], [sflag:$0x1] =	stream.indirect.gather [hbm4b:s4+s17], $0x80, s10, s17, $0xb8;
	[tilespmem:$0x1CC00] =	vst v63  }
0x77: {  	_ =	swait.ge [sflag:s22], $0x4000  }
0x78: {  	[sflag:s22] =	ssyncset.done $0x0  }
0x79: {  	s13 =	rddreg [dreg:$0xb];
	[sflag:s22] =	ssyncadd.s32 $0xFFFFC000  }
0x7a: {  	[tilespmem:s18], [sflag:$0x2] =	stream.indirect.gather [hbm4b:s4+s17], $0x80, s13, s17, $0xb8;
	[tilespmem:$0x1CC00] =	vst v63  }
0x7b: {  	_ =	swait.ge [sflag:s19], $0x4000  }
0x7c: {  	[sflag:s19] =	ssyncset.done $0x0  }
0x7d: {  	s10 =	rddreg [dreg:$0xc];
	[sflag:s19] =	ssyncadd.s32 $0xFFFFC000  }
0x7e: {  	[spmem:s1] =	stream.indirect.scatter.add.f32 [tilespmem:s14], [sflag:$0x3], $0x80, s10, s17, $0xb8;
	[tilespmem:$0x1CC00] =	vst v63  }
0x7f: {  	_ =	swait.ge [sflag:s20], $0x4000  }
0x80: {  	[sflag:s20] =	ssyncset.done $0x0  }
0x81: {  	s13 =	rddreg [dreg:$0xd];
	[sflag:s20] =	ssyncadd.s32 $0xFFFFC000  }
0x82: {  	[spmem:s1] =	stream.indirect.scatter.add.f32 [tilespmem:s18], [sflag:$0x4], $0x80, s13, s17, $0xb8;
	[tilespmem:$0x1CC00] =	vst v63  }
0x83: {  	_ =	swait.ge [sflag:s21], $0x4000  }
0x84: {  	[sflag:s21] =	ssyncset.done $0x0  }
0x85: {  	s10 =	rddreg [dreg:$0xe];
	[sflag:s21] =	ssyncadd.s32 $0xFFFFC000  }
0x86: {  	[tilespmem:s14], [sflag:$0x1] =	stream.indirect.gather [hbm4b:s4+s17], $0x80, s10, s17, $0xb8;
	[tilespmem:$0x1CC00] =	vst v63  }
0x87: {  	_ =	swait.ge [sflag:s22], $0x4000  }
0x88: {  	[sflag:s22] =	ssyncset.done $0x0  }
0x89: {  	s13 =	rddreg [dreg:$0xf];
	[sflag:s22] =	ssyncadd.s32 $0xFFFFC000  }
0x8a: {  	[tilespmem:s18], [sflag:$0x2] =	stream.indirect.gather [hbm4b:s4+s17], $0x80, s13, s17, $0xb8;
	[tilespmem:$0x1CC00] =	vst v63  }
0x8b: {  	_ =	swait.ge [sflag:s19], $0x4000  }
0x8c: {  	[sflag:s19] =	ssyncset.done $0x0  }
0x8d: {  	s10 =	rddreg [dreg:$0x10];
	[sflag:s19] =	ssyncadd.s32 $0xFFFFC000  }
0x8e: {  	[spmem:s1] =	stream.indirect.scatter.add.f32 [tilespmem:s14], [sflag:$0x3], $0x80, s10, s17, $0xb8;
	[tilespmem:$0x1CC00] =	vst v63  }
0x8f: {  	_ =	swait.ge [sflag:s20], $0x4000  }
0x90: {  	[sflag:s20] =	ssyncset.done $0x0  }
0x91: {  	s13 =	rddreg [dreg:$0x11];
	[sflag:s20] =	ssyncadd.s32 $0xFFFFC000  }
0x92: {  	[spmem:s1] =	stream.indirect.scatter.add.f32 [tilespmem:s18], [sflag:$0x4], $0x80, s13, s17, $0xb8;
	[tilespmem:$0x1CC00] =	vst v63  }
0x93: {  	_ =	swait.ge [sflag:s21], $0x4000  }
0x94: {  	[sflag:s21] =	ssyncset.done $0x0  }
0x95: {  	s10 =	rddreg [dreg:$0x12];
	[sflag:s21] =	ssyncadd.s32 $0xFFFFC000  }
0x96: {  	[tilespmem:s14], [sflag:$0x1] =	stream.indirect.gather [hbm4b:s4+s17], $0x80, s10, s17, $0xb8;
	[tilespmem:$0x1CC00] =	vst v63  }
0x97: {  	_ =	swait.ge [sflag:s22], $0x4000  }
0x98: {  	[sflag:s22] =	ssyncset.done $0x0  }
0x99: {  	s13 =	rddreg [dreg:$0x13];
	[sflag:s22] =	ssyncadd.s32 $0xFFFFC000  }
0x9a: {  	[tilespmem:s18], [sflag:$0x2] =	stream.indirect.gather [hbm4b:s4+s17], $0x80, s13, s17, $0xb8;
	[tilespmem:$0x1CC00] =	vst v63  }
0x9b: {  	_ =	swait.ge [sflag:s19], $0x4000  }
0x9c: {  	[sflag:s19] =	ssyncset.done $0x0  }
0x9d: {  	s10 =	rddreg [dreg:$0x14];
	[sflag:s19] =	ssyncadd.s32 $0xFFFFC000  }
0x9e: {  	[spmem:s1] =	stream.indirect.scatter.add.f32 [tilespmem:s14], [sflag:$0x3], $0x80, s10, s17, $0xb8;
	[tilespmem:$0x1CC00] =	vst v63  }
0x9f: {  	_ =	swait.ge [sflag:s20], $0x4000  }
0xa0: {  	[sflag:s20] =	ssyncset.done $0x0  }
0xa1: {  	s13 =	rddreg [dreg:$0x15];
	[sflag:s20] =	ssyncadd.s32 $0xFFFFC000  }
0xa2: {  	[spmem:s1] =	stream.indirect.scatter.add.f32 [tilespmem:s18], [sflag:$0x4], $0x80, s13, s17, $0xb8;
	[tilespmem:$0x1CC00] =	vst v63  }
0xa3: {  	_ =	swait.ge [sflag:s21], $0x4000  }
0xa4: {  	[sflag:s21] =	ssyncset.done $0x0  }
0xa5: {  	[sflag:s21] =	ssyncadd.s32 $0xFFFFC000  }
0xa6: {  	[tilespmem:s14], [sflag:$0x1] =	stream.indirect.gather [hbm4b:s4+s17], $0x80, s23, s17, $0xb8;
	[tilespmem:$0x1CC00] =	vst v63  }
0xa7: {  	_ =	swait.ge [sflag:s22], $0x4000  }
0xa8: {  	[sflag:s22] =	ssyncset.done $0x0  }
0xa9: {  	[sflag:s22] =	ssyncadd.s32 $0xFFFFC000  }
0xaa: {  	[tilespmem:s18], [sflag:$0x2] =	stream.indirect.gather [hbm4b:s4+s17], $0x80, s24, s17, $0xb8;
	[tilespmem:$0x1CC00] =	vst v63  }
0xab: {  	_ =	swait.ge [sflag:s19], $0x4000  }
0xac: {  	[sflag:s19] =	ssyncset.done $0x0  }
0xad: {  	[sflag:s19] =	ssyncadd.s32 $0xFFFFC000  }
0xae: {  	[spmem:s1] =	stream.indirect.scatter.add.f32 [tilespmem:s14], [sflag:$0x3], $0x80, s25, s17, $0xb8;
	[tilespmem:$0x1CC00] =	vst v63  }
0xaf: {  	_ =	swait.ge [sflag:s20], $0x4000  }
0xb0: {  	[sflag:s20] =	ssyncset.done $0x0  }
0xb1: {  	[sflag:s20] =	ssyncadd.s32 $0xFFFFC000  }
0xb2: {  	[spmem:s1] =	stream.indirect.scatter.add.f32 [tilespmem:s18], [sflag:$0x4], $0x80, s26, s17, $0xb8;
	[tilespmem:$0x1CC00] =	vst v63  }
0xb3: {  	_ =	swait.ge [sflag:s21], $0x4000  }
0xb4: {  	[sflag:s21] =	ssyncset.done $0x0  }
0xb5: {  	[sflag:s21] =	ssyncadd.s32 $0xFFFFC000  }
0xb6: {  	[tilespmem:s14], [sflag:$0x1] =	stream.indirect.gather [hbm4b:s4+s17], $0x80, s28, s17, $0xb8;
	[tilespmem:$0x1CC00] =	vst v63  }
0xb7: {  	_ =	swait.ge [sflag:s22], $0x4000  }
0xb8: {  	[sflag:s22] =	ssyncset.done $0x0  }
0xb9: {  	[sflag:s22] =	ssyncadd.s32 $0xFFFFC000  }
0xba: {  	[tilespmem:s18], [sflag:$0x2] =	stream.indirect.gather [hbm4b:s4+s17], $0x80, s29, s17, $0xb8;
	[tilespmem:$0x1CC00] =	vst v63  }
0xbb: {  	_ =	swait.ge [sflag:s19], $0x4000  }
0xbc: {  	[sflag:s19] =	ssyncset.done $0x0  }
0xbd: {  	[sflag:s19] =	ssyncadd.s32 $0xFFFFC000  }
0xbe: {  	[spmem:s1] =	stream.indirect.scatter.add.f32 [tilespmem:s14], [sflag:$0x3], $0x80, s30, s17, $0xb8;
	[tilespmem:$0x1CC00] =	vst v63  }
0xbf: {  	_ =	swait.ge [sflag:s20], $0x4000  }
0xc0: {  	[sflag:s20] =	ssyncset.done $0x0  }
0xc1: {  	[sflag:s20] =	ssyncadd.s32 $0xFFFFC000  }
0xc2: {  	[spmem:s1] =	stream.indirect.scatter.add.f32 [tilespmem:s18], [sflag:$0x4], $0x80, s31, s17, $0xb8;
	[tilespmem:$0x1CC00] =	vst v63  }
0xc3: {  	_ =	swait.ge [sflag:s21], $0x4000  }
0xc4: {  	[sflag:s21] =	ssyncset.done $0x0  }
0xc5: {  	[sflag:s21] =	ssyncadd.s32 $0xFFFFC000  }
0xc6: {  	[tilespmem:s14], [sflag:$0x1] =	stream.indirect.gather [hbm4b:s4+s17], $0x80, s0, s17, $0xb8;
	[tilespmem:$0x1CC00] =	vst v63  }
0xc7: {  	_ =	swait.ge [sflag:s22], $0x4000  }
0xc8: {  	[sflag:s22] =	ssyncset.done $0x0  }
0xc9: {  	[sflag:s22] =	ssyncadd.s32 $0xFFFFC000  }
0xca: {  	[tilespmem:s18], [sflag:$0x2] =	stream.indirect.gather [hbm4b:s4+s17], $0x80, s2, s17, $0xb8;
	[tilespmem:$0x1CC00] =	vst v63  }
0xcb: {  	_ =	swait.ge [sflag:s19], $0x4000  }
0xcc: {  	[sflag:s19] =	ssyncset.done $0x0  }
0xcd: {  	[sflag:s19] =	ssyncadd.s32 $0xFFFFC000  }
0xce: {  	[spmem:s1] =	stream.indirect.scatter.add.f32 [tilespmem:s14], [sflag:$0x3], $0x80, s6, s17, $0xb8;
	[tilespmem:$0x1CC00] =	vst v63  }
0xcf: {  	_ =	swait.ge [sflag:s20], $0x4000  }
0xd0: {  	[sflag:s20] =	ssyncset.done $0x0  }
0xd1: {  	p1 =	sne.s32 s11, $0x1;
	[sflag:s20] =	ssyncadd.s32 $0xFFFFC000  }
0xd2: {  	[spmem:s1] =	stream.indirect.scatter.add.f32 [tilespmem:s18], [sflag:$0x4], $0x80, s7, s17, $0xb8;
	[tilespmem:$0x1CC00] =	vst v63  }
.Ltmp2:
0xd3: {  	_ =	swait.ge [sflag:s21], $0x4000;
	(pc) =	sbr.rel @!p1 .LBB2_6-.Ltmp2, $4  }
0xd4: {  	[sflag:s21] =	ssyncset.done $0x0  }
0xd5: {  	[sflag:s21] =	ssyncadd.s32 $0xFFFFC000  }
0xd6: {  	s11 =	sadd.s32 $0xFFFFFFFF, s11;
	p0 =	por $0x1, $0x1;
	_ =	swait.ge [sflag:s22], $0x4000  }
0xd7: {  	s13 =	smov.u32 s9;
	s12 =	rddreg [dreg:$0x3];
	[sflag:s22] =	ssyncset.done $0x0  }
.LBB2_7:
0xd8: {  	s13 =	sadd.s32 $0x800, s13  }
0xd9: {  	s10 =	sshrl.u32 s13, $0x3  }
0xda: {  	[sflag:s22] =	ssyncadd.s32 $0xFFFFC000;
	s12 =	sadd.s32 s12, s10  }
0xdb: {  	[tilespmem:s3], [sflag:$0x5] =	stream.linear.gather [hbm4b:s12+s3], $0x800, $0x38;
	[tilespmem:$0x1CC00] =	vst v63  }
0xdc: {  	_ =	swait.ge [sflag:s15], $0x800  }
0xdd: {  	s12 =	rddreg [dreg:$0x4];
	[sflag:s15] =	ssyncset.done $0x0  }
0xde: {  	[sflag:s15] =	ssyncadd.s32 $0xFFFFF800;
	s10 =	sadd.s32 s12, s10  }
0xdf: {  	[tilespmem:s16], [sflag:$0x5] =	stream.linear.gather [hbm4b:s10+s3], $0x800, $0x38;
	[tilespmem:$0x1CC00] =	vst v63  }
0xe0: {  	_ =	swait.ge [sflag:s15], $0x800  }
0xe1: {  	[sflag:s15] =	ssyncset.done $0x0  }
0xe2: {  	[sflag:s15] =	ssyncadd.s32 $0xFFFFF800  }
0xe3: {  	[tilespmem:s14], [sflag:$0x1] =	stream.indirect.gather [hbm4b:s4+s17], $0x80, s3, s17, $0xb8;
	[tilespmem:$0x1CC00] =	vst v63  }
0xe4: {  	_ = 	snop  }
0xe5: {  	[tilespmem:s18], [sflag:$0x2] =	stream.indirect.gather [hbm4b:s4+s17], $0x80, s17, s17, $0xb8;
	[tilespmem:$0x1CC00] =	vst v63  }
0xe6: {  	_ =	swait.ge [sflag:s19], $0x4000  }
0xe7: {  	[sflag:s19] =	ssyncset.done $0x0  }
0xe8: {  	[sflag:s19] =	ssyncadd.s32 $0xFFFFC000  }
0xe9: {  	[spmem:s1] =	stream.indirect.scatter.add.f32 [tilespmem:s14], [sflag:$0x3], $0x80, s16, s17, $0xb8;
	[tilespmem:$0x1CC00] =	vst v63  }
0xea: {  	_ =	swait.ge [sflag:s20], $0x4000  }
0xeb: {  	[sflag:s20] =	ssyncset.done $0x0  }
0xec: {  	s12 =	rddreg [dreg:$0x5];
	[sflag:s20] =	ssyncadd.s32 $0xFFFFC000  }
0xed: {  	[spmem:s1] =	stream.indirect.scatter.add.f32 [tilespmem:s18], [sflag:$0x4], $0x80, s12, s17, $0xb8;
	[tilespmem:$0x1CC00] =	vst v63  }
0xee: {  	_ =	swait.ge [sflag:s21], $0x4000  }
0xef: {  	[sflag:s21] =	ssyncset.done $0x0  }
0xf0: {  	s12 =	rddreg [dreg:$0x6];
	[sflag:s21] =	ssyncadd.s32 $0xFFFFC000  }
0xf1: {  	[tilespmem:s14], [sflag:$0x1] =	stream.indirect.gather [hbm4b:s4+s17], $0x80, s12, s17, $0xb8;
	[tilespmem:$0x1CC00] =	vst v63  }
0xf2: {  	_ =	swait.ge [sflag:s22], $0x4000  }
0xf3: {  	[sflag:s22] =	ssyncset.done $0x0  }
0xf4: {  	s12 =	rddreg [dreg:$0x7];
	[sflag:s22] =	ssyncadd.s32 $0xFFFFC000  }
0xf5: {  	[tilespmem:s18], [sflag:$0x2] =	stream.indirect.gather [hbm4b:s4+s17], $0x80, s12, s17, $0xb8;
	[tilespmem:$0x1CC00] =	vst v63  }
0xf6: {  	_ =	swait.ge [sflag:s19], $0x4000  }
0xf7: {  	[sflag:s19] =	ssyncset.done $0x0  }
0xf8: {  	s12 =	rddreg [dreg:$0x8];
	[sflag:s19] =	ssyncadd.s32 $0xFFFFC000  }
0xf9: {  	[spmem:s1] =	stream.indirect.scatter.add.f32 [tilespmem:s14], [sflag:$0x3], $0x80, s12, s17, $0xb8;
	[tilespmem:$0x1CC00] =	vst v63  }
0xfa: {  	_ =	swait.ge [sflag:s20], $0x4000  }
0xfb: {  	[sflag:s20] =	ssyncset.done $0x0  }
0xfc: {  	s12 =	rddreg [dreg:$0x9];
	[sflag:s20] =	ssyncadd.s32 $0xFFFFC000  }
0xfd: {  	[spmem:s1] =	stream.indirect.scatter.add.f32 [tilespmem:s18], [sflag:$0x4], $0x80, s12, s17, $0xb8;
	[tilespmem:$0x1CC00] =	vst v63  }
0xfe: {  	_ =	swait.ge [sflag:s21], $0x4000  }
0xff: {  	[sflag:s21] =	ssyncset.done $0x0  }
0x100: {  	s12 =	rddreg [dreg:$0xa];
	[sflag:s21] =	ssyncadd.s32 $0xFFFFC000  }
0x101: {  	[tilespmem:s14], [sflag:$0x1] =	stream.indirect.gather [hbm4b:s4+s17], $0x80, s12, s17, $0xb8;
	[tilespmem:$0x1CC00] =	vst v63  }
0x102: {  	_ =	swait.ge [sflag:s22], $0x4000  }
0x103: {  	[sflag:s22] =	ssyncset.done $0x0  }
0x104: {  	s12 =	rddreg [dreg:$0xb];
	[sflag:s22] =	ssyncadd.s32 $0xFFFFC000  }
0x105: {  	[tilespmem:s18], [sflag:$0x2] =	stream.indirect.gather [hbm4b:s4+s17], $0x80, s12, s17, $0xb8;
	[tilespmem:$0x1CC00] =	vst v63  }
0x106: {  	_ =	swait.ge [sflag:s19], $0x4000  }
0x107: {  	[sflag:s19] =	ssyncset.done $0x0  }
0x108: {  	s12 =	rddreg [dreg:$0xc];
	[sflag:s19] =	ssyncadd.s32 $0xFFFFC000  }
0x109: {  	[spmem:s1] =	stream.indirect.scatter.add.f32 [tilespmem:s14], [sflag:$0x3], $0x80, s12, s17, $0xb8;
	[tilespmem:$0x1CC00] =	vst v63  }
0x10a: {  	_ =	swait.ge [sflag:s20], $0x4000  }
0x10b: {  	[sflag:s20] =	ssyncset.done $0x0  }
0x10c: {  	s12 =	rddreg [dreg:$0xd];
	[sflag:s20] =	ssyncadd.s32 $0xFFFFC000  }
0x10d: {  	[spmem:s1] =	stream.indirect.scatter.add.f32 [tilespmem:s18], [sflag:$0x4], $0x80, s12, s17, $0xb8;
	[tilespmem:$0x1CC00] =	vst v63  }
0x10e: {  	_ =	swait.ge [sflag:s21], $0x4000  }
0x10f: {  	[sflag:s21] =	ssyncset.done $0x0  }
0x110: {  	s12 =	rddreg [dreg:$0xe];
	[sflag:s21] =	ssyncadd.s32 $0xFFFFC000  }
0x111: {  	[tilespmem:s14], [sflag:$0x1] =	stream.indirect.gather [hbm4b:s4+s17], $0x80, s12, s17, $0xb8;
	[tilespmem:$0x1CC00] =	vst v63  }
0x112: {  	_ =	swait.ge [sflag:s22], $0x4000  }
0x113: {  	[sflag:s22] =	ssyncset.done $0x0  }
0x114: {  	s12 =	rddreg [dreg:$0xf];
	[sflag:s22] =	ssyncadd.s32 $0xFFFFC000  }
0x115: {  	[tilespmem:s18], [sflag:$0x2] =	stream.indirect.gather [hbm4b:s4+s17], $0x80, s12, s17, $0xb8;
	[tilespmem:$0x1CC00] =	vst v63  }
0x116: {  	_ =	swait.ge [sflag:s19], $0x4000  }
0x117: {  	[sflag:s19] =	ssyncset.done $0x0  }
0x118: {  	s12 =	rddreg [dreg:$0x10];
	[sflag:s19] =	ssyncadd.s32 $0xFFFFC000  }
0x119: {  	[spmem:s1] =	stream.indirect.scatter.add.f32 [tilespmem:s14], [sflag:$0x3], $0x80, s12, s17, $0xb8;
	[tilespmem:$0x1CC00] =	vst v63  }
0x11a: {  	_ =	swait.ge [sflag:s20], $0x4000  }
0x11b: {  	[sflag:s20] =	ssyncset.done $0x0  }
0x11c: {  	s12 =	rddreg [dreg:$0x11];
	[sflag:s20] =	ssyncadd.s32 $0xFFFFC000  }
0x11d: {  	[spmem:s1] =	stream.indirect.scatter.add.f32 [tilespmem:s18], [sflag:$0x4], $0x80, s12, s17, $0xb8;
	[tilespmem:$0x1CC00] =	vst v63  }
0x11e: {  	_ =	swait.ge [sflag:s21], $0x4000  }
0x11f: {  	[sflag:s21] =	ssyncset.done $0x0  }
0x120: {  	s12 =	rddreg [dreg:$0x12];
	[sflag:s21] =	ssyncadd.s32 $0xFFFFC000  }
0x121: {  	[tilespmem:s14], [sflag:$0x1] =	stream.indirect.gather [hbm4b:s4+s17], $0x80, s12, s17, $0xb8;
	[tilespmem:$0x1CC00] =	vst v63  }
0x122: {  	_ =	swait.ge [sflag:s22], $0x4000  }
0x123: {  	[sflag:s22] =	ssyncset.done $0x0  }
0x124: {  	s12 =	rddreg [dreg:$0x13];
	[sflag:s22] =	ssyncadd.s32 $0xFFFFC000  }
0x125: {  	[tilespmem:s18], [sflag:$0x2] =	stream.indirect.gather [hbm4b:s4+s17], $0x80, s12, s17, $0xb8;
	[tilespmem:$0x1CC00] =	vst v63  }
0x126: {  	_ =	swait.ge [sflag:s19], $0x4000  }
0x127: {  	[sflag:s19] =	ssyncset.done $0x0  }
0x128: {  	s12 =	rddreg [dreg:$0x14];
	[sflag:s19] =	ssyncadd.s32 $0xFFFFC000  }
0x129: {  	[spmem:s1] =	stream.indirect.scatter.add.f32 [tilespmem:s14], [sflag:$0x3], $0x80, s12, s17, $0xb8;
	[tilespmem:$0x1CC00] =	vst v63  }
0x12a: {  	_ =	swait.ge [sflag:s20], $0x4000  }
0x12b: {  	[sflag:s20] =	ssyncset.done $0x0  }
0x12c: {  	s12 =	rddreg [dreg:$0x15];
	[sflag:s20] =	ssyncadd.s32 $0xFFFFC000  }
0x12d: {  	[spmem:s1] =	stream.indirect.scatter.add.f32 [tilespmem:s18], [sflag:$0x4], $0x80, s12, s17, $0xb8;
	[tilespmem:$0x1CC00] =	vst v63  }
0x12e: {  	_ =	swait.ge [sflag:s21], $0x4000  }
0x12f: {  	[sflag:s21] =	ssyncset.done $0x0  }
0x130: {  	[sflag:s21] =	ssyncadd.s32 $0xFFFFC000  }
0x131: {  	[tilespmem:s14], [sflag:$0x1] =	stream.indirect.gather [hbm4b:s4+s17], $0x80, s23, s17, $0xb8;
	[tilespmem:$0x1CC00] =	vst v63  }
0x132: {  	_ =	swait.ge [sflag:s22], $0x4000  }
0x133: {  	[sflag:s22] =	ssyncset.done $0x0  }
0x134: {  	[sflag:s22] =	ssyncadd.s32 $0xFFFFC000  }
0x135: {  	[tilespmem:s18], [sflag:$0x2] =	stream.indirect.gather [hbm4b:s4+s17], $0x80, s24, s17, $0xb8;
	[tilespmem:$0x1CC00] =	vst v63  }
0x136: {  	_ =	swait.ge [sflag:s19], $0x4000  }
0x137: {  	[sflag:s19] =	ssyncset.done $0x0  }
0x138: {  	[sflag:s19] =	ssyncadd.s32 $0xFFFFC000  }
0x139: {  	[spmem:s1] =	stream.indirect.scatter.add.f32 [tilespmem:s14], [sflag:$0x3], $0x80, s25, s17, $0xb8;
	[tilespmem:$0x1CC00] =	vst v63  }
0x13a: {  	_ =	swait.ge [sflag:s20], $0x4000  }
0x13b: {  	[sflag:s20] =	ssyncset.done $0x0  }
0x13c: {  	[sflag:s20] =	ssyncadd.s32 $0xFFFFC000  }
0x13d: {  	[spmem:s1] =	stream.indirect.scatter.add.f32 [tilespmem:s18], [sflag:$0x4], $0x80, s26, s17, $0xb8;
	[tilespmem:$0x1CC00] =	vst v63  }
0x13e: {  	_ =	swait.ge [sflag:s21], $0x4000  }
0x13f: {  	[sflag:s21] =	ssyncset.done $0x0  }
0x140: {  	[sflag:s21] =	ssyncadd.s32 $0xFFFFC000  }
0x141: {  	[tilespmem:s14], [sflag:$0x1] =	stream.indirect.gather [hbm4b:s4+s17], $0x80, s28, s17, $0xb8;
	[tilespmem:$0x1CC00] =	vst v63  }
0x142: {  	_ =	swait.ge [sflag:s22], $0x4000  }
0x143: {  	[sflag:s22] =	ssyncset.done $0x0  }
0x144: {  	[sflag:s22] =	ssyncadd.s32 $0xFFFFC000  }
0x145: {  	[tilespmem:s18], [sflag:$0x2] =	stream.indirect.gather [hbm4b:s4+s17], $0x80, s29, s17, $0xb8;
	[tilespmem:$0x1CC00] =	vst v63  }
0x146: {  	_ =	swait.ge [sflag:s19], $0x4000  }
0x147: {  	[sflag:s19] =	ssyncset.done $0x0  }
0x148: {  	[sflag:s19] =	ssyncadd.s32 $0xFFFFC000  }
0x149: {  	[spmem:s1] =	stream.indirect.scatter.add.f32 [tilespmem:s14], [sflag:$0x3], $0x80, s30, s17, $0xb8;
	[tilespmem:$0x1CC00] =	vst v63  }
0x14a: {  	_ =	swait.ge [sflag:s20], $0x4000  }
0x14b: {  	[sflag:s20] =	ssyncset.done $0x0  }
0x14c: {  	[sflag:s20] =	ssyncadd.s32 $0xFFFFC000  }
0x14d: {  	[spmem:s1] =	stream.indirect.scatter.add.f32 [tilespmem:s18], [sflag:$0x4], $0x80, s31, s17, $0xb8;
	[tilespmem:$0x1CC00] =	vst v63  }
0x14e: {  	_ =	swait.ge [sflag:s21], $0x4000  }
0x14f: {  	[sflag:s21] =	ssyncset.done $0x0  }
0x150: {  	[sflag:s21] =	ssyncadd.s32 $0xFFFFC000  }
0x151: {  	[tilespmem:s14], [sflag:$0x1] =	stream.indirect.gather [hbm4b:s4+s17], $0x80, s0, s17, $0xb8;
	[tilespmem:$0x1CC00] =	vst v63  }
0x152: {  	_ =	swait.ge [sflag:s22], $0x4000  }
0x153: {  	[sflag:s22] =	ssyncset.done $0x0  }
0x154: {  	[sflag:s22] =	ssyncadd.s32 $0xFFFFC000  }
0x155: {  	[tilespmem:s18], [sflag:$0x2] =	stream.indirect.gather [hbm4b:s4+s17], $0x80, s2, s17, $0xb8;
	[tilespmem:$0x1CC00] =	vst v63  }
0x156: {  	_ =	swait.ge [sflag:s19], $0x4000  }
0x157: {  	[sflag:s19] =	ssyncset.done $0x0  }
0x158: {  	[sflag:s19] =	ssyncadd.s32 $0xFFFFC000  }
0x159: {  	[spmem:s1] =	stream.indirect.scatter.add.f32 [tilespmem:s14], [sflag:$0x3], $0x80, s6, s17, $0xb8;
	[tilespmem:$0x1CC00] =	vst v63  }
0x15a: {  	_ =	swait.ge [sflag:s20], $0x4000  }
0x15b: {  	[sflag:s20] =	ssyncset.done $0x0  }
0x15c: {  	p1 =	sne.s32 s11, $0x1;
	[sflag:s20] =	ssyncadd.s32 $0xFFFFC000  }
0x15d: {  	[spmem:s1] =	stream.indirect.scatter.add.f32 [tilespmem:s18], [sflag:$0x4], $0x80, s7, s17, $0xb8;
	[tilespmem:$0x1CC00] =	vst v63  }
.Ltmp3:
0x15e: {  	_ =	swait.ge [sflag:s21], $0x4000;
	(pc) =	sbr.rel @p1 .LBB2_7-.Ltmp3, $4  }
0x15f: {  	[sflag:s21] =	ssyncset.done $0x0  }
0x160: {  	[sflag:s21] =	ssyncadd.s32 $0xFFFFC000  }
0x161: {  	_ =	swait.ge [sflag:s22], $0x4000  }
0x162: {  	s11 =	sadd.s32 $0xFFFFFFFF, s11;
	s12 =	rddreg [dreg:$0x3];
	[sflag:s22] =	ssyncset.done $0x0  }
.LBB2_8:
0x163: {  	s10 =	sadd.s32 @p0 $0x800, s13;
	s11 =	smov.u32 s9  }
0x164: {  	s11 =	smov.u32 @p0 s10  }
0x165: {  	s10 =	sshrl.u32 s11, $0x3  }
0x166: {  	[sflag:s22] =	ssyncadd.s32 @p0 $0xFFFFC000;
	s11 =	sadd.s32 s12, s10  }
0x167: {  	[tilespmem:s3], [sflag:$0x5] =	stream.linear.gather [hbm4b:s11+s3], $0x800, $0x38;
	[tilespmem:$0x1CC00] =	vst v63  }
0x168: {  	_ =	swait.ge [sflag:s15], $0x800  }
0x169: {  	s13 =	rddreg [dreg:$0x4];
	[sflag:s15] =	ssyncset.done $0x0  }
0x16a: {  	[sflag:s15] =	ssyncadd.s32 $0xFFFFF800;
	s10 =	sadd.s32 s13, s10  }
0x16b: {  	[tilespmem:s16], [sflag:$0x5] =	stream.linear.gather [hbm4b:s10+s3], $0x800, $0x38;
	[tilespmem:$0x1CC00] =	vst v63  }
0x16c: {  	_ =	swait.ge [sflag:s15], $0x800  }
0x16d: {  	[sflag:s15] =	ssyncset.done $0x0  }
0x16e: {  	[sflag:s15] =	ssyncadd.s32 $0xFFFFF800  }
0x16f: {  	[tilespmem:s14], [sflag:$0x1] =	stream.indirect.gather [hbm4b:s4+s17], $0x80, s3, s17, $0xb8;
	[tilespmem:$0x1CC00] =	vst v63  }
0x170: {  	_ = 	snop  }
0x171: {  	[tilespmem:s18], [sflag:$0x2] =	stream.indirect.gather [hbm4b:s4+s17], $0x80, s17, s17, $0xb8;
	[tilespmem:$0x1CC00] =	vst v63  }
0x172: {  	_ =	swait.ge [sflag:s19], $0x4000  }
0x173: {  	[sflag:s19] =	ssyncset.done $0x0  }
0x174: {  	[sflag:s19] =	ssyncadd.s32 $0xFFFFC000  }
0x175: {  	[spmem:s1] =	stream.indirect.scatter.add.f32 [tilespmem:s14], [sflag:$0x3], $0x80, s16, s17, $0xb8;
	[tilespmem:$0x1CC00] =	vst v63  }
0x176: {  	_ =	swait.ge [sflag:s20], $0x4000  }
0x177: {  	[sflag:s20] =	ssyncset.done $0x0  }
0x178: {  	s12 =	rddreg [dreg:$0x5];
	[sflag:s20] =	ssyncadd.s32 $0xFFFFC000  }
0x179: {  	[spmem:s1] =	stream.indirect.scatter.add.f32 [tilespmem:s18], [sflag:$0x4], $0x80, s12, s17, $0xb8;
	[tilespmem:$0x1CC00] =	vst v63  }
0x17a: {  	_ =	swait.ge [sflag:s21], $0x4000  }
0x17b: {  	[sflag:s21] =	ssyncset.done $0x0  }
0x17c: {  	s13 =	rddreg [dreg:$0x6];
	[sflag:s21] =	ssyncadd.s32 $0xFFFFC000  }
0x17d: {  	[tilespmem:s14], [sflag:$0x1] =	stream.indirect.gather [hbm4b:s4+s17], $0x80, s13, s17, $0xb8;
	[tilespmem:$0x1CC00] =	vst v63  }
0x17e: {  	_ =	swait.ge [sflag:s22], $0x4000  }
0x17f: {  	[sflag:s22] =	ssyncset.done $0x0  }
0x180: {  	s11 =	rddreg [dreg:$0x7];
	[sflag:s22] =	ssyncadd.s32 $0xFFFFC000  }
0x181: {  	[tilespmem:s18], [sflag:$0x2] =	stream.indirect.gather [hbm4b:s4+s17], $0x80, s11, s17, $0xb8;
	[tilespmem:$0x1CC00] =	vst v63  }
0x182: {  	_ =	swait.ge [sflag:s19], $0x4000  }
0x183: {  	[sflag:s19] =	ssyncset.done $0x0  }
0x184: {  	s12 =	rddreg [dreg:$0x8];
	[sflag:s19] =	ssyncadd.s32 $0xFFFFC000  }
0x185: {  	[spmem:s1] =	stream.indirect.scatter.add.f32 [tilespmem:s14], [sflag:$0x3], $0x80, s12, s17, $0xb8;
	[tilespmem:$0x1CC00] =	vst v63  }
0x186: {  	_ =	swait.ge [sflag:s20], $0x4000  }
0x187: {  	[sflag:s20] =	ssyncset.done $0x0  }
0x188: {  	s13 =	rddreg [dreg:$0x9];
	[sflag:s20] =	ssyncadd.s32 $0xFFFFC000  }
0x189: {  	[spmem:s1] =	stream.indirect.scatter.add.f32 [tilespmem:s18], [sflag:$0x4], $0x80, s13, s17, $0xb8;
	[tilespmem:$0x1CC00] =	vst v63  }
0x18a: {  	_ =	swait.ge [sflag:s21], $0x4000  }
0x18b: {  	[sflag:s21] =	ssyncset.done $0x0  }
0x18c: {  	s11 =	rddreg [dreg:$0xa];
	[sflag:s21] =	ssyncadd.s32 $0xFFFFC000  }
0x18d: {  	[tilespmem:s14], [sflag:$0x1] =	stream.indirect.gather [hbm4b:s4+s17], $0x80, s11, s17, $0xb8;
	[tilespmem:$0x1CC00] =	vst v63  }
0x18e: {  	_ =	swait.ge [sflag:s22], $0x4000  }
0x18f: {  	[sflag:s22] =	ssyncset.done $0x0  }
0x190: {  	s12 =	rddreg [dreg:$0xb];
	[sflag:s22] =	ssyncadd.s32 $0xFFFFC000  }
0x191: {  	[tilespmem:s18], [sflag:$0x2] =	stream.indirect.gather [hbm4b:s4+s17], $0x80, s12, s17, $0xb8;
	[tilespmem:$0x1CC00] =	vst v63  }
0x192: {  	_ =	swait.ge [sflag:s19], $0x4000  }
0x193: {  	[sflag:s19] =	ssyncset.done $0x0  }
0x194: {  	s13 =	rddreg [dreg:$0xc];
	[sflag:s19] =	ssyncadd.s32 $0xFFFFC000  }
0x195: {  	[spmem:s1] =	stream.indirect.scatter.add.f32 [tilespmem:s14], [sflag:$0x3], $0x80, s13, s17, $0xb8;
	[tilespmem:$0x1CC00] =	vst v63  }
0x196: {  	_ =	swait.ge [sflag:s20], $0x4000  }
0x197: {  	[sflag:s20] =	ssyncset.done $0x0  }
0x198: {  	s11 =	rddreg [dreg:$0xd];
	[sflag:s20] =	ssyncadd.s32 $0xFFFFC000  }
0x199: {  	[spmem:s1] =	stream.indirect.scatter.add.f32 [tilespmem:s18], [sflag:$0x4], $0x80, s11, s17, $0xb8;
	[tilespmem:$0x1CC00] =	vst v63  }
0x19a: {  	_ =	swait.ge [sflag:s21], $0x4000  }
0x19b: {  	[sflag:s21] =	ssyncset.done $0x0  }
0x19c: {  	s12 =	rddreg [dreg:$0xe];
	[sflag:s21] =	ssyncadd.s32 $0xFFFFC000  }
0x19d: {  	[tilespmem:s14], [sflag:$0x1] =	stream.indirect.gather [hbm4b:s4+s17], $0x80, s12, s17, $0xb8;
	[tilespmem:$0x1CC00] =	vst v63  }
0x19e: {  	_ =	swait.ge [sflag:s22], $0x4000  }
0x19f: {  	[sflag:s22] =	ssyncset.done $0x0  }
0x1a0: {  	s13 =	rddreg [dreg:$0xf];
	[sflag:s22] =	ssyncadd.s32 $0xFFFFC000  }
0x1a1: {  	[tilespmem:s18], [sflag:$0x2] =	stream.indirect.gather [hbm4b:s4+s17], $0x80, s13, s17, $0xb8;
	[tilespmem:$0x1CC00] =	vst v63  }
0x1a2: {  	_ =	swait.ge [sflag:s19], $0x4000  }
0x1a3: {  	[sflag:s19] =	ssyncset.done $0x0  }
0x1a4: {  	s11 =	rddreg [dreg:$0x10];
	[sflag:s19] =	ssyncadd.s32 $0xFFFFC000  }
0x1a5: {  	[spmem:s1] =	stream.indirect.scatter.add.f32 [tilespmem:s14], [sflag:$0x3], $0x80, s11, s17, $0xb8;
	[tilespmem:$0x1CC00] =	vst v63  }
0x1a6: {  	_ =	swait.ge [sflag:s20], $0x4000  }
0x1a7: {  	[sflag:s20] =	ssyncset.done $0x0  }
0x1a8: {  	s12 =	rddreg [dreg:$0x11];
	[sflag:s20] =	ssyncadd.s32 $0xFFFFC000  }
0x1a9: {  	[spmem:s1] =	stream.indirect.scatter.add.f32 [tilespmem:s18], [sflag:$0x4], $0x80, s12, s17, $0xb8;
	[tilespmem:$0x1CC00] =	vst v63  }
0x1aa: {  	_ =	swait.ge [sflag:s21], $0x4000  }
0x1ab: {  	[sflag:s21] =	ssyncset.done $0x0  }
0x1ac: {  	s13 =	rddreg [dreg:$0x12];
	[sflag:s21] =	ssyncadd.s32 $0xFFFFC000  }
0x1ad: {  	[tilespmem:s14], [sflag:$0x1] =	stream.indirect.gather [hbm4b:s4+s17], $0x80, s13, s17, $0xb8;
	[tilespmem:$0x1CC00] =	vst v63  }
0x1ae: {  	_ =	swait.ge [sflag:s22], $0x4000  }
0x1af: {  	[sflag:s22] =	ssyncset.done $0x0  }
0x1b0: {  	s11 =	rddreg [dreg:$0x13];
	[sflag:s22] =	ssyncadd.s32 $0xFFFFC000  }
0x1b1: {  	[tilespmem:s18], [sflag:$0x2] =	stream.indirect.gather [hbm4b:s4+s17], $0x80, s11, s17, $0xb8;
	[tilespmem:$0x1CC00] =	vst v63  }
0x1b2: {  	_ =	swait.ge [sflag:s19], $0x4000  }
0x1b3: {  	[sflag:s19] =	ssyncset.done $0x0  }
0x1b4: {  	s12 =	rddreg [dreg:$0x14];
	[sflag:s19] =	ssyncadd.s32 $0xFFFFC000  }
0x1b5: {  	[spmem:s1] =	stream.indirect.scatter.add.f32 [tilespmem:s14], [sflag:$0x3], $0x80, s12, s17, $0xb8;
	[tilespmem:$0x1CC00] =	vst v63  }
0x1b6: {  	_ =	swait.ge [sflag:s20], $0x4000  }
0x1b7: {  	[sflag:s20] =	ssyncset.done $0x0  }
0x1b8: {  	s13 =	rddreg [dreg:$0x15];
	[sflag:s20] =	ssyncadd.s32 $0xFFFFC000  }
0x1b9: {  	[spmem:s1] =	stream.indirect.scatter.add.f32 [tilespmem:s18], [sflag:$0x4], $0x80, s13, s17, $0xb8;
	[tilespmem:$0x1CC00] =	vst v63  }
0x1ba: {  	_ =	swait.ge [sflag:s21], $0x4000  }
0x1bb: {  	[sflag:s21] =	ssyncset.done $0x0  }
0x1bc: {  	[sflag:s21] =	ssyncadd.s32 $0xFFFFC000  }
0x1bd: {  	[tilespmem:s14], [sflag:$0x1] =	stream.indirect.gather [hbm4b:s4+s17], $0x80, s23, s17, $0xb8;
	[tilespmem:$0x1CC00] =	vst v63  }
0x1be: {  	_ =	swait.ge [sflag:s22], $0x4000  }
0x1bf: {  	[sflag:s22] =	ssyncset.done $0x0  }
0x1c0: {  	[sflag:s22] =	ssyncadd.s32 $0xFFFFC000  }
0x1c1: {  	[tilespmem:s18], [sflag:$0x2] =	stream.indirect.gather [hbm4b:s4+s17], $0x80, s24, s17, $0xb8;
	[tilespmem:$0x1CC00] =	vst v63  }
0x1c2: {  	_ =	swait.ge [sflag:s19], $0x4000  }
0x1c3: {  	[sflag:s19] =	ssyncset.done $0x0  }
0x1c4: {  	[sflag:s19] =	ssyncadd.s32 $0xFFFFC000  }
0x1c5: {  	[spmem:s1] =	stream.indirect.scatter.add.f32 [tilespmem:s14], [sflag:$0x3], $0x80, s25, s17, $0xb8;
	[tilespmem:$0x1CC00] =	vst v63  }
0x1c6: {  	_ =	swait.ge [sflag:s20], $0x4000  }
0x1c7: {  	[sflag:s20] =	ssyncset.done $0x0  }
0x1c8: {  	[sflag:s20] =	ssyncadd.s32 $0xFFFFC000  }
0x1c9: {  	[spmem:s1] =	stream.indirect.scatter.add.f32 [tilespmem:s18], [sflag:$0x4], $0x80, s26, s17, $0xb8;
	[tilespmem:$0x1CC00] =	vst v63  }
0x1ca: {  	_ =	swait.ge [sflag:s21], $0x4000  }
0x1cb: {  	[sflag:s21] =	ssyncset.done $0x0  }
0x1cc: {  	[sflag:s21] =	ssyncadd.s32 $0xFFFFC000  }
0x1cd: {  	[tilespmem:s14], [sflag:$0x1] =	stream.indirect.gather [hbm4b:s4+s17], $0x80, s28, s17, $0xb8;
	[tilespmem:$0x1CC00] =	vst v63  }
0x1ce: {  	_ =	swait.ge [sflag:s22], $0x4000  }
0x1cf: {  	[sflag:s22] =	ssyncset.done $0x0  }
0x1d0: {  	[sflag:s22] =	ssyncadd.s32 $0xFFFFC000  }
0x1d1: {  	[tilespmem:s18], [sflag:$0x2] =	stream.indirect.gather [hbm4b:s4+s17], $0x80, s29, s17, $0xb8;
	[tilespmem:$0x1CC00] =	vst v63  }
0x1d2: {  	_ =	swait.ge [sflag:s19], $0x4000  }
0x1d3: {  	[sflag:s19] =	ssyncset.done $0x0  }
0x1d4: {  	[sflag:s19] =	ssyncadd.s32 $0xFFFFC000  }
0x1d5: {  	[spmem:s1] =	stream.indirect.scatter.add.f32 [tilespmem:s14], [sflag:$0x3], $0x80, s30, s17, $0xb8;
	[tilespmem:$0x1CC00] =	vst v63  }
0x1d6: {  	_ =	swait.ge [sflag:s20], $0x4000  }
0x1d7: {  	[sflag:s20] =	ssyncset.done $0x0  }
0x1d8: {  	[sflag:s20] =	ssyncadd.s32 $0xFFFFC000  }
0x1d9: {  	[spmem:s1] =	stream.indirect.scatter.add.f32 [tilespmem:s18], [sflag:$0x4], $0x80, s31, s17, $0xb8;
	[tilespmem:$0x1CC00] =	vst v63  }
0x1da: {  	_ =	swait.ge [sflag:s21], $0x4000  }
0x1db: {  	[sflag:s21] =	ssyncset.done $0x0  }
0x1dc: {  	[sflag:s21] =	ssyncadd.s32 $0xFFFFC000  }
0x1dd: {  	[tilespmem:s14], [sflag:$0x1] =	stream.indirect.gather [hbm4b:s4+s17], $0x80, s0, s17, $0xb8;
	[tilespmem:$0x1CC00] =	vst v63  }
0x1de: {  	_ =	swait.ge [sflag:s22], $0x4000  }
0x1df: {  	[sflag:s22] =	ssyncset.done $0x0  }
0x1e0: {  	[sflag:s22] =	ssyncadd.s32 $0xFFFFC000  }
0x1e1: {  	[tilespmem:s18], [sflag:$0x2] =	stream.indirect.gather [hbm4b:s4+s17], $0x80, s2, s17, $0xb8;
	[tilespmem:$0x1CC00] =	vst v63  }
0x1e2: {  	_ =	swait.ge [sflag:s19], $0x4000  }
0x1e3: {  	[sflag:s19] =	ssyncset.done $0x0  }
0x1e4: {  	[sflag:s19] =	ssyncadd.s32 $0xFFFFC000  }
0x1e5: {  	[spmem:s1] =	stream.indirect.scatter.add.f32 [tilespmem:s14], [sflag:$0x3], $0x80, s6, s17, $0xb8;
	[tilespmem:$0x1CC00] =	vst v63  }
0x1e6: {  	_ =	swait.ge [sflag:s20], $0x4000  }
0x1e7: {  	[sflag:s20] =	ssyncset.done $0x0  }
0x1e8: {  	[sflag:s20] =	ssyncadd.s32 $0xFFFFC000  }
0x1e9: {  	[spmem:s1] =	stream.indirect.scatter.add.f32 [tilespmem:s18], [sflag:$0x4], $0x80, s7, s17, $0xb8;
	[tilespmem:$0x1CC00] =	vst v63  }
0x1ea: {  	_ =	swait.ge [sflag:s21], $0x4000  }
0x1eb: {  	[sflag:s21] =	ssyncset.done $0x0  }
0x1ec: {  	[sflag:s21] =	ssyncadd.s32 $0xFFFFC000  }
0x1ed: {  	_ =	swait.ge [sflag:s22], $0x4000  }
0x1ee: {  	[sflag:s22] =	ssyncset.done $0x0  }
0x1ef: {  	s11 =	stileid.u32;
	[sflag:s22] =	ssyncadd.s32 $0xFFFFC000  }
0x1f0: {  	s10 =	sshll.u32 s11, $0x6;
	[bflag:$0x0] =	sbarrier.arrive $0xFFFF  }
0x1f1: {  	s10 =	sor.u32 $0x1C05, s10;
	s12 =	sshrl.u32 s5, $0x3;
	s13 =	rddreg [dreg:$0x1b]  }
0x1f2: {  	[hbm:s13], [sflag:s10] =	dma.local [spmem:s12], $0x2780  }
0x1f3: {  	_ =	swait.ge [sflag:s15], $0x2780  }
0x1f4: {  	s8 =	sadd.s32 $0x1, s8;
	s13 =	rddreg [dreg:$0x1c]  }
0x1f5: {  	p0 =	sne.s32 s8, s13  }
.Ltmp4:
0x1f6: {  	_ = 	snop;
	(pc) =	sbr.rel @p0 .LBB2_1-.Ltmp4, $4  }
.Ltmp5:
0x1f7: {  	_ = 	snop;
	(pc) =	sbr.rel @!p0 .LBB2_9-.Ltmp5, $4  }
0x1f8: {  	_ = 	snop  }
0x1f9: {  	[sflag:s15] =	ssyncset.done $0x0  }
0x1fa: {  	[sflag:s15] =	ssyncadd.s32 $0xFFFFD880  }
0x1fb: {  	_ = 	snop  }
.LBB2_4:
.Ltmp6:
0x1fc: {  	(pc) =	sbr.rel .LBB2_8-.Ltmp6, $2  }
0x1fd: {  	_ =	sdelay $0x2  }
0x1fe: {  	s13 =	smov.u32 s9  }
.LBB2_6:
.Ltmp7:
0x1ff: {  	(pc) =	sbr.rel .LBB2_8-.Ltmp7, $2  }
0x200: {  	_ =	sdelay $0x2  }
0x201: {  	s13 =	smov.u32 s9  }
.LBB2_9:
0x202: {  	_ =	sfence.sel $0x180000  }
0x203: {  	[bflag:$0x0] =	sbarrier.arrive $0xFFFF  }
0x204: {  	_ =	strace $0x9000004D  }
0x205: {  	s0 =	stileid.u32;
	[bflag:$0x2] =	sbarrier.arrive $0xFFFF  }
0x206: {  	p0 =	sne.s32 s0, $0x0;
	s0 =	rddreg [dreg:$0x2]  }
0x207: {  	s0 =	sadd.s32 @!p0 $0x100000, s0  }
0x208: {  	[sflag:s0] =	ssyncadd.tile.s32 @!p0 $0x1;
	_ =	shalt  }
.Lfunc_end2:
_tile_overlayer_lowered:
.L_overlay_start_2:
0x209: {  	(tag) =	ssettag $0x2  }
0x20a: {  	s0 =	rddreg [dreg:$0x0];
	s2 =	stileid.u32  }
0x20b: {  	s1 =	rddreg [dreg:$0x1];
	p0 =	sne.s32 s2, $0x0  }
0x20c: {  	s3 =	rddreg [dreg:$0x2];
	[bflag:$0x3] =	sbarrier.arrive $0xFFFF;
	s2 =	simm.s32 @!p0 $0x1C05  }
0x20d: {  	[timem:s3], [sflag:s2] =	dma.local @!p0 [hbm:s0], s1  }
0x20e: {  	s0 =	simm.s32 @!p0 $0x5  }
0x20f: {  	_ =	swait.ge @!p0 [sflag:s0], s1  }
0x210: {  	s1 =	ssub.s32 @!p0 $0x0, s1;
	[sflag:s0] =	ssyncset.done @!p0 $0x0  }
0x211: {  	[sflag:s0] =	ssyncadd.s32 @!p0 s1  }
0x212: {  	[bflag:$0x3] =	sbarrier.arrive $0xFFFF  }
0x213: {  	_ =	shalt  }

// kernel: kernel.19.cloned.1.call-start
scs
__scs_entry_jumppad:
0x0: {  	(pc) =	sbr.rel $0x88, $3  }
0x1: {  	(tag) =	ssettag $0x0;
	lr =	simm.s32 $0x1  }
0x2: {  	[smem:$0x3F90] =	sst lr;
	_ =	strace $0xD0000000  }
0x3: {  	_ = 	snop  }
0x4: {  	_ = 	snop  }
0x5: {  	_ = 	snop  }
0x6: {  	_ = 	snop  }
0x7: {  	_ = 	snop  }
__scs_overlays_trampoline_lowered:
0x8: {  	[smem:$0x3F9F] =	sst s0  }
0x9: {  	[smem:$0x3FA0] =	sst s1  }
0xa: {  	[smem:$0x3FA1] =	sst s2  }
0xb: {  	[smem:$0x3FA2] =	sst s3  }
0xc: {  	[smem:$0x3FA3] =	sst s4  }
0xd: {  	[smem:$0x3FA4] =	sst s5  }
0xe: {  	[smem:$0x3FA5] =	sst s6  }
0xf: {  	[smem:$0x3FA6] =	sst s7  }
0x10: {  	[smem:$0x3FA7] =	sst s8  }
0x11: {  	[smem:$0x3FA8] =	sst s9;
	s0 =	simm.s32 @!p0 $0x0  }
0x12: {  	s1 =	sld [smem:$0x3F8E];
	s0 =	simm.s32 @p0 $0x1  }
0x13: {  	[smem:$0x3FA9] =	sst s0;
	s0 =	simm.s32 @!p1 $0x0  }
0x14: {  	s2 =	sld [smem:$0x3F8D];
	s0 =	simm.s32 @p1 $0x1  }
0x15: {  	[smem:$0x3FAA] =	sst s0;
	s0 =	simm.s32 @!p2 $0x0  }
0x16: {  	s3 =	sld [smem:$0x3FDB];
	s0 =	simm.s32 @p2 $0x1  }
0x17: {  	s4 =	simm.s32 $0x1BF5;
	[smem:$0x3FAC] =	sst s0  }
0x18: {  	s0 =	sld [smem:$0x3F8F];
	_ =	swait.ge [sflag:s4], $0x0  }
0x19: {  	s7 =	sld [smem:$0x3F90]  }
0x1a: {  	s8 =	sadd.s32 $0xFFFFE003, lr  }
0x1b: {  	s9 =	sadd.s32 $0xFFFFFEF7, lr;
	s5 =	simm.s32 $0xFFFFFFFF;
	p2 =	slt.u32 s8, $0xFFFFF086  }
0x1c: {  	p1 =	slt.u32 s9, $0xF7A;
	s5 =	simm.s32 @!p2 $0x0  }
0x1d: {  	s5 =	simm.s32 @p1 $0x1;
	p0 =	seq.s32 s7, s2  }
0x1e: {  	s7 =	smul.u32 @!p0 $0xF7A, s2;
	p2 =	seq.s32 @!p0 s5, $0x0  }
0x1f: {  	s9 =	smul.u32 $0xF7A, s1;
	s8 =	simm.s32 @!p0 $0x1BF5;
	p2 =	por !p2, p0  }
0x20: {  	[sflag:s8] =	ssyncset.s32 @!p0 $0xFFFFF086;
	s6 =	sadd.s32 @!p0 s3, s7;
	s7 =	simm.s32 @!p0 $0x108  }
0x21: {  	s3 =	sadd.s32 s3, s9;
	s6 =	sadd.s32 @!p0 $0x88, s6;
	s7 =	simm.s32 @p2 $0x1082  }
0x22: {  	[simem:s7], [sflag:s8] =	dma.local @!p0 [hbm:s6], $0xF7A  }
0x23: {  	s9 =	sor.u32 $0xD0000000, s2;
	s6 =	simm.s32 $0x108;
	_ =	swait.ge @!p0 [sflag:s8], $0x0  }
0x24: {  	s3 =	sadd.s32 $0x88, s3;
	s6 =	simm.s32 @!p1 $0x1082;
	[sflag:s4] =	ssyncset.s32 $0xFFFFF086  }
0x25: {  	[simem:s6], [sflag:s4] =	dma.local [hbm:s3], $0xF7A  }
0x26: {  	[smem:$0x3F90] =	sst s1;
	(tag) =	ssettag s2;
	_ =	strace s9  }
0x27: {  	s1 =	sld [smem:$0x3FA0]  }
0x28: {  	s2 =	sld [smem:$0x3FA1]  }
0x29: {  	s4 =	sld [smem:$0x3FA3]  }
0x2a: {  	p0 =	seq.s32 s5, $0x0;
	s5 =	sld [smem:$0x3FA4]  }
0x2b: {  	s6 =	sld [smem:$0x3FA5]  }
0x2c: {  	s7 =	sld [smem:$0x3FA6]  }
0x2d: {  	s3 =	simm.s32 $0x108;
	s8 =	sld [smem:$0x3FA7]  }
0x2e: {  	s3 =	simm.s32 @!p0 $0x1082;
	s9 =	sld [smem:$0x3FA8]  }
0x2f: {  	lr =	sadd.s32 s0, s3;
	s0 =	sld [smem:$0x3F9F]  }
0x30: {  	s3 =	sld [smem:$0x3FA2]  }
0x31: {  	[smem:$0x3FAB] =	sst s10  }
0x32: {  	s10 =	sld [smem:$0x3FA9];
	_ =	sdelay $0x3  }
0x33: {  	p0 =	seq.s32 s10, $0x1;
	s10 =	sld [smem:$0x3FAB];
	_ =	sdelay $0x3  }
0x34: {  	[smem:$0x3FAB] =	sst s10  }
0x35: {  	s10 =	sld [smem:$0x3FAA];
	_ =	sdelay $0x3  }
0x36: {  	p1 =	seq.s32 s10, $0x1;
	s10 =	sld [smem:$0x3FAB];
	_ =	sdelay $0x3  }
0x37: {  	[smem:$0x3FAB] =	sst s10  }
0x38: {  	s10 =	sld [smem:$0x3FAC]  }
0x39: {  	_ = 	snop;
	(pc) =	sbr.ind lr, $3  }
0x3a: {  	_ = 	snop  }
0x3b: {  	_ = 	snop  }
0x3c: {  	p2 =	seq.s32 s10, $0x1;
	s10 =	sld [smem:$0x3FAB]  }
0x3d: {  	_ =	shalt  }
0x3e: {  	_ =	shalt  }
0x3f: {  	_ =	shalt  }
0x40: {  	_ =	shalt  }
0x41: {  	_ =	shalt  }
0x42: {  	_ =	shalt  }
0x43: {  	_ =	shalt  }
0x44: {  	_ =	shalt  }
0x45: {  	_ =	shalt  }
0x46: {  	_ =	shalt  }
0x47: {  	_ =	shalt  }
0x48: {  	_ =	shalt  }
0x49: {  	_ =	shalt  }
0x4a: {  	_ =	shalt  }
0x4b: {  	_ =	shalt  }
0x4c: {  	_ =	shalt  }
0x4d: {  	_ =	shalt  }
0x4e: {  	_ =	shalt  }
0x4f: {  	_ =	shalt  }
0x50: {  	_ =	shalt  }
0x51: {  	_ =	shalt  }
0x52: {  	_ =	shalt  }
0x53: {  	_ =	shalt  }
0x54: {  	_ =	shalt  }
0x55: {  	_ =	shalt  }
0x56: {  	_ =	shalt  }
0x57: {  	_ =	shalt  }
0x58: {  	_ =	shalt  }
0x59: {  	_ =	shalt  }
0x5a: {  	_ =	shalt  }
0x5b: {  	_ =	shalt  }
0x5c: {  	_ =	shalt  }
0x5d: {  	_ =	shalt  }
0x5e: {  	_ =	shalt  }
0x5f: {  	_ =	shalt  }
0x60: {  	_ =	shalt  }
0x61: {  	_ =	shalt  }
0x62: {  	_ =	shalt  }
0x63: {  	_ =	shalt  }
0x64: {  	_ =	shalt  }
0x65: {  	_ =	shalt  }
0x66: {  	_ =	shalt  }
0x67: {  	_ =	shalt  }
0x68: {  	_ =	shalt  }
0x69: {  	_ =	shalt  }
0x6a: {  	_ =	shalt  }
0x6b: {  	_ =	shalt  }
0x6c: {  	_ =	shalt  }
0x6d: {  	_ =	shalt  }
0x6e: {  	_ =	shalt  }
0x6f: {  	_ =	shalt  }
0x70: {  	_ =	shalt  }
0x71: {  	_ =	shalt  }
0x72: {  	_ =	shalt  }
0x73: {  	_ =	shalt  }
0x74: {  	_ =	shalt  }
0x75: {  	_ =	shalt  }
0x76: {  	_ =	shalt  }
0x77: {  	_ =	shalt  }
0x78: {  	_ =	shalt  }
0x79: {  	_ =	shalt  }
0x7a: {  	_ =	shalt  }
0x7b: {  	_ =	shalt  }
0x7c: {  	_ =	shalt  }
0x7d: {  	_ =	shalt  }
0x7e: {  	_ =	shalt  }
0x7f: {  	_ =	shalt  }
0x80: {  	_ =	shalt  }
0x81: {  	_ =	shalt  }
0x82: {  	_ =	shalt  }
0x83: {  	_ =	shalt  }
0x84: {  	_ =	shalt  }
0x85: {  	_ =	shalt  }
0x86: {  	_ =	shalt  }
0x87: {  	_ =	shalt  }
.Lfunc_end0:
.L_simem_size_0:
called_computation.3_lowered:
.L_overlay_start_0:
0x88: {  	s2 =	sld [smem:$0x3FD9]  }
0x89: {  	s3 =	sld [smem:$0x3FFE];
	_ =	sdelay $0x1  }
0x8a: {  	s1 =	srdreg.scid  }
0x8b: {  	s0 =	sand.u32 $0x1, s1  }
0x8c: {  	s16 =	sshll.u32 s0, $0xA;
	s2 =	sadd.s32 s3, s2  }
0x8d: {  	s2 =	sadd.s32 s2, s16  }
0x8e: {  	[smem:$0x3FB7] =	sst s2  }
0x8f: {  	_ = 	snop  }
0x90: {  	(tm) =	ssettm $0x1  }
0x91: {  	s17 =	sld [smem:$0x3FFB];
	_ =	sdelay $0x3  }
0x92: {  	_ =	strace s17  }
0x93: {  	s2 =	sld [smem:$0x3FFC];
	_ =	sdelay $0x3  }
0x94: {  	_ =	strace s2  }
0x95: {  	s2 =	sld [smem:$0x3FFD];
	_ =	sdelay $0x3  }
0x96: {  	_ =	strace s2  }
0x97: {  	_ =	strace $0x8FFFFFFF  }
0x98: {  	s18 =	sld [smem:$0x3FDB];
	_ =	sdelay $0x1  }
0x99: {  	s19 =	simm.s32 $_scs_section_size  }
0x9a: {  	s4 =	simm.s32 $_size__tile_overlayer_lowered;
	s5 =	simm.s32 $_tile_overlayer_lowered  }
0x9b: {  	s22 =	simm.s32 $0x1BFF;
	s21 =	sshll.u32 s5, $0x1;
	s2 =	sadd.s32 s19, s18  }
0x9c: {  	s6 =	simm.s32 $0x0;
	s20 =	sshll.u32 s4, $0x1;
	s4 =	sadd.s32 s21, s2  }
0x9d: {  	[timem:s6], [sflag:s22] =	dma.local [hbm:s4], s20  }
0x9e: {  	_ =	swait.ge [sflag:s22], s20  }
0x9f: {  	s3 =	ssub.s32 $0x0, s20;
	[sflag:s22] =	ssyncset.done $0x0  }
0xa0: {  	[sflag:s22] =	ssyncadd.s32 s3;
	_ =	sdelay $0x1  }
0xa1: {  	s23 =	simm.s32 $0x1B8B  }
0xa2: {  	_ =	swait.ge [sflag:s23], $0x1  }
0xa3: {  	[sflag:s23] =	ssyncset.done $0x0  }
0xa4: {  	s25 =	simm.s32 $0x1B8E;
	s24 =	sld [smem:$0x3FFE];
	[sflag:s23] =	ssyncadd.s32 $0xFFFFFFFF  }
0xa5: {  	s26 =	simm.s32 $execute0_lowered;
	[smem:$0x3FD2] =	sst s25  }
0xa6: {  	s4 =	sshll.u32 s26, $0x1;
	_ =	strace $0x8000004F;
	[dreg:$0x1] =	wrdreg $0xFFFFFFFF  }
0xa7: {  	s28 =	simm.s32 $_size_execute0_lowered;
	s2 =	sadd.s32 s2, s4;
	[dreg:$0x0] =	wrdreg $0x0  }
0xa8: {  	s4 =	sshll.u32 s28, $0x1;
	[dreg:$0x2] =	wrdreg s2  }
0xa9: {  	[dreg:$0x3] =	wrdreg s4  }
0xaa: {  	[dreg:$0x4] =	wrdreg $0xC0  }
0xab: {  	_ =	task [dreg:s6], $0x5FFFF  }
0xac: {  	[dreg:$0x1] =	wrdreg $0xFFFFFFFF  }
0xad: {  	[dreg:$0x0] =	wrdreg $0x60  }
0xae: {  	[dreg:$0x2] =	wrdreg s24  }
0xaf: {  	[dreg:$0x3] =	wrdreg $0x90000  }
0xb0: {  	[dreg:$0x4] =	wrdreg $0x9  }
0xb1: {  	_ =	task.clear_ibuf [dreg:s6], $0x5FFFF;
	_ =	strace $0x9000004F  }
0xb2: {  	s29 =	simm.s32 $0x9;
	_ =	strace $0x80000051  }
0xb3: {  	_ =	swait.ge [sflag:s29], $0x1  }
0xb4: {  	[sflag:s29] =	ssyncadd.s32 $0xFFFFFFFF  }
0xb5: {  	_ =	strace $0x90000051  }
0xb6: {  	_ =	sfence  }
0xb7: {  	s30 =	sld [smem:$0x0];
	_ =	sdelay $0x2  }
0xb8: {  	s31 =	sshll.u32 s1, $0xD;
	s1 =	sshrl.u32 s1, $0x2  }
0xb9: {  	s3 =	sand.u32 $0x4000, s31;
	s1 =	sadd.s32 s1, s30  }
0xba: {  	s0 =	sor.u32 s3, s0;
	s1 =	sshll.u32 s1, $0x11  }
0xbb: {  	s0 =	sor.u32 s1, s0  }
0xbc: {  	s0 =	sadd.s32 $0x8F2B, s0  }
0xbd: {  	[sflag:s0] =	ssyncadd.remote.s32 $0x1  }
0xbe: {  	_ =	sfence.sel $0xFFFF  }
0xbf: {  	[dreg:$0x0] =	wrdreg $0xFFFFFFFF;
	(pc) =	sbr.abs _section_cstart, $3  }
0xc0: {  	[dreg:$0x1] =	wrdreg $0xFFFFFFFF  }
0xc1: {  	_ =	task.clear_ibuf [dreg:s6], $0x2FFFF;
	_ =	strace $0x9FFFFFFF  }
0xc2: {  	(tm) =	ssettm $0x7FFFFFFF  }
0xc3: {  	_ =	shalt  }
tec
execute0_lowered:
.L_overlay_start_1:
0x0: {  	(tag) =	ssettag $0x1  }
0x1: {  	s0 =	rddreg [dreg:$0x0]  }
0x2: {  	s1 =	rddreg [dreg:$0x1];
	s3 =	simm.s32 $0x0  }
0x3: {  	s2 =	srdreg.scid;
	s9 =	stileid.u32;
	s10 =	simm.s32 $0x100  }
0x4: {  	s11 =	simm.s32 $0x180;
	s12 =	simm.s32 $0x900;
	s13 =	simm.s32 $0x980  }
0x5: {  	s15 =	simm.s32 $0x200;
	[smem:$0x7FF] =	sst s3;
	s4 =	sadd.s32 $0x5400, s0  }
0x6: {  	s7 =	sadd.s32 $0xF400, s0;
	_ =	strace $0x80000050;
	[dreg:$0x3] =	wrdreg s4  }
0x7: {  	s16 =	simm.s32 $0x280;
	s17 =	simm.s32 $0xA00;
	[dreg:$0x4] =	wrdreg s7  }
0x8: {  	s18 =	simm.s32 $0xA80;
	s19 =	simm.s32 $0x300;
	[dreg:$0x6] =	wrdreg s10  }
0x9: {  	s20 =	simm.s32 $0x380;
	s28 =	simm.s32 $0x600;
	[dreg:$0x7] =	wrdreg s11  }
0xa: {  	s29 =	simm.s32 $0x680;
	s6 =	smul.u32 $0x13C00, s9;
	[dreg:$0x8] =	wrdreg s12  }
0xb: {  	s30 =	simm.s32 $0xE00;
	s8 =	smul.u32 $0x4F000, s9;
	[dreg:$0x9] =	wrdreg s13  }
0xc: {  	s2 =	sand.u32 $0x1, s2;
	s14 =	smul.u32 $0x5000, s9;
	[dreg:$0xa] =	wrdreg s15  }
0xd: {  	s31 =	simm.s32 $0xE80;
	s5 =	smul.u32 $0x13C000, s2;
	[dreg:$0xb] =	wrdreg s16  }
0xe: {  	s4 =	sadd.s32 $0x68400, s0;
	s21 =	ssub.s32 $0x2, s2;
	[dreg:$0xc] =	wrdreg s17  }
0xf: {  	p0 =	seq.s32 s2, $0x0;
	s2 =	sshll.u32 s2, $0xE;
	[dreg:$0xd] =	wrdreg s18  }
0x10: {  	s15 =	simm.s32 $0x5;
	[dreg:$0xe] =	wrdreg s19;
	s16 =	simm.s32 $0x800  }
0x11: {  	[dreg:$0xf] =	wrdreg s20;
	s17 =	simm.s32 $0x80;
	s18 =	simm.s32 $0x5000  }
0x12: {  	s19 =	simm.s32 $0x1;
	s20 =	simm.s32 $0x2;
	s22 =	sshrl.u32 s8, $0x2  }
0x13: {  	s23 =	sshrl.u32 s21, $0x1;
	s8 =	simm.s32 $0x880;
	s5 =	sadd.s32 s6, s5  }
0x14: {  	s6 =	ssub.s32 s21, s23;
	[dreg:$0x5] =	wrdreg s8;
	s21 =	simm.s32 $0xB00  }
0x15: {  	s8 =	simm.s32 $0x8;
	s23 =	simm.s32 $0x400;
	[dreg:$0x10] =	wrdreg s21  }
0x16: {  	s5 =	sshrl.u32 s5, $0x3;
	s8 =	simm.s32 @!p0 $0x2;
	[dreg:$0x12] =	wrdreg s23  }
0x17: {  	s6 =	smax.u32 s6, $0x1;
	s0 =	sadd.s32 s5, s0;
	[dreg:$0x1a] =	wrdreg s8  }
0x18: {  	s5 =	sadd.s32 s22, s1;
	[dreg:$0x1c] =	wrdreg s6;
	s22 =	simm.s32 $0xB80  }
0x19: {  	s9 =	sadd.s32 s2, s14;
	s7 =	sadd.s32 $0x4000, s5;
	[dreg:$0x11] =	wrdreg s22  }
0x1a: {  	s14 =	simm.s32 $0x1000;
	s24 =	sadd.s32 $0x8000, s5;
	[dreg:$0x16] =	wrdreg s7  }
0x1b: {  	s2 =	simm.s32 $0x780;
	s25 =	sadd.s32 $0xC000, s5;
	[dreg:$0x17] =	wrdreg s24  }
0x1c: {  	s21 =	simm.s32 $0x3;
	s26 =	sadd.s32 $0x10000, s5;
	[dreg:$0x18] =	wrdreg s25  }
0x1d: {  	s23 =	simm.s32 $0x500;
	s0 =	sadd.s32 $0x8F600, s0;
	[dreg:$0x19] =	wrdreg s26  }
0x1e: {  	s6 =	simm.s32 $0xF00;
	[dreg:$0x1b] =	wrdreg s0;
	s24 =	simm.s32 $0x480  }
0x1f: {  	s8 =	simm.s32 $0x0;
	s25 =	simm.s32 $0xC00;
	[dreg:$0x13] =	wrdreg s24  }
0x20: {  	s22 =	simm.s32 $0x4;
	s26 =	simm.s32 $0xC80;
	[dreg:$0x14] =	wrdreg s25  }
0x21: {  	s0 =	simm.s32 $0x700;
	s7 =	simm.s32 $0xF80;
	[dreg:$0x15] =	wrdreg s26  }
0x22: {  	v0 =	vimm.f32 $0.0e+00;
	s24 =	simm.s32 $0x580;
	s25 =	simm.s32 $0xD00;
	s26 =	simm.s32 $0xD80  }
.LBB2_1:
0x23: {  	s11 =	simm.s32 $0x0;
	s12 =	simm.s32 $0x200  }
.LBB2_2:
0x24: {  	p0 =	sne.s32 s12, $0xFE00;
	[tilespmem:s11+$0x1070] =	vst v0  }
0x25: {  	[tilespmem:s11+$0x1000] =	vst v0  }
0x26: {  	[tilespmem:s11+$0x1010] =	vst v0  }
.Ltmp0:
0x27: {  	[tilespmem:s11+$0x1020] =	vst v0;
	(pc) =	sbr.rel @p0 .LBB2_2-.Ltmp0, $4  }
0x28: {  	[tilespmem:s11+$0x1030] =	vst v0  }
0x29: {  	[tilespmem:s11+$0x1040] =	vst v0  }
0x2a: {  	[tilespmem:s11+$0x1050] =	vst v0  }
0x2b: {  	[tilespmem:s11+$0x1060] =	vst v0;
	s11 =	sshra.s32 s12, $0x2;
	s12 =	sadd.s32 $0x200, s12  }
0x2c: {  	[tilespmem:s11+$0x1070] =	vst v0  }
0x2d: {  	[tilespmem:s11+$0x1000] =	vst v0  }
0x2e: {  	[tilespmem:s11+$0x1010] =	vst v0  }
0x2f: {  	[tilespmem:s11+$0x1020] =	vst v0  }
0x30: {  	[tilespmem:s11+$0x1030] =	vst v0  }
0x31: {  	[tilespmem:s11+$0x1040] =	vst v0  }
0x32: {  	[tilespmem:s11+$0x1050] =	vst v0  }
0x33: {  	[tilespmem:s11+$0x1060] =	vst v0  }
0x34: {  	[spmem:s5] =	stream.linear.scatter [tilespmem:s14], [sflag:$0x5], $0x4000, $0x38;
	[tilespmem:$0x1CC00] =	vst v63  }
0x35: {  	_ =	swait.ge [sflag:s15], $0x4000  }
0x36: {  	[sflag:s15] =	ssyncset.done $0x0  }
0x37: {  	s10 =	rddreg [dreg:$0x16];
	[sflag:s15] =	ssyncadd.s32 $0xFFFFC000  }
0x38: {  	[spmem:s10] =	stream.linear.scatter [tilespmem:s14], [sflag:$0x5], $0x4000, $0x38;
	[tilespmem:$0x1CC00] =	vst v63  }
0x39: {  	_ =	swait.ge [sflag:s15], $0x4000  }
0x3a: {  	[sflag:s15] =	ssyncset.done $0x0  }
0x3b: {  	s13 =	rddreg [dreg:$0x17];
	[sflag:s15] =	ssyncadd.s32 $0xFFFFC000  }
0x3c: {  	[spmem:s13] =	stream.linear.scatter [tilespmem:s14], [sflag:$0x5], $0x4000, $0x38;
	[tilespmem:$0x1CC00] =	vst v63  }
0x3d: {  	_ =	swait.ge [sflag:s15], $0x4000  }
0x3e: {  	[sflag:s15] =	ssyncset.done $0x0  }
0x3f: {  	s11 =	rddreg [dreg:$0x18];
	[sflag:s15] =	ssyncadd.s32 $0xFFFFC000  }
0x40: {  	[spmem:s11] =	stream.linear.scatter [tilespmem:s14], [sflag:$0x5], $0x4000, $0x38;
	[tilespmem:$0x1CC00] =	vst v63  }
0x41: {  	_ =	swait.ge [sflag:s15], $0x4000  }
0x42: {  	[sflag:s15] =	ssyncset.done $0x0  }
0x43: {  	s12 =	rddreg [dreg:$0x19];
	[sflag:s15] =	ssyncadd.s32 $0xFFFFC000  }
0x44: {  	[spmem:s12] =	stream.linear.scatter [tilespmem:s14], [sflag:$0x5], $0x3C00, $0x38;
	[tilespmem:$0x1CC00] =	vst v63  }
0x45: {  	_ =	swait.ge [sflag:s15], $0x3C00  }
0x46: {  	[sflag:s15] =	ssyncset.done $0x0  }
0x47: {  	[sflag:s15] =	ssyncadd.s32 $0xFFFFC400  }
0x48: {  	[bflag:$0x0] =	sbarrier.arrive $0xFFFF  }
0x49: {  	s13 =	rddreg [dreg:$0x1a]  }
0x4a: {  	p1 =	sne.s32 s13, $0x1  }
.Ltmp1:
0x4b: {  	_ = 	snop;
	(pc) =	sbr.rel @!p1 .LBB2_4-.Ltmp1, $2  }
0x4c: {  	_ =	sdelay $0x2  }
0x4d: {  	p0 =	por $0x0, $0x0;
	s12 =	rddreg [dreg:$0x3];
	s11 =	sadd.s32 $0xFFFFFFFF, s13  }
0x4e: {  	s13 =	sshrl.u32 s9, $0x3  }
0x4f: {  	s12 =	sadd.s32 s12, s13  }
0x50: {  	[tilespmem:s3], [sflag:$0x5] =	stream.linear.gather [hbm4b:s12+s3], $0x800, $0x38;
	[tilespmem:$0x1CC00] =	vst v63  }
0x51: {  	_ =	swait.ge [sflag:s15], $0x800  }
0x52: {  	s10 =	rddreg [dreg:$0x4];
	[sflag:s15] =	ssyncset.done $0x0  }
0x53: {  	[sflag:s15] =	ssyncadd.s32 $0xFFFFF800;
	s12 =	sadd.s32 s10, s13  }
0x54: {  	[tilespmem:s16], [sflag:$0x5] =	stream.linear.gather [hbm4b:s12+s3], $0x800, $0x38;
	[tilespmem:$0x1CC00] =	vst v63  }
0x55: {  	_ =	swait.ge [sflag:s15], $0x800  }
0x56: {  	[sflag:s15] =	ssyncset.done $0x0  }
0x57: {  	[sflag:s15] =	ssyncadd.s32 $0xFFFFF800  }
0x58: {  	[tilespmem:s14], [sflag:$0x1] =	stream.indirect.gather [hbm4b:s4+s17], $0x80, s3, s17, $0xb8;
	[tilespmem:$0x1CC00] =	vst v63  }
0x59: {  	_ = 	snop  }
0x5a: {  	[tilespmem:s18], [sflag:$0x2] =	stream.indirect.gather [hbm4b:s4+s17], $0x80, s17, s17, $0xb8;
	[tilespmem:$0x1CC00] =	vst v63  }
0x5b: {  	_ =	swait.ge [sflag:s19], $0x4000  }
0x5c: {  	[sflag:s19] =	ssyncset.done $0x0  }
0x5d: {  	[sflag:s19] =	ssyncadd.s32 $0xFFFFC000  }
0x5e: {  	[spmem:s1] =	stream.indirect.scatter.add.f32 [tilespmem:s14], [sflag:$0x3], $0x80, s16, s17, $0xb8;
	[tilespmem:$0x1CC00] =	vst v63  }
0x5f: {  	_ =	swait.ge [sflag:s20], $0x4000  }
0x60: {  	[sflag:s20] =	ssyncset.done $0x0  }
0x61: {  	s13 =	rddreg [dreg:$0x5];
	[sflag:s20] =	ssyncadd.s32 $0xFFFFC000  }
0x62: {  	[spmem:s1] =	stream.indirect.scatter.add.f32 [tilespmem:s18], [sflag:$0x4], $0x80, s13, s17, $0xb8;
	[tilespmem:$0x1CC00] =	vst v63  }
0x63: {  	_ =	swait.ge [sflag:s21], $0x4000  }
0x64: {  	[sflag:s21] =	ssyncset.done $0x0  }
0x65: {  	s10 =	rddreg [dreg:$0x6];
	[sflag:s21] =	ssyncadd.s32 $0xFFFFC000  }
0x66: {  	[tilespmem:s14], [sflag:$0x1] =	stream.indirect.gather [hbm4b:s4+s17], $0x80, s10, s17, $0xb8;
	[tilespmem:$0x1CC00] =	vst v63  }
0x67: {  	_ =	swait.ge [sflag:s22], $0x4000  }
0x68: {  	[sflag:s22] =	ssyncset.done $0x0  }
0x69: {  	s13 =	rddreg [dreg:$0x7];
	[sflag:s22] =	ssyncadd.s32 $0xFFFFC000  }
0x6a: {  	[tilespmem:s18], [sflag:$0x2] =	stream.indirect.gather [hbm4b:s4+s17], $0x80, s13, s17, $0xb8;
	[tilespmem:$0x1CC00] =	vst v63  }
0x6b: {  	_ =	swait.ge [sflag:s19], $0x4000  }
0x6c: {  	[sflag:s19] =	ssyncset.done $0x0  }
0x6d: {  	s10 =	rddreg [dreg:$0x8];
	[sflag:s19] =	ssyncadd.s32 $0xFFFFC000  }
0x6e: {  	[spmem:s1] =	stream.indirect.scatter.add.f32 [tilespmem:s14], [sflag:$0x3], $0x80, s10, s17, $0xb8;
	[tilespmem:$0x1CC00] =	vst v63  }
0x6f: {  	_ =	swait.ge [sflag:s20], $0x4000  }
0x70: {  	[sflag:s20] =	ssyncset.done $0x0  }
0x71: {  	s13 =	rddreg [dreg:$0x9];
	[sflag:s20] =	ssyncadd.s32 $0xFFFFC000  }
0x72: {  	[spmem:s1] =	stream.indirect.scatter.add.f32 [tilespmem:s18], [sflag:$0x4], $0x80, s13, s17, $0xb8;
	[tilespmem:$0x1CC00] =	vst v63  }
0x73: {  	_ =	swait.ge [sflag:s21], $0x4000  }
0x74: {  	[sflag:s21] =	ssyncset.done $0x0  }
0x75: {  	s10 =	rddreg [dreg:$0xa];
	[sflag:s21] =	ssyncadd.s32 $0xFFFFC000  }
0x76: {  	[tilespmem:s14], [sflag:$0x1] =	stream.indirect.gather [hbm4b:s4+s17], $0x80, s10, s17, $0xb8;
	[tilespmem:$0x1CC00] =	vst v63  }
0x77: {  	_ =	swait.ge [sflag:s22], $0x4000  }
0x78: {  	[sflag:s22] =	ssyncset.done $0x0  }
0x79: {  	s13 =	rddreg [dreg:$0xb];
	[sflag:s22] =	ssyncadd.s32 $0xFFFFC000  }
0x7a: {  	[tilespmem:s18], [sflag:$0x2] =	stream.indirect.gather [hbm4b:s4+s17], $0x80, s13, s17, $0xb8;
	[tilespmem:$0x1CC00] =	vst v63  }
0x7b: {  	_ =	swait.ge [sflag:s19], $0x4000  }
0x7c: {  	[sflag:s19] =	ssyncset.done $0x0  }
0x7d: {  	s10 =	rddreg [dreg:$0xc];
	[sflag:s19] =	ssyncadd.s32 $0xFFFFC000  }
0x7e: {  	[spmem:s1] =	stream.indirect.scatter.add.f32 [tilespmem:s14], [sflag:$0x3], $0x80, s10, s17, $0xb8;
	[tilespmem:$0x1CC00] =	vst v63  }
0x7f: {  	_ =	swait.ge [sflag:s20], $0x4000  }
0x80: {  	[sflag:s20] =	ssyncset.done $0x0  }
0x81: {  	s13 =	rddreg [dreg:$0xd];
	[sflag:s20] =	ssyncadd.s32 $0xFFFFC000  }
0x82: {  	[spmem:s1] =	stream.indirect.scatter.add.f32 [tilespmem:s18], [sflag:$0x4], $0x80, s13, s17, $0xb8;
	[tilespmem:$0x1CC00] =	vst v63  }
0x83: {  	_ =	swait.ge [sflag:s21], $0x4000  }
0x84: {  	[sflag:s21] =	ssyncset.done $0x0  }
0x85: {  	s10 =	rddreg [dreg:$0xe];
	[sflag:s21] =	ssyncadd.s32 $0xFFFFC000  }
0x86: {  	[tilespmem:s14], [sflag:$0x1] =	stream.indirect.gather [hbm4b:s4+s17], $0x80, s10, s17, $0xb8;
	[tilespmem:$0x1CC00] =	vst v63  }
0x87: {  	_ =	swait.ge [sflag:s22], $0x4000  }
0x88: {  	[sflag:s22] =	ssyncset.done $0x0  }
0x89: {  	s13 =	rddreg [dreg:$0xf];
	[sflag:s22] =	ssyncadd.s32 $0xFFFFC000  }
0x8a: {  	[tilespmem:s18], [sflag:$0x2] =	stream.indirect.gather [hbm4b:s4+s17], $0x80, s13, s17, $0xb8;
	[tilespmem:$0x1CC00] =	vst v63  }
0x8b: {  	_ =	swait.ge [sflag:s19], $0x4000  }
0x8c: {  	[sflag:s19] =	ssyncset.done $0x0  }
0x8d: {  	s10 =	rddreg [dreg:$0x10];
	[sflag:s19] =	ssyncadd.s32 $0xFFFFC000  }
0x8e: {  	[spmem:s1] =	stream.indirect.scatter.add.f32 [tilespmem:s14], [sflag:$0x3], $0x80, s10, s17, $0xb8;
	[tilespmem:$0x1CC00] =	vst v63  }
0x8f: {  	_ =	swait.ge [sflag:s20], $0x4000  }
0x90: {  	[sflag:s20] =	ssyncset.done $0x0  }
0x91: {  	s13 =	rddreg [dreg:$0x11];
	[sflag:s20] =	ssyncadd.s32 $0xFFFFC000  }
0x92: {  	[spmem:s1] =	stream.indirect.scatter.add.f32 [tilespmem:s18], [sflag:$0x4], $0x80, s13, s17, $0xb8;
	[tilespmem:$0x1CC00] =	vst v63  }
0x93: {  	_ =	swait.ge [sflag:s21], $0x4000  }
0x94: {  	[sflag:s21] =	ssyncset.done $0x0  }
0x95: {  	s10 =	rddreg [dreg:$0x12];
	[sflag:s21] =	ssyncadd.s32 $0xFFFFC000  }
0x96: {  	[tilespmem:s14], [sflag:$0x1] =	stream.indirect.gather [hbm4b:s4+s17], $0x80, s10, s17, $0xb8;
	[tilespmem:$0x1CC00] =	vst v63  }
0x97: {  	_ =	swait.ge [sflag:s22], $0x4000  }
0x98: {  	[sflag:s22] =	ssyncset.done $0x0  }
0x99: {  	s13 =	rddreg [dreg:$0x13];
	[sflag:s22] =	ssyncadd.s32 $0xFFFFC000  }
0x9a: {  	[tilespmem:s18], [sflag:$0x2] =	stream.indirect.gather [hbm4b:s4+s17], $0x80, s13, s17, $0xb8;
	[tilespmem:$0x1CC00] =	vst v63  }
0x9b: {  	_ =	swait.ge [sflag:s19], $0x4000  }
0x9c: {  	[sflag:s19] =	ssyncset.done $0x0  }
0x9d: {  	s10 =	rddreg [dreg:$0x14];
	[sflag:s19] =	ssyncadd.s32 $0xFFFFC000  }
0x9e: {  	[spmem:s1] =	stream.indirect.scatter.add.f32 [tilespmem:s14], [sflag:$0x3], $0x80, s10, s17, $0xb8;
	[tilespmem:$0x1CC00] =	vst v63  }
0x9f: {  	_ =	swait.ge [sflag:s20], $0x4000  }
0xa0: {  	[sflag:s20] =	ssyncset.done $0x0  }
0xa1: {  	s13 =	rddreg [dreg:$0x15];
	[sflag:s20] =	ssyncadd.s32 $0xFFFFC000  }
0xa2: {  	[spmem:s1] =	stream.indirect.scatter.add.f32 [tilespmem:s18], [sflag:$0x4], $0x80, s13, s17, $0xb8;
	[tilespmem:$0x1CC00] =	vst v63  }
0xa3: {  	_ =	swait.ge [sflag:s21], $0x4000  }
0xa4: {  	[sflag:s21] =	ssyncset.done $0x0  }
0xa5: {  	[sflag:s21] =	ssyncadd.s32 $0xFFFFC000  }
0xa6: {  	[tilespmem:s14], [sflag:$0x1] =	stream.indirect.gather [hbm4b:s4+s17], $0x80, s23, s17, $0xb8;
	[tilespmem:$0x1CC00] =	vst v63  }
0xa7: {  	_ =	swait.ge [sflag:s22], $0x4000  }
0xa8: {  	[sflag:s22] =	ssyncset.done $0x0  }
0xa9: {  	[sflag:s22] =	ssyncadd.s32 $0xFFFFC000  }
0xaa: {  	[tilespmem:s18], [sflag:$0x2] =	stream.indirect.gather [hbm4b:s4+s17], $0x80, s24, s17, $0xb8;
	[tilespmem:$0x1CC00] =	vst v63  }
0xab: {  	_ =	swait.ge [sflag:s19], $0x4000  }
0xac: {  	[sflag:s19] =	ssyncset.done $0x0  }
0xad: {  	[sflag:s19] =	ssyncadd.s32 $0xFFFFC000  }
0xae: {  	[spmem:s1] =	stream.indirect.scatter.add.f32 [tilespmem:s14], [sflag:$0x3], $0x80, s25, s17, $0xb8;
	[tilespmem:$0x1CC00] =	vst v63  }
0xaf: {  	_ =	swait.ge [sflag:s20], $0x4000  }
0xb0: {  	[sflag:s20] =	ssyncset.done $0x0  }
0xb1: {  	[sflag:s20] =	ssyncadd.s32 $0xFFFFC000  }
0xb2: {  	[spmem:s1] =	stream.indirect.scatter.add.f32 [tilespmem:s18], [sflag:$0x4], $0x80, s26, s17, $0xb8;
	[tilespmem:$0x1CC00] =	vst v63  }
0xb3: {  	_ =	swait.ge [sflag:s21], $0x4000  }
0xb4: {  	[sflag:s21] =	ssyncset.done $0x0  }
0xb5: {  	[sflag:s21] =	ssyncadd.s32 $0xFFFFC000  }
0xb6: {  	[tilespmem:s14], [sflag:$0x1] =	stream.indirect.gather [hbm4b:s4+s17], $0x80, s28, s17, $0xb8;
	[tilespmem:$0x1CC00] =	vst v63  }
0xb7: {  	_ =	swait.ge [sflag:s22], $0x4000  }
0xb8: {  	[sflag:s22] =	ssyncset.done $0x0  }
0xb9: {  	[sflag:s22] =	ssyncadd.s32 $0xFFFFC000  }
0xba: {  	[tilespmem:s18], [sflag:$0x2] =	stream.indirect.gather [hbm4b:s4+s17], $0x80, s29, s17, $0xb8;
	[tilespmem:$0x1CC00] =	vst v63  }
0xbb: {  	_ =	swait.ge [sflag:s19], $0x4000  }
0xbc: {  	[sflag:s19] =	ssyncset.done $0x0  }
0xbd: {  	[sflag:s19] =	ssyncadd.s32 $0xFFFFC000  }
0xbe: {  	[spmem:s1] =	stream.indirect.scatter.add.f32 [tilespmem:s14], [sflag:$0x3], $0x80, s30, s17, $0xb8;
	[tilespmem:$0x1CC00] =	vst v63  }
0xbf: {  	_ =	swait.ge [sflag:s20], $0x4000  }
0xc0: {  	[sflag:s20] =	ssyncset.done $0x0  }
0xc1: {  	[sflag:s20] =	ssyncadd.s32 $0xFFFFC000  }
0xc2: {  	[spmem:s1] =	stream.indirect.scatter.add.f32 [tilespmem:s18], [sflag:$0x4], $0x80, s31, s17, $0xb8;
	[tilespmem:$0x1CC00] =	vst v63  }
0xc3: {  	_ =	swait.ge [sflag:s21], $0x4000  }
0xc4: {  	[sflag:s21] =	ssyncset.done $0x0  }
0xc5: {  	[sflag:s21] =	ssyncadd.s32 $0xFFFFC000  }
0xc6: {  	[tilespmem:s14], [sflag:$0x1] =	stream.indirect.gather [hbm4b:s4+s17], $0x80, s0, s17, $0xb8;
	[tilespmem:$0x1CC00] =	vst v63  }
0xc7: {  	_ =	swait.ge [sflag:s22], $0x4000  }
0xc8: {  	[sflag:s22] =	ssyncset.done $0x0  }
0xc9: {  	[sflag:s22] =	ssyncadd.s32 $0xFFFFC000  }
0xca: {  	[tilespmem:s18], [sflag:$0x2] =	stream.indirect.gather [hbm4b:s4+s17], $0x80, s2, s17, $0xb8;
	[tilespmem:$0x1CC00] =	vst v63  }
0xcb: {  	_ =	swait.ge [sflag:s19], $0x4000  }
0xcc: {  	[sflag:s19] =	ssyncset.done $0x0  }
0xcd: {  	[sflag:s19] =	ssyncadd.s32 $0xFFFFC000  }
0xce: {  	[spmem:s1] =	stream.indirect.scatter.add.f32 [tilespmem:s14], [sflag:$0x3], $0x80, s6, s17, $0xb8;
	[tilespmem:$0x1CC00] =	vst v63  }
0xcf: {  	_ =	swait.ge [sflag:s20], $0x4000  }
0xd0: {  	[sflag:s20] =	ssyncset.done $0x0  }
0xd1: {  	p1 =	sne.s32 s11, $0x1;
	[sflag:s20] =	ssyncadd.s32 $0xFFFFC000  }
0xd2: {  	[spmem:s1] =	stream.indirect.scatter.add.f32 [tilespmem:s18], [sflag:$0x4], $0x80, s7, s17, $0xb8;
	[tilespmem:$0x1CC00] =	vst v63  }
.Ltmp2:
0xd3: {  	_ =	swait.ge [sflag:s21], $0x4000;
	(pc) =	sbr.rel @!p1 .LBB2_6-.Ltmp2, $4  }
0xd4: {  	[sflag:s21] =	ssyncset.done $0x0  }
0xd5: {  	[sflag:s21] =	ssyncadd.s32 $0xFFFFC000  }
0xd6: {  	s11 =	sadd.s32 $0xFFFFFFFF, s11;
	p0 =	por $0x1, $0x1;
	_ =	swait.ge [sflag:s22], $0x4000  }
0xd7: {  	s13 =	smov.u32 s9;
	s12 =	rddreg [dreg:$0x3];
	[sflag:s22] =	ssyncset.done $0x0  }
.LBB2_7:
0xd8: {  	s13 =	sadd.s32 $0x800, s13  }
0xd9: {  	s10 =	sshrl.u32 s13, $0x3  }
0xda: {  	[sflag:s22] =	ssyncadd.s32 $0xFFFFC000;
	s12 =	sadd.s32 s12, s10  }
0xdb: {  	[tilespmem:s3], [sflag:$0x5] =	stream.linear.gather [hbm4b:s12+s3], $0x800, $0x38;
	[tilespmem:$0x1CC00] =	vst v63  }
0xdc: {  	_ =	swait.ge [sflag:s15], $0x800  }
0xdd: {  	s12 =	rddreg [dreg:$0x4];
	[sflag:s15] =	ssyncset.done $0x0  }
0xde: {  	[sflag:s15] =	ssyncadd.s32 $0xFFFFF800;
	s10 =	sadd.s32 s12, s10  }
0xdf: {  	[tilespmem:s16], [sflag:$0x5] =	stream.linear.gather [hbm4b:s10+s3], $0x800, $0x38;
	[tilespmem:$0x1CC00] =	vst v63  }
0xe0: {  	_ =	swait.ge [sflag:s15], $0x800  }
0xe1: {  	[sflag:s15] =	ssyncset.done $0x0  }
0xe2: {  	[sflag:s15] =	ssyncadd.s32 $0xFFFFF800  }
0xe3: {  	[tilespmem:s14], [sflag:$0x1] =	stream.indirect.gather [hbm4b:s4+s17], $0x80, s3, s17, $0xb8;
	[tilespmem:$0x1CC00] =	vst v63  }
0xe4: {  	_ = 	snop  }
0xe5: {  	[tilespmem:s18], [sflag:$0x2] =	stream.indirect.gather [hbm4b:s4+s17], $0x80, s17, s17, $0xb8;
	[tilespmem:$0x1CC00] =	vst v63  }
0xe6: {  	_ =	swait.ge [sflag:s19], $0x4000  }
0xe7: {  	[sflag:s19] =	ssyncset.done $0x0  }
0xe8: {  	[sflag:s19] =	ssyncadd.s32 $0xFFFFC000  }
0xe9: {  	[spmem:s1] =	stream.indirect.scatter.add.f32 [tilespmem:s14], [sflag:$0x3], $0x80, s16, s17, $0xb8;
	[tilespmem:$0x1CC00] =	vst v63  }
0xea: {  	_ =	swait.ge [sflag:s20], $0x4000  }
0xeb: {  	[sflag:s20] =	ssyncset.done $0x0  }
0xec: {  	s12 =	rddreg [dreg:$0x5];
	[sflag:s20] =	ssyncadd.s32 $0xFFFFC000  }
0xed: {  	[spmem:s1] =	stream.indirect.scatter.add.f32 [tilespmem:s18], [sflag:$0x4], $0x80, s12, s17, $0xb8;
	[tilespmem:$0x1CC00] =	vst v63  }
0xee: {  	_ =	swait.ge [sflag:s21], $0x4000  }
0xef: {  	[sflag:s21] =	ssyncset.done $0x0  }
0xf0: {  	s12 =	rddreg [dreg:$0x6];
	[sflag:s21] =	ssyncadd.s32 $0xFFFFC000  }
0xf1: {  	[tilespmem:s14], [sflag:$0x1] =	stream.indirect.gather [hbm4b:s4+s17], $0x80, s12, s17, $0xb8;
	[tilespmem:$0x1CC00] =	vst v63  }
0xf2: {  	_ =	swait.ge [sflag:s22], $0x4000  }
0xf3: {  	[sflag:s22] =	ssyncset.done $0x0  }
0xf4: {  	s12 =	rddreg [dreg:$0x7];
	[sflag:s22] =	ssyncadd.s32 $0xFFFFC000  }
0xf5: {  	[tilespmem:s18], [sflag:$0x2] =	stream.indirect.gather [hbm4b:s4+s17], $0x80, s12, s17, $0xb8;
	[tilespmem:$0x1CC00] =	vst v63  }
0xf6: {  	_ =	swait.ge [sflag:s19], $0x4000  }
0xf7: {  	[sflag:s19] =	ssyncset.done $0x0  }
0xf8: {  	s12 =	rddreg [dreg:$0x8];
	[sflag:s19] =	ssyncadd.s32 $0xFFFFC000  }
0xf9: {  	[spmem:s1] =	stream.indirect.scatter.add.f32 [tilespmem:s14], [sflag:$0x3], $0x80, s12, s17, $0xb8;
	[tilespmem:$0x1CC00] =	vst v63  }
0xfa: {  	_ =	swait.ge [sflag:s20], $0x4000  }
0xfb: {  	[sflag:s20] =	ssyncset.done $0x0  }
0xfc: {  	s12 =	rddreg [dreg:$0x9];
	[sflag:s20] =	ssyncadd.s32 $0xFFFFC000  }
0xfd: {  	[spmem:s1] =	stream.indirect.scatter.add.f32 [tilespmem:s18], [sflag:$0x4], $0x80, s12, s17, $0xb8;
	[tilespmem:$0x1CC00] =	vst v63  }
0xfe: {  	_ =	swait.ge [sflag:s21], $0x4000  }
0xff: {  	[sflag:s21] =	ssyncset.done $0x0  }
0x100: {  	s12 =	rddreg [dreg:$0xa];
	[sflag:s21] =	ssyncadd.s32 $0xFFFFC000  }
0x101: {  	[tilespmem:s14], [sflag:$0x1] =	stream.indirect.gather [hbm4b:s4+s17], $0x80, s12, s17, $0xb8;
	[tilespmem:$0x1CC00] =	vst v63  }
0x102: {  	_ =	swait.ge [sflag:s22], $0x4000  }
0x103: {  	[sflag:s22] =	ssyncset.done $0x0  }
0x104: {  	s12 =	rddreg [dreg:$0xb];
	[sflag:s22] =	ssyncadd.s32 $0xFFFFC000  }
0x105: {  	[tilespmem:s18], [sflag:$0x2] =	stream.indirect.gather [hbm4b:s4+s17], $0x80, s12, s17, $0xb8;
	[tilespmem:$0x1CC00] =	vst v63  }
0x106: {  	_ =	swait.ge [sflag:s19], $0x4000  }
0x107: {  	[sflag:s19] =	ssyncset.done $0x0  }
0x108: {  	s12 =	rddreg [dreg:$0xc];
	[sflag:s19] =	ssyncadd.s32 $0xFFFFC000  }
0x109: {  	[spmem:s1] =	stream.indirect.scatter.add.f32 [tilespmem:s14], [sflag:$0x3], $0x80, s12, s17, $0xb8;
	[tilespmem:$0x1CC00] =	vst v63  }
0x10a: {  	_ =	swait.ge [sflag:s20], $0x4000  }
0x10b: {  	[sflag:s20] =	ssyncset.done $0x0  }
0x10c: {  	s12 =	rddreg [dreg:$0xd];
	[sflag:s20] =	ssyncadd.s32 $0xFFFFC000  }
0x10d: {  	[spmem:s1] =	stream.indirect.scatter.add.f32 [tilespmem:s18], [sflag:$0x4], $0x80, s12, s17, $0xb8;
	[tilespmem:$0x1CC00] =	vst v63  }
0x10e: {  	_ =	swait.ge [sflag:s21], $0x4000  }
0x10f: {  	[sflag:s21] =	ssyncset.done $0x0  }
0x110: {  	s12 =	rddreg [dreg:$0xe];
	[sflag:s21] =	ssyncadd.s32 $0xFFFFC000  }
0x111: {  	[tilespmem:s14], [sflag:$0x1] =	stream.indirect.gather [hbm4b:s4+s17], $0x80, s12, s17, $0xb8;
	[tilespmem:$0x1CC00] =	vst v63  }
0x112: {  	_ =	swait.ge [sflag:s22], $0x4000  }
0x113: {  	[sflag:s22] =	ssyncset.done $0x0  }
0x114: {  	s12 =	rddreg [dreg:$0xf];
	[sflag:s22] =	ssyncadd.s32 $0xFFFFC000  }
0x115: {  	[tilespmem:s18], [sflag:$0x2] =	stream.indirect.gather [hbm4b:s4+s17], $0x80, s12, s17, $0xb8;
	[tilespmem:$0x1CC00] =	vst v63  }
0x116: {  	_ =	swait.ge [sflag:s19], $0x4000  }
0x117: {  	[sflag:s19] =	ssyncset.done $0x0  }
0x118: {  	s12 =	rddreg [dreg:$0x10];
	[sflag:s19] =	ssyncadd.s32 $0xFFFFC000  }
0x119: {  	[spmem:s1] =	stream.indirect.scatter.add.f32 [tilespmem:s14], [sflag:$0x3], $0x80, s12, s17, $0xb8;
	[tilespmem:$0x1CC00] =	vst v63  }
0x11a: {  	_ =	swait.ge [sflag:s20], $0x4000  }
0x11b: {  	[sflag:s20] =	ssyncset.done $0x0  }
0x11c: {  	s12 =	rddreg [dreg:$0x11];
	[sflag:s20] =	ssyncadd.s32 $0xFFFFC000  }
0x11d: {  	[spmem:s1] =	stream.indirect.scatter.add.f32 [tilespmem:s18], [sflag:$0x4], $0x80, s12, s17, $0xb8;
	[tilespmem:$0x1CC00] =	vst v63  }
0x11e: {  	_ =	swait.ge [sflag:s21], $0x4000  }
0x11f: {  	[sflag:s21] =	ssyncset.done $0x0  }
0x120: {  	s12 =	rddreg [dreg:$0x12];
	[sflag:s21] =	ssyncadd.s32 $0xFFFFC000  }
0x121: {  	[tilespmem:s14], [sflag:$0x1] =	stream.indirect.gather [hbm4b:s4+s17], $0x80, s12, s17, $0xb8;
	[tilespmem:$0x1CC00] =	vst v63  }
0x122: {  	_ =	swait.ge [sflag:s22], $0x4000  }
0x123: {  	[sflag:s22] =	ssyncset.done $0x0  }
0x124: {  	s12 =	rddreg [dreg:$0x13];
	[sflag:s22] =	ssyncadd.s32 $0xFFFFC000  }
0x125: {  	[tilespmem:s18], [sflag:$0x2] =	stream.indirect.gather [hbm4b:s4+s17], $0x80, s12, s17, $0xb8;
	[tilespmem:$0x1CC00] =	vst v63  }
0x126: {  	_ =	swait.ge [sflag:s19], $0x4000  }
0x127: {  	[sflag:s19] =	ssyncset.done $0x0  }
0x128: {  	s12 =	rddreg [dreg:$0x14];
	[sflag:s19] =	ssyncadd.s32 $0xFFFFC000  }
0x129: {  	[spmem:s1] =	stream.indirect.scatter.add.f32 [tilespmem:s14], [sflag:$0x3], $0x80, s12, s17, $0xb8;
	[tilespmem:$0x1CC00] =	vst v63  }
0x12a: {  	_ =	swait.ge [sflag:s20], $0x4000  }
0x12b: {  	[sflag:s20] =	ssyncset.done $0x0  }
0x12c: {  	s12 =	rddreg [dreg:$0x15];
	[sflag:s20] =	ssyncadd.s32 $0xFFFFC000  }
0x12d: {  	[spmem:s1] =	stream.indirect.scatter.add.f32 [tilespmem:s18], [sflag:$0x4], $0x80, s12, s17, $0xb8;
	[tilespmem:$0x1CC00] =	vst v63  }
0x12e: {  	_ =	swait.ge [sflag:s21], $0x4000  }
0x12f: {  	[sflag:s21] =	ssyncset.done $0x0  }
0x130: {  	[sflag:s21] =	ssyncadd.s32 $0xFFFFC000  }
0x131: {  	[tilespmem:s14], [sflag:$0x1] =	stream.indirect.gather [hbm4b:s4+s17], $0x80, s23, s17, $0xb8;
	[tilespmem:$0x1CC00] =	vst v63  }
0x132: {  	_ =	swait.ge [sflag:s22], $0x4000  }
0x133: {  	[sflag:s22] =	ssyncset.done $0x0  }
0x134: {  	[sflag:s22] =	ssyncadd.s32 $0xFFFFC000  }
0x135: {  	[tilespmem:s18], [sflag:$0x2] =	stream.indirect.gather [hbm4b:s4+s17], $0x80, s24, s17, $0xb8;
	[tilespmem:$0x1CC00] =	vst v63  }
0x136: {  	_ =	swait.ge [sflag:s19], $0x4000  }
0x137: {  	[sflag:s19] =	ssyncset.done $0x0  }
0x138: {  	[sflag:s19] =	ssyncadd.s32 $0xFFFFC000  }
0x139: {  	[spmem:s1] =	stream.indirect.scatter.add.f32 [tilespmem:s14], [sflag:$0x3], $0x80, s25, s17, $0xb8;
	[tilespmem:$0x1CC00] =	vst v63  }
0x13a: {  	_ =	swait.ge [sflag:s20], $0x4000  }
0x13b: {  	[sflag:s20] =	ssyncset.done $0x0  }
0x13c: {  	[sflag:s20] =	ssyncadd.s32 $0xFFFFC000  }
0x13d: {  	[spmem:s1] =	stream.indirect.scatter.add.f32 [tilespmem:s18], [sflag:$0x4], $0x80, s26, s17, $0xb8;
	[tilespmem:$0x1CC00] =	vst v63  }
0x13e: {  	_ =	swait.ge [sflag:s21], $0x4000  }
0x13f: {  	[sflag:s21] =	ssyncset.done $0x0  }
0x140: {  	[sflag:s21] =	ssyncadd.s32 $0xFFFFC000  }
0x141: {  	[tilespmem:s14], [sflag:$0x1] =	stream.indirect.gather [hbm4b:s4+s17], $0x80, s28, s17, $0xb8;
	[tilespmem:$0x1CC00] =	vst v63  }
0x142: {  	_ =	swait.ge [sflag:s22], $0x4000  }
0x143: {  	[sflag:s22] =	ssyncset.done $0x0  }
0x144: {  	[sflag:s22] =	ssyncadd.s32 $0xFFFFC000  }
0x145: {  	[tilespmem:s18], [sflag:$0x2] =	stream.indirect.gather [hbm4b:s4+s17], $0x80, s29, s17, $0xb8;
	[tilespmem:$0x1CC00] =	vst v63  }
0x146: {  	_ =	swait.ge [sflag:s19], $0x4000  }
0x147: {  	[sflag:s19] =	ssyncset.done $0x0  }
0x148: {  	[sflag:s19] =	ssyncadd.s32 $0xFFFFC000  }
0x149: {  	[spmem:s1] =	stream.indirect.scatter.add.f32 [tilespmem:s14], [sflag:$0x3], $0x80, s30, s17, $0xb8;
	[tilespmem:$0x1CC00] =	vst v63  }
0x14a: {  	_ =	swait.ge [sflag:s20], $0x4000  }
0x14b: {  	[sflag:s20] =	ssyncset.done $0x0  }
0x14c: {  	[sflag:s20] =	ssyncadd.s32 $0xFFFFC000  }
0x14d: {  	[spmem:s1] =	stream.indirect.scatter.add.f32 [tilespmem:s18], [sflag:$0x4], $0x80, s31, s17, $0xb8;
	[tilespmem:$0x1CC00] =	vst v63  }
0x14e: {  	_ =	swait.ge [sflag:s21], $0x4000  }
0x14f: {  	[sflag:s21] =	ssyncset.done $0x0  }
0x150: {  	[sflag:s21] =	ssyncadd.s32 $0xFFFFC000  }
0x151: {  	[tilespmem:s14], [sflag:$0x1] =	stream.indirect.gather [hbm4b:s4+s17], $0x80, s0, s17, $0xb8;
	[tilespmem:$0x1CC00] =	vst v63  }
0x152: {  	_ =	swait.ge [sflag:s22], $0x4000  }
0x153: {  	[sflag:s22] =	ssyncset.done $0x0  }
0x154: {  	[sflag:s22] =	ssyncadd.s32 $0xFFFFC000  }
0x155: {  	[tilespmem:s18], [sflag:$0x2] =	stream.indirect.gather [hbm4b:s4+s17], $0x80, s2, s17, $0xb8;
	[tilespmem:$0x1CC00] =	vst v63  }
0x156: {  	_ =	swait.ge [sflag:s19], $0x4000  }
0x157: {  	[sflag:s19] =	ssyncset.done $0x0  }
0x158: {  	[sflag:s19] =	ssyncadd.s32 $0xFFFFC000  }
0x159: {  	[spmem:s1] =	stream.indirect.scatter.add.f32 [tilespmem:s14], [sflag:$0x3], $0x80, s6, s17, $0xb8;
	[tilespmem:$0x1CC00] =	vst v63  }
0x15a: {  	_ =	swait.ge [sflag:s20], $0x4000  }
0x15b: {  	[sflag:s20] =	ssyncset.done $0x0  }
0x15c: {  	p1 =	sne.s32 s11, $0x1;
	[sflag:s20] =	ssyncadd.s32 $0xFFFFC000  }
0x15d: {  	[spmem:s1] =	stream.indirect.scatter.add.f32 [tilespmem:s18], [sflag:$0x4], $0x80, s7, s17, $0xb8;
	[tilespmem:$0x1CC00] =	vst v63  }
.Ltmp3:
0x15e: {  	_ =	swait.ge [sflag:s21], $0x4000;
	(pc) =	sbr.rel @p1 .LBB2_7-.Ltmp3, $4  }
0x15f: {  	[sflag:s21] =	ssyncset.done $0x0  }
0x160: {  	[sflag:s21] =	ssyncadd.s32 $0xFFFFC000  }
0x161: {  	_ =	swait.ge [sflag:s22], $0x4000  }
0x162: {  	s11 =	sadd.s32 $0xFFFFFFFF, s11;
	s12 =	rddreg [dreg:$0x3];
	[sflag:s22] =	ssyncset.done $0x0  }
.LBB2_8:
0x163: {  	s10 =	sadd.s32 @p0 $0x800, s13;
	s11 =	smov.u32 s9  }
0x164: {  	s11 =	smov.u32 @p0 s10  }
0x165: {  	s10 =	sshrl.u32 s11, $0x3  }
0x166: {  	[sflag:s22] =	ssyncadd.s32 @p0 $0xFFFFC000;
	s11 =	sadd.s32 s12, s10  }
0x167: {  	[tilespmem:s3], [sflag:$0x5] =	stream.linear.gather [hbm4b:s11+s3], $0x800, $0x38;
	[tilespmem:$0x1CC00] =	vst v63  }
0x168: {  	_ =	swait.ge [sflag:s15], $0x800  }
0x169: {  	s13 =	rddreg [dreg:$0x4];
	[sflag:s15] =	ssyncset.done $0x0  }
0x16a: {  	[sflag:s15] =	ssyncadd.s32 $0xFFFFF800;
	s10 =	sadd.s32 s13, s10  }
0x16b: {  	[tilespmem:s16], [sflag:$0x5] =	stream.linear.gather [hbm4b:s10+s3], $0x800, $0x38;
	[tilespmem:$0x1CC00] =	vst v63  }
0x16c: {  	_ =	swait.ge [sflag:s15], $0x800  }
0x16d: {  	[sflag:s15] =	ssyncset.done $0x0  }
0x16e: {  	[sflag:s15] =	ssyncadd.s32 $0xFFFFF800  }
0x16f: {  	[tilespmem:s14], [sflag:$0x1] =	stream.indirect.gather [hbm4b:s4+s17], $0x80, s3, s17, $0xb8;
	[tilespmem:$0x1CC00] =	vst v63  }
0x170: {  	_ = 	snop  }
0x171: {  	[tilespmem:s18], [sflag:$0x2] =	stream.indirect.gather [hbm4b:s4+s17], $0x80, s17, s17, $0xb8;
	[tilespmem:$0x1CC00] =	vst v63  }
0x172: {  	_ =	swait.ge [sflag:s19], $0x4000  }
0x173: {  	[sflag:s19] =	ssyncset.done $0x0  }
0x174: {  	[sflag:s19] =	ssyncadd.s32 $0xFFFFC000  }
0x175: {  	[spmem:s1] =	stream.indirect.scatter.add.f32 [tilespmem:s14], [sflag:$0x3], $0x80, s16, s17, $0xb8;
	[tilespmem:$0x1CC00] =	vst v63  }
0x176: {  	_ =	swait.ge [sflag:s20], $0x4000  }
0x177: {  	[sflag:s20] =	ssyncset.done $0x0  }
0x178: {  	s12 =	rddreg [dreg:$0x5];
	[sflag:s20] =	ssyncadd.s32 $0xFFFFC000  }
0x179: {  	[spmem:s1] =	stream.indirect.scatter.add.f32 [tilespmem:s18], [sflag:$0x4], $0x80, s12, s17, $0xb8;
	[tilespmem:$0x1CC00] =	vst v63  }
0x17a: {  	_ =	swait.ge [sflag:s21], $0x4000  }
0x17b: {  	[sflag:s21] =	ssyncset.done $0x0  }
0x17c: {  	s13 =	rddreg [dreg:$0x6];
	[sflag:s21] =	ssyncadd.s32 $0xFFFFC000  }
0x17d: {  	[tilespmem:s14], [sflag:$0x1] =	stream.indirect.gather [hbm4b:s4+s17], $0x80, s13, s17, $0xb8;
	[tilespmem:$0x1CC00] =	vst v63  }
0x17e: {  	_ =	swait.ge [sflag:s22], $0x4000  }
0x17f: {  	[sflag:s22] =	ssyncset.done $0x0  }
0x180: {  	s11 =	rddreg [dreg:$0x7];
	[sflag:s22] =	ssyncadd.s32 $0xFFFFC000  }
0x181: {  	[tilespmem:s18], [sflag:$0x2] =	stream.indirect.gather [hbm4b:s4+s17], $0x80, s11, s17, $0xb8;
	[tilespmem:$0x1CC00] =	vst v63  }
0x182: {  	_ =	swait.ge [sflag:s19], $0x4000  }
0x183: {  	[sflag:s19] =	ssyncset.done $0x0  }
0x184: {  	s12 =	rddreg [dreg:$0x8];
	[sflag:s19] =	ssyncadd.s32 $0xFFFFC000  }
0x185: {  	[spmem:s1] =	stream.indirect.scatter.add.f32 [tilespmem:s14], [sflag:$0x3], $0x80, s12, s17, $0xb8;
	[tilespmem:$0x1CC00] =	vst v63  }
0x186: {  	_ =	swait.ge [sflag:s20], $0x4000  }
0x187: {  	[sflag:s20] =	ssyncset.done $0x0  }
0x188: {  	s13 =	rddreg [dreg:$0x9];
	[sflag:s20] =	ssyncadd.s32 $0xFFFFC000  }
0x189: {  	[spmem:s1] =	stream.indirect.scatter.add.f32 [tilespmem:s18], [sflag:$0x4], $0x80, s13, s17, $0xb8;
	[tilespmem:$0x1CC00] =	vst v63  }
0x18a: {  	_ =	swait.ge [sflag:s21], $0x4000  }
0x18b: {  	[sflag:s21] =	ssyncset.done $0x0  }
0x18c: {  	s11 =	rddreg [dreg:$0xa];
	[sflag:s21] =	ssyncadd.s32 $0xFFFFC000  }
0x18d: {  	[tilespmem:s14], [sflag:$0x1] =	stream.indirect.gather [hbm4b:s4+s17], $0x80, s11, s17, $0xb8;
	[tilespmem:$0x1CC00] =	vst v63  }
0x18e: {  	_ =	swait.ge [sflag:s22], $0x4000  }
0x18f: {  	[sflag:s22] =	ssyncset.done $0x0  }
0x190: {  	s12 =	rddreg [dreg:$0xb];
	[sflag:s22] =	ssyncadd.s32 $0xFFFFC000  }
0x191: {  	[tilespmem:s18], [sflag:$0x2] =	stream.indirect.gather [hbm4b:s4+s17], $0x80, s12, s17, $0xb8;
	[tilespmem:$0x1CC00] =	vst v63  }
0x192: {  	_ =	swait.ge [sflag:s19], $0x4000  }
0x193: {  	[sflag:s19] =	ssyncset.done $0x0  }
0x194: {  	s13 =	rddreg [dreg:$0xc];
	[sflag:s19] =	ssyncadd.s32 $0xFFFFC000  }
0x195: {  	[spmem:s1] =	stream.indirect.scatter.add.f32 [tilespmem:s14], [sflag:$0x3], $0x80, s13, s17, $0xb8;
	[tilespmem:$0x1CC00] =	vst v63  }
0x196: {  	_ =	swait.ge [sflag:s20], $0x4000  }
0x197: {  	[sflag:s20] =	ssyncset.done $0x0  }
0x198: {  	s11 =	rddreg [dreg:$0xd];
	[sflag:s20] =	ssyncadd.s32 $0xFFFFC000  }
0x199: {  	[spmem:s1] =	stream.indirect.scatter.add.f32 [tilespmem:s18], [sflag:$0x4], $0x80, s11, s17, $0xb8;
	[tilespmem:$0x1CC00] =	vst v63  }
0x19a: {  	_ =	swait.ge [sflag:s21], $0x4000  }
0x19b: {  	[sflag:s21] =	ssyncset.done $0x0  }
0x19c: {  	s12 =	rddreg [dreg:$0xe];
	[sflag:s21] =	ssyncadd.s32 $0xFFFFC000  }
0x19d: {  	[tilespmem:s14], [sflag:$0x1] =	stream.indirect.gather [hbm4b:s4+s17], $0x80, s12, s17, $0xb8;
	[tilespmem:$0x1CC00] =	vst v63  }
0x19e: {  	_ =	swait.ge [sflag:s22], $0x4000  }
0x19f: {  	[sflag:s22] =	ssyncset.done $0x0  }
0x1a0: {  	s13 =	rddreg [dreg:$0xf];
	[sflag:s22] =	ssyncadd.s32 $0xFFFFC000  }
0x1a1: {  	[tilespmem:s18], [sflag:$0x2] =	stream.indirect.gather [hbm4b:s4+s17], $0x80, s13, s17, $0xb8;
	[tilespmem:$0x1CC00] =	vst v63  }
0x1a2: {  	_ =	swait.ge [sflag:s19], $0x4000  }
0x1a3: {  	[sflag:s19] =	ssyncset.done $0x0  }
0x1a4: {  	s11 =	rddreg [dreg:$0x10];
	[sflag:s19] =	ssyncadd.s32 $0xFFFFC000  }
0x1a5: {  	[spmem:s1] =	stream.indirect.scatter.add.f32 [tilespmem:s14], [sflag:$0x3], $0x80, s11, s17, $0xb8;
	[tilespmem:$0x1CC00] =	vst v63  }
0x1a6: {  	_ =	swait.ge [sflag:s20], $0x4000  }
0x1a7: {  	[sflag:s20] =	ssyncset.done $0x0  }
0x1a8: {  	s12 =	rddreg [dreg:$0x11];
	[sflag:s20] =	ssyncadd.s32 $0xFFFFC000  }
0x1a9: {  	[spmem:s1] =	stream.indirect.scatter.add.f32 [tilespmem:s18], [sflag:$0x4], $0x80, s12, s17, $0xb8;
	[tilespmem:$0x1CC00] =	vst v63  }
0x1aa: {  	_ =	swait.ge [sflag:s21], $0x4000  }
0x1ab: {  	[sflag:s21] =	ssyncset.done $0x0  }
0x1ac: {  	s13 =	rddreg [dreg:$0x12];
	[sflag:s21] =	ssyncadd.s32 $0xFFFFC000  }
0x1ad: {  	[tilespmem:s14], [sflag:$0x1] =	stream.indirect.gather [hbm4b:s4+s17], $0x80, s13, s17, $0xb8;
	[tilespmem:$0x1CC00] =	vst v63  }
0x1ae: {  	_ =	swait.ge [sflag:s22], $0x4000  }
0x1af: {  	[sflag:s22] =	ssyncset.done $0x0  }
0x1b0: {  	s11 =	rddreg [dreg:$0x13];
	[sflag:s22] =	ssyncadd.s32 $0xFFFFC000  }
0x1b1: {  	[tilespmem:s18], [sflag:$0x2] =	stream.indirect.gather [hbm4b:s4+s17], $0x80, s11, s17, $0xb8;
	[tilespmem:$0x1CC00] =	vst v63  }
0x1b2: {  	_ =	swait.ge [sflag:s19], $0x4000  }
0x1b3: {  	[sflag:s19] =	ssyncset.done $0x0  }
0x1b4: {  	s12 =	rddreg [dreg:$0x14];
	[sflag:s19] =	ssyncadd.s32 $0xFFFFC000  }
0x1b5: {  	[spmem:s1] =	stream.indirect.scatter.add.f32 [tilespmem:s14], [sflag:$0x3], $0x80, s12, s17, $0xb8;
	[tilespmem:$0x1CC00] =	vst v63  }
0x1b6: {  	_ =	swait.ge [sflag:s20], $0x4000  }
0x1b7: {  	[sflag:s20] =	ssyncset.done $0x0  }
0x1b8: {  	s13 =	rddreg [dreg:$0x15];
	[sflag:s20] =	ssyncadd.s32 $0xFFFFC000  }
0x1b9: {  	[spmem:s1] =	stream.indirect.scatter.add.f32 [tilespmem:s18], [sflag:$0x4], $0x80, s13, s17, $0xb8;
	[tilespmem:$0x1CC00] =	vst v63  }
0x1ba: {  	_ =	swait.ge [sflag:s21], $0x4000  }
0x1bb: {  	[sflag:s21] =	ssyncset.done $0x0  }
0x1bc: {  	[sflag:s21] =	ssyncadd.s32 $0xFFFFC000  }
0x1bd: {  	[tilespmem:s14], [sflag:$0x1] =	stream.indirect.gather [hbm4b:s4+s17], $0x80, s23, s17, $0xb8;
	[tilespmem:$0x1CC00] =	vst v63  }
0x1be: {  	_ =	swait.ge [sflag:s22], $0x4000  }
0x1bf: {  	[sflag:s22] =	ssyncset.done $0x0  }
0x1c0: {  	[sflag:s22] =	ssyncadd.s32 $0xFFFFC000  }
0x1c1: {  	[tilespmem:s18], [sflag:$0x2] =	stream.indirect.gather [hbm4b:s4+s17], $0x80, s24, s17, $0xb8;
	[tilespmem:$0x1CC00] =	vst v63  }
0x1c2: {  	_ =	swait.ge [sflag:s19], $0x4000  }
0x1c3: {  	[sflag:s19] =	ssyncset.done $0x0  }
0x1c4: {  	[sflag:s19] =	ssyncadd.s32 $0xFFFFC000  }
0x1c5: {  	[spmem:s1] =	stream.indirect.scatter.add.f32 [tilespmem:s14], [sflag:$0x3], $0x80, s25, s17, $0xb8;
	[tilespmem:$0x1CC00] =	vst v63  }
0x1c6: {  	_ =	swait.ge [sflag:s20], $0x4000  }
0x1c7: {  	[sflag:s20] =	ssyncset.done $0x0  }
0x1c8: {  	[sflag:s20] =	ssyncadd.s32 $0xFFFFC000  }
0x1c9: {  	[spmem:s1] =	stream.indirect.scatter.add.f32 [tilespmem:s18], [sflag:$0x4], $0x80, s26, s17, $0xb8;
	[tilespmem:$0x1CC00] =	vst v63  }
0x1ca: {  	_ =	swait.ge [sflag:s21], $0x4000  }
0x1cb: {  	[sflag:s21] =	ssyncset.done $0x0  }
0x1cc: {  	[sflag:s21] =	ssyncadd.s32 $0xFFFFC000  }
0x1cd: {  	[tilespmem:s14], [sflag:$0x1] =	stream.indirect.gather [hbm4b:s4+s17], $0x80, s28, s17, $0xb8;
	[tilespmem:$0x1CC00] =	vst v63  }
0x1ce: {  	_ =	swait.ge [sflag:s22], $0x4000  }
0x1cf: {  	[sflag:s22] =	ssyncset.done $0x0  }
0x1d0: {  	[sflag:s22] =	ssyncadd.s32 $0xFFFFC000  }
0x1d1: {  	[tilespmem:s18], [sflag:$0x2] =	stream.indirect.gather [hbm4b:s4+s17], $0x80, s29, s17, $0xb8;
	[tilespmem:$0x1CC00] =	vst v63  }
0x1d2: {  	_ =	swait.ge [sflag:s19], $0x4000  }
0x1d3: {  	[sflag:s19] =	ssyncset.done $0x0  }
0x1d4: {  	[sflag:s19] =	ssyncadd.s32 $0xFFFFC000  }
0x1d5: {  	[spmem:s1] =	stream.indirect.scatter.add.f32 [tilespmem:s14], [sflag:$0x3], $0x80, s30, s17, $0xb8;
	[tilespmem:$0x1CC00] =	vst v63  }
0x1d6: {  	_ =	swait.ge [sflag:s20], $0x4000  }
0x1d7: {  	[sflag:s20] =	ssyncset.done $0x0  }
0x1d8: {  	[sflag:s20] =	ssyncadd.s32 $0xFFFFC000  }
0x1d9: {  	[spmem:s1] =	stream.indirect.scatter.add.f32 [tilespmem:s18], [sflag:$0x4], $0x80, s31, s17, $0xb8;
	[tilespmem:$0x1CC00] =	vst v63  }
0x1da: {  	_ =	swait.ge [sflag:s21], $0x4000  }
0x1db: {  	[sflag:s21] =	ssyncset.done $0x0  }
0x1dc: {  	[sflag:s21] =	ssyncadd.s32 $0xFFFFC000  }
0x1dd: {  	[tilespmem:s14], [sflag:$0x1] =	stream.indirect.gather [hbm4b:s4+s17], $0x80, s0, s17, $0xb8;
	[tilespmem:$0x1CC00] =	vst v63  }
0x1de: {  	_ =	swait.ge [sflag:s22], $0x4000  }
0x1df: {  	[sflag:s22] =	ssyncset.done $0x0  }
0x1e0: {  	[sflag:s22] =	ssyncadd.s32 $0xFFFFC000  }
0x1e1: {  	[tilespmem:s18], [sflag:$0x2] =	stream.indirect.gather [hbm4b:s4+s17], $0x80, s2, s17, $0xb8;
	[tilespmem:$0x1CC00] =	vst v63  }
0x1e2: {  	_ =	swait.ge [sflag:s19], $0x4000  }
0x1e3: {  	[sflag:s19] =	ssyncset.done $0x0  }
0x1e4: {  	[sflag:s19] =	ssyncadd.s32 $0xFFFFC000  }
0x1e5: {  	[spmem:s1] =	stream.indirect.scatter.add.f32 [tilespmem:s14], [sflag:$0x3], $0x80, s6, s17, $0xb8;
	[tilespmem:$0x1CC00] =	vst v63  }
0x1e6: {  	_ =	swait.ge [sflag:s20], $0x4000  }
0x1e7: {  	[sflag:s20] =	ssyncset.done $0x0  }
0x1e8: {  	[sflag:s20] =	ssyncadd.s32 $0xFFFFC000  }
0x1e9: {  	[spmem:s1] =	stream.indirect.scatter.add.f32 [tilespmem:s18], [sflag:$0x4], $0x80, s7, s17, $0xb8;
	[tilespmem:$0x1CC00] =	vst v63  }
0x1ea: {  	_ =	swait.ge [sflag:s21], $0x4000  }
0x1eb: {  	[sflag:s21] =	ssyncset.done $0x0  }
0x1ec: {  	[sflag:s21] =	ssyncadd.s32 $0xFFFFC000  }
0x1ed: {  	_ =	swait.ge [sflag:s22], $0x4000  }
0x1ee: {  	[sflag:s22] =	ssyncset.done $0x0  }
0x1ef: {  	s11 =	stileid.u32;
	[sflag:s22] =	ssyncadd.s32 $0xFFFFC000  }
0x1f0: {  	s10 =	sshll.u32 s11, $0x6;
	[bflag:$0x0] =	sbarrier.arrive $0xFFFF  }
0x1f1: {  	s10 =	sor.u32 $0x1C05, s10;
	s12 =	sshrl.u32 s5, $0x3;
	s13 =	rddreg [dreg:$0x1b]  }
0x1f2: {  	[hbm:s13], [sflag:s10] =	dma.local [spmem:s12], $0x2780  }
0x1f3: {  	_ =	swait.ge [sflag:s15], $0x2780  }
0x1f4: {  	s8 =	sadd.s32 $0x1, s8;
	s13 =	rddreg [dreg:$0x1c]  }
0x1f5: {  	p0 =	sne.s32 s8, s13  }
.Ltmp4:
0x1f6: {  	_ = 	snop;
	(pc) =	sbr.rel @p0 .LBB2_1-.Ltmp4, $4  }
.Ltmp5:
0x1f7: {  	_ = 	snop;
	(pc) =	sbr.rel @!p0 .LBB2_9-.Ltmp5, $4  }
0x1f8: {  	_ = 	snop  }
0x1f9: {  	[sflag:s15] =	ssyncset.done $0x0  }
0x1fa: {  	[sflag:s15] =	ssyncadd.s32 $0xFFFFD880  }
0x1fb: {  	_ = 	snop  }
.LBB2_4:
.Ltmp6:
0x1fc: {  	(pc) =	sbr.rel .LBB2_8-.Ltmp6, $2  }
0x1fd: {  	_ =	sdelay $0x2  }
0x1fe: {  	s13 =	smov.u32 s9  }
.LBB2_6:
.Ltmp7:
0x1ff: {  	(pc) =	sbr.rel .LBB2_8-.Ltmp7, $2  }
0x200: {  	_ =	sdelay $0x2  }
0x201: {  	s13 =	smov.u32 s9  }
.LBB2_9:
0x202: {  	_ =	sfence.sel $0x180000  }
0x203: {  	[bflag:$0x0] =	sbarrier.arrive $0xFFFF  }
0x204: {  	_ =	strace $0x90000050  }
0x205: {  	s0 =	stileid.u32;
	[bflag:$0x2] =	sbarrier.arrive $0xFFFF  }
0x206: {  	p0 =	sne.s32 s0, $0x0;
	s0 =	rddreg [dreg:$0x2]  }
0x207: {  	s0 =	sadd.s32 @!p0 $0x100000, s0  }
0x208: {  	[sflag:s0] =	ssyncadd.tile.s32 @!p0 $0x1;
	_ =	shalt  }
.Lfunc_end2:
_tile_overlayer_lowered:
.L_overlay_start_2:
0x209: {  	(tag) =	ssettag $0x2  }
0x20a: {  	s0 =	rddreg [dreg:$0x0];
	s2 =	stileid.u32  }
0x20b: {  	s1 =	rddreg [dreg:$0x1];
	p0 =	sne.s32 s2, $0x0  }
0x20c: {  	s3 =	rddreg [dreg:$0x2];
	[bflag:$0x3] =	sbarrier.arrive $0xFFFF;
	s2 =	simm.s32 @!p0 $0x1C05  }
0x20d: {  	[timem:s3], [sflag:s2] =	dma.local @!p0 [hbm:s0], s1  }
0x20e: {  	s0 =	simm.s32 @!p0 $0x5  }
0x20f: {  	_ =	swait.ge @!p0 [sflag:s0], s1  }
0x210: {  	s1 =	ssub.s32 @!p0 $0x0, s1;
	[sflag:s0] =	ssyncset.done @!p0 $0x0  }
0x211: {  	[sflag:s0] =	ssyncadd.s32 @!p0 s1  }
0x212: {  	[bflag:$0x3] =	sbarrier.arrive $0xFFFF  }
0x213: {  	_ =	shalt  }

</sc_bundles>
